<compile_context>
chip_gen: v7x
topology: tpu7x:2x2x1
jax: 0.10.2.dev20260603
libtpu: 0.0.44.dev20260713+nightly
codegen_flags: <defaults>
</compile_context>

<pallas_src>
import functools

import jax
import jax.numpy as jnp
from jax import lax
from jax.experimental import pallas as pl
from jax.experimental.pallas import tpu as pltpu
from jax.experimental.pallas import tpu_sc as plsc

NHID = 128
ALPHA = 0.5
RATIO = 64
HEADS = 4
NGRAPH = 16
CH = 512


def _sc_pass1(src_h, dst_h, zeros1_h, out_ns, out_all,
              sidx0, sidx1, didx0, didx1, didxs0, didxs1,
              vns0, vns1, vall0, vall1, stage, acc_ns, acc_all,
              isem0, isem1, nsem0, nsem1, asem0, asem1,
              *, n_real, epw, nchunks, stripe):
    c = lax.axis_index("c")
    s = lax.axis_index("s")
    n = nchunks
    wid = s * 2 + c
    pltpu.sync_copy(zeros1_h, stage)
    pltpu.sync_copy(stage, acc_ns.at[pl.ds(s * stripe, stripe)])
    pltpu.sync_copy(stage, acc_all.at[pl.ds(s * stripe, stripe)])
    plsc.subcore_barrier()
    base0 = wid * epw
    slot = [
        (sidx0, didx0, didxs0, vns0, vall0, isem0, nsem0, asem0),
        (sidx1, didx1, didxs1, vns1, vall1, isem1, nsem1, asem1),
    ]
    pltpu.async_copy(src_h.at[pl.ds(base0, 128)], sidx0, isem0)
    pltpu.async_copy(dst_h.at[pl.ds(base0, 128)], didx0, isem0)
    pltpu.async_copy(src_h.at[pl.ds(base0 + 128, 128)], sidx1, isem1)
    pltpu.async_copy(dst_h.at[pl.ds(base0 + 128, 128)], didx1, isem1)

    def substep(g, b):
        sidxb, didxb, didxsb, vnsb, vallb, isemb, nsemb, asemb = slot[b]
        sidxo, didxo, didxso, vnso, vallo, isemo, nsemo, asemo = slot[1 - b]

        @pl.when(g >= 1)
        def _():
            pltpu.make_async_copy(vnso, acc_ns.at[didxso], nsemo).wait()
            pltpu.make_async_copy(vallo, acc_all.at[didxso], asemo).wait()

        base = base0 + g * 128
        pltpu.make_async_copy(src_h.at[pl.ds(base, 128)], sidxb,
                              isemb).wait()
        pltpu.make_async_copy(dst_h.at[pl.ds(base, 128)], didxb,
                              isemb).wait()
        for j in range(8):
            sv = sidxb[pl.ds(j * 16, 16)]
            dv = didxb[pl.ds(j * 16, 16)]
            is_real = sv < n_real
            one = jnp.ones((16,), jnp.float32)
            zero = jnp.zeros((16,), jnp.float32)
            vallb[pl.ds(j * 16, 16)] = jnp.where(is_real, one, zero)
            vnsb[pl.ds(j * 16, 16)] = jnp.where(
                is_real & (sv != dv), one, zero)
            didxsb[pl.ds(j * 16, 16)] = dv

        @pl.when(g + 2 < n)
        def _():
            base2 = base0 + (g + 2) * 128
            pltpu.async_copy(src_h.at[pl.ds(base2, 128)], sidxb, isemb)
            pltpu.async_copy(dst_h.at[pl.ds(base2, 128)], didxb, isemb)

        pltpu.async_copy(vnsb, acc_ns.at[didxsb], nsemb, add=True)
        pltpu.async_copy(vallb, acc_all.at[didxsb], asemb, add=True)

    def body(t, carry):
        substep(2 * t, 0)
        substep(2 * t + 1, 1)
        return carry

    lax.fori_loop(0, n // 2, body, 0)
    pltpu.make_async_copy(vns1, acc_ns.at[didxs1], nsem1).wait()
    pltpu.make_async_copy(vall1, acc_all.at[didxs1], asem1).wait()
    plsc.subcore_barrier()
    np_tot = 16 * stripe
    pltpu.sync_copy(acc_ns.at[pl.ds(s * stripe, stripe)], stage)
    pltpu.sync_copy(stage, out_ns.at[pl.ds(c * np_tot + s * stripe, stripe)])
    pltpu.sync_copy(acc_all.at[pl.ds(s * stripe, stripe)], stage)
    pltpu.sync_copy(stage, out_all.at[pl.ds(c * np_tot + s * stripe, stripe)])


def _sc_pass2(src_h, dst_h, zk_h, zv_h, xs2_h, zeros2_h, zeros1_h,
              outk, outv, s2_o,
              sidx0, sidx1, didx0, didx1, didx20, didx21, didx30, didx31,
              rows0, rows1, valb0, valb1, stage, stage1, acc, acc_s2,
              gsem0, gsem1, isem0, isem1, ssem0, ssem1,
              xsem0, xsem1, s2sem0, s2sem1,
              *, epc, nchunks, stripe1, half, acc_rows):
    c = lax.axis_index("c")
    s = lax.axis_index("s")
    n = nchunks
    stripe_a = acc_rows // 16
    stripe_o = half // 16
    pltpu.sync_copy(zeros1_h, stage1)
    pltpu.sync_copy(stage1, acc_s2.at[pl.ds(s * stripe1, stripe1)])
    base0 = s * epc
    slot = [
        (sidx0, didx0, didx20, didx30, rows0, valb0,
         gsem0, isem0, ssem0, xsem0, s2sem0),
        (sidx1, didx1, didx21, didx31, rows1, valb1,
         gsem1, isem1, ssem1, xsem1, s2sem1),
    ]

    def issue_gather(sidx, rows, gsem, valb, xsem, do_s2):
        @pl.when(c == 0)
        def _():
            pltpu.async_copy(zk_h.at[sidx], rows, gsem)
            if do_s2:
                pltpu.async_copy(xs2_h.at[sidx], valb, xsem)

        @pl.when(c == 1)
        def _():
            pltpu.async_copy(zv_h.at[sidx], rows, gsem)

    def wait_gather(sidx, rows, gsem, valb, xsem, do_s2):
        @pl.when(c == 0)
        def _():
            pltpu.make_async_copy(zk_h.at[sidx], rows, gsem).wait()
            if do_s2:
                pltpu.make_async_copy(xs2_h.at[sidx], valb, xsem).wait()

        @pl.when(c == 1)
        def _():
            pltpu.make_async_copy(zv_h.at[sidx], rows, gsem).wait()

    for p in range(2):
        lo = p * half
        do_s2 = (p == 0)
        pltpu.sync_copy(zeros2_h, stage)
        pltpu.sync_copy(stage, acc.at[pl.ds(s * stripe_a, stripe_a)])
        plsc.subcore_barrier()

        pltpu.sync_copy(src_h.at[pl.ds(base0, 128)], sidx0)
        pltpu.sync_copy(dst_h.at[pl.ds(base0, 128)], didx0)
        issue_gather(sidx0, rows0, gsem0, valb0, xsem0, do_s2)
        pltpu.async_copy(src_h.at[pl.ds(base0 + 128, 128)], sidx1, isem1)
        pltpu.async_copy(dst_h.at[pl.ds(base0 + 128, 128)], didx1, isem1)

        def substep(g, b):
            (sidxb, didxb, didx2b, didx3b, rowsb, valbb,
             gsemb, isemb, ssemb, xsemb, s2semb) = slot[b]
            (sidxo, didxo, didx2o, didx3o, rowso, valbo,
             gsemo, isemo, ssemo, xsemo, s2semo) = slot[1 - b]

            @pl.when(g >= 1)
            def _():
                pltpu.make_async_copy(rowso, acc.at[didx2o], ssemo).wait()
                if do_s2:
                    @pl.when(c == 0)
                    def _():
                        pltpu.make_async_copy(
                            valbo, acc_s2.at[didx3o], s2semo).wait()

            @pl.when(g + 1 < n)
            def _():
                base1 = base0 + (g + 1) * 128
                pltpu.make_async_copy(
                    src_h.at[pl.ds(base1, 128)], sidxo, isemo).wait()
                pltpu.make_async_copy(
                    dst_h.at[pl.ds(base1, 128)], didxo, isemo).wait()
                issue_gather(sidxo, rowso, gsemo, valbo, xsemo, do_s2)

            wait_gather(sidxb, rowsb, gsemb, valbb, xsemb, do_s2)
            for j in range(8):
                dv = didxb[pl.ds(j * 16, 16)]
                in_half = (dv >= lo) & (dv < lo + half)
                didx2b[pl.ds(j * 16, 16)] = jnp.where(
                    in_half, dv - lo, half + (dv & 127))
            if do_s2:
                @pl.when(c == 0)
                def _():
                    for j in range(8):
                        sv = sidxb[pl.ds(j * 16, 16)]
                        dv = didxb[pl.ds(j * 16, 16)]
                        g16 = valbb[pl.ds(j * 16, 16)]
                        valbb[pl.ds(j * 16, 16)] = jnp.where(
                            sv != dv, g16, jnp.zeros((16,), jnp.float32))
                        didx3b[pl.ds(j * 16, 16)] = dv

            @pl.when(g + 2 < n)
            def _():
                base2 = base0 + (g + 2) * 128
                pltpu.async_copy(src_h.at[pl.ds(base2, 128)], sidxb, isemb)
                pltpu.async_copy(dst_h.at[pl.ds(base2, 128)], didxb, isemb)

            pltpu.async_copy(rowsb, acc.at[didx2b], ssemb, add=True)
            if do_s2:
                @pl.when(c == 0)
                def _():
                    pltpu.async_copy(valbb, acc_s2.at[didx3b], s2semb,
                                     add=True)

        def body(t, carry):
            substep(2 * t, 0)
            substep(2 * t + 1, 1)
            return carry

        lax.fori_loop(0, n // 2, body, 0)
        pltpu.make_async_copy(rows1, acc.at[didx21], ssem1).wait()
        if do_s2:
            @pl.when(c == 0)
            def _():
                pltpu.make_async_copy(valb1, acc_s2.at[didx31],
                                      s2sem1).wait()
        plsc.subcore_barrier()
        pltpu.sync_copy(acc.at[pl.ds(s * stripe_o, stripe_o)],
                        stage.at[pl.ds(0, stripe_o)])

        @pl.when(c == 0)
        def _():
            pltpu.sync_copy(stage.at[pl.ds(0, stripe_o)],
                            outk.at[pl.ds(lo + s * stripe_o, stripe_o)])

        @pl.when(c == 1)
        def _():
            pltpu.sync_copy(stage.at[pl.ds(0, stripe_o)],
                            outv.at[pl.ds(lo + s * stripe_o, stripe_o)])

        if p == 0:
            @pl.when(c == 0)
            def _():
                pltpu.sync_copy(acc_s2.at[pl.ds(s * stripe1, stripe1)],
                                stage1)
                pltpu.sync_copy(stage1,
                                s2_o.at[pl.ds(s * stripe1, stripe1)])
        plsc.subcore_barrier()


def _k3a_body(x_ref, w_ref, batch_ref, xw_o, ptr_o):
    xw_o[...] = jnp.dot(x_ref[...], w_ref[...],
                        preferred_element_type=jnp.float32)

    @pl.when(pl.program_id(0) == 0)
    def _():
        blk = batch_ref[...]
        lane = lax.broadcasted_iota(jnp.int32, (1, 128), 1)
        row = jnp.zeros((1, 128), jnp.int32)
        for b in range(NGRAPH + 1):
            cnt = jnp.sum((blk < b).astype(jnp.int32))
            row = jnp.where(lane == b, cnt, row)
        ptr_o[...] = row


def _k3c_body(xw_ref, ns0, ns1, al0, al1,
              xk_o, xv_o, xs2_o, dl_o, dn_o, s1_o):
    xw = xw_ref[...]
    dns = ns0[...] + ns1[...]
    dal = al0[...] + al1[...]
    dinv_ns = jnp.where(dns > 0, lax.rsqrt(jnp.where(dns > 0, dns, 1.0)), 0.0)
    dinv_l = lax.rsqrt(dal + 1.0)
    xk_o[...] = dinv_l * xw[:, 0:128]
    xv_o[...] = dinv_l * xw[:, 128:256]
    xs2_o[...] = dinv_ns * xw[:, 256:257]
    dl_o[...] = dinv_l
    dn_o[...] = dinv_ns
    s1_o[...] = xw[:, 257:258]


def _k45_body(x_ref, xk_ref, xv_ref, ak_ref, av_ref, as2_ref,
              dl_ref, dn_ref, s1_ref, bk_ref, bv_ref, bs_ref,
              kf_o, vf_o, xp_o):
    dl = dl_ref[...]
    dn = dn_ref[...]
    kf_o[...] = dl * (ak_ref[...] + xk_ref[...]) + bk_ref[...]
    vf_o[...] = dl * (av_ref[...] + xv_ref[...]) + bv_ref[...]
    s2 = dn * as2_ref[...]
    score = ALPHA * s1_ref[...] + (1.0 - ALPHA) * s2 + bs_ref[0, 0]
    xp_o[...] = x_ref[...] * jnp.tanh(score)


def _k5_body(ptr_ref, xp_ref, k_ref, v_ref, wq_ref, bq_ref, wo_ref, bo_ref,
             g0_ref, be0_ref, g1_ref, be1_ref, wr_ref, br_ref, out_ref):
    b = pl.program_id(0)
    p0 = ptr_ref[b]
    cnt = ptr_ref[b + 1] - p0
    rows = xp_ref[pl.ds(p0, RATIO), :]
    r_iota = lax.broadcasted_iota(jnp.int32, (RATIO, 1), 0)
    qd = jnp.where(r_iota < cnt, rows, 0.0)
    q = jnp.dot(qd, wq_ref[...], preferred_element_type=jnp.float32) + bq_ref[...]
    scale = 1.0 / jnp.sqrt(jnp.asarray(float(NHID), jnp.float32))
    hd = NHID // HEADS
    nch = (cnt + CH - 1) // CH
    heads = []
    for h in range(HEADS):
        qh = q[:, h * hd:(h + 1) * hd]

        def body(j, carry):
            m, l, acc = carry
            base = p0 + j * CH
            kc = k_ref[pl.ds(base, CH), :][:, h * hd:(h + 1) * hd]
            vc = v_ref[pl.ds(base, CH), :][:, h * hd:(h + 1) * hd]
            sA = lax.dot_general(qh, kc, (((1,), (1,)), ((), ())),
                                 preferred_element_type=jnp.float32) * scale
            col = lax.broadcasted_iota(jnp.int32, (RATIO, CH), 1)
            sA = sA + jnp.where(col < (cnt - j * CH), 0.0, -1e9)
            m_new = jnp.maximum(m, jnp.max(sA, axis=1, keepdims=True))
            p = jnp.exp(sA - m_new)
            corr = jnp.exp(m - m_new)
            l_new = l * corr + jnp.sum(p, axis=1, keepdims=True)
            acc_new = acc * corr + jnp.dot(p, vc,
                                           preferred_element_type=jnp.float32)
            return m_new, l_new, acc_new

        m0 = jnp.full((RATIO, 1), -1e30, jnp.float32)
        l0 = jnp.zeros((RATIO, 1), jnp.float32)
        a0 = jnp.zeros((RATIO, hd), jnp.float32)
        m, l, acc = lax.fori_loop(0, nch, body, (m0, l0, a0))
        heads.append(jnp.where(l > 0, acc / jnp.where(l > 0, l, 1.0), 0.0))
    o = q + jnp.concatenate(heads, axis=1)

    def ln(t, g, be):
        mu = jnp.mean(t, axis=-1, keepdims=True)
        var = jnp.mean((t - mu) ** 2, axis=-1, keepdims=True)
        return (t - mu) * lax.rsqrt(var + 1e-5) * g + be

    o = ln(o, g0_ref[...], be0_ref[...])
    o = o + jax.nn.relu(jnp.dot(o, wo_ref[...],
                                preferred_element_type=jnp.float32) + bo_ref[...])
    o = ln(o, g1_ref[...], be1_ref[...])
    out_ref[0] = jnp.dot(wr_ref[...], o,
                         preferred_element_type=jnp.float32) + br_ref[...]


def kernel(x, edge_index, batch, w_s1, b_s1, w_s2, b_s2, Wq, bq, Wk, bk,
           Wv, bv, g0, be0, Wo, bo, g1, be1, w_r, b_r):
    N, D = x.shape
    E = edge_index.shape[1]
    B = NGRAPH
    NP = ((N + 511 + 255) // 256) * 256
    stripe = NP // 16
    NPE = ((E + 8191) // 8192) * 8192
    epw1 = NPE // 32
    nch1 = epw1 // 128
    epc2 = NPE // 16
    nch2 = epc2 // 128
    NB = ((N + 1023) // 1024) * 1024

    f32 = jnp.float32
    x_p = jnp.zeros((NP, D), f32).at[:N].set(x)
    Wcat = jnp.concatenate(
        [Wk, Wv, w_s2, w_s1, jnp.zeros((D, 126), f32)], axis=1)
    npad = NPE - E
    src_p = jnp.concatenate(
        [edge_index[0],
         N + (jnp.arange(npad, dtype=jnp.int32) % (NP - N))])
    dst_p = jnp.concatenate(
        [edge_index[1], jnp.arange(npad, dtype=jnp.int32) % N])
    batch_rs = jnp.concatenate(
        [batch, jnp.full((NB - N,), B, jnp.int32)]).reshape(NB // 128, 128)
    zeros1 = jnp.zeros((stripe,), f32)

    mesh = plsc.VectorSubcoreMesh(core_axis_name="c", subcore_axis_name="s")
    pass1 = functools.partial(
        pl.kernel,
        out_type=[jax.ShapeDtypeStruct((2 * NP,), f32),
                  jax.ShapeDtypeStruct((2 * NP,), f32)],
        mesh=mesh,
        scratch_types=(
            [pltpu.VMEM((128,), jnp.int32)] * 6
            + [pltpu.VMEM((128,), f32)] * 4
            + [pltpu.VMEM((stripe,), f32),
               pltpu.VMEM_SHARED((NP,), f32),
               pltpu.VMEM_SHARED((NP,), f32)]
            + [pltpu.SemaphoreType.DMA] * 6
        ))(functools.partial(_sc_pass1, n_real=N, epw=epw1,
                             nchunks=nch1, stripe=stripe))
    deg_ns_f, deg_all_f = pass1(src_p, dst_p, zeros1)
    deg_ns_p = deg_ns_f.reshape(2, NP)
    deg_all_p = deg_all_f.reshape(2, NP)

    nblk = NP // 128
    col = lambda a: a.reshape(NP, 1)
    k3a = pl.pallas_call(
        _k3a_body,
        grid=(nblk,),
        in_specs=[
            pl.BlockSpec((128, 128), lambda i: (i, 0)),
            pl.BlockSpec((128, 384), lambda i: (0, 0)),
            pl.BlockSpec((NB // 128, 128), lambda i: (0, 0)),
        ],
        out_specs=[
            pl.BlockSpec((128, 384), lambda i: (i, 0)),
            pl.BlockSpec((1, 128), lambda i: (0, 0)),
        ],
        out_shape=[
            jax.ShapeDtypeStruct((NP, 384), f32),
            jax.ShapeDtypeStruct((1, 128), jnp.int32),
        ])
    XW, ptr_row = k3a(x_p, Wcat, batch_rs)
    ptr_pad = jnp.concatenate(
        [ptr_row[0, :B + 1], jnp.zeros((15,), jnp.int32)])

    k3c = pl.pallas_call(
        _k3c_body,
        grid=(nblk,),
        in_specs=[
            pl.BlockSpec((128, 384), lambda i: (i, 0)),
            pl.BlockSpec((128, 1), lambda i: (i, 0)),
            pl.BlockSpec((128, 1), lambda i: (i, 0)),
            pl.BlockSpec((128, 1), lambda i: (i, 0)),
            pl.BlockSpec((128, 1), lambda i: (i, 0)),
        ],
        out_specs=[
            pl.BlockSpec((128, 128), lambda i: (i, 0)),
            pl.BlockSpec((128, 128), lambda i: (i, 0)),
            pl.BlockSpec((128, 1), lambda i: (i, 0)),
            pl.BlockSpec((128, 1), lambda i: (i, 0)),
            pl.BlockSpec((128, 1), lambda i: (i, 0)),
            pl.BlockSpec((128, 1), lambda i: (i, 0)),
        ],
        out_shape=[
            jax.ShapeDtypeStruct((NP, 128), f32),
            jax.ShapeDtypeStruct((NP, 128), f32),
            jax.ShapeDtypeStruct((NP, 1), f32),
            jax.ShapeDtypeStruct((NP, 1), f32),
            jax.ShapeDtypeStruct((NP, 1), f32),
            jax.ShapeDtypeStruct((NP, 1), f32),
        ])
    Xk_s, Xv_s, xs2_s, dinv_l, dinv_ns, s1col = k3c(
        XW, col(deg_ns_p[0]), col(deg_ns_p[1]),
        col(deg_all_p[0]), col(deg_all_p[1]))

    xs2_flat = xs2_s.reshape(NP)
    epc1 = NPE // 16
    nchp = epc1 // 128
    half = NP // 2
    acc_rows = half + 128
    zeros2 = jnp.zeros((acc_rows // 16, 128), f32)
    pass2 = functools.partial(
        pl.kernel,
        out_type=[jax.ShapeDtypeStruct((NP, 128), f32),
                  jax.ShapeDtypeStruct((NP, 128), f32),
                  jax.ShapeDtypeStruct((NP,), f32)],
        mesh=mesh,
        scratch_types=(
            [pltpu.VMEM((128,), jnp.int32)] * 8
            + [pltpu.VMEM((128, 128), f32)] * 2
            + [pltpu.VMEM((128,), f32)] * 2
            + [pltpu.VMEM((acc_rows // 16, 128), f32),
               pltpu.VMEM((stripe,), f32),
               pltpu.VMEM_SHARED((acc_rows, 128), f32),
               pltpu.VMEM_SHARED((NP,), f32)]
            + [pltpu.SemaphoreType.DMA] * 10
        ))(functools.partial(_sc_pass2, epc=epc1, nchunks=nchp,
                             stripe1=stripe, half=half, acc_rows=acc_rows))
    accK, accV, acc_s2 = pass2(src_p, dst_p, Xk_s, Xv_s, xs2_flat,
                               zeros2, zeros1)

    row = lambda a: a.reshape(1, -1)
    bs = ((b_s1[0] * ALPHA + b_s2[0] * (1.0 - ALPHA))
          .reshape(1, 1).astype(f32))
    k45 = pl.pallas_call(
        _k45_body,
        grid=(nblk,),
        in_specs=[
            pl.BlockSpec((128, 128), lambda i: (i, 0)),
            pl.BlockSpec((128, 128), lambda i: (i, 0)),
            pl.BlockSpec((128, 128), lambda i: (i, 0)),
            pl.BlockSpec((128, 128), lambda i: (i, 0)),
            pl.BlockSpec((128, 128), lambda i: (i, 0)),
            pl.BlockSpec((128, 1), lambda i: (i, 0)),
            pl.BlockSpec((128, 1), lambda i: (i, 0)),
            pl.BlockSpec((128, 1), lambda i: (i, 0)),
            pl.BlockSpec((128, 1), lambda i: (i, 0)),
            pl.BlockSpec((1, 128), lambda i: (0, 0)),
            pl.BlockSpec((1, 128), lambda i: (0, 0)),
            pl.BlockSpec((1, 1), lambda i: (0, 0)),
        ],
        out_specs=[
            pl.BlockSpec((128, 128), lambda i: (i, 0)),
            pl.BlockSpec((128, 128), lambda i: (i, 0)),
            pl.BlockSpec((128, 128), lambda i: (i, 0)),
        ],
        out_shape=[
            jax.ShapeDtypeStruct((NP, 128), f32),
            jax.ShapeDtypeStruct((NP, 128), f32),
            jax.ShapeDtypeStruct((NP, 128), f32),
        ])
    Kfin, Vfin, xp = k45(x_p, Xk_s, Xv_s, accK, accV, col(acc_s2),
                         dinv_l, dinv_ns, s1col, row(bk), row(bv), bs)

    k5 = pl.pallas_call(
        _k5_body,
        grid=(B,),
        in_specs=[
            pl.BlockSpec(memory_space=pltpu.SMEM),
            pl.BlockSpec((NP, 128), lambda b: (0, 0)),
            pl.BlockSpec((NP, 128), lambda b: (0, 0)),
            pl.BlockSpec((NP, 128), lambda b: (0, 0)),
            pl.BlockSpec((128, 128), lambda b: (0, 0)),
            pl.BlockSpec((1, 128), lambda b: (0, 0)),
            pl.BlockSpec((128, 128), lambda b: (0, 0)),
            pl.BlockSpec((1, 128), lambda b: (0, 0)),
            pl.BlockSpec((1, 128), lambda b: (0, 0)),
            pl.BlockSpec((1, 128), lambda b: (0, 0)),
            pl.BlockSpec((1, 128), lambda b: (0, 0)),
            pl.BlockSpec((1, 128), lambda b: (0, 0)),
            pl.BlockSpec((1, 64), lambda b: (0, 0)),
            pl.BlockSpec((1, 128), lambda b: (0, 0)),
        ],
        out_specs=pl.BlockSpec((1, 1, 128), lambda b: (b, 0, 0)),
        out_shape=jax.ShapeDtypeStruct((B, 1, 128), f32))
    out = k5(ptr_pad, xp, Kfin, Vfin, Wq, row(bq), Wo, row(bo),
             row(g0), row(be0), row(g1), row(be1),
             w_r.reshape(1, RATIO), jnp.broadcast_to(b_r, (1, 128)))
    return out.reshape(B, 128)

# --- scband reference (transcript-rebuilt; emitter-appended) ---
"""Pipeline reference for scband-graph-pooling-3401614098593 (READ-ONLY COPY).

The authoritative reference and input builder live on the scoring server;
editing this copy changes nothing except your own understanding.
"""

import jax, jax.numpy as jnp
import numpy as np

NHID = 128
ALPHA = 0.5
RATIO = 64
HEADS = 4
NGRAPH = 16


def _gcn(xw, src, dst, ew, N):
    # symmetric-normalized GCN aggregation: out[dst] += d^-1/2[src]*d^-1/2[dst]*ew * xw[src]
    deg = jnp.zeros((N,), xw.dtype).at[dst].add(ew)
    safe = jnp.where(deg > 0, deg, 1.0)
    dinv = jnp.where(deg > 0, 1.0 / jnp.sqrt(safe), 0.0)
    norm = dinv[src] * dinv[dst] * ew
    return jnp.zeros((N, xw.shape[1]), xw.dtype).at[dst].add(norm[:, None] * xw[src])


def _ln(x, g, b):
    m = jnp.mean(x, axis=-1, keepdims=True)
    v = jnp.mean((x - m) ** 2, axis=-1, keepdims=True)
    return (x - m) / jnp.sqrt(v + 1e-5) * g + b


def _dense(x, bi, pi, B, M):
    # scatter node rows into [B, M, d]; extra dummy row B catches dropped nodes
    return jnp.zeros((B + 1, M, x.shape[-1]), x.dtype).at[bi, pi].set(x)[:B]


def setup_inputs(seed: int = 0):
    key = jax.random.key(seed)
    ks = list(jax.random.split(key, 16))
    N, E, D = 10000, 320000, NHID
    x = jax.random.normal(ks[0], (N, D), dtype=jnp.float32)
    edge_index = jax.random.randint(ks[1], (2, E), 0, N, dtype=jnp.int32)
    batch = jnp.sort(jax.random.randint(ks[2], (N,), 0, NGRAPH, dtype=jnp.int32))
    def p(k, shape):
        return jax.random.normal(k, shape, dtype=jnp.float32) * 0.05
    return {
        'x': x, 'edge_index': edge_index, 'batch': batch,
        'w_s1': p(ks[3], (D, 1)), 'b_s1': jnp.zeros((1,), jnp.float32),
        'w_s2': p(ks[4], (D, 1)), 'b_s2': jnp.zeros((1,), jnp.float32),
        'Wq': p(ks[5], (D, D)), 'bq': jnp.zeros((D,), jnp.float32),
        'Wk': p(ks[6], (D, D)), 'bk': jnp.zeros((D,), jnp.float32),
        'Wv': p(ks[7], (D, D)), 'bv': jnp.zeros((D,), jnp.float32),
        'g0': jnp.ones((D,), jnp.float32), 'be0': jnp.zeros((D,), jnp.float32),
        'Wo': p(ks[8], (D, D)), 'bo': jnp.zeros((D,), jnp.float32),
        'g1': jnp.ones((D,), jnp.float32), 'be1': jnp.zeros((D,), jnp.float32),
        'w_r': p(ks[9], (RATIO,)), 'b_r': jnp.zeros((1,), jnp.float32),
    }


def reference(x, edge_index, batch, w_s1, b_s1, w_s2, b_s2, Wq, bq, Wk, bk, Wv, bv,
              g0, be0, Wo, bo, g1, be1, w_r, b_r):
    N, D = x.shape
    B = NGRAPH
    src, dst = edge_index[0], edge_index[1]
    # Topk_pool scoring: score1 = Linear, score2 = GCNConv(add_self_loops=False) on
    # edge_index with self-loops removed (implemented as zero edge weight)
    ew_ns = (src != dst).astype(x.dtype)
    s2 = _gcn(x @ w_s2, src, dst, ew_ns, N) + b_s2
    s1 = x @ w_s1 + b_s1
    score = (ALPHA * s1 + (1.0 - ALPHA) * s2)[:, 0]
    # ratio is an integer >= 1 so k = int(ratio*n_i) >= n_i: topk keeps ALL nodes and,
    # since batch is sorted, perm == arange(N)
    xp = x * jnp.tanh(score)[:, None]
    # per-graph positions
    counts = jnp.zeros((B,), jnp.int32).at[batch].add(jnp.ones((N,), jnp.int32))
    ptr = jnp.concatenate([jnp.zeros((1,), jnp.int32), jnp.cumsum(counts).astype(jnp.int32)])
    pos = jnp.arange(N, dtype=jnp.int32) - ptr[batch]
    # to_dense_batch(xp, max_num_nodes=RATIO): truncate each graph to first RATIO nodes
    keep = pos < RATIO
    bi = jnp.where(keep, batch, B)
    pi = jnp.where(keep, pos, 0)
    Qd = _dense(xp, bi, pi, B, RATIO)
    # Attention_block: fc_q Linear; fc_k / fc_v are GCNConv with self loops added
    loops = jnp.arange(N, dtype=src.dtype)
    srcl = jnp.concatenate([src, loops])
    dstl = jnp.concatenate([dst, loops])
    ewl = jnp.ones((srcl.shape[0],), x.dtype)
    K = _gcn(x @ Wk, srcl, dstl, ewl, N) + bk
    V = _gcn(x @ Wv, srcl, dstl, ewl, N) + bv
    Mk = N
    Kd = _dense(K, batch, pos, B, Mk)
    Vd = _dense(V, batch, pos, B, Mk)
    mask = jnp.zeros((B + 1, Mk), bool).at[batch, pos].set(True)[:B]
    Q = Qd @ Wq + bq
    am = (1.0 - mask.astype(x.dtype))[:, None, :] * -1e9
    Q_ = jnp.concatenate(jnp.split(Q, HEADS, axis=2), axis=0)
    K_ = jnp.concatenate(jnp.split(Kd, HEADS, axis=2), axis=0)
    V_ = jnp.concatenate(jnp.split(Vd, HEADS, axis=2), axis=0)
    am_ = jnp.concatenate([am] * HEADS, axis=0)
    att = jnp.einsum('bqd,bkd->bqk', Q_, K_) / jnp.sqrt(jnp.asarray(D, x.dtype))
    A = jax.nn.softmax(am_ + att, axis=2)
    O = Q_ + jnp.einsum('bqk,bkd->bqd', A, V_)
    O = jnp.concatenate(jnp.split(O, HEADS, axis=0), axis=2)
    O = _ln(O, g0, be0)
    O = O + jax.nn.relu(O @ Wo + bo)
    O = _ln(O, g1, be1)
    # readout: Conv1d(ratio, 1, 1) over [B, RATIO, D] -> [B, D]
    out = jnp.einsum('c,bcd->bd', w_r, O) + b_r
    return out

if __name__ == "__main__":
    import jax
    _d = setup_inputs()
    print(jax.jit(kernel)(*tuple(_d.values())))

</pallas_src>

<mosaic_0001>
#map = affine_map<(d0, d1) -> (0)>
module attributes {stable_mosaic.version = 14 : i64} {
  func.func @_sc_pass1(%arg0: i32, %arg1: i32, %arg2: memref<327680xi32, #tpu.memory_space<hbm>>, %arg3: memref<327680xi32, #tpu.memory_space<hbm>>, %arg4: memref<672xf32, #tpu.memory_space<hbm>>, %arg5: memref<21504xf32, #tpu.memory_space<hbm>>, %arg6: memref<21504xf32, #tpu.memory_space<hbm>>, %arg7: memref<128xi32, #tpu.memory_space<vmem>>, %arg8: memref<128xi32, #tpu.memory_space<vmem>>, %arg9: memref<128xi32, #tpu.memory_space<vmem>>, %arg10: memref<128xi32, #tpu.memory_space<vmem>>, %arg11: memref<128xi32, #tpu.memory_space<vmem>>, %arg12: memref<128xi32, #tpu.memory_space<vmem>>, %arg13: memref<128xf32, #tpu.memory_space<vmem>>, %arg14: memref<128xf32, #tpu.memory_space<vmem>>, %arg15: memref<128xf32, #tpu.memory_space<vmem>>, %arg16: memref<128xf32, #tpu.memory_space<vmem>>, %arg17: memref<672xf32, #tpu.memory_space<vmem>>, %arg18: memref<10752xf32, #tpu.memory_space<vmem_shared>>, %arg19: memref<10752xf32, #tpu.memory_space<vmem_shared>>, %arg20: memref<!tpu.dma_semaphore, #tpu.memory_space<semaphore_mem>>, %arg21: memref<!tpu.dma_semaphore, #tpu.memory_space<semaphore_mem>>, %arg22: memref<!tpu.dma_semaphore, #tpu.memory_space<semaphore_mem>>, %arg23: memref<!tpu.dma_semaphore, #tpu.memory_space<semaphore_mem>>, %arg24: memref<!tpu.dma_semaphore, #tpu.memory_space<semaphore_mem>>, %arg25: memref<!tpu.dma_semaphore, #tpu.memory_space<semaphore_mem>>) attributes {dimension_semantics = [#tpu.dimension_semantics<core_parallel>, #tpu.dimension_semantics<subcore_parallel>], iteration_bounds = array<i64: 2, 16>, scalar_prefetch = 0 : i64, scratch_operands = 19 : i64, tpu.core_type = #tpu.core_type<sc_vector_subcore>, window_params = [{transform_indices = #map}, {transform_indices = #map}, {transform_indices = #map}, {transform_indices = #map}, {transform_indices = #map}]} {
    %mul3A = arith.constant 2 : i32
    %mul3A_0 = arith.muli %arg1, %mul3A : i32
    %add3A = arith.addi %mul3A_0, %arg0 : i32
    "tpu.region"() ({
      %run_scoped3A = tpu.sem_alloc : memref<!tpu.dma_semaphore, #tpu.memory_space<semaphore_mem>>
      tpu.enqueue_dma source(%arg4 : memref<672xf32, #tpu.memory_space<hbm>>) target(%arg17 : memref<672xf32, #tpu.memory_space<vmem>>) target_semaphore(%run_scoped3A : memref<!tpu.dma_semaphore, #tpu.memory_space<semaphore_mem>>)
      tpu.wait_dma2 semaphore(%run_scoped3A : memref<!tpu.dma_semaphore, #tpu.memory_space<semaphore_mem>>) src(%arg4 : memref<672xf32, #tpu.memory_space<hbm>>) dst(%arg17 : memref<672xf32, #tpu.memory_space<vmem>>)
      tpu.yield
    }) : () -> ()
    %mul3A_1 = arith.constant 672 : i32
    %mul3A_2 = arith.muli %arg1, %mul3A_1 : i32
    "tpu.region"() ({
      %run_scoped3A = tpu.sem_alloc : memref<!tpu.dma_semaphore, #tpu.memory_space<semaphore_mem>>
      %dma_start3A_41 = tpu.memref_slice %arg18[%mul3A_2] : memref<10752xf32, #tpu.memory_space<vmem_shared>> -> memref<672xf32, #tpu.memory_space<vmem_shared>>
      %dma_start3A_42 = tpu.memref_slice %arg18[%mul3A_2] : memref<10752xf32, #tpu.memory_space<vmem_shared>> -> memref<672xf32, #tpu.memory_space<vmem_shared>>
      tpu.enqueue_dma source(%arg17 : memref<672xf32, #tpu.memory_space<vmem>>) target(%dma_start3A_42 : memref<672xf32, #tpu.memory_space<vmem_shared>>) target_semaphore(%run_scoped3A : memref<!tpu.dma_semaphore, #tpu.memory_space<semaphore_mem>>)
      %dma_wait3A_43 = tpu.memref_slice %arg18[%mul3A_2] : memref<10752xf32, #tpu.memory_space<vmem_shared>> -> memref<672xf32, #tpu.memory_space<vmem_shared>>
      %dma_wait3A_44 = tpu.memref_slice %arg18[%mul3A_2] : memref<10752xf32, #tpu.memory_space<vmem_shared>> -> memref<672xf32, #tpu.memory_space<vmem_shared>>
      tpu.wait_dma2 semaphore(%run_scoped3A : memref<!tpu.dma_semaphore, #tpu.memory_space<semaphore_mem>>) src(%arg17 : memref<672xf32, #tpu.memory_space<vmem>>) dst(%dma_wait3A_44 : memref<672xf32, #tpu.memory_space<vmem_shared>>)
      tpu.yield
    }) : () -> ()
    %mul3A_3 = arith.constant 672 : i32
    %mul3A_4 = arith.muli %arg1, %mul3A_3 : i32
    "tpu.region"() ({
      %run_scoped3A = tpu.sem_alloc : memref<!tpu.dma_semaphore, #tpu.memory_space<semaphore_mem>>
      %dma_start3A_41 = tpu.memref_slice %arg19[%mul3A_4] : memref<10752xf32, #tpu.memory_space<vmem_shared>> -> memref<672xf32, #tpu.memory_space<vmem_shared>>
      %dma_start3A_42 = tpu.memref_slice %arg19[%mul3A_4] : memref<10752xf32, #tpu.memory_space<vmem_shared>> -> memref<672xf32, #tpu.memory_space<vmem_shared>>
      tpu.enqueue_dma source(%arg17 : memref<672xf32, #tpu.memory_space<vmem>>) target(%dma_start3A_42 : memref<672xf32, #tpu.memory_space<vmem_shared>>) target_semaphore(%run_scoped3A : memref<!tpu.dma_semaphore, #tpu.memory_space<semaphore_mem>>)
      %dma_wait3A_43 = tpu.memref_slice %arg19[%mul3A_4] : memref<10752xf32, #tpu.memory_space<vmem_shared>> -> memref<672xf32, #tpu.memory_space<vmem_shared>>
      %dma_wait3A_44 = tpu.memref_slice %arg19[%mul3A_4] : memref<10752xf32, #tpu.memory_space<vmem_shared>> -> memref<672xf32, #tpu.memory_space<vmem_shared>>
      tpu.wait_dma2 semaphore(%run_scoped3A : memref<!tpu.dma_semaphore, #tpu.memory_space<semaphore_mem>>) src(%arg17 : memref<672xf32, #tpu.memory_space<vmem>>) dst(%dma_wait3A_44 : memref<672xf32, #tpu.memory_space<vmem_shared>>)
      tpu.yield
    }) : () -> ()
    %barrier3A = arith.constant 0 : index
    tpu.barrier barrier_id(%barrier3A)
    %mul3A_5 = arith.constant 10240 : i32
    %mul3A_6 = arith.muli %add3A, %mul3A_5 : i32
    %dma_start3A = tpu.memref_slice %arg2[%mul3A_6] : memref<327680xi32, #tpu.memory_space<hbm>> -> memref<128xi32, #tpu.memory_space<hbm>>
    %dma_start3A_7 = tpu.memref_slice %arg2[%mul3A_6] : memref<327680xi32, #tpu.memory_space<hbm>> -> memref<128xi32, #tpu.memory_space<hbm>>
    tpu.enqueue_dma source(%dma_start3A_7 : memref<128xi32, #tpu.memory_space<hbm>>) target(%arg7 : memref<128xi32, #tpu.memory_space<vmem>>) target_semaphore(%arg20 : memref<!tpu.dma_semaphore, #tpu.memory_space<semaphore_mem>>)
    %dma_start3A_8 = tpu.memref_slice %arg3[%mul3A_6] : memref<327680xi32, #tpu.memory_space<hbm>> -> memref<128xi32, #tpu.memory_space<hbm>>
    %dma_start3A_9 = tpu.memref_slice %arg3[%mul3A_6] : memref<327680xi32, #tpu.memory_space<hbm>> -> memref<128xi32, #tpu.memory_space<hbm>>
    tpu.enqueue_dma source(%dma_start3A_9 : memref<128xi32, #tpu.memory_space<hbm>>) target(%arg9 : memref<128xi32, #tpu.memory_space<vmem>>) target_semaphore(%arg20 : memref<!tpu.dma_semaphore, #tpu.memory_space<semaphore_mem>>)
    %add3A_10 = arith.constant 128 : i32
    %add3A_11 = arith.addi %mul3A_6, %add3A_10 : i32
    %dma_start3A_12 = tpu.memref_slice %arg2[%add3A_11] : memref<327680xi32, #tpu.memory_space<hbm>> -> memref<128xi32, #tpu.memory_space<hbm>>
    %dma_start3A_13 = tpu.memref_slice %arg2[%add3A_11] : memref<327680xi32, #tpu.memory_space<hbm>> -> memref<128xi32, #tpu.memory_space<hbm>>
    tpu.enqueue_dma source(%dma_start3A_13 : memref<128xi32, #tpu.memory_space<hbm>>) target(%arg8 : memref<128xi32, #tpu.memory_space<vmem>>) target_semaphore(%arg21 : memref<!tpu.dma_semaphore, #tpu.memory_space<semaphore_mem>>)
    %add3A_14 = arith.constant 128 : i32
    %add3A_15 = arith.addi %mul3A_6, %add3A_14 : i32
    %dma_start3A_16 = tpu.memref_slice %arg3[%add3A_15] : memref<327680xi32, #tpu.memory_space<hbm>> -> memref<128xi32, #tpu.memory_space<hbm>>
    %dma_start3A_17 = tpu.memref_slice %arg3[%add3A_15] : memref<327680xi32, #tpu.memory_space<hbm>> -> memref<128xi32, #tpu.memory_space<hbm>>
    tpu.enqueue_dma source(%dma_start3A_17 : memref<128xi32, #tpu.memory_space<hbm>>) target(%arg10 : memref<128xi32, #tpu.memory_space<vmem>>) target_semaphore(%arg21 : memref<!tpu.dma_semaphore, #tpu.memory_space<semaphore_mem>>)
    %scan3A = arith.constant 0 : i32
    %scan3A_18 = arith.constant 0 : i32
    %scan3A_19 = arith.constant 40 : i32
    %scan3A_20 = arith.addi %scan3A_18, %scan3A_19 : i32
    %scan3A_21 = arith.constant 1 : i32
    scf.for %scan3A_41 = %scan3A_18 to %scan3A_20 step %scan3A_21  : i32 {
      %mul3A_42 = arith.constant 2 : i32
      %mul3A_43 = arith.muli %mul3A_42, %scan3A_41 : i32
      %ge3A = arith.constant 1 : i32
      %ge3A_44 = arith.cmpi sge, %mul3A_43, %ge3A : i32
      %convert_element_type3A = arith.extui %ge3A_44 : i1 to i32
      %cond3A = arith.constant 0 : i32
      %cond3A_45 = arith.cmpi ne, %convert_element_type3A, %cond3A : i32
      scf.if %cond3A_45 {
        %dma_wait3A_548 = arith.constant 0 : i32
        %dma_wait3A_549 = tpu.memref_slice %arg18[%dma_wait3A_548] : memref<10752xf32, #tpu.memory_space<vmem_shared>> -> memref<10752xf32, #tpu.memory_space<vmem_shared>>
        tpu.wait_indirect_dma semaphore(%arg23 : memref<!tpu.dma_semaphore, #tpu.memory_space<semaphore_mem>>) src(%arg14 : memref<128xf32, #tpu.memory_space<vmem>>) dst(%dma_wait3A_549 : memref<10752xf32, #tpu.memory_space<vmem_shared>>)
        %dma_wait3A_550 = arith.constant 0 : i32
        %dma_wait3A_551 = tpu.memref_slice %arg19[%dma_wait3A_550] : memref<10752xf32, #tpu.memory_space<vmem_shared>> -> memref<10752xf32, #tpu.memory_space<vmem_shared>>
        tpu.wait_indirect_dma semaphore(%arg25 : memref<!tpu.dma_semaphore, #tpu.memory_space<semaphore_mem>>) src(%arg16 : memref<128xf32, #tpu.memory_space<vmem>>) dst(%dma_wait3A_551 : memref<10752xf32, #tpu.memory_space<vmem_shared>>)
      } else {
      }
      %mul3A_46 = arith.constant 128 : i32
      %mul3A_47 = arith.muli %mul3A_43, %mul3A_46 : i32
      %add3A_48 = arith.addi %mul3A_6, %mul3A_47 : i32
      %dma_wait3A_49 = tpu.memref_slice %arg2[%add3A_48] : memref<327680xi32, #tpu.memory_space<hbm>> -> memref<128xi32, #tpu.memory_space<hbm>>
      %dma_wait3A_50 = tpu.memref_slice %arg2[%add3A_48] : memref<327680xi32, #tpu.memory_space<hbm>> -> memref<128xi32, #tpu.memory_space<hbm>>
      tpu.wait_dma2 semaphore(%arg20 : memref<!tpu.dma_semaphore, #tpu.memory_space<semaphore_mem>>) src(%dma_wait3A_50 : memref<128xi32, #tpu.memory_space<hbm>>) dst(%arg7 : memref<128xi32, #tpu.memory_space<vmem>>)
      %dma_wait3A_51 = tpu.memref_slice %arg3[%add3A_48] : memref<327680xi32, #tpu.memory_space<hbm>> -> memref<128xi32, #tpu.memory_space<hbm>>
      %dma_wait3A_52 = tpu.memref_slice %arg3[%add3A_48] : memref<327680xi32, #tpu.memory_space<hbm>> -> memref<128xi32, #tpu.memory_space<hbm>>
      tpu.wait_dma2 semaphore(%arg20 : memref<!tpu.dma_semaphore, #tpu.memory_space<semaphore_mem>>) src(%dma_wait3A_52 : memref<128xi32, #tpu.memory_space<hbm>>) dst(%arg9 : memref<128xi32, #tpu.memory_space<vmem>>)
      %get3A = arith.constant 0 : index
      %get3A_53 = tpu.vector_load %arg7[%get3A] {strides = array<i32>} : memref<128xi32, #tpu.memory_space<vmem>>, vector<16xi32>,
      %get3A_54 = vector.shape_cast %get3A_53 : vector<16xi32> to vector<16xi32>
      %get3A_55 = arith.constant 0 : index
      %get3A_56 = tpu.vector_load %arg9[%get3A_55] {strides = array<i32>} : memref<128xi32, #tpu.memory_space<vmem>>, vector<16xi32>,
      %get3A_57 = vector.shape_cast %get3A_56 : vector<16xi32> to vector<16xi32>
      %lt3A = arith.constant 10000 : i32
      %lt3A_58 = vector.broadcast %lt3A : i32 to vector<16xi32>
      %lt3A_59 = arith.cmpi slt, %get3A_54, %lt3A_58 : vector<16xi32>
      %broadcast_in_dim3A = arith.constant 1.000000e+00 : f32
      %broadcast_in_dim3A_60 = vector.broadcast %broadcast_in_dim3A : f32 to vector<16xf32>
      %broadcast_in_dim3A_61 = arith.constant 0.000000e+00 : f32
      %broadcast_in_dim3A_62 = vector.broadcast %broadcast_in_dim3A_61 : f32 to vector<16xf32>
      %select_n3A = arith.select %lt3A_59, %broadcast_in_dim3A_60, %broadcast_in_dim3A_62 : vector<16xi1>, vector<16xf32>
      %swap3A = arith.constant 0 : index
      %swap3A_63 = tpu.vector_load %arg15[%swap3A] {strides = array<i32>} : memref<128xf32, #tpu.memory_space<vmem>>, vector<16xf32>,
      %swap3A_64 = vector.shape_cast %swap3A_63 : vector<16xf32> to vector<16xf32>
      %swap3A_65 = vector.shape_cast %select_n3A : vector<16xf32> to vector<16xf32>
      tpu.vector_store %arg15[%swap3A], %swap3A_65 {strides = array<i32>} : memref<128xf32, #tpu.memory_space<vmem>>, vector<16xf32>,
      %ne3A = arith.cmpi ne, %get3A_54, %get3A_57 : vector<16xi32>
      %and3A = arith.andi %lt3A_59, %ne3A : vector<16xi1>
      %select_n3A_66 = arith.select %and3A, %broadcast_in_dim3A_60, %broadcast_in_dim3A_62 : vector<16xi1>, vector<16xf32>
      %swap3A_67 = arith.constant 0 : index
      %swap3A_68 = tpu.vector_load %arg13[%swap3A_67] {strides = array<i32>} : memref<128xf32, #tpu.memory_space<vmem>>, vector<16xf32>,
      %swap3A_69 = vector.shape_cast %swap3A_68 : vector<16xf32> to vector<16xf32>
      %swap3A_70 = vector.shape_cast %select_n3A_66 : vector<16xf32> to vector<16xf32>
      tpu.vector_store %arg13[%swap3A_67], %swap3A_70 {strides = array<i32>} : memref<128xf32, #tpu.memory_space<vmem>>, vector<16xf32>,
      %swap3A_71 = arith.constant 0 : index
      %swap3A_72 = tpu.vector_load %arg11[%swap3A_71] {strides = array<i32>} : memref<128xi32, #tpu.memory_space<vmem>>, vector<16xi32>,
      %swap3A_73 = vector.shape_cast %swap3A_72 : vector<16xi32> to vector<16xi32>
      %swap3A_74 = vector.shape_cast %get3A_57 : vector<16xi32> to vector<16xi32>
      tpu.vector_store %arg11[%swap3A_71], %swap3A_74 {strides = array<i32>} : memref<128xi32, #tpu.memory_space<vmem>>, vector<16xi32>,
      %get3A_75 = arith.constant 16 : index
      %get3A_76 = tpu.vector_load %arg7[%get3A_75] {strides = array<i32>} : memref<128xi32, #tpu.memory_space<vmem>>, vector<16xi32>,
      %get3A_77 = vector.shape_cast %get3A_76 : vector<16xi32> to vector<16xi32>
      %get3A_78 = arith.constant 16 : index
      %get3A_79 = tpu.vector_load %arg9[%get3A_78] {strides = array<i32>} : memref<128xi32, #tpu.memory_space<vmem>>, vector<16xi32>,
      %get3A_80 = vector.shape_cast %get3A_79 : vector<16xi32> to vector<16xi32>
      %lt3A_81 = arith.constant 10000 : i32
      %lt3A_82 = vector.broadcast %lt3A_81 : i32 to vector<16xi32>
      %lt3A_83 = arith.cmpi slt, %get3A_77, %lt3A_82 : vector<16xi32>
      %broadcast_in_dim3A_84 = arith.constant 1.000000e+00 : f32
      %broadcast_in_dim3A_85 = vector.broadcast %broadcast_in_dim3A_84 : f32 to vector<16xf32>
      %broadcast_in_dim3A_86 = arith.constant 0.000000e+00 : f32
      %broadcast_in_dim3A_87 = vector.broadcast %broadcast_in_dim3A_86 : f32 to vector<16xf32>
      %select_n3A_88 = arith.select %lt3A_83, %broadcast_in_dim3A_85, %broadcast_in_dim3A_87 : vector<16xi1>, vector<16xf32>
      %swap3A_89 = arith.constant 16 : index
      %swap3A_90 = tpu.vector_load %arg15[%swap3A_89] {strides = array<i32>} : memref<128xf32, #tpu.memory_space<vmem>>, vector<16xf32>,
      %swap3A_91 = vector.shape_cast %swap3A_90 : vector<16xf32> to vector<16xf32>
      %swap3A_92 = vector.shape_cast %select_n3A_88 : vector<16xf32> to vector<16xf32>
      tpu.vector_store %arg15[%swap3A_89], %swap3A_92 {strides = array<i32>} : memref<128xf32, #tpu.memory_space<vmem>>, vector<16xf32>,
      %ne3A_93 = arith.cmpi ne, %get3A_77, %get3A_80 : vector<16xi32>
      %and3A_94 = arith.andi %lt3A_83, %ne3A_93 : vector<16xi1>
      %select_n3A_95 = arith.select %and3A_94, %broadcast_in_dim3A_85, %broadcast_in_dim3A_87 : vector<16xi1>, vector<16xf32>
      %swap3A_96 = arith.constant 16 : index
      %swap3A_97 = tpu.vector_load %arg13[%swap3A_96] {strides = array<i32>} : memref<128xf32, #tpu.memory_space<vmem>>, vector<16xf32>,
      %swap3A_98 = vector.shape_cast %swap3A_97 : vector<16xf32> to vector<16xf32>
      %swap3A_99 = vector.shape_cast %select_n3A_95 : vector<16xf32> to vector<16xf32>
      tpu.vector_store %arg13[%swap3A_96], %swap3A_99 {strides = array<i32>} : memref<128xf32, #tpu.memory_space<vmem>>, vector<16xf32>,
      %swap3A_100 = arith.constant 16 : index
      %swap3A_101 = tpu.vector_load %arg11[%swap3A_100] {strides = array<i32>} : memref<128xi32, #tpu.memory_space<vmem>>, vector<16xi32>,
      %swap3A_102 = vector.shape_cast %swap3A_101 : vector<16xi32> to vector<16xi32>
      %swap3A_103 = vector.shape_cast %get3A_80 : vector<16xi32> to vector<16xi32>
      tpu.vector_store %arg11[%swap3A_100], %swap3A_103 {strides = array<i32>} : memref<128xi32, #tpu.memory_space<vmem>>, vector<16xi32>,
      %get3A_104 = arith.constant 32 : index
      %get3A_105 = tpu.vector_load %arg7[%get3A_104] {strides = array<i32>} : memref<128xi32, #tpu.memory_space<vmem>>, vector<16xi32>,
      %get3A_106 = vector.shape_cast %get3A_105 : vector<16xi32> to vector<16xi32>
      %get3A_107 = arith.constant 32 : index
      %get3A_108 = tpu.vector_load %arg9[%get3A_107] {strides = array<i32>} : memref<128xi32, #tpu.memory_space<vmem>>, vector<16xi32>,
      %get3A_109 = vector.shape_cast %get3A_108 : vector<16xi32> to vector<16xi32>
      %lt3A_110 = arith.constant 10000 : i32
      %lt3A_111 = vector.broadcast %lt3A_110 : i32 to vector<16xi32>
      %lt3A_112 = arith.cmpi slt, %get3A_106, %lt3A_111 : vector<16xi32>
      %broadcast_in_dim3A_113 = arith.constant 1.000000e+00 : f32
      %broadcast_in_dim3A_114 = vector.broadcast %broadcast_in_dim3A_113 : f32 to vector<16xf32>
      %broadcast_in_dim3A_115 = arith.constant 0.000000e+00 : f32
      %broadcast_in_dim3A_116 = vector.broadcast %broadcast_in_dim3A_115 : f32 to vector<16xf32>
      %select_n3A_117 = arith.select %lt3A_112, %broadcast_in_dim3A_114, %broadcast_in_dim3A_116 : vector<16xi1>, vector<16xf32>
      %swap3A_118 = arith.constant 32 : index
      %swap3A_119 = tpu.vector_load %arg15[%swap3A_118] {strides = array<i32>} : memref<128xf32, #tpu.memory_space<vmem>>, vector<16xf32>,
      %swap3A_120 = vector.shape_cast %swap3A_119 : vector<16xf32> to vector<16xf32>
      %swap3A_121 = vector.shape_cast %select_n3A_117 : vector<16xf32> to vector<16xf32>
      tpu.vector_store %arg15[%swap3A_118], %swap3A_121 {strides = array<i32>} : memref<128xf32, #tpu.memory_space<vmem>>, vector<16xf32>,
      %ne3A_122 = arith.cmpi ne, %get3A_106, %get3A_109 : vector<16xi32>
      %and3A_123 = arith.andi %lt3A_112, %ne3A_122 : vector<16xi1>
      %select_n3A_124 = arith.select %and3A_123, %broadcast_in_dim3A_114, %broadcast_in_dim3A_116 : vector<16xi1>, vector<16xf32>
      %swap3A_125 = arith.constant 32 : index
      %swap3A_126 = tpu.vector_load %arg13[%swap3A_125] {strides = array<i32>} : memref<128xf32, #tpu.memory_space<vmem>>, vector<16xf32>,
      %swap3A_127 = vector.shape_cast %swap3A_126 : vector<16xf32> to vector<16xf32>
      %swap3A_128 = vector.shape_cast %select_n3A_124 : vector<16xf32> to vector<16xf32>
      tpu.vector_store %arg13[%swap3A_125], %swap3A_128 {strides = array<i32>} : memref<128xf32, #tpu.memory_space<vmem>>, vector<16xf32>,
      %swap3A_129 = arith.constant 32 : index
      %swap3A_130 = tpu.vector_load %arg11[%swap3A_129] {strides = array<i32>} : memref<128xi32, #tpu.memory_space<vmem>>, vector<16xi32>,
      %swap3A_131 = vector.shape_cast %swap3A_130 : vector<16xi32> to vector<16xi32>
      %swap3A_132 = vector.shape_cast %get3A_109 : vector<16xi32> to vector<16xi32>
      tpu.vector_store %arg11[%swap3A_129], %swap3A_132 {strides = array<i32>} : memref<128xi32, #tpu.memory_space<vmem>>, vector<16xi32>,
      %get3A_133 = arith.constant 48 : index
      %get3A_134 = tpu.vector_load %arg7[%get3A_133] {strides = array<i32>} : memref<128xi32, #tpu.memory_space<vmem>>, vector<16xi32>,
      %get3A_135 = vector.shape_cast %get3A_134 : vector<16xi32> to vector<16xi32>
      %get3A_136 = arith.constant 48 : index
      %get3A_137 = tpu.vector_load %arg9[%get3A_136] {strides = array<i32>} : memref<128xi32, #tpu.memory_space<vmem>>, vector<16xi32>,
      %get3A_138 = vector.shape_cast %get3A_137 : vector<16xi32> to vector<16xi32>
      %lt3A_139 = arith.constant 10000 : i32
      %lt3A_140 = vector.broadcast %lt3A_139 : i32 to vector<16xi32>
      %lt3A_141 = arith.cmpi slt, %get3A_135, %lt3A_140 : vector<16xi32>
      %broadcast_in_dim3A_142 = arith.constant 1.000000e+00 : f32
      %broadcast_in_dim3A_143 = vector.broadcast %broadcast_in_dim3A_142 : f32 to vector<16xf32>
      %broadcast_in_dim3A_144 = arith.constant 0.000000e+00 : f32
      %broadcast_in_dim3A_145 = vector.broadcast %broadcast_in_dim3A_144 : f32 to vector<16xf32>
      %select_n3A_146 = arith.select %lt3A_141, %broadcast_in_dim3A_143, %broadcast_in_dim3A_145 : vector<16xi1>, vector<16xf32>
      %swap3A_147 = arith.constant 48 : index
      %swap3A_148 = tpu.vector_load %arg15[%swap3A_147] {strides = array<i32>} : memref<128xf32, #tpu.memory_space<vmem>>, vector<16xf32>,
      %swap3A_149 = vector.shape_cast %swap3A_148 : vector<16xf32> to vector<16xf32>
      %swap3A_150 = vector.shape_cast %select_n3A_146 : vector<16xf32> to vector<16xf32>
      tpu.vector_store %arg15[%swap3A_147], %swap3A_150 {strides = array<i32>} : memref<128xf32, #tpu.memory_space<vmem>>, vector<16xf32>,
      %ne3A_151 = arith.cmpi ne, %get3A_135, %get3A_138 : vector<16xi32>
      %and3A_152 = arith.andi %lt3A_141, %ne3A_151 : vector<16xi1>
      %select_n3A_153 = arith.select %and3A_152, %broadcast_in_dim3A_143, %broadcast_in_dim3A_145 : vector<16xi1>, vector<16xf32>
      %swap3A_154 = arith.constant 48 : index
      %swap3A_155 = tpu.vector_load %arg13[%swap3A_154] {strides = array<i32>} : memref<128xf32, #tpu.memory_space<vmem>>, vector<16xf32>,
      %swap3A_156 = vector.shape_cast %swap3A_155 : vector<16xf32> to vector<16xf32>
      %swap3A_157 = vector.shape_cast %select_n3A_153 : vector<16xf32> to vector<16xf32>
      tpu.vector_store %arg13[%swap3A_154], %swap3A_157 {strides = array<i32>} : memref<128xf32, #tpu.memory_space<vmem>>, vector<16xf32>,
      %swap3A_158 = arith.constant 48 : index
      %swap3A_159 = tpu.vector_load %arg11[%swap3A_158] {strides = array<i32>} : memref<128xi32, #tpu.memory_space<vmem>>, vector<16xi32>,
      %swap3A_160 = vector.shape_cast %swap3A_159 : vector<16xi32> to vector<16xi32>
      %swap3A_161 = vector.shape_cast %get3A_138 : vector<16xi32> to vector<16xi32>
      tpu.vector_store %arg11[%swap3A_158], %swap3A_161 {strides = array<i32>} : memref<128xi32, #tpu.memory_space<vmem>>, vector<16xi32>,
      %get3A_162 = arith.constant 64 : index
      %get3A_163 = tpu.vector_load %arg7[%get3A_162] {strides = array<i32>} : memref<128xi32, #tpu.memory_space<vmem>>, vector<16xi32>,
      %get3A_164 = vector.shape_cast %get3A_163 : vector<16xi32> to vector<16xi32>
      %get3A_165 = arith.constant 64 : index
      %get3A_166 = tpu.vector_load %arg9[%get3A_165] {strides = array<i32>} : memref<128xi32, #tpu.memory_space<vmem>>, vector<16xi32>,
      %get3A_167 = vector.shape_cast %get3A_166 : vector<16xi32> to vector<16xi32>
      %lt3A_168 = arith.constant 10000 : i32
      %lt3A_169 = vector.broadcast %lt3A_168 : i32 to vector<16xi32>
      %lt3A_170 = arith.cmpi slt, %get3A_164, %lt3A_169 : vector<16xi32>
      %broadcast_in_dim3A_171 = arith.constant 1.000000e+00 : f32
      %broadcast_in_dim3A_172 = vector.broadcast %broadcast_in_dim3A_171 : f32 to vector<16xf32>
      %broadcast_in_dim3A_173 = arith.constant 0.000000e+00 : f32
      %broadcast_in_dim3A_174 = vector.broadcast %broadcast_in_dim3A_173 : f32 to vector<16xf32>
      %select_n3A_175 = arith.select %lt3A_170, %broadcast_in_dim3A_172, %broadcast_in_dim3A_174 : vector<16xi1>, vector<16xf32>
      %swap3A_176 = arith.constant 64 : index
      %swap3A_177 = tpu.vector_load %arg15[%swap3A_176] {strides = array<i32>} : memref<128xf32, #tpu.memory_space<vmem>>, vector<16xf32>,
      %swap3A_178 = vector.shape_cast %swap3A_177 : vector<16xf32> to vector<16xf32>
      %swap3A_179 = vector.shape_cast %select_n3A_175 : vector<16xf32> to vector<16xf32>
      tpu.vector_store %arg15[%swap3A_176], %swap3A_179 {strides = array<i32>} : memref<128xf32, #tpu.memory_space<vmem>>, vector<16xf32>,
      %ne3A_180 = arith.cmpi ne, %get3A_164, %get3A_167 : vector<16xi32>
      %and3A_181 = arith.andi %lt3A_170, %ne3A_180 : vector<16xi1>
      %select_n3A_182 = arith.select %and3A_181, %broadcast_in_dim3A_172, %broadcast_in_dim3A_174 : vector<16xi1>, vector<16xf32>
      %swap3A_183 = arith.constant 64 : index
      %swap3A_184 = tpu.vector_load %arg13[%swap3A_183] {strides = array<i32>} : memref<128xf32, #tpu.memory_space<vmem>>, vector<16xf32>,
      %swap3A_185 = vector.shape_cast %swap3A_184 : vector<16xf32> to vector<16xf32>
      %swap3A_186 = vector.shape_cast %select_n3A_182 : vector<16xf32> to vector<16xf32>
      tpu.vector_store %arg13[%swap3A_183], %swap3A_186 {strides = array<i32>} : memref<128xf32, #tpu.memory_space<vmem>>, vector<16xf32>,
      %swap3A_187 = arith.constant 64 : index
      %swap3A_188 = tpu.vector_load %arg11[%swap3A_187] {strides = array<i32>} : memref<128xi32, #tpu.memory_space<vmem>>, vector<16xi32>,
      %swap3A_189 = vector.shape_cast %swap3A_188 : vector<16xi32> to vector<16xi32>
      %swap3A_190 = vector.shape_cast %get3A_167 : vector<16xi32> to vector<16xi32>
      tpu.vector_store %arg11[%swap3A_187], %swap3A_190 {strides = array<i32>} : memref<128xi32, #tpu.memory_space<vmem>>, vector<16xi32>,
      %get3A_191 = arith.constant 80 : index
      %get3A_192 = tpu.vector_load %arg7[%get3A_191] {strides = array<i32>} : memref<128xi32, #tpu.memory_space<vmem>>, vector<16xi32>,
      %get3A_193 = vector.shape_cast %get3A_192 : vector<16xi32> to vector<16xi32>
      %get3A_194 = arith.constant 80 : index
      %get3A_195 = tpu.vector_load %arg9[%get3A_194] {strides = array<i32>} : memref<128xi32, #tpu.memory_space<vmem>>, vector<16xi32>,
      %get3A_196 = vector.shape_cast %get3A_195 : vector<16xi32> to vector<16xi32>
      %lt3A_197 = arith.constant 10000 : i32
      %lt3A_198 = vector.broadcast %lt3A_197 : i32 to vector<16xi32>
      %lt3A_199 = arith.cmpi slt, %get3A_193, %lt3A_198 : vector<16xi32>
      %broadcast_in_dim3A_200 = arith.constant 1.000000e+00 : f32
      %broadcast_in_dim3A_201 = vector.broadcast %broadcast_in_dim3A_200 : f32 to vector<16xf32>
      %broadcast_in_dim3A_202 = arith.constant 0.000000e+00 : f32
      %broadcast_in_dim3A_203 = vector.broadcast %broadcast_in_dim3A_202 : f32 to vector<16xf32>
      %select_n3A_204 = arith.select %lt3A_199, %broadcast_in_dim3A_201, %broadcast_in_dim3A_203 : vector<16xi1>, vector<16xf32>
      %swap3A_205 = arith.constant 80 : index
      %swap3A_206 = tpu.vector_load %arg15[%swap3A_205] {strides = array<i32>} : memref<128xf32, #tpu.memory_space<vmem>>, vector<16xf32>,
      %swap3A_207 = vector.shape_cast %swap3A_206 : vector<16xf32> to vector<16xf32>
      %swap3A_208 = vector.shape_cast %select_n3A_204 : vector<16xf32> to vector<16xf32>
      tpu.vector_store %arg15[%swap3A_205], %swap3A_208 {strides = array<i32>} : memref<128xf32, #tpu.memory_space<vmem>>, vector<16xf32>,
      %ne3A_209 = arith.cmpi ne, %get3A_193, %get3A_196 : vector<16xi32>
      %and3A_210 = arith.andi %lt3A_199, %ne3A_209 : vector<16xi1>
      %select_n3A_211 = arith.select %and3A_210, %broadcast_in_dim3A_201, %broadcast_in_dim3A_203 : vector<16xi1>, vector<16xf32>
      %swap3A_212 = arith.constant 80 : index
      %swap3A_213 = tpu.vector_load %arg13[%swap3A_212] {strides = array<i32>} : memref<128xf32, #tpu.memory_space<vmem>>, vector<16xf32>,
      %swap3A_214 = vector.shape_cast %swap3A_213 : vector<16xf32> to vector<16xf32>
      %swap3A_215 = vector.shape_cast %select_n3A_211 : vector<16xf32> to vector<16xf32>
      tpu.vector_store %arg13[%swap3A_212], %swap3A_215 {strides = array<i32>} : memref<128xf32, #tpu.memory_space<vmem>>, vector<16xf32>,
      %swap3A_216 = arith.constant 80 : index
      %swap3A_217 = tpu.vector_load %arg11[%swap3A_216] {strides = array<i32>} : memref<128xi32, #tpu.memory_space<vmem>>, vector<16xi32>,
      %swap3A_218 = vector.shape_cast %swap3A_217 : vector<16xi32> to vector<16xi32>
      %swap3A_219 = vector.shape_cast %get3A_196 : vector<16xi32> to vector<16xi32>
      tpu.vector_store %arg11[%swap3A_216], %swap3A_219 {strides = array<i32>} : memref<128xi32, #tpu.memory_space<vmem>>, vector<16xi32>,
      %get3A_220 = arith.constant 96 : index
      %get3A_221 = tpu.vector_load %arg7[%get3A_220] {strides = array<i32>} : memref<128xi32, #tpu.memory_space<vmem>>, vector<16xi32>,
      %get3A_222 = vector.shape_cast %get3A_221 : vector<16xi32> to vector<16xi32>
      %get3A_223 = arith.constant 96 : index
      %get3A_224 = tpu.vector_load %arg9[%get3A_223] {strides = array<i32>} : memref<128xi32, #tpu.memory_space<vmem>>, vector<16xi32>,
      %get3A_225 = vector.shape_cast %get3A_224 : vector<16xi32> to vector<16xi32>
      %lt3A_226 = arith.constant 10000 : i32
      %lt3A_227 = vector.broadcast %lt3A_226 : i32 to vector<16xi32>
      %lt3A_228 = arith.cmpi slt, %get3A_222, %lt3A_227 : vector<16xi32>
      %broadcast_in_dim3A_229 = arith.constant 1.000000e+00 : f32
      %broadcast_in_dim3A_230 = vector.broadcast %broadcast_in_dim3A_229 : f32 to vector<16xf32>
      %broadcast_in_dim3A_231 = arith.constant 0.000000e+00 : f32
      %broadcast_in_dim3A_232 = vector.broadcast %broadcast_in_dim3A_231 : f32 to vector<16xf32>
      %select_n3A_233 = arith.select %lt3A_228, %broadcast_in_dim3A_230, %broadcast_in_dim3A_232 : vector<16xi1>, vector<16xf32>
      %swap3A_234 = arith.constant 96 : index
      %swap3A_235 = tpu.vector_load %arg15[%swap3A_234] {strides = array<i32>} : memref<128xf32, #tpu.memory_space<vmem>>, vector<16xf32>,
      %swap3A_236 = vector.shape_cast %swap3A_235 : vector<16xf32> to vector<16xf32>
      %swap3A_237 = vector.shape_cast %select_n3A_233 : vector<16xf32> to vector<16xf32>
      tpu.vector_store %arg15[%swap3A_234], %swap3A_237 {strides = array<i32>} : memref<128xf32, #tpu.memory_space<vmem>>, vector<16xf32>,
      %ne3A_238 = arith.cmpi ne, %get3A_222, %get3A_225 : vector<16xi32>
      %and3A_239 = arith.andi %lt3A_228, %ne3A_238 : vector<16xi1>
      %select_n3A_240 = arith.select %and3A_239, %broadcast_in_dim3A_230, %broadcast_in_dim3A_232 : vector<16xi1>, vector<16xf32>
      %swap3A_241 = arith.constant 96 : index
      %swap3A_242 = tpu.vector_load %arg13[%swap3A_241] {strides = array<i32>} : memref<128xf32, #tpu.memory_space<vmem>>, vector<16xf32>,
      %swap3A_243 = vector.shape_cast %swap3A_242 : vector<16xf32> to vector<16xf32>
      %swap3A_244 = vector.shape_cast %select_n3A_240 : vector<16xf32> to vector<16xf32>
      tpu.vector_store %arg13[%swap3A_241], %swap3A_244 {strides = array<i32>} : memref<128xf32, #tpu.memory_space<vmem>>, vector<16xf32>,
      %swap3A_245 = arith.constant 96 : index
      %swap3A_246 = tpu.vector_load %arg11[%swap3A_245] {strides = array<i32>} : memref<128xi32, #tpu.memory_space<vmem>>, vector<16xi32>,
      %swap3A_247 = vector.shape_cast %swap3A_246 : vector<16xi32> to vector<16xi32>
      %swap3A_248 = vector.shape_cast %get3A_225 : vector<16xi32> to vector<16xi32>
      tpu.vector_store %arg11[%swap3A_245], %swap3A_248 {strides = array<i32>} : memref<128xi32, #tpu.memory_space<vmem>>, vector<16xi32>,
      %get3A_249 = arith.constant 112 : index
      %get3A_250 = tpu.vector_load %arg7[%get3A_249] {strides = array<i32>} : memref<128xi32, #tpu.memory_space<vmem>>, vector<16xi32>,
      %get3A_251 = vector.shape_cast %get3A_250 : vector<16xi32> to vector<16xi32>
      %get3A_252 = arith.constant 112 : index
      %get3A_253 = tpu.vector_load %arg9[%get3A_252] {strides = array<i32>} : memref<128xi32, #tpu.memory_space<vmem>>, vector<16xi32>,
      %get3A_254 = vector.shape_cast %get3A_253 : vector<16xi32> to vector<16xi32>
      %lt3A_255 = arith.constant 10000 : i32
      %lt3A_256 = vector.broadcast %lt3A_255 : i32 to vector<16xi32>
      %lt3A_257 = arith.cmpi slt, %get3A_251, %lt3A_256 : vector<16xi32>
      %broadcast_in_dim3A_258 = arith.constant 1.000000e+00 : f32
      %broadcast_in_dim3A_259 = vector.broadcast %broadcast_in_dim3A_258 : f32 to vector<16xf32>
      %broadcast_in_dim3A_260 = arith.constant 0.000000e+00 : f32
      %broadcast_in_dim3A_261 = vector.broadcast %broadcast_in_dim3A_260 : f32 to vector<16xf32>
      %select_n3A_262 = arith.select %lt3A_257, %broadcast_in_dim3A_259, %broadcast_in_dim3A_261 : vector<16xi1>, vector<16xf32>
      %swap3A_263 = arith.constant 112 : index
      %swap3A_264 = tpu.vector_load %arg15[%swap3A_263] {strides = array<i32>} : memref<128xf32, #tpu.memory_space<vmem>>, vector<16xf32>,
      %swap3A_265 = vector.shape_cast %swap3A_264 : vector<16xf32> to vector<16xf32>
      %swap3A_266 = vector.shape_cast %select_n3A_262 : vector<16xf32> to vector<16xf32>
      tpu.vector_store %arg15[%swap3A_263], %swap3A_266 {strides = array<i32>} : memref<128xf32, #tpu.memory_space<vmem>>, vector<16xf32>,
      %ne3A_267 = arith.cmpi ne, %get3A_251, %get3A_254 : vector<16xi32>
      %and3A_268 = arith.andi %lt3A_257, %ne3A_267 : vector<16xi1>
      %select_n3A_269 = arith.select %and3A_268, %broadcast_in_dim3A_259, %broadcast_in_dim3A_261 : vector<16xi1>, vector<16xf32>
      %swap3A_270 = arith.constant 112 : index
      %swap3A_271 = tpu.vector_load %arg13[%swap3A_270] {strides = array<i32>} : memref<128xf32, #tpu.memory_space<vmem>>, vector<16xf32>,
      %swap3A_272 = vector.shape_cast %swap3A_271 : vector<16xf32> to vector<16xf32>
      %swap3A_273 = vector.shape_cast %select_n3A_269 : vector<16xf32> to vector<16xf32>
      tpu.vector_store %arg13[%swap3A_270], %swap3A_273 {strides = array<i32>} : memref<128xf32, #tpu.memory_space<vmem>>, vector<16xf32>,
      %swap3A_274 = arith.constant 112 : index
      %swap3A_275 = tpu.vector_load %arg11[%swap3A_274] {strides = array<i32>} : memref<128xi32, #tpu.memory_space<vmem>>, vector<16xi32>,
      %swap3A_276 = vector.shape_cast %swap3A_275 : vector<16xi32> to vector<16xi32>
      %swap3A_277 = vector.shape_cast %get3A_254 : vector<16xi32> to vector<16xi32>
      tpu.vector_store %arg11[%swap3A_274], %swap3A_277 {strides = array<i32>} : memref<128xi32, #tpu.memory_space<vmem>>, vector<16xi32>,
      %add3A_278 = arith.constant 2 : i32
      %add3A_279 = arith.addi %mul3A_43, %add3A_278 : i32
      %lt3A_280 = arith.constant 80 : i32
      %lt3A_281 = arith.cmpi slt, %add3A_279, %lt3A_280 : i32
      %convert_element_type3A_282 = arith.extui %lt3A_281 : i1 to i32
      %cond3A_283 = arith.constant 0 : i32
      %cond3A_284 = arith.cmpi ne, %convert_element_type3A_282, %cond3A_283 : i32
      scf.if %cond3A_284 {
        %add3A_548 = arith.constant 2 : i32
        %add3A_549 = arith.addi %mul3A_43, %add3A_548 : i32
        %mul3A_550 = arith.constant 128 : i32
        %mul3A_551 = arith.muli %add3A_549, %mul3A_550 : i32
        %add3A_552 = arith.addi %mul3A_6, %mul3A_551 : i32
        %dma_start3A_553 = tpu.memref_slice %arg2[%add3A_552] : memref<327680xi32, #tpu.memory_space<hbm>> -> memref<128xi32, #tpu.memory_space<hbm>>
        %dma_start3A_554 = tpu.memref_slice %arg2[%add3A_552] : memref<327680xi32, #tpu.memory_space<hbm>> -> memref<128xi32, #tpu.memory_space<hbm>>
        tpu.enqueue_dma source(%dma_start3A_554 : memref<128xi32, #tpu.memory_space<hbm>>) target(%arg7 : memref<128xi32, #tpu.memory_space<vmem>>) target_semaphore(%arg20 : memref<!tpu.dma_semaphore, #tpu.memory_space<semaphore_mem>>)
        %dma_start3A_555 = tpu.memref_slice %arg3[%add3A_552] : memref<327680xi32, #tpu.memory_space<hbm>> -> memref<128xi32, #tpu.memory_space<hbm>>
        %dma_start3A_556 = tpu.memref_slice %arg3[%add3A_552] : memref<327680xi32, #tpu.memory_space<hbm>> -> memref<128xi32, #tpu.memory_space<hbm>>
        tpu.enqueue_dma source(%dma_start3A_556 : memref<128xi32, #tpu.memory_space<hbm>>) target(%arg9 : memref<128xi32, #tpu.memory_space<vmem>>) target_semaphore(%arg20 : memref<!tpu.dma_semaphore, #tpu.memory_space<semaphore_mem>>)
      } else {
      }
      %dma_start3A_285 = arith.constant 0 : i32
      %dma_start3A_286 = tpu.memref_slice %arg18[%dma_start3A_285] : memref<10752xf32, #tpu.memory_space<vmem_shared>> -> memref<10752xf32, #tpu.memory_space<vmem_shared>>
      tpu.enqueue_indirect_dma source(%arg13 : memref<128xf32, #tpu.memory_space<vmem>>) target(%dma_start3A_286 : memref<10752xf32, #tpu.memory_space<vmem_shared>>) offsets(%arg11 : memref<128xi32, #tpu.memory_space<vmem>>) semaphore(%arg22 : memref<!tpu.dma_semaphore, #tpu.memory_space<semaphore_mem>>) {add = true}
      %dma_start3A_287 = arith.constant 0 : i32
      %dma_start3A_288 = tpu.memref_slice %arg19[%dma_start3A_287] : memref<10752xf32, #tpu.memory_space<vmem_shared>> -> memref<10752xf32, #tpu.memory_space<vmem_shared>>
      tpu.enqueue_indirect_dma source(%arg15 : memref<128xf32, #tpu.memory_space<vmem>>) target(%dma_start3A_288 : memref<10752xf32, #tpu.memory_space<vmem_shared>>) offsets(%arg11 : memref<128xi32, #tpu.memory_space<vmem>>) semaphore(%arg24 : memref<!tpu.dma_semaphore, #tpu.memory_space<semaphore_mem>>) {add = true}
      %mul3A_289 = arith.constant 2 : i32
      %mul3A_290 = arith.muli %mul3A_289, %scan3A_41 : i32
      %add3A_291 = arith.constant 1 : i32
      %add3A_292 = arith.addi %mul3A_290, %add3A_291 : i32
      %ge3A_293 = arith.constant 1 : i32
      %ge3A_294 = arith.cmpi sge, %add3A_292, %ge3A_293 : i32
      %convert_element_type3A_295 = arith.extui %ge3A_294 : i1 to i32
      %cond3A_296 = arith.constant 0 : i32
      %cond3A_297 = arith.cmpi ne, %convert_element_type3A_295, %cond3A_296 : i32
      scf.if %cond3A_297 {
        %dma_wait3A_548 = arith.constant 0 : i32
        %dma_wait3A_549 = tpu.memref_slice %arg18[%dma_wait3A_548] : memref<10752xf32, #tpu.memory_space<vmem_shared>> -> memref<10752xf32, #tpu.memory_space<vmem_shared>>
        tpu.wait_indirect_dma semaphore(%arg22 : memref<!tpu.dma_semaphore, #tpu.memory_space<semaphore_mem>>) src(%arg13 : memref<128xf32, #tpu.memory_space<vmem>>) dst(%dma_wait3A_549 : memref<10752xf32, #tpu.memory_space<vmem_shared>>)
        %dma_wait3A_550 = arith.constant 0 : i32
        %dma_wait3A_551 = tpu.memref_slice %arg19[%dma_wait3A_550] : memref<10752xf32, #tpu.memory_space<vmem_shared>> -> memref<10752xf32, #tpu.memory_space<vmem_shared>>
        tpu.wait_indirect_dma semaphore(%arg24 : memref<!tpu.dma_semaphore, #tpu.memory_space<semaphore_mem>>) src(%arg15 : memref<128xf32, #tpu.memory_space<vmem>>) dst(%dma_wait3A_551 : memref<10752xf32, #tpu.memory_space<vmem_shared>>)
      } else {
      }
      %mul3A_298 = arith.constant 128 : i32
      %mul3A_299 = arith.muli %add3A_292, %mul3A_298 : i32
      %add3A_300 = arith.addi %mul3A_6, %mul3A_299 : i32
      %dma_wait3A_301 = tpu.memref_slice %arg2[%add3A_300] : memref<327680xi32, #tpu.memory_space<hbm>> -> memref<128xi32, #tpu.memory_space<hbm>>
      %dma_wait3A_302 = tpu.memref_slice %arg2[%add3A_300] : memref<327680xi32, #tpu.memory_space<hbm>> -> memref<128xi32, #tpu.memory_space<hbm>>
      tpu.wait_dma2 semaphore(%arg21 : memref<!tpu.dma_semaphore, #tpu.memory_space<semaphore_mem>>) src(%dma_wait3A_302 : memref<128xi32, #tpu.memory_space<hbm>>) dst(%arg8 : memref<128xi32, #tpu.memory_space<vmem>>)
      %dma_wait3A_303 = tpu.memref_slice %arg3[%add3A_300] : memref<327680xi32, #tpu.memory_space<hbm>> -> memref<128xi32, #tpu.memory_space<hbm>>
      %dma_wait3A_304 = tpu.memref_slice %arg3[%add3A_300] : memref<327680xi32, #tpu.memory_space<hbm>> -> memref<128xi32, #tpu.memory_space<hbm>>
      tpu.wait_dma2 semaphore(%arg21 : memref<!tpu.dma_semaphore, #tpu.memory_space<semaphore_mem>>) src(%dma_wait3A_304 : memref<128xi32, #tpu.memory_space<hbm>>) dst(%arg10 : memref<128xi32, #tpu.memory_space<vmem>>)
      %get3A_305 = arith.constant 0 : index
      %get3A_306 = tpu.vector_load %arg8[%get3A_305] {strides = array<i32>} : memref<128xi32, #tpu.memory_space<vmem>>, vector<16xi32>,
      %get3A_307 = vector.shape_cast %get3A_306 : vector<16xi32> to vector<16xi32>
      %get3A_308 = arith.constant 0 : index
      %get3A_309 = tpu.vector_load %arg10[%get3A_308] {strides = array<i32>} : memref<128xi32, #tpu.memory_space<vmem>>, vector<16xi32>,
      %get3A_310 = vector.shape_cast %get3A_309 : vector<16xi32> to vector<16xi32>
      %lt3A_311 = arith.constant 10000 : i32
      %lt3A_312 = vector.broadcast %lt3A_311 : i32 to vector<16xi32>
      %lt3A_313 = arith.cmpi slt, %get3A_307, %lt3A_312 : vector<16xi32>
      %broadcast_in_dim3A_314 = arith.constant 1.000000e+00 : f32
      %broadcast_in_dim3A_315 = vector.broadcast %broadcast_in_dim3A_314 : f32 to vector<16xf32>
      %broadcast_in_dim3A_316 = arith.constant 0.000000e+00 : f32
      %broadcast_in_dim3A_317 = vector.broadcast %broadcast_in_dim3A_316 : f32 to vector<16xf32>
      %select_n3A_318 = arith.select %lt3A_313, %broadcast_in_dim3A_315, %broadcast_in_dim3A_317 : vector<16xi1>, vector<16xf32>
      %swap3A_319 = arith.constant 0 : index
      %swap3A_320 = tpu.vector_load %arg16[%swap3A_319] {strides = array<i32>} : memref<128xf32, #tpu.memory_space<vmem>>, vector<16xf32>,
      %swap3A_321 = vector.shape_cast %swap3A_320 : vector<16xf32> to vector<16xf32>
      %swap3A_322 = vector.shape_cast %select_n3A_318 : vector<16xf32> to vector<16xf32>
      tpu.vector_store %arg16[%swap3A_319], %swap3A_322 {strides = array<i32>} : memref<128xf32, #tpu.memory_space<vmem>>, vector<16xf32>,
      %ne3A_323 = arith.cmpi ne, %get3A_307, %get3A_310 : vector<16xi32>
      %and3A_324 = arith.andi %lt3A_313, %ne3A_323 : vector<16xi1>
      %select_n3A_325 = arith.select %and3A_324, %broadcast_in_dim3A_315, %broadcast_in_dim3A_317 : vector<16xi1>, vector<16xf32>
      %swap3A_326 = arith.constant 0 : index
      %swap3A_327 = tpu.vector_load %arg14[%swap3A_326] {strides = array<i32>} : memref<128xf32, #tpu.memory_space<vmem>>, vector<16xf32>,
      %swap3A_328 = vector.shape_cast %swap3A_327 : vector<16xf32> to vector<16xf32>
      %swap3A_329 = vector.shape_cast %select_n3A_325 : vector<16xf32> to vector<16xf32>
      tpu.vector_store %arg14[%swap3A_326], %swap3A_329 {strides = array<i32>} : memref<128xf32, #tpu.memory_space<vmem>>, vector<16xf32>,
      %swap3A_330 = arith.constant 0 : index
      %swap3A_331 = tpu.vector_load %arg12[%swap3A_330] {strides = array<i32>} : memref<128xi32, #tpu.memory_space<vmem>>, vector<16xi32>,
      %swap3A_332 = vector.shape_cast %swap3A_331 : vector<16xi32> to vector<16xi32>
      %swap3A_333 = vector.shape_cast %get3A_310 : vector<16xi32> to vector<16xi32>
      tpu.vector_store %arg12[%swap3A_330], %swap3A_333 {strides = array<i32>} : memref<128xi32, #tpu.memory_space<vmem>>, vector<16xi32>,
      %get3A_334 = arith.constant 16 : index
      %get3A_335 = tpu.vector_load %arg8[%get3A_334] {strides = array<i32>} : memref<128xi32, #tpu.memory_space<vmem>>, vector<16xi32>,
      %get3A_336 = vector.shape_cast %get3A_335 : vector<16xi32> to vector<16xi32>
      %get3A_337 = arith.constant 16 : index
      %get3A_338 = tpu.vector_load %arg10[%get3A_337] {strides = array<i32>} : memref<128xi32, #tpu.memory_space<vmem>>, vector<16xi32>,
      %get3A_339 = vector.shape_cast %get3A_338 : vector<16xi32> to vector<16xi32>
      %lt3A_340 = arith.constant 10000 : i32
      %lt3A_341 = vector.broadcast %lt3A_340 : i32 to vector<16xi32>
      %lt3A_342 = arith.cmpi slt, %get3A_336, %lt3A_341 : vector<16xi32>
      %broadcast_in_dim3A_343 = arith.constant 1.000000e+00 : f32
      %broadcast_in_dim3A_344 = vector.broadcast %broadcast_in_dim3A_343 : f32 to vector<16xf32>
      %broadcast_in_dim3A_345 = arith.constant 0.000000e+00 : f32
      %broadcast_in_dim3A_346 = vector.broadcast %broadcast_in_dim3A_345 : f32 to vector<16xf32>
      %select_n3A_347 = arith.select %lt3A_342, %broadcast_in_dim3A_344, %broadcast_in_dim3A_346 : vector<16xi1>, vector<16xf32>
      %swap3A_348 = arith.constant 16 : index
      %swap3A_349 = tpu.vector_load %arg16[%swap3A_348] {strides = array<i32>} : memref<128xf32, #tpu.memory_space<vmem>>, vector<16xf32>,
      %swap3A_350 = vector.shape_cast %swap3A_349 : vector<16xf32> to vector<16xf32>
      %swap3A_351 = vector.shape_cast %select_n3A_347 : vector<16xf32> to vector<16xf32>
      tpu.vector_store %arg16[%swap3A_348], %swap3A_351 {strides = array<i32>} : memref<128xf32, #tpu.memory_space<vmem>>, vector<16xf32>,
      %ne3A_352 = arith.cmpi ne, %get3A_336, %get3A_339 : vector<16xi32>
      %and3A_353 = arith.andi %lt3A_342, %ne3A_352 : vector<16xi1>
      %select_n3A_354 = arith.select %and3A_353, %broadcast_in_dim3A_344, %broadcast_in_dim3A_346 : vector<16xi1>, vector<16xf32>
      %swap3A_355 = arith.constant 16 : index
      %swap3A_356 = tpu.vector_load %arg14[%swap3A_355] {strides = array<i32>} : memref<128xf32, #tpu.memory_space<vmem>>, vector<16xf32>,
      %swap3A_357 = vector.shape_cast %swap3A_356 : vector<16xf32> to vector<16xf32>
      %swap3A_358 = vector.shape_cast %select_n3A_354 : vector<16xf32> to vector<16xf32>
      tpu.vector_store %arg14[%swap3A_355], %swap3A_358 {strides = array<i32>} : memref<128xf32, #tpu.memory_space<vmem>>, vector<16xf32>,
      %swap3A_359 = arith.constant 16 : index
      %swap3A_360 = tpu.vector_load %arg12[%swap3A_359] {strides = array<i32>} : memref<128xi32, #tpu.memory_space<vmem>>, vector<16xi32>,
      %swap3A_361 = vector.shape_cast %swap3A_360 : vector<16xi32> to vector<16xi32>
      %swap3A_362 = vector.shape_cast %get3A_339 : vector<16xi32> to vector<16xi32>
      tpu.vector_store %arg12[%swap3A_359], %swap3A_362 {strides = array<i32>} : memref<128xi32, #tpu.memory_space<vmem>>, vector<16xi32>,
      %get3A_363 = arith.constant 32 : index
      %get3A_364 = tpu.vector_load %arg8[%get3A_363] {strides = array<i32>} : memref<128xi32, #tpu.memory_space<vmem>>, vector<16xi32>,
      %get3A_365 = vector.shape_cast %get3A_364 : vector<16xi32> to vector<16xi32>
      %get3A_366 = arith.constant 32 : index
      %get3A_367 = tpu.vector_load %arg10[%get3A_366] {strides = array<i32>} : memref<128xi32, #tpu.memory_space<vmem>>, vector<16xi32>,
      %get3A_368 = vector.shape_cast %get3A_367 : vector<16xi32> to vector<16xi32>
      %lt3A_369 = arith.constant 10000 : i32
      %lt3A_370 = vector.broadcast %lt3A_369 : i32 to vector<16xi32>
      %lt3A_371 = arith.cmpi slt, %get3A_365, %lt3A_370 : vector<16xi32>
      %broadcast_in_dim3A_372 = arith.constant 1.000000e+00 : f32
      %broadcast_in_dim3A_373 = vector.broadcast %broadcast_in_dim3A_372 : f32 to vector<16xf32>
      %broadcast_in_dim3A_374 = arith.constant 0.000000e+00 : f32
      %broadcast_in_dim3A_375 = vector.broadcast %broadcast_in_dim3A_374 : f32 to vector<16xf32>
      %select_n3A_376 = arith.select %lt3A_371, %broadcast_in_dim3A_373, %broadcast_in_dim3A_375 : vector<16xi1>, vector<16xf32>
      %swap3A_377 = arith.constant 32 : index
      %swap3A_378 = tpu.vector_load %arg16[%swap3A_377] {strides = array<i32>} : memref<128xf32, #tpu.memory_space<vmem>>, vector<16xf32>,
      %swap3A_379 = vector.shape_cast %swap3A_378 : vector<16xf32> to vector<16xf32>
      %swap3A_380 = vector.shape_cast %select_n3A_376 : vector<16xf32> to vector<16xf32>
      tpu.vector_store %arg16[%swap3A_377], %swap3A_380 {strides = array<i32>} : memref<128xf32, #tpu.memory_space<vmem>>, vector<16xf32>,
      %ne3A_381 = arith.cmpi ne, %get3A_365, %get3A_368 : vector<16xi32>
      %and3A_382 = arith.andi %lt3A_371, %ne3A_381 : vector<16xi1>
      %select_n3A_383 = arith.select %and3A_382, %broadcast_in_dim3A_373, %broadcast_in_dim3A_375 : vector<16xi1>, vector<16xf32>
      %swap3A_384 = arith.constant 32 : index
      %swap3A_385 = tpu.vector_load %arg14[%swap3A_384] {strides = array<i32>} : memref<128xf32, #tpu.memory_space<vmem>>, vector<16xf32>,
      %swap3A_386 = vector.shape_cast %swap3A_385 : vector<16xf32> to vector<16xf32>
      %swap3A_387 = vector.shape_cast %select_n3A_383 : vector<16xf32> to vector<16xf32>
      tpu.vector_store %arg14[%swap3A_384], %swap3A_387 {strides = array<i32>} : memref<128xf32, #tpu.memory_space<vmem>>, vector<16xf32>,
      %swap3A_388 = arith.constant 32 : index
      %swap3A_389 = tpu.vector_load %arg12[%swap3A_388] {strides = array<i32>} : memref<128xi32, #tpu.memory_space<vmem>>, vector<16xi32>,
      %swap3A_390 = vector.shape_cast %swap3A_389 : vector<16xi32> to vector<16xi32>
      %swap3A_391 = vector.shape_cast %get3A_368 : vector<16xi32> to vector<16xi32>
      tpu.vector_store %arg12[%swap3A_388], %swap3A_391 {strides = array<i32>} : memref<128xi32, #tpu.memory_space<vmem>>, vector<16xi32>,
      %get3A_392 = arith.constant 48 : index
      %get3A_393 = tpu.vector_load %arg8[%get3A_392] {strides = array<i32>} : memref<128xi32, #tpu.memory_space<vmem>>, vector<16xi32>,
      %get3A_394 = vector.shape_cast %get3A_393 : vector<16xi32> to vector<16xi32>
      %get3A_395 = arith.constant 48 : index
      %get3A_396 = tpu.vector_load %arg10[%get3A_395] {strides = array<i32>} : memref<128xi32, #tpu.memory_space<vmem>>, vector<16xi32>,
      %get3A_397 = vector.shape_cast %get3A_396 : vector<16xi32> to vector<16xi32>
      %lt3A_398 = arith.constant 10000 : i32
      %lt3A_399 = vector.broadcast %lt3A_398 : i32 to vector<16xi32>
      %lt3A_400 = arith.cmpi slt, %get3A_394, %lt3A_399 : vector<16xi32>
      %broadcast_in_dim3A_401 = arith.constant 1.000000e+00 : f32
      %broadcast_in_dim3A_402 = vector.broadcast %broadcast_in_dim3A_401 : f32 to vector<16xf32>
      %broadcast_in_dim3A_403 = arith.constant 0.000000e+00 : f32
      %broadcast_in_dim3A_404 = vector.broadcast %broadcast_in_dim3A_403 : f32 to vector<16xf32>
      %select_n3A_405 = arith.select %lt3A_400, %broadcast_in_dim3A_402, %broadcast_in_dim3A_404 : vector<16xi1>, vector<16xf32>
      %swap3A_406 = arith.constant 48 : index
      %swap3A_407 = tpu.vector_load %arg16[%swap3A_406] {strides = array<i32>} : memref<128xf32, #tpu.memory_space<vmem>>, vector<16xf32>,
      %swap3A_408 = vector.shape_cast %swap3A_407 : vector<16xf32> to vector<16xf32>
      %swap3A_409 = vector.shape_cast %select_n3A_405 : vector<16xf32> to vector<16xf32>
      tpu.vector_store %arg16[%swap3A_406], %swap3A_409 {strides = array<i32>} : memref<128xf32, #tpu.memory_space<vmem>>, vector<16xf32>,
      %ne3A_410 = arith.cmpi ne, %get3A_394, %get3A_397 : vector<16xi32>
      %and3A_411 = arith.andi %lt3A_400, %ne3A_410 : vector<16xi1>
      %select_n3A_412 = arith.select %and3A_411, %broadcast_in_dim3A_402, %broadcast_in_dim3A_404 : vector<16xi1>, vector<16xf32>
      %swap3A_413 = arith.constant 48 : index
      %swap3A_414 = tpu.vector_load %arg14[%swap3A_413] {strides = array<i32>} : memref<128xf32, #tpu.memory_space<vmem>>, vector<16xf32>,
      %swap3A_415 = vector.shape_cast %swap3A_414 : vector<16xf32> to vector<16xf32>
      %swap3A_416 = vector.shape_cast %select_n3A_412 : vector<16xf32> to vector<16xf32>
      tpu.vector_store %arg14[%swap3A_413], %swap3A_416 {strides = array<i32>} : memref<128xf32, #tpu.memory_space<vmem>>, vector<16xf32>,
      %swap3A_417 = arith.constant 48 : index
      %swap3A_418 = tpu.vector_load %arg12[%swap3A_417] {strides = array<i32>} : memref<128xi32, #tpu.memory_space<vmem>>, vector<16xi32>,
      %swap3A_419 = vector.shape_cast %swap3A_418 : vector<16xi32> to vector<16xi32>
      %swap3A_420 = vector.shape_cast %get3A_397 : vector<16xi32> to vector<16xi32>
      tpu.vector_store %arg12[%swap3A_417], %swap3A_420 {strides = array<i32>} : memref<128xi32, #tpu.memory_space<vmem>>, vector<16xi32>,
      %get3A_421 = arith.constant 64 : index
      %get3A_422 = tpu.vector_load %arg8[%get3A_421] {strides = array<i32>} : memref<128xi32, #tpu.memory_space<vmem>>, vector<16xi32>,
      %get3A_423 = vector.shape_cast %get3A_422 : vector<16xi32> to vector<16xi32>
      %get3A_424 = arith.constant 64 : index
      %get3A_425 = tpu.vector_load %arg10[%get3A_424] {strides = array<i32>} : memref<128xi32, #tpu.memory_space<vmem>>, vector<16xi32>,
      %get3A_426 = vector.shape_cast %get3A_425 : vector<16xi32> to vector<16xi32>
      %lt3A_427 = arith.constant 10000 : i32
      %lt3A_428 = vector.broadcast %lt3A_427 : i32 to vector<16xi32>
      %lt3A_429 = arith.cmpi slt, %get3A_423, %lt3A_428 : vector<16xi32>
      %broadcast_in_dim3A_430 = arith.constant 1.000000e+00 : f32
      %broadcast_in_dim3A_431 = vector.broadcast %broadcast_in_dim3A_430 : f32 to vector<16xf32>
      %broadcast_in_dim3A_432 = arith.constant 0.000000e+00 : f32
      %broadcast_in_dim3A_433 = vector.broadcast %broadcast_in_dim3A_432 : f32 to vector<16xf32>
      %select_n3A_434 = arith.select %lt3A_429, %broadcast_in_dim3A_431, %broadcast_in_dim3A_433 : vector<16xi1>, vector<16xf32>
      %swap3A_435 = arith.constant 64 : index
      %swap3A_436 = tpu.vector_load %arg16[%swap3A_435] {strides = array<i32>} : memref<128xf32, #tpu.memory_space<vmem>>, vector<16xf32>,
      %swap3A_437 = vector.shape_cast %swap3A_436 : vector<16xf32> to vector<16xf32>
      %swap3A_438 = vector.shape_cast %select_n3A_434 : vector<16xf32> to vector<16xf32>
      tpu.vector_store %arg16[%swap3A_435], %swap3A_438 {strides = array<i32>} : memref<128xf32, #tpu.memory_space<vmem>>, vector<16xf32>,
      %ne3A_439 = arith.cmpi ne, %get3A_423, %get3A_426 : vector<16xi32>
      %and3A_440 = arith.andi %lt3A_429, %ne3A_439 : vector<16xi1>
      %select_n3A_441 = arith.select %and3A_440, %broadcast_in_dim3A_431, %broadcast_in_dim3A_433 : vector<16xi1>, vector<16xf32>
      %swap3A_442 = arith.constant 64 : index
      %swap3A_443 = tpu.vector_load %arg14[%swap3A_442] {strides = array<i32>} : memref<128xf32, #tpu.memory_space<vmem>>, vector<16xf32>,
      %swap3A_444 = vector.shape_cast %swap3A_443 : vector<16xf32> to vector<16xf32>
      %swap3A_445 = vector.shape_cast %select_n3A_441 : vector<16xf32> to vector<16xf32>
      tpu.vector_store %arg14[%swap3A_442], %swap3A_445 {strides = array<i32>} : memref<128xf32, #tpu.memory_space<vmem>>, vector<16xf32>,
      %swap3A_446 = arith.constant 64 : index
      %swap3A_447 = tpu.vector_load %arg12[%swap3A_446] {strides = array<i32>} : memref<128xi32, #tpu.memory_space<vmem>>, vector<16xi32>,
      %swap3A_448 = vector.shape_cast %swap3A_447 : vector<16xi32> to vector<16xi32>
      %swap3A_449 = vector.shape_cast %get3A_426 : vector<16xi32> to vector<16xi32>
      tpu.vector_store %arg12[%swap3A_446], %swap3A_449 {strides = array<i32>} : memref<128xi32, #tpu.memory_space<vmem>>, vector<16xi32>,
      %get3A_450 = arith.constant 80 : index
      %get3A_451 = tpu.vector_load %arg8[%get3A_450] {strides = array<i32>} : memref<128xi32, #tpu.memory_space<vmem>>, vector<16xi32>,
      %get3A_452 = vector.shape_cast %get3A_451 : vector<16xi32> to vector<16xi32>
      %get3A_453 = arith.constant 80 : index
      %get3A_454 = tpu.vector_load %arg10[%get3A_453] {strides = array<i32>} : memref<128xi32, #tpu.memory_space<vmem>>, vector<16xi32>,
      %get3A_455 = vector.shape_cast %get3A_454 : vector<16xi32> to vector<16xi32>
      %lt3A_456 = arith.constant 10000 : i32
      %lt3A_457 = vector.broadcast %lt3A_456 : i32 to vector<16xi32>
      %lt3A_458 = arith.cmpi slt, %get3A_452, %lt3A_457 : vector<16xi32>
      %broadcast_in_dim3A_459 = arith.constant 1.000000e+00 : f32
      %broadcast_in_dim3A_460 = vector.broadcast %broadcast_in_dim3A_459 : f32 to vector<16xf32>
      %broadcast_in_dim3A_461 = arith.constant 0.000000e+00 : f32
      %broadcast_in_dim3A_462 = vector.broadcast %broadcast_in_dim3A_461 : f32 to vector<16xf32>
      %select_n3A_463 = arith.select %lt3A_458, %broadcast_in_dim3A_460, %broadcast_in_dim3A_462 : vector<16xi1>, vector<16xf32>
      %swap3A_464 = arith.constant 80 : index
      %swap3A_465 = tpu.vector_load %arg16[%swap3A_464] {strides = array<i32>} : memref<128xf32, #tpu.memory_space<vmem>>, vector<16xf32>,
      %swap3A_466 = vector.shape_cast %swap3A_465 : vector<16xf32> to vector<16xf32>
      %swap3A_467 = vector.shape_cast %select_n3A_463 : vector<16xf32> to vector<16xf32>
      tpu.vector_store %arg16[%swap3A_464], %swap3A_467 {strides = array<i32>} : memref<128xf32, #tpu.memory_space<vmem>>, vector<16xf32>,
      %ne3A_468 = arith.cmpi ne, %get3A_452, %get3A_455 : vector<16xi32>
      %and3A_469 = arith.andi %lt3A_458, %ne3A_468 : vector<16xi1>
      %select_n3A_470 = arith.select %and3A_469, %broadcast_in_dim3A_460, %broadcast_in_dim3A_462 : vector<16xi1>, vector<16xf32>
      %swap3A_471 = arith.constant 80 : index
      %swap3A_472 = tpu.vector_load %arg14[%swap3A_471] {strides = array<i32>} : memref<128xf32, #tpu.memory_space<vmem>>, vector<16xf32>,
      %swap3A_473 = vector.shape_cast %swap3A_472 : vector<16xf32> to vector<16xf32>
      %swap3A_474 = vector.shape_cast %select_n3A_470 : vector<16xf32> to vector<16xf32>
      tpu.vector_store %arg14[%swap3A_471], %swap3A_474 {strides = array<i32>} : memref<128xf32, #tpu.memory_space<vmem>>, vector<16xf32>,
      %swap3A_475 = arith.constant 80 : index
      %swap3A_476 = tpu.vector_load %arg12[%swap3A_475] {strides = array<i32>} : memref<128xi32, #tpu.memory_space<vmem>>, vector<16xi32>,
      %swap3A_477 = vector.shape_cast %swap3A_476 : vector<16xi32> to vector<16xi32>
      %swap3A_478 = vector.shape_cast %get3A_455 : vector<16xi32> to vector<16xi32>
      tpu.vector_store %arg12[%swap3A_475], %swap3A_478 {strides = array<i32>} : memref<128xi32, #tpu.memory_space<vmem>>, vector<16xi32>,
      %get3A_479 = arith.constant 96 : index
      %get3A_480 = tpu.vector_load %arg8[%get3A_479] {strides = array<i32>} : memref<128xi32, #tpu.memory_space<vmem>>, vector<16xi32>,
      %get3A_481 = vector.shape_cast %get3A_480 : vector<16xi32> to vector<16xi32>
      %get3A_482 = arith.constant 96 : index
      %get3A_483 = tpu.vector_load %arg10[%get3A_482] {strides = array<i32>} : memref<128xi32, #tpu.memory_space<vmem>>, vector<16xi32>,
      %get3A_484 = vector.shape_cast %get3A_483 : vector<16xi32> to vector<16xi32>
      %lt3A_485 = arith.constant 10000 : i32
      %lt3A_486 = vector.broadcast %lt3A_485 : i32 to vector<16xi32>
      %lt3A_487 = arith.cmpi slt, %get3A_481, %lt3A_486 : vector<16xi32>
      %broadcast_in_dim3A_488 = arith.constant 1.000000e+00 : f32
      %broadcast_in_dim3A_489 = vector.broadcast %broadcast_in_dim3A_488 : f32 to vector<16xf32>
      %broadcast_in_dim3A_490 = arith.constant 0.000000e+00 : f32
      %broadcast_in_dim3A_491 = vector.broadcast %broadcast_in_dim3A_490 : f32 to vector<16xf32>
      %select_n3A_492 = arith.select %lt3A_487, %broadcast_in_dim3A_489, %broadcast_in_dim3A_491 : vector<16xi1>, vector<16xf32>
      %swap3A_493 = arith.constant 96 : index
      %swap3A_494 = tpu.vector_load %arg16[%swap3A_493] {strides = array<i32>} : memref<128xf32, #tpu.memory_space<vmem>>, vector<16xf32>,
      %swap3A_495 = vector.shape_cast %swap3A_494 : vector<16xf32> to vector<16xf32>
      %swap3A_496 = vector.shape_cast %select_n3A_492 : vector<16xf32> to vector<16xf32>
      tpu.vector_store %arg16[%swap3A_493], %swap3A_496 {strides = array<i32>} : memref<128xf32, #tpu.memory_space<vmem>>, vector<16xf32>,
      %ne3A_497 = arith.cmpi ne, %get3A_481, %get3A_484 : vector<16xi32>
      %and3A_498 = arith.andi %lt3A_487, %ne3A_497 : vector<16xi1>
      %select_n3A_499 = arith.select %and3A_498, %broadcast_in_dim3A_489, %broadcast_in_dim3A_491 : vector<16xi1>, vector<16xf32>
      %swap3A_500 = arith.constant 96 : index
      %swap3A_501 = tpu.vector_load %arg14[%swap3A_500] {strides = array<i32>} : memref<128xf32, #tpu.memory_space<vmem>>, vector<16xf32>,
      %swap3A_502 = vector.shape_cast %swap3A_501 : vector<16xf32> to vector<16xf32>
      %swap3A_503 = vector.shape_cast %select_n3A_499 : vector<16xf32> to vector<16xf32>
      tpu.vector_store %arg14[%swap3A_500], %swap3A_503 {strides = array<i32>} : memref<128xf32, #tpu.memory_space<vmem>>, vector<16xf32>,
      %swap3A_504 = arith.constant 96 : index
      %swap3A_505 = tpu.vector_load %arg12[%swap3A_504] {strides = array<i32>} : memref<128xi32, #tpu.memory_space<vmem>>, vector<16xi32>,
      %swap3A_506 = vector.shape_cast %swap3A_505 : vector<16xi32> to vector<16xi32>
      %swap3A_507 = vector.shape_cast %get3A_484 : vector<16xi32> to vector<16xi32>
      tpu.vector_store %arg12[%swap3A_504], %swap3A_507 {strides = array<i32>} : memref<128xi32, #tpu.memory_space<vmem>>, vector<16xi32>,
      %get3A_508 = arith.constant 112 : index
      %get3A_509 = tpu.vector_load %arg8[%get3A_508] {strides = array<i32>} : memref<128xi32, #tpu.memory_space<vmem>>, vector<16xi32>,
      %get3A_510 = vector.shape_cast %get3A_509 : vector<16xi32> to vector<16xi32>
      %get3A_511 = arith.constant 112 : index
      %get3A_512 = tpu.vector_load %arg10[%get3A_511] {strides = array<i32>} : memref<128xi32, #tpu.memory_space<vmem>>, vector<16xi32>,
      %get3A_513 = vector.shape_cast %get3A_512 : vector<16xi32> to vector<16xi32>
      %lt3A_514 = arith.constant 10000 : i32
      %lt3A_515 = vector.broadcast %lt3A_514 : i32 to vector<16xi32>
      %lt3A_516 = arith.cmpi slt, %get3A_510, %lt3A_515 : vector<16xi32>
      %broadcast_in_dim3A_517 = arith.constant 1.000000e+00 : f32
      %broadcast_in_dim3A_518 = vector.broadcast %broadcast_in_dim3A_517 : f32 to vector<16xf32>
      %broadcast_in_dim3A_519 = arith.constant 0.000000e+00 : f32
      %broadcast_in_dim3A_520 = vector.broadcast %broadcast_in_dim3A_519 : f32 to vector<16xf32>
      %select_n3A_521 = arith.select %lt3A_516, %broadcast_in_dim3A_518, %broadcast_in_dim3A_520 : vector<16xi1>, vector<16xf32>
      %swap3A_522 = arith.constant 112 : index
      %swap3A_523 = tpu.vector_load %arg16[%swap3A_522] {strides = array<i32>} : memref<128xf32, #tpu.memory_space<vmem>>, vector<16xf32>,
      %swap3A_524 = vector.shape_cast %swap3A_523 : vector<16xf32> to vector<16xf32>
      %swap3A_525 = vector.shape_cast %select_n3A_521 : vector<16xf32> to vector<16xf32>
      tpu.vector_store %arg16[%swap3A_522], %swap3A_525 {strides = array<i32>} : memref<128xf32, #tpu.memory_space<vmem>>, vector<16xf32>,
      %ne3A_526 = arith.cmpi ne, %get3A_510, %get3A_513 : vector<16xi32>
      %and3A_527 = arith.andi %lt3A_516, %ne3A_526 : vector<16xi1>
      %select_n3A_528 = arith.select %and3A_527, %broadcast_in_dim3A_518, %broadcast_in_dim3A_520 : vector<16xi1>, vector<16xf32>
      %swap3A_529 = arith.constant 112 : index
      %swap3A_530 = tpu.vector_load %arg14[%swap3A_529] {strides = array<i32>} : memref<128xf32, #tpu.memory_space<vmem>>, vector<16xf32>,
      %swap3A_531 = vector.shape_cast %swap3A_530 : vector<16xf32> to vector<16xf32>
      %swap3A_532 = vector.shape_cast %select_n3A_528 : vector<16xf32> to vector<16xf32>
      tpu.vector_store %arg14[%swap3A_529], %swap3A_532 {strides = array<i32>} : memref<128xf32, #tpu.memory_space<vmem>>, vector<16xf32>,
      %swap3A_533 = arith.constant 112 : index
      %swap3A_534 = tpu.vector_load %arg12[%swap3A_533] {strides = array<i32>} : memref<128xi32, #tpu.memory_space<vmem>>, vector<16xi32>,
      %swap3A_535 = vector.shape_cast %swap3A_534 : vector<16xi32> to vector<16xi32>
      %swap3A_536 = vector.shape_cast %get3A_513 : vector<16xi32> to vector<16xi32>
      tpu.vector_store %arg12[%swap3A_533], %swap3A_536 {strides = array<i32>} : memref<128xi32, #tpu.memory_space<vmem>>, vector<16xi32>,
      %add3A_537 = arith.constant 2 : i32
      %add3A_538 = arith.addi %add3A_292, %add3A_537 : i32
      %lt3A_539 = arith.constant 80 : i32
      %lt3A_540 = arith.cmpi slt, %add3A_538, %lt3A_539 : i32
      %convert_element_type3A_541 = arith.extui %lt3A_540 : i1 to i32
      %cond3A_542 = arith.constant 0 : i32
      %cond3A_543 = arith.cmpi ne, %convert_element_type3A_541, %cond3A_542 : i32
      scf.if %cond3A_543 {
        %add3A_548 = arith.constant 2 : i32
        %add3A_549 = arith.addi %add3A_292, %add3A_548 : i32
        %mul3A_550 = arith.constant 128 : i32
        %mul3A_551 = arith.muli %add3A_549, %mul3A_550 : i32
        %add3A_552 = arith.addi %mul3A_6, %mul3A_551 : i32
        %dma_start3A_553 = tpu.memref_slice %arg2[%add3A_552] : memref<327680xi32, #tpu.memory_space<hbm>> -> memref<128xi32, #tpu.memory_space<hbm>>
        %dma_start3A_554 = tpu.memref_slice %arg2[%add3A_552] : memref<327680xi32, #tpu.memory_space<hbm>> -> memref<128xi32, #tpu.memory_space<hbm>>
        tpu.enqueue_dma source(%dma_start3A_554 : memref<128xi32, #tpu.memory_space<hbm>>) target(%arg8 : memref<128xi32, #tpu.memory_space<vmem>>) target_semaphore(%arg21 : memref<!tpu.dma_semaphore, #tpu.memory_space<semaphore_mem>>)
        %dma_start3A_555 = tpu.memref_slice %arg3[%add3A_552] : memref<327680xi32, #tpu.memory_space<hbm>> -> memref<128xi32, #tpu.memory_space<hbm>>
        %dma_start3A_556 = tpu.memref_slice %arg3[%add3A_552] : memref<327680xi32, #tpu.memory_space<hbm>> -> memref<128xi32, #tpu.memory_space<hbm>>
        tpu.enqueue_dma source(%dma_start3A_556 : memref<128xi32, #tpu.memory_space<hbm>>) target(%arg10 : memref<128xi32, #tpu.memory_space<vmem>>) target_semaphore(%arg21 : memref<!tpu.dma_semaphore, #tpu.memory_space<semaphore_mem>>)
      } else {
      }
      %dma_start3A_544 = arith.constant 0 : i32
      %dma_start3A_545 = tpu.memref_slice %arg18[%dma_start3A_544] : memref<10752xf32, #tpu.memory_space<vmem_shared>> -> memref<10752xf32, #tpu.memory_space<vmem_shared>>
      tpu.enqueue_indirect_dma source(%arg14 : memref<128xf32, #tpu.memory_space<vmem>>) target(%dma_start3A_545 : memref<10752xf32, #tpu.memory_space<vmem_shared>>) offsets(%arg12 : memref<128xi32, #tpu.memory_space<vmem>>) semaphore(%arg23 : memref<!tpu.dma_semaphore, #tpu.memory_space<semaphore_mem>>) {add = true}
      %dma_start3A_546 = arith.constant 0 : i32
      %dma_start3A_547 = tpu.memref_slice %arg19[%dma_start3A_546] : memref<10752xf32, #tpu.memory_space<vmem_shared>> -> memref<10752xf32, #tpu.memory_space<vmem_shared>>
      tpu.enqueue_indirect_dma source(%arg16 : memref<128xf32, #tpu.memory_space<vmem>>) target(%dma_start3A_547 : memref<10752xf32, #tpu.memory_space<vmem_shared>>) offsets(%arg12 : memref<128xi32, #tpu.memory_space<vmem>>) semaphore(%arg25 : memref<!tpu.dma_semaphore, #tpu.memory_space<semaphore_mem>>) {add = true}
    }
    %scan3A_22 = arith.constant 40 : i32
    %dma_wait3A = arith.constant 0 : i32
    %dma_wait3A_23 = tpu.memref_slice %arg18[%dma_wait3A] : memref<10752xf32, #tpu.memory_space<vmem_shared>> -> memref<10752xf32, #tpu.memory_space<vmem_shared>>
    tpu.wait_indirect_dma semaphore(%arg23 : memref<!tpu.dma_semaphore, #tpu.memory_space<semaphore_mem>>) src(%arg14 : memref<128xf32, #tpu.memory_space<vmem>>) dst(%dma_wait3A_23 : memref<10752xf32, #tpu.memory_space<vmem_shared>>)
    %dma_wait3A_24 = arith.constant 0 : i32
    %dma_wait3A_25 = tpu.memref_slice %arg19[%dma_wait3A_24] : memref<10752xf32, #tpu.memory_space<vmem_shared>> -> memref<10752xf32, #tpu.memory_space<vmem_shared>>
    tpu.wait_indirect_dma semaphore(%arg25 : memref<!tpu.dma_semaphore, #tpu.memory_space<semaphore_mem>>) src(%arg16 : memref<128xf32, #tpu.memory_space<vmem>>) dst(%dma_wait3A_25 : memref<10752xf32, #tpu.memory_space<vmem_shared>>)
    %barrier3A_26 = arith.constant 0 : index
    tpu.barrier barrier_id(%barrier3A_26)
    %mul3A_27 = arith.constant 672 : i32
    %mul3A_28 = arith.muli %arg1, %mul3A_27 : i32
    "tpu.region"() ({
      %run_scoped3A = tpu.sem_alloc : memref<!tpu.dma_semaphore, #tpu.memory_space<semaphore_mem>>
      %dma_start3A_41 = tpu.memref_slice %arg18[%mul3A_28] : memref<10752xf32, #tpu.memory_space<vmem_shared>> -> memref<672xf32, #tpu.memory_space<vmem_shared>>
      %dma_start3A_42 = tpu.memref_slice %arg18[%mul3A_28] : memref<10752xf32, #tpu.memory_space<vmem_shared>> -> memref<672xf32, #tpu.memory_space<vmem_shared>>
      tpu.enqueue_dma source(%dma_start3A_42 : memref<672xf32, #tpu.memory_space<vmem_shared>>) target(%arg17 : memref<672xf32, #tpu.memory_space<vmem>>) target_semaphore(%run_scoped3A : memref<!tpu.dma_semaphore, #tpu.memory_space<semaphore_mem>>)
      %dma_wait3A_43 = tpu.memref_slice %arg18[%mul3A_28] : memref<10752xf32, #tpu.memory_space<vmem_shared>> -> memref<672xf32, #tpu.memory_space<vmem_shared>>
      %dma_wait3A_44 = tpu.memref_slice %arg18[%mul3A_28] : memref<10752xf32, #tpu.memory_space<vmem_shared>> -> memref<672xf32, #tpu.memory_space<vmem_shared>>
      tpu.wait_dma2 semaphore(%run_scoped3A : memref<!tpu.dma_semaphore, #tpu.memory_space<semaphore_mem>>) src(%dma_wait3A_44 : memref<672xf32, #tpu.memory_space<vmem_shared>>) dst(%arg17 : memref<672xf32, #tpu.memory_space<vmem>>)
      tpu.yield
    }) : () -> ()
    %mul3A_29 = arith.constant 10752 : i32
    %mul3A_30 = arith.muli %arg0, %mul3A_29 : i32
    %mul3A_31 = arith.constant 672 : i32
    %mul3A_32 = arith.muli %arg1, %mul3A_31 : i32
    %add3A_33 = arith.addi %mul3A_30, %mul3A_32 : i32
    "tpu.region"() ({
      %run_scoped3A = tpu.sem_alloc : memref<!tpu.dma_semaphore, #tpu.memory_space<semaphore_mem>>
      %dma_start3A_41 = tpu.memref_slice %arg5[%add3A_33] : memref<21504xf32, #tpu.memory_space<hbm>> -> memref<672xf32, #tpu.memory_space<hbm>>
      %dma_start3A_42 = tpu.memref_slice %arg5[%add3A_33] : memref<21504xf32, #tpu.memory_space<hbm>> -> memref<672xf32, #tpu.memory_space<hbm>>
      tpu.enqueue_dma source(%arg17 : memref<672xf32, #tpu.memory_space<vmem>>) target(%dma_start3A_42 : memref<672xf32, #tpu.memory_space<hbm>>) target_semaphore(%run_scoped3A : memref<!tpu.dma_semaphore, #tpu.memory_space<semaphore_mem>>)
      %dma_wait3A_43 = tpu.memref_slice %arg5[%add3A_33] : memref<21504xf32, #tpu.memory_space<hbm>> -> memref<672xf32, #tpu.memory_space<hbm>>
      %dma_wait3A_44 = tpu.memref_slice %arg5[%add3A_33] : memref<21504xf32, #tpu.memory_space<hbm>> -> memref<672xf32, #tpu.memory_space<hbm>>
      tpu.wait_dma2 semaphore(%run_scoped3A : memref<!tpu.dma_semaphore, #tpu.memory_space<semaphore_mem>>) src(%arg17 : memref<672xf32, #tpu.memory_space<vmem>>) dst(%dma_wait3A_44 : memref<672xf32, #tpu.memory_space<hbm>>)
      tpu.yield
    }) : () -> ()
    %mul3A_34 = arith.constant 672 : i32
    %mul3A_35 = arith.muli %arg1, %mul3A_34 : i32
    "tpu.region"() ({
      %run_scoped3A = tpu.sem_alloc : memref<!tpu.dma_semaphore, #tpu.memory_space<semaphore_mem>>
      %dma_start3A_41 = tpu.memref_slice %arg19[%mul3A_35] : memref<10752xf32, #tpu.memory_space<vmem_shared>> -> memref<672xf32, #tpu.memory_space<vmem_shared>>
      %dma_start3A_42 = tpu.memref_slice %arg19[%mul3A_35] : memref<10752xf32, #tpu.memory_space<vmem_shared>> -> memref<672xf32, #tpu.memory_space<vmem_shared>>
      tpu.enqueue_dma source(%dma_start3A_42 : memref<672xf32, #tpu.memory_space<vmem_shared>>) target(%arg17 : memref<672xf32, #tpu.memory_space<vmem>>) target_semaphore(%run_scoped3A : memref<!tpu.dma_semaphore, #tpu.memory_space<semaphore_mem>>)
      %dma_wait3A_43 = tpu.memref_slice %arg19[%mul3A_35] : memref<10752xf32, #tpu.memory_space<vmem_shared>> -> memref<672xf32, #tpu.memory_space<vmem_shared>>
      %dma_wait3A_44 = tpu.memref_slice %arg19[%mul3A_35] : memref<10752xf32, #tpu.memory_space<vmem_shared>> -> memref<672xf32, #tpu.memory_space<vmem_shared>>
      tpu.wait_dma2 semaphore(%run_scoped3A : memref<!tpu.dma_semaphore, #tpu.memory_space<semaphore_mem>>) src(%dma_wait3A_44 : memref<672xf32, #tpu.memory_space<vmem_shared>>) dst(%arg17 : memref<672xf32, #tpu.memory_space<vmem>>)
      tpu.yield
    }) : () -> ()
    %mul3A_36 = arith.constant 10752 : i32
    %mul3A_37 = arith.muli %arg0, %mul3A_36 : i32
    %mul3A_38 = arith.constant 672 : i32
    %mul3A_39 = arith.muli %arg1, %mul3A_38 : i32
    %add3A_40 = arith.addi %mul3A_37, %mul3A_39 : i32
    "tpu.region"() ({
      %run_scoped3A = tpu.sem_alloc : memref<!tpu.dma_semaphore, #tpu.memory_space<semaphore_mem>>
      %dma_start3A_41 = tpu.memref_slice %arg6[%add3A_40] : memref<21504xf32, #tpu.memory_space<hbm>> -> memref<672xf32, #tpu.memory_space<hbm>>
      %dma_start3A_42 = tpu.memref_slice %arg6[%add3A_40] : memref<21504xf32, #tpu.memory_space<hbm>> -> memref<672xf32, #tpu.memory_space<hbm>>
      tpu.enqueue_dma source(%arg17 : memref<672xf32, #tpu.memory_space<vmem>>) target(%dma_start3A_42 : memref<672xf32, #tpu.memory_space<hbm>>) target_semaphore(%run_scoped3A : memref<!tpu.dma_semaphore, #tpu.memory_space<semaphore_mem>>)
      %dma_wait3A_43 = tpu.memref_slice %arg6[%add3A_40] : memref<21504xf32, #tpu.memory_space<hbm>> -> memref<672xf32, #tpu.memory_space<hbm>>
      %dma_wait3A_44 = tpu.memref_slice %arg6[%add3A_40] : memref<21504xf32, #tpu.memory_space<hbm>> -> memref<672xf32, #tpu.memory_space<hbm>>
      tpu.wait_dma2 semaphore(%run_scoped3A : memref<!tpu.dma_semaphore, #tpu.memory_space<semaphore_mem>>) src(%arg17 : memref<672xf32, #tpu.memory_space<vmem>>) dst(%dma_wait3A_44 : memref<672xf32, #tpu.memory_space<hbm>>)
      tpu.yield
    }) : () -> ()
    return
  }
}

#map = affine_map<(d0, d1) -> (0)>
#map1 = affine_map<(d0, d1) -> (0, 0)>
module attributes {stable_mosaic.version = 14 : i64} {
  func.func @_sc_pass2(%arg0: i32, %arg1: i32, %arg2: memref<327680xi32, #tpu.memory_space<hbm>>, %arg3: memref<327680xi32, #tpu.memory_space<hbm>>, %arg4: memref<10752x128xf32, #tpu.memory_space<hbm>>, %arg5: memref<10752x128xf32, #tpu.memory_space<hbm>>, %arg6: memref<10752xf32, #tpu.memory_space<hbm>>, %arg7: memref<344x128xf32, #tpu.memory_space<hbm>>, %arg8: memref<672xf32, #tpu.memory_space<hbm>>, %arg9: memref<10752x128xf32, #tpu.memory_space<hbm>>, %arg10: memref<10752x128xf32, #tpu.memory_space<hbm>>, %arg11: memref<10752xf32, #tpu.memory_space<hbm>>, %arg12: memref<128xi32, #tpu.memory_space<vmem>>, %arg13: memref<128xi32, #tpu.memory_space<vmem>>, %arg14: memref<128xi32, #tpu.memory_space<vmem>>, %arg15: memref<128xi32, #tpu.memory_space<vmem>>, %arg16: memref<128xi32, #tpu.memory_space<vmem>>, %arg17: memref<128xi32, #tpu.memory_space<vmem>>, %arg18: memref<128xi32, #tpu.memory_space<vmem>>, %arg19: memref<128xi32, #tpu.memory_space<vmem>>, %arg20: memref<128x128xf32, #tpu.memory_space<vmem>>, %arg21: memref<128x128xf32, #tpu.memory_space<vmem>>, %arg22: memref<128xf32, #tpu.memory_space<vmem>>, %arg23: memref<128xf32, #tpu.memory_space<vmem>>, %arg24: memref<344x128xf32, #tpu.memory_space<vmem>>, %arg25: memref<672xf32, #tpu.memory_space<vmem>>, %arg26: memref<5504x128xf32, #tpu.memory_space<vmem_shared>>, %arg27: memref<10752xf32, #tpu.memory_space<vmem_shared>>, %arg28: memref<!tpu.dma_semaphore, #tpu.memory_space<semaphore_mem>>, %arg29: memref<!tpu.dma_semaphore, #tpu.memory_space<semaphore_mem>>, %arg30: memref<!tpu.dma_semaphore, #tpu.memory_space<semaphore_mem>>, %arg31: memref<!tpu.dma_semaphore, #tpu.memory_space<semaphore_mem>>, %arg32: memref<!tpu.dma_semaphore, #tpu.memory_space<semaphore_mem>>, %arg33: memref<!tpu.dma_semaphore, #tpu.memory_space<semaphore_mem>>, %arg34: memref<!tpu.dma_semaphore, #tpu.memory_space<semaphore_mem>>, %arg35: memref<!tpu.dma_semaphore, #tpu.memory_space<semaphore_mem>>, %arg36: memref<!tpu.dma_semaphore, #tpu.memory_space<semaphore_mem>>, %arg37: memref<!tpu.dma_semaphore, #tpu.memory_space<semaphore_mem>>) attributes {dimension_semantics = [#tpu.dimension_semantics<core_parallel>, #tpu.dimension_semantics<subcore_parallel>], iteration_bounds = array<i64: 2, 16>, scalar_prefetch = 0 : i64, scratch_operands = 26 : i64, tpu.core_type = #tpu.core_type<sc_vector_subcore>, window_params = [{transform_indices = #map}, {transform_indices = #map}, {transform_indices = #map1}, {transform_indices = #map1}, {transform_indices = #map}, {transform_indices = #map1}, {transform_indices = #map}, {transform_indices = #map1}, {transform_indices = #map1}, {transform_indices = #map}]} {
    "tpu.region"() ({
      %run_scoped3A = tpu.sem_alloc : memref<!tpu.dma_semaphore, #tpu.memory_space<semaphore_mem>>
      tpu.enqueue_dma source(%arg8 : memref<672xf32, #tpu.memory_space<hbm>>) target(%arg25 : memref<672xf32, #tpu.memory_space<vmem>>) target_semaphore(%run_scoped3A : memref<!tpu.dma_semaphore, #tpu.memory_space<semaphore_mem>>)
      tpu.wait_dma2 semaphore(%run_scoped3A : memref<!tpu.dma_semaphore, #tpu.memory_space<semaphore_mem>>) src(%arg8 : memref<672xf32, #tpu.memory_space<hbm>>) dst(%arg25 : memref<672xf32, #tpu.memory_space<vmem>>)
      tpu.yield
    }) : () -> ()
    %mul3A = arith.constant 672 : i32
    %mul3A_0 = arith.muli %arg1, %mul3A : i32
    "tpu.region"() ({
      %run_scoped3A = tpu.sem_alloc : memref<!tpu.dma_semaphore, #tpu.memory_space<semaphore_mem>>
      %dma_start3A_93 = tpu.memref_slice %arg27[%mul3A_0] : memref<10752xf32, #tpu.memory_space<vmem_shared>> -> memref<672xf32, #tpu.memory_space<vmem_shared>>
      %dma_start3A_94 = tpu.memref_slice %arg27[%mul3A_0] : memref<10752xf32, #tpu.memory_space<vmem_shared>> -> memref<672xf32, #tpu.memory_space<vmem_shared>>
      tpu.enqueue_dma source(%arg25 : memref<672xf32, #tpu.memory_space<vmem>>) target(%dma_start3A_94 : memref<672xf32, #tpu.memory_space<vmem_shared>>) target_semaphore(%run_scoped3A : memref<!tpu.dma_semaphore, #tpu.memory_space<semaphore_mem>>)
      %dma_wait3A_95 = tpu.memref_slice %arg27[%mul3A_0] : memref<10752xf32, #tpu.memory_space<vmem_shared>> -> memref<672xf32, #tpu.memory_space<vmem_shared>>
      %dma_wait3A_96 = tpu.memref_slice %arg27[%mul3A_0] : memref<10752xf32, #tpu.memory_space<vmem_shared>> -> memref<672xf32, #tpu.memory_space<vmem_shared>>
      tpu.wait_dma2 semaphore(%run_scoped3A : memref<!tpu.dma_semaphore, #tpu.memory_space<semaphore_mem>>) src(%arg25 : memref<672xf32, #tpu.memory_space<vmem>>) dst(%dma_wait3A_96 : memref<672xf32, #tpu.memory_space<vmem_shared>>)
      tpu.yield
    }) : () -> ()
    %mul3A_1 = arith.constant 20480 : i32
    %mul3A_2 = arith.muli %arg1, %mul3A_1 : i32
    "tpu.region"() ({
      %run_scoped3A = tpu.sem_alloc : memref<!tpu.dma_semaphore, #tpu.memory_space<semaphore_mem>>
      tpu.enqueue_dma source(%arg7 : memref<344x128xf32, #tpu.memory_space<hbm>>) target(%arg24 : memref<344x128xf32, #tpu.memory_space<vmem>>) target_semaphore(%run_scoped3A : memref<!tpu.dma_semaphore, #tpu.memory_space<semaphore_mem>>)
      tpu.wait_dma2 semaphore(%run_scoped3A : memref<!tpu.dma_semaphore, #tpu.memory_space<semaphore_mem>>) src(%arg7 : memref<344x128xf32, #tpu.memory_space<hbm>>) dst(%arg24 : memref<344x128xf32, #tpu.memory_space<vmem>>)
      tpu.yield
    }) : () -> ()
    %mul3A_3 = arith.constant 344 : i32
    %mul3A_4 = arith.muli %arg1, %mul3A_3 : i32
    "tpu.region"() ({
      %run_scoped3A = tpu.sem_alloc : memref<!tpu.dma_semaphore, #tpu.memory_space<semaphore_mem>>
      %dma_start3A_93 = arith.constant 0 : i32
      %dma_start3A_94 = tpu.memref_slice %arg26[%mul3A_4, %dma_start3A_93] : memref<5504x128xf32, #tpu.memory_space<vmem_shared>> -> memref<344x128xf32, #tpu.memory_space<vmem_shared>>
      %dma_start3A_95 = arith.constant 0 : i32
      %dma_start3A_96 = tpu.memref_slice %arg26[%mul3A_4, %dma_start3A_95] : memref<5504x128xf32, #tpu.memory_space<vmem_shared>> -> memref<344x128xf32, #tpu.memory_space<vmem_shared>>
      tpu.enqueue_dma source(%arg24 : memref<344x128xf32, #tpu.memory_space<vmem>>) target(%dma_start3A_96 : memref<344x128xf32, #tpu.memory_space<vmem_shared>>) target_semaphore(%run_scoped3A : memref<!tpu.dma_semaphore, #tpu.memory_space<semaphore_mem>>)
      %dma_wait3A_97 = arith.constant 0 : i32
      %dma_wait3A_98 = tpu.memref_slice %arg26[%mul3A_4, %dma_wait3A_97] : memref<5504x128xf32, #tpu.memory_space<vmem_shared>> -> memref<344x128xf32, #tpu.memory_space<vmem_shared>>
      %dma_wait3A_99 = arith.constant 0 : i32
      %dma_wait3A_100 = tpu.memref_slice %arg26[%mul3A_4, %dma_wait3A_99] : memref<5504x128xf32, #tpu.memory_space<vmem_shared>> -> memref<344x128xf32, #tpu.memory_space<vmem_shared>>
      tpu.wait_dma2 semaphore(%run_scoped3A : memref<!tpu.dma_semaphore, #tpu.memory_space<semaphore_mem>>) src(%arg24 : memref<344x128xf32, #tpu.memory_space<vmem>>) dst(%dma_wait3A_100 : memref<344x128xf32, #tpu.memory_space<vmem_shared>>)
      tpu.yield
    }) : () -> ()
    %barrier3A = arith.constant 0 : index
    tpu.barrier barrier_id(%barrier3A)
    "tpu.region"() ({
      %run_scoped3A = tpu.sem_alloc : memref<!tpu.dma_semaphore, #tpu.memory_space<semaphore_mem>>
      %dma_start3A_93 = tpu.memref_slice %arg2[%mul3A_2] : memref<327680xi32, #tpu.memory_space<hbm>> -> memref<128xi32, #tpu.memory_space<hbm>>
      %dma_start3A_94 = tpu.memref_slice %arg2[%mul3A_2] : memref<327680xi32, #tpu.memory_space<hbm>> -> memref<128xi32, #tpu.memory_space<hbm>>
      tpu.enqueue_dma source(%dma_start3A_94 : memref<128xi32, #tpu.memory_space<hbm>>) target(%arg12 : memref<128xi32, #tpu.memory_space<vmem>>) target_semaphore(%run_scoped3A : memref<!tpu.dma_semaphore, #tpu.memory_space<semaphore_mem>>)
      %dma_wait3A_95 = tpu.memref_slice %arg2[%mul3A_2] : memref<327680xi32, #tpu.memory_space<hbm>> -> memref<128xi32, #tpu.memory_space<hbm>>
      %dma_wait3A_96 = tpu.memref_slice %arg2[%mul3A_2] : memref<327680xi32, #tpu.memory_space<hbm>> -> memref<128xi32, #tpu.memory_space<hbm>>
      tpu.wait_dma2 semaphore(%run_scoped3A : memref<!tpu.dma_semaphore, #tpu.memory_space<semaphore_mem>>) src(%dma_wait3A_96 : memref<128xi32, #tpu.memory_space<hbm>>) dst(%arg12 : memref<128xi32, #tpu.memory_space<vmem>>)
      tpu.yield
    }) : () -> ()
    "tpu.region"() ({
      %run_scoped3A = tpu.sem_alloc : memref<!tpu.dma_semaphore, #tpu.memory_space<semaphore_mem>>
      %dma_start3A_93 = tpu.memref_slice %arg3[%mul3A_2] : memref<327680xi32, #tpu.memory_space<hbm>> -> memref<128xi32, #tpu.memory_space<hbm>>
      %dma_start3A_94 = tpu.memref_slice %arg3[%mul3A_2] : memref<327680xi32, #tpu.memory_space<hbm>> -> memref<128xi32, #tpu.memory_space<hbm>>
      tpu.enqueue_dma source(%dma_start3A_94 : memref<128xi32, #tpu.memory_space<hbm>>) target(%arg14 : memref<128xi32, #tpu.memory_space<vmem>>) target_semaphore(%run_scoped3A : memref<!tpu.dma_semaphore, #tpu.memory_space<semaphore_mem>>)
      %dma_wait3A_95 = tpu.memref_slice %arg3[%mul3A_2] : memref<327680xi32, #tpu.memory_space<hbm>> -> memref<128xi32, #tpu.memory_space<hbm>>
      %dma_wait3A_96 = tpu.memref_slice %arg3[%mul3A_2] : memref<327680xi32, #tpu.memory_space<hbm>> -> memref<128xi32, #tpu.memory_space<hbm>>
      tpu.wait_dma2 semaphore(%run_scoped3A : memref<!tpu.dma_semaphore, #tpu.memory_space<semaphore_mem>>) src(%dma_wait3A_96 : memref<128xi32, #tpu.memory_space<hbm>>) dst(%arg14 : memref<128xi32, #tpu.memory_space<vmem>>)
      tpu.yield
    }) : () -> ()
    %eq3A = arith.constant 0 : i32
    %eq3A_5 = arith.cmpi eq, %arg0, %eq3A : i32
    %convert_element_type3A = arith.extui %eq3A_5 : i1 to i32
    %cond3A = arith.constant 0 : i32
    %cond3A_6 = arith.cmpi ne, %convert_element_type3A, %cond3A : i32
    scf.if %cond3A_6 {
      %dma_start3A_93 = arith.constant 0 : i32
      %dma_start3A_94 = arith.constant 0 : i32
      %dma_start3A_95 = tpu.memref_slice %arg4[%dma_start3A_93, %dma_start3A_94] : memref<10752x128xf32, #tpu.memory_space<hbm>> -> memref<10752x128xf32, #tpu.memory_space<hbm>>
      tpu.enqueue_indirect_dma source(%dma_start3A_95 : memref<10752x128xf32, #tpu.memory_space<hbm>>) target(%arg20 : memref<128x128xf32, #tpu.memory_space<vmem>>) offsets(%arg12 : memref<128xi32, #tpu.memory_space<vmem>>) semaphore(%arg28 : memref<!tpu.dma_semaphore, #tpu.memory_space<semaphore_mem>>)
      %dma_start3A_96 = arith.constant 0 : i32
      %dma_start3A_97 = tpu.memref_slice %arg6[%dma_start3A_96] : memref<10752xf32, #tpu.memory_space<hbm>> -> memref<10752xf32, #tpu.memory_space<hbm>>
      tpu.enqueue_indirect_dma source(%dma_start3A_97 : memref<10752xf32, #tpu.memory_space<hbm>>) target(%arg22 : memref<128xf32, #tpu.memory_space<vmem>>) offsets(%arg12 : memref<128xi32, #tpu.memory_space<vmem>>) semaphore(%arg34 : memref<!tpu.dma_semaphore, #tpu.memory_space<semaphore_mem>>)
    } else {
    }
    %eq3A_7 = arith.constant 1 : i32
    %eq3A_8 = arith.cmpi eq, %arg0, %eq3A_7 : i32
    %convert_element_type3A_9 = arith.extui %eq3A_8 : i1 to i32
    %cond3A_10 = arith.constant 0 : i32
    %cond3A_11 = arith.cmpi ne, %convert_element_type3A_9, %cond3A_10 : i32
    scf.if %cond3A_11 {
      %dma_start3A_93 = arith.constant 0 : i32
      %dma_start3A_94 = arith.constant 0 : i32
      %dma_start3A_95 = tpu.memref_slice %arg5[%dma_start3A_93, %dma_start3A_94] : memref<10752x128xf32, #tpu.memory_space<hbm>> -> memref<10752x128xf32, #tpu.memory_space<hbm>>
      tpu.enqueue_indirect_dma source(%dma_start3A_95 : memref<10752x128xf32, #tpu.memory_space<hbm>>) target(%arg20 : memref<128x128xf32, #tpu.memory_space<vmem>>) offsets(%arg12 : memref<128xi32, #tpu.memory_space<vmem>>) semaphore(%arg28 : memref<!tpu.dma_semaphore, #tpu.memory_space<semaphore_mem>>)
    } else {
    }
    %add3A = arith.constant 128 : i32
    %add3A_12 = arith.addi %mul3A_2, %add3A : i32
    %dma_start3A = tpu.memref_slice %arg2[%add3A_12] : memref<327680xi32, #tpu.memory_space<hbm>> -> memref<128xi32, #tpu.memory_space<hbm>>
    %dma_start3A_13 = tpu.memref_slice %arg2[%add3A_12] : memref<327680xi32, #tpu.memory_space<hbm>> -> memref<128xi32, #tpu.memory_space<hbm>>
    tpu.enqueue_dma source(%dma_start3A_13 : memref<128xi32, #tpu.memory_space<hbm>>) target(%arg13 : memref<128xi32, #tpu.memory_space<vmem>>) target_semaphore(%arg31 : memref<!tpu.dma_semaphore, #tpu.memory_space<semaphore_mem>>)
    %add3A_14 = arith.constant 128 : i32
    %add3A_15 = arith.addi %mul3A_2, %add3A_14 : i32
    %dma_start3A_16 = tpu.memref_slice %arg3[%add3A_15] : memref<327680xi32, #tpu.memory_space<hbm>> -> memref<128xi32, #tpu.memory_space<hbm>>
    %dma_start3A_17 = tpu.memref_slice %arg3[%add3A_15] : memref<327680xi32, #tpu.memory_space<hbm>> -> memref<128xi32, #tpu.memory_space<hbm>>
    tpu.enqueue_dma source(%dma_start3A_17 : memref<128xi32, #tpu.memory_space<hbm>>) target(%arg15 : memref<128xi32, #tpu.memory_space<vmem>>) target_semaphore(%arg31 : memref<!tpu.dma_semaphore, #tpu.memory_space<semaphore_mem>>)
    %scan3A = arith.constant 0 : i32
    %scan3A_18 = arith.constant 0 : i32
    %scan3A_19 = arith.constant 80 : i32
    %scan3A_20 = arith.addi %scan3A_18, %scan3A_19 : i32
    %scan3A_21 = arith.constant 1 : i32
    scf.for %scan3A_93 = %scan3A_18 to %scan3A_20 step %scan3A_21  : i32 {
      %mul3A_94 = arith.constant 2 : i32
      %mul3A_95 = arith.muli %mul3A_94, %scan3A_93 : i32
      %ge3A = arith.constant 1 : i32
      %ge3A_96 = arith.cmpi sge, %mul3A_95, %ge3A : i32
      %convert_element_type3A_97 = arith.extui %ge3A_96 : i1 to i32
      %cond3A_98 = arith.constant 0 : i32
      %cond3A_99 = arith.cmpi ne, %convert_element_type3A_97, %cond3A_98 : i32
      scf.if %cond3A_99 {
        %dma_wait3A_561 = arith.constant 0 : i32
        %dma_wait3A_562 = arith.constant 0 : i32
        %dma_wait3A_563 = tpu.memref_slice %arg26[%dma_wait3A_561, %dma_wait3A_562] : memref<5504x128xf32, #tpu.memory_space<vmem_shared>> -> memref<5504x128xf32, #tpu.memory_space<vmem_shared>>
        tpu.wait_indirect_dma semaphore(%arg33 : memref<!tpu.dma_semaphore, #tpu.memory_space<semaphore_mem>>) src(%arg21 : memref<128x128xf32, #tpu.memory_space<vmem>>) dst(%dma_wait3A_563 : memref<5504x128xf32, #tpu.memory_space<vmem_shared>>)
        %eq3A_564 = arith.constant 0 : i32
        %eq3A_565 = arith.cmpi eq, %arg0, %eq3A_564 : i32
        %convert_element_type3A_566 = arith.extui %eq3A_565 : i1 to i32
        %cond3A_567 = arith.constant 0 : i32
        %cond3A_568 = arith.cmpi ne, %convert_element_type3A_566, %cond3A_567 : i32
        scf.if %cond3A_568 {
          %dma_wait3A_569 = arith.constant 0 : i32
          %dma_wait3A_570 = tpu.memref_slice %arg27[%dma_wait3A_569] : memref<10752xf32, #tpu.memory_space<vmem_shared>> -> memref<10752xf32, #tpu.memory_space<vmem_shared>>
          tpu.wait_indirect_dma semaphore(%arg37 : memref<!tpu.dma_semaphore, #tpu.memory_space<semaphore_mem>>) src(%arg23 : memref<128xf32, #tpu.memory_space<vmem>>) dst(%dma_wait3A_570 : memref<10752xf32, #tpu.memory_space<vmem_shared>>)
        } else {
        }
      } else {
      }
      %add3A_100 = arith.constant 1 : i32
      %add3A_101 = arith.addi %mul3A_95, %add3A_100 : i32
      %lt3A = arith.constant 160 : i32
      %lt3A_102 = arith.cmpi slt, %add3A_101, %lt3A : i32
      %convert_element_type3A_103 = arith.extui %lt3A_102 : i1 to i32
      %cond3A_104 = arith.constant 0 : i32
      %cond3A_105 = arith.cmpi ne, %convert_element_type3A_103, %cond3A_104 : i32
      scf.if %cond3A_105 {
        %add3A_561 = arith.constant 1 : i32
        %add3A_562 = arith.addi %mul3A_95, %add3A_561 : i32
        %mul3A_563 = arith.constant 128 : i32
        %mul3A_564 = arith.muli %add3A_562, %mul3A_563 : i32
        %add3A_565 = arith.addi %mul3A_2, %mul3A_564 : i32
        %dma_wait3A_566 = tpu.memref_slice %arg2[%add3A_565] : memref<327680xi32, #tpu.memory_space<hbm>> -> memref<128xi32, #tpu.memory_space<hbm>>
        %dma_wait3A_567 = tpu.memref_slice %arg2[%add3A_565] : memref<327680xi32, #tpu.memory_space<hbm>> -> memref<128xi32, #tpu.memory_space<hbm>>
        tpu.wait_dma2 semaphore(%arg31 : memref<!tpu.dma_semaphore, #tpu.memory_space<semaphore_mem>>) src(%dma_wait3A_567 : memref<128xi32, #tpu.memory_space<hbm>>) dst(%arg13 : memref<128xi32, #tpu.memory_space<vmem>>)
        %dma_wait3A_568 = tpu.memref_slice %arg3[%add3A_565] : memref<327680xi32, #tpu.memory_space<hbm>> -> memref<128xi32, #tpu.memory_space<hbm>>
        %dma_wait3A_569 = tpu.memref_slice %arg3[%add3A_565] : memref<327680xi32, #tpu.memory_space<hbm>> -> memref<128xi32, #tpu.memory_space<hbm>>
        tpu.wait_dma2 semaphore(%arg31 : memref<!tpu.dma_semaphore, #tpu.memory_space<semaphore_mem>>) src(%dma_wait3A_569 : memref<128xi32, #tpu.memory_space<hbm>>) dst(%arg15 : memref<128xi32, #tpu.memory_space<vmem>>)
        %eq3A_570 = arith.constant 0 : i32
        %eq3A_571 = arith.cmpi eq, %arg0, %eq3A_570 : i32
        %convert_element_type3A_572 = arith.extui %eq3A_571 : i1 to i32
        %cond3A_573 = arith.constant 0 : i32
        %cond3A_574 = arith.cmpi ne, %convert_element_type3A_572, %cond3A_573 : i32
        scf.if %cond3A_574 {
          %dma_start3A_580 = arith.constant 0 : i32
          %dma_start3A_581 = arith.constant 0 : i32
          %dma_start3A_582 = tpu.memref_slice %arg4[%dma_start3A_580, %dma_start3A_581] : memref<10752x128xf32, #tpu.memory_space<hbm>> -> memref<10752x128xf32, #tpu.memory_space<hbm>>
          tpu.enqueue_indirect_dma source(%dma_start3A_582 : memref<10752x128xf32, #tpu.memory_space<hbm>>) target(%arg21 : memref<128x128xf32, #tpu.memory_space<vmem>>) offsets(%arg13 : memref<128xi32, #tpu.memory_space<vmem>>) semaphore(%arg29 : memref<!tpu.dma_semaphore, #tpu.memory_space<semaphore_mem>>)
          %dma_start3A_583 = arith.constant 0 : i32
          %dma_start3A_584 = tpu.memref_slice %arg6[%dma_start3A_583] : memref<10752xf32, #tpu.memory_space<hbm>> -> memref<10752xf32, #tpu.memory_space<hbm>>
          tpu.enqueue_indirect_dma source(%dma_start3A_584 : memref<10752xf32, #tpu.memory_space<hbm>>) target(%arg23 : memref<128xf32, #tpu.memory_space<vmem>>) offsets(%arg13 : memref<128xi32, #tpu.memory_space<vmem>>) semaphore(%arg35 : memref<!tpu.dma_semaphore, #tpu.memory_space<semaphore_mem>>)
        } else {
        }
        %eq3A_575 = arith.constant 1 : i32
        %eq3A_576 = arith.cmpi eq, %arg0, %eq3A_575 : i32
        %convert_element_type3A_577 = arith.extui %eq3A_576 : i1 to i32
        %cond3A_578 = arith.constant 0 : i32
        %cond3A_579 = arith.cmpi ne, %convert_element_type3A_577, %cond3A_578 : i32
        scf.if %cond3A_579 {
          %dma_start3A_580 = arith.constant 0 : i32
          %dma_start3A_581 = arith.constant 0 : i32
          %dma_start3A_582 = tpu.memref_slice %arg5[%dma_start3A_580, %dma_start3A_581] : memref<10752x128xf32, #tpu.memory_space<hbm>> -> memref<10752x128xf32, #tpu.memory_space<hbm>>
          tpu.enqueue_indirect_dma source(%dma_start3A_582 : memref<10752x128xf32, #tpu.memory_space<hbm>>) target(%arg21 : memref<128x128xf32, #tpu.memory_space<vmem>>) offsets(%arg13 : memref<128xi32, #tpu.memory_space<vmem>>) semaphore(%arg29 : memref<!tpu.dma_semaphore, #tpu.memory_space<semaphore_mem>>)
        } else {
        }
      } else {
      }
      %eq3A_106 = arith.constant 0 : i32
      %eq3A_107 = arith.cmpi eq, %arg0, %eq3A_106 : i32
      %convert_element_type3A_108 = arith.extui %eq3A_107 : i1 to i32
      %cond3A_109 = arith.constant 0 : i32
      %cond3A_110 = arith.cmpi ne, %convert_element_type3A_108, %cond3A_109 : i32
      scf.if %cond3A_110 {
        %dma_wait3A_561 = arith.constant 0 : i32
        %dma_wait3A_562 = arith.constant 0 : i32
        %dma_wait3A_563 = tpu.memref_slice %arg4[%dma_wait3A_561, %dma_wait3A_562] : memref<10752x128xf32, #tpu.memory_space<hbm>> -> memref<10752x128xf32, #tpu.memory_space<hbm>>
        tpu.wait_indirect_dma semaphore(%arg28 : memref<!tpu.dma_semaphore, #tpu.memory_space<semaphore_mem>>) src(%dma_wait3A_563 : memref<10752x128xf32, #tpu.memory_space<hbm>>) dst(%arg20 : memref<128x128xf32, #tpu.memory_space<vmem>>)
        %dma_wait3A_564 = arith.constant 0 : i32
        %dma_wait3A_565 = tpu.memref_slice %arg6[%dma_wait3A_564] : memref<10752xf32, #tpu.memory_space<hbm>> -> memref<10752xf32, #tpu.memory_space<hbm>>
        tpu.wait_indirect_dma semaphore(%arg34 : memref<!tpu.dma_semaphore, #tpu.memory_space<semaphore_mem>>) src(%dma_wait3A_565 : memref<10752xf32, #tpu.memory_space<hbm>>) dst(%arg22 : memref<128xf32, #tpu.memory_space<vmem>>)
      } else {
      }
      %eq3A_111 = arith.constant 1 : i32
      %eq3A_112 = arith.cmpi eq, %arg0, %eq3A_111 : i32
      %convert_element_type3A_113 = arith.extui %eq3A_112 : i1 to i32
      %cond3A_114 = arith.constant 0 : i32
      %cond3A_115 = arith.cmpi ne, %convert_element_type3A_113, %cond3A_114 : i32
      scf.if %cond3A_115 {
        %dma_wait3A_561 = arith.constant 0 : i32
        %dma_wait3A_562 = arith.constant 0 : i32
        %dma_wait3A_563 = tpu.memref_slice %arg5[%dma_wait3A_561, %dma_wait3A_562] : memref<10752x128xf32, #tpu.memory_space<hbm>> -> memref<10752x128xf32, #tpu.memory_space<hbm>>
        tpu.wait_indirect_dma semaphore(%arg28 : memref<!tpu.dma_semaphore, #tpu.memory_space<semaphore_mem>>) src(%dma_wait3A_563 : memref<10752x128xf32, #tpu.memory_space<hbm>>) dst(%arg20 : memref<128x128xf32, #tpu.memory_space<vmem>>)
      } else {
      }
      %get3A = arith.constant 0 : index
      %get3A_116 = tpu.vector_load %arg14[%get3A] {strides = array<i32>} : memref<128xi32, #tpu.memory_space<vmem>>, vector<16xi32>,
      %get3A_117 = vector.shape_cast %get3A_116 : vector<16xi32> to vector<16xi32>
      %ge3A_118 = arith.constant 0 : i32
      %ge3A_119 = vector.broadcast %ge3A_118 : i32 to vector<16xi32>
      %ge3A_120 = arith.cmpi sge, %get3A_117, %ge3A_119 : vector<16xi32>
      %lt3A_121 = arith.constant 5376 : i32
      %lt3A_122 = vector.broadcast %lt3A_121 : i32 to vector<16xi32>
      %lt3A_123 = arith.cmpi slt, %get3A_117, %lt3A_122 : vector<16xi32>
      %and3A = arith.andi %ge3A_120, %lt3A_123 : vector<16xi1>
      %sub3A = arith.constant 0 : i32
      %sub3A_124 = vector.broadcast %sub3A : i32 to vector<16xi32>
      %sub3A_125 = arith.subi %get3A_117, %sub3A_124 : vector<16xi32>
      %and3A_126 = arith.constant 127 : i32
      %and3A_127 = vector.broadcast %and3A_126 : i32 to vector<16xi32>
      %and3A_128 = arith.andi %get3A_117, %and3A_127 : vector<16xi32>
      %add3A_129 = arith.constant 5376 : i32
      %add3A_130 = vector.broadcast %add3A_129 : i32 to vector<16xi32>
      %add3A_131 = arith.addi %add3A_130, %and3A_128 : vector<16xi32>
      %select_n3A = arith.select %and3A, %sub3A_125, %add3A_131 : vector<16xi1>, vector<16xi32>
      %swap3A = arith.constant 0 : index
      %swap3A_132 = tpu.vector_load %arg16[%swap3A] {strides = array<i32>} : memref<128xi32, #tpu.memory_space<vmem>>, vector<16xi32>,
      %swap3A_133 = vector.shape_cast %swap3A_132 : vector<16xi32> to vector<16xi32>
      %swap3A_134 = vector.shape_cast %select_n3A : vector<16xi32> to vector<16xi32>
      tpu.vector_store %arg16[%swap3A], %swap3A_134 {strides = array<i32>} : memref<128xi32, #tpu.memory_space<vmem>>, vector<16xi32>,
      %get3A_135 = arith.constant 16 : index
      %get3A_136 = tpu.vector_load %arg14[%get3A_135] {strides = array<i32>} : memref<128xi32, #tpu.memory_space<vmem>>, vector<16xi32>,
      %get3A_137 = vector.shape_cast %get3A_136 : vector<16xi32> to vector<16xi32>
      %ge3A_138 = arith.constant 0 : i32
      %ge3A_139 = vector.broadcast %ge3A_138 : i32 to vector<16xi32>
      %ge3A_140 = arith.cmpi sge, %get3A_137, %ge3A_139 : vector<16xi32>
      %lt3A_141 = arith.constant 5376 : i32
      %lt3A_142 = vector.broadcast %lt3A_141 : i32 to vector<16xi32>
      %lt3A_143 = arith.cmpi slt, %get3A_137, %lt3A_142 : vector<16xi32>
      %and3A_144 = arith.andi %ge3A_140, %lt3A_143 : vector<16xi1>
      %sub3A_145 = arith.constant 0 : i32
      %sub3A_146 = vector.broadcast %sub3A_145 : i32 to vector<16xi32>
      %sub3A_147 = arith.subi %get3A_137, %sub3A_146 : vector<16xi32>
      %and3A_148 = arith.constant 127 : i32
      %and3A_149 = vector.broadcast %and3A_148 : i32 to vector<16xi32>
      %and3A_150 = arith.andi %get3A_137, %and3A_149 : vector<16xi32>
      %add3A_151 = arith.constant 5376 : i32
      %add3A_152 = vector.broadcast %add3A_151 : i32 to vector<16xi32>
      %add3A_153 = arith.addi %add3A_152, %and3A_150 : vector<16xi32>
      %select_n3A_154 = arith.select %and3A_144, %sub3A_147, %add3A_153 : vector<16xi1>, vector<16xi32>
      %swap3A_155 = arith.constant 16 : index
      %swap3A_156 = tpu.vector_load %arg16[%swap3A_155] {strides = array<i32>} : memref<128xi32, #tpu.memory_space<vmem>>, vector<16xi32>,
      %swap3A_157 = vector.shape_cast %swap3A_156 : vector<16xi32> to vector<16xi32>
      %swap3A_158 = vector.shape_cast %select_n3A_154 : vector<16xi32> to vector<16xi32>
      tpu.vector_store %arg16[%swap3A_155], %swap3A_158 {strides = array<i32>} : memref<128xi32, #tpu.memory_space<vmem>>, vector<16xi32>,
      %get3A_159 = arith.constant 32 : index
      %get3A_160 = tpu.vector_load %arg14[%get3A_159] {strides = array<i32>} : memref<128xi32, #tpu.memory_space<vmem>>, vector<16xi32>,
      %get3A_161 = vector.shape_cast %get3A_160 : vector<16xi32> to vector<16xi32>
      %ge3A_162 = arith.constant 0 : i32
      %ge3A_163 = vector.broadcast %ge3A_162 : i32 to vector<16xi32>
      %ge3A_164 = arith.cmpi sge, %get3A_161, %ge3A_163 : vector<16xi32>
      %lt3A_165 = arith.constant 5376 : i32
      %lt3A_166 = vector.broadcast %lt3A_165 : i32 to vector<16xi32>
      %lt3A_167 = arith.cmpi slt, %get3A_161, %lt3A_166 : vector<16xi32>
      %and3A_168 = arith.andi %ge3A_164, %lt3A_167 : vector<16xi1>
      %sub3A_169 = arith.constant 0 : i32
      %sub3A_170 = vector.broadcast %sub3A_169 : i32 to vector<16xi32>
      %sub3A_171 = arith.subi %get3A_161, %sub3A_170 : vector<16xi32>
      %and3A_172 = arith.constant 127 : i32
      %and3A_173 = vector.broadcast %and3A_172 : i32 to vector<16xi32>
      %and3A_174 = arith.andi %get3A_161, %and3A_173 : vector<16xi32>
      %add3A_175 = arith.constant 5376 : i32
      %add3A_176 = vector.broadcast %add3A_175 : i32 to vector<16xi32>
      %add3A_177 = arith.addi %add3A_176, %and3A_174 : vector<16xi32>
      %select_n3A_178 = arith.select %and3A_168, %sub3A_171, %add3A_177 : vector<16xi1>, vector<16xi32>
      %swap3A_179 = arith.constant 32 : index
      %swap3A_180 = tpu.vector_load %arg16[%swap3A_179] {strides = array<i32>} : memref<128xi32, #tpu.memory_space<vmem>>, vector<16xi32>,
      %swap3A_181 = vector.shape_cast %swap3A_180 : vector<16xi32> to vector<16xi32>
      %swap3A_182 = vector.shape_cast %select_n3A_178 : vector<16xi32> to vector<16xi32>
      tpu.vector_store %arg16[%swap3A_179], %swap3A_182 {strides = array<i32>} : memref<128xi32, #tpu.memory_space<vmem>>, vector<16xi32>,
      %get3A_183 = arith.constant 48 : index
      %get3A_184 = tpu.vector_load %arg14[%get3A_183] {strides = array<i32>} : memref<128xi32, #tpu.memory_space<vmem>>, vector<16xi32>,
      %get3A_185 = vector.shape_cast %get3A_184 : vector<16xi32> to vector<16xi32>
      %ge3A_186 = arith.constant 0 : i32
      %ge3A_187 = vector.broadcast %ge3A_186 : i32 to vector<16xi32>
      %ge3A_188 = arith.cmpi sge, %get3A_185, %ge3A_187 : vector<16xi32>
      %lt3A_189 = arith.constant 5376 : i32
      %lt3A_190 = vector.broadcast %lt3A_189 : i32 to vector<16xi32>
      %lt3A_191 = arith.cmpi slt, %get3A_185, %lt3A_190 : vector<16xi32>
      %and3A_192 = arith.andi %ge3A_188, %lt3A_191 : vector<16xi1>
      %sub3A_193 = arith.constant 0 : i32
      %sub3A_194 = vector.broadcast %sub3A_193 : i32 to vector<16xi32>
      %sub3A_195 = arith.subi %get3A_185, %sub3A_194 : vector<16xi32>
      %and3A_196 = arith.constant 127 : i32
      %and3A_197 = vector.broadcast %and3A_196 : i32 to vector<16xi32>
      %and3A_198 = arith.andi %get3A_185, %and3A_197 : vector<16xi32>
      %add3A_199 = arith.constant 5376 : i32
      %add3A_200 = vector.broadcast %add3A_199 : i32 to vector<16xi32>
      %add3A_201 = arith.addi %add3A_200, %and3A_198 : vector<16xi32>
      %select_n3A_202 = arith.select %and3A_192, %sub3A_195, %add3A_201 : vector<16xi1>, vector<16xi32>
      %swap3A_203 = arith.constant 48 : index
      %swap3A_204 = tpu.vector_load %arg16[%swap3A_203] {strides = array<i32>} : memref<128xi32, #tpu.memory_space<vmem>>, vector<16xi32>,
      %swap3A_205 = vector.shape_cast %swap3A_204 : vector<16xi32> to vector<16xi32>
      %swap3A_206 = vector.shape_cast %select_n3A_202 : vector<16xi32> to vector<16xi32>
      tpu.vector_store %arg16[%swap3A_203], %swap3A_206 {strides = array<i32>} : memref<128xi32, #tpu.memory_space<vmem>>, vector<16xi32>,
      %get3A_207 = arith.constant 64 : index
      %get3A_208 = tpu.vector_load %arg14[%get3A_207] {strides = array<i32>} : memref<128xi32, #tpu.memory_space<vmem>>, vector<16xi32>,
      %get3A_209 = vector.shape_cast %get3A_208 : vector<16xi32> to vector<16xi32>
      %ge3A_210 = arith.constant 0 : i32
      %ge3A_211 = vector.broadcast %ge3A_210 : i32 to vector<16xi32>
      %ge3A_212 = arith.cmpi sge, %get3A_209, %ge3A_211 : vector<16xi32>
      %lt3A_213 = arith.constant 5376 : i32
      %lt3A_214 = vector.broadcast %lt3A_213 : i32 to vector<16xi32>
      %lt3A_215 = arith.cmpi slt, %get3A_209, %lt3A_214 : vector<16xi32>
      %and3A_216 = arith.andi %ge3A_212, %lt3A_215 : vector<16xi1>
      %sub3A_217 = arith.constant 0 : i32
      %sub3A_218 = vector.broadcast %sub3A_217 : i32 to vector<16xi32>
      %sub3A_219 = arith.subi %get3A_209, %sub3A_218 : vector<16xi32>
      %and3A_220 = arith.constant 127 : i32
      %and3A_221 = vector.broadcast %and3A_220 : i32 to vector<16xi32>
      %and3A_222 = arith.andi %get3A_209, %and3A_221 : vector<16xi32>
      %add3A_223 = arith.constant 5376 : i32
      %add3A_224 = vector.broadcast %add3A_223 : i32 to vector<16xi32>
      %add3A_225 = arith.addi %add3A_224, %and3A_222 : vector<16xi32>
      %select_n3A_226 = arith.select %and3A_216, %sub3A_219, %add3A_225 : vector<16xi1>, vector<16xi32>
      %swap3A_227 = arith.constant 64 : index
      %swap3A_228 = tpu.vector_load %arg16[%swap3A_227] {strides = array<i32>} : memref<128xi32, #tpu.memory_space<vmem>>, vector<16xi32>,
      %swap3A_229 = vector.shape_cast %swap3A_228 : vector<16xi32> to vector<16xi32>
      %swap3A_230 = vector.shape_cast %select_n3A_226 : vector<16xi32> to vector<16xi32>
      tpu.vector_store %arg16[%swap3A_227], %swap3A_230 {strides = array<i32>} : memref<128xi32, #tpu.memory_space<vmem>>, vector<16xi32>,
      %get3A_231 = arith.constant 80 : index
      %get3A_232 = tpu.vector_load %arg14[%get3A_231] {strides = array<i32>} : memref<128xi32, #tpu.memory_space<vmem>>, vector<16xi32>,
      %get3A_233 = vector.shape_cast %get3A_232 : vector<16xi32> to vector<16xi32>
      %ge3A_234 = arith.constant 0 : i32
      %ge3A_235 = vector.broadcast %ge3A_234 : i32 to vector<16xi32>
      %ge3A_236 = arith.cmpi sge, %get3A_233, %ge3A_235 : vector<16xi32>
      %lt3A_237 = arith.constant 5376 : i32
      %lt3A_238 = vector.broadcast %lt3A_237 : i32 to vector<16xi32>
      %lt3A_239 = arith.cmpi slt, %get3A_233, %lt3A_238 : vector<16xi32>
      %and3A_240 = arith.andi %ge3A_236, %lt3A_239 : vector<16xi1>
      %sub3A_241 = arith.constant 0 : i32
      %sub3A_242 = vector.broadcast %sub3A_241 : i32 to vector<16xi32>
      %sub3A_243 = arith.subi %get3A_233, %sub3A_242 : vector<16xi32>
      %and3A_244 = arith.constant 127 : i32
      %and3A_245 = vector.broadcast %and3A_244 : i32 to vector<16xi32>
      %and3A_246 = arith.andi %get3A_233, %and3A_245 : vector<16xi32>
      %add3A_247 = arith.constant 5376 : i32
      %add3A_248 = vector.broadcast %add3A_247 : i32 to vector<16xi32>
      %add3A_249 = arith.addi %add3A_248, %and3A_246 : vector<16xi32>
      %select_n3A_250 = arith.select %and3A_240, %sub3A_243, %add3A_249 : vector<16xi1>, vector<16xi32>
      %swap3A_251 = arith.constant 80 : index
      %swap3A_252 = tpu.vector_load %arg16[%swap3A_251] {strides = array<i32>} : memref<128xi32, #tpu.memory_space<vmem>>, vector<16xi32>,
      %swap3A_253 = vector.shape_cast %swap3A_252 : vector<16xi32> to vector<16xi32>
      %swap3A_254 = vector.shape_cast %select_n3A_250 : vector<16xi32> to vector<16xi32>
      tpu.vector_store %arg16[%swap3A_251], %swap3A_254 {strides = array<i32>} : memref<128xi32, #tpu.memory_space<vmem>>, vector<16xi32>,
      %get3A_255 = arith.constant 96 : index
      %get3A_256 = tpu.vector_load %arg14[%get3A_255] {strides = array<i32>} : memref<128xi32, #tpu.memory_space<vmem>>, vector<16xi32>,
      %get3A_257 = vector.shape_cast %get3A_256 : vector<16xi32> to vector<16xi32>
      %ge3A_258 = arith.constant 0 : i32
      %ge3A_259 = vector.broadcast %ge3A_258 : i32 to vector<16xi32>
      %ge3A_260 = arith.cmpi sge, %get3A_257, %ge3A_259 : vector<16xi32>
      %lt3A_261 = arith.constant 5376 : i32
      %lt3A_262 = vector.broadcast %lt3A_261 : i32 to vector<16xi32>
      %lt3A_263 = arith.cmpi slt, %get3A_257, %lt3A_262 : vector<16xi32>
      %and3A_264 = arith.andi %ge3A_260, %lt3A_263 : vector<16xi1>
      %sub3A_265 = arith.constant 0 : i32
      %sub3A_266 = vector.broadcast %sub3A_265 : i32 to vector<16xi32>
      %sub3A_267 = arith.subi %get3A_257, %sub3A_266 : vector<16xi32>
      %and3A_268 = arith.constant 127 : i32
      %and3A_269 = vector.broadcast %and3A_268 : i32 to vector<16xi32>
      %and3A_270 = arith.andi %get3A_257, %and3A_269 : vector<16xi32>
      %add3A_271 = arith.constant 5376 : i32
      %add3A_272 = vector.broadcast %add3A_271 : i32 to vector<16xi32>
      %add3A_273 = arith.addi %add3A_272, %and3A_270 : vector<16xi32>
      %select_n3A_274 = arith.select %and3A_264, %sub3A_267, %add3A_273 : vector<16xi1>, vector<16xi32>
      %swap3A_275 = arith.constant 96 : index
      %swap3A_276 = tpu.vector_load %arg16[%swap3A_275] {strides = array<i32>} : memref<128xi32, #tpu.memory_space<vmem>>, vector<16xi32>,
      %swap3A_277 = vector.shape_cast %swap3A_276 : vector<16xi32> to vector<16xi32>
      %swap3A_278 = vector.shape_cast %select_n3A_274 : vector<16xi32> to vector<16xi32>
      tpu.vector_store %arg16[%swap3A_275], %swap3A_278 {strides = array<i32>} : memref<128xi32, #tpu.memory_space<vmem>>, vector<16xi32>,
      %get3A_279 = arith.constant 112 : index
      %get3A_280 = tpu.vector_load %arg14[%get3A_279] {strides = array<i32>} : memref<128xi32, #tpu.memory_space<vmem>>, vector<16xi32>,
      %get3A_281 = vector.shape_cast %get3A_280 : vector<16xi32> to vector<16xi32>
      %ge3A_282 = arith.constant 0 : i32
      %ge3A_283 = vector.broadcast %ge3A_282 : i32 to vector<16xi32>
      %ge3A_284 = arith.cmpi sge, %get3A_281, %ge3A_283 : vector<16xi32>
      %lt3A_285 = arith.constant 5376 : i32
      %lt3A_286 = vector.broadcast %lt3A_285 : i32 to vector<16xi32>
      %lt3A_287 = arith.cmpi slt, %get3A_281, %lt3A_286 : vector<16xi32>
      %and3A_288 = arith.andi %ge3A_284, %lt3A_287 : vector<16xi1>
      %sub3A_289 = arith.constant 0 : i32
      %sub3A_290 = vector.broadcast %sub3A_289 : i32 to vector<16xi32>
      %sub3A_291 = arith.subi %get3A_281, %sub3A_290 : vector<16xi32>
      %and3A_292 = arith.constant 127 : i32
      %and3A_293 = vector.broadcast %and3A_292 : i32 to vector<16xi32>
      %and3A_294 = arith.andi %get3A_281, %and3A_293 : vector<16xi32>
      %add3A_295 = arith.constant 5376 : i32
      %add3A_296 = vector.broadcast %add3A_295 : i32 to vector<16xi32>
      %add3A_297 = arith.addi %add3A_296, %and3A_294 : vector<16xi32>
      %select_n3A_298 = arith.select %and3A_288, %sub3A_291, %add3A_297 : vector<16xi1>, vector<16xi32>
      %swap3A_299 = arith.constant 112 : index
      %swap3A_300 = tpu.vector_load %arg16[%swap3A_299] {strides = array<i32>} : memref<128xi32, #tpu.memory_space<vmem>>, vector<16xi32>,
      %swap3A_301 = vector.shape_cast %swap3A_300 : vector<16xi32> to vector<16xi32>
      %swap3A_302 = vector.shape_cast %select_n3A_298 : vector<16xi32> to vector<16xi32>
      tpu.vector_store %arg16[%swap3A_299], %swap3A_302 {strides = array<i32>} : memref<128xi32, #tpu.memory_space<vmem>>, vector<16xi32>,
      %eq3A_303 = arith.constant 0 : i32
      %eq3A_304 = arith.cmpi eq, %arg0, %eq3A_303 : i32
      %convert_element_type3A_305 = arith.extui %eq3A_304 : i1 to i32
      %cond3A_306 = arith.constant 0 : i32
      %cond3A_307 = arith.cmpi ne, %convert_element_type3A_305, %cond3A_306 : i32
      scf.if %cond3A_307 {
        %get3A_561 = arith.constant 0 : index
        %get3A_562 = tpu.vector_load %arg12[%get3A_561] {strides = array<i32>} : memref<128xi32, #tpu.memory_space<vmem>>, vector<16xi32>,
        %get3A_563 = vector.shape_cast %get3A_562 : vector<16xi32> to vector<16xi32>
        %get3A_564 = arith.constant 0 : index
        %get3A_565 = tpu.vector_load %arg14[%get3A_564] {strides = array<i32>} : memref<128xi32, #tpu.memory_space<vmem>>, vector<16xi32>,
        %get3A_566 = vector.shape_cast %get3A_565 : vector<16xi32> to vector<16xi32>
        %get3A_567 = arith.constant 0 : index
        %get3A_568 = tpu.vector_load %arg22[%get3A_567] {strides = array<i32>} : memref<128xf32, #tpu.memory_space<vmem>>, vector<16xf32>,
        %get3A_569 = vector.shape_cast %get3A_568 : vector<16xf32> to vector<16xf32>
        %ne3A = arith.cmpi ne, %get3A_563, %get3A_566 : vector<16xi32>
        %broadcast_in_dim3A = arith.constant 0.000000e+00 : f32
        %broadcast_in_dim3A_570 = vector.broadcast %broadcast_in_dim3A : f32 to vector<16xf32>
        %select_n3A_571 = arith.select %ne3A, %get3A_569, %broadcast_in_dim3A_570 : vector<16xi1>, vector<16xf32>
        %swap3A_572 = arith.constant 0 : index
        %swap3A_573 = tpu.vector_load %arg22[%swap3A_572] {strides = array<i32>} : memref<128xf32, #tpu.memory_space<vmem>>, vector<16xf32>,
        %swap3A_574 = vector.shape_cast %swap3A_573 : vector<16xf32> to vector<16xf32>
        %swap3A_575 = vector.shape_cast %select_n3A_571 : vector<16xf32> to vector<16xf32>
        tpu.vector_store %arg22[%swap3A_572], %swap3A_575 {strides = array<i32>} : memref<128xf32, #tpu.memory_space<vmem>>, vector<16xf32>,
        %swap3A_576 = arith.constant 0 : index
        %swap3A_577 = tpu.vector_load %arg18[%swap3A_576] {strides = array<i32>} : memref<128xi32, #tpu.memory_space<vmem>>, vector<16xi32>,
        %swap3A_578 = vector.shape_cast %swap3A_577 : vector<16xi32> to vector<16xi32>
        %swap3A_579 = vector.shape_cast %get3A_566 : vector<16xi32> to vector<16xi32>
        tpu.vector_store %arg18[%swap3A_576], %swap3A_579 {strides = array<i32>} : memref<128xi32, #tpu.memory_space<vmem>>, vector<16xi32>,
        %get3A_580 = arith.constant 16 : index
        %get3A_581 = tpu.vector_load %arg12[%get3A_580] {strides = array<i32>} : memref<128xi32, #tpu.memory_space<vmem>>, vector<16xi32>,
        %get3A_582 = vector.shape_cast %get3A_581 : vector<16xi32> to vector<16xi32>
        %get3A_583 = arith.constant 16 : index
        %get3A_584 = tpu.vector_load %arg14[%get3A_583] {strides = array<i32>} : memref<128xi32, #tpu.memory_space<vmem>>, vector<16xi32>,
        %get3A_585 = vector.shape_cast %get3A_584 : vector<16xi32> to vector<16xi32>
        %get3A_586 = arith.constant 16 : index
        %get3A_587 = tpu.vector_load %arg22[%get3A_586] {strides = array<i32>} : memref<128xf32, #tpu.memory_space<vmem>>, vector<16xf32>,
        %get3A_588 = vector.shape_cast %get3A_587 : vector<16xf32> to vector<16xf32>
        %ne3A_589 = arith.cmpi ne, %get3A_582, %get3A_585 : vector<16xi32>
        %broadcast_in_dim3A_590 = arith.constant 0.000000e+00 : f32
        %broadcast_in_dim3A_591 = vector.broadcast %broadcast_in_dim3A_590 : f32 to vector<16xf32>
        %select_n3A_592 = arith.select %ne3A_589, %get3A_588, %broadcast_in_dim3A_591 : vector<16xi1>, vector<16xf32>
        %swap3A_593 = arith.constant 16 : index
        %swap3A_594 = tpu.vector_load %arg22[%swap3A_593] {strides = array<i32>} : memref<128xf32, #tpu.memory_space<vmem>>, vector<16xf32>,
        %swap3A_595 = vector.shape_cast %swap3A_594 : vector<16xf32> to vector<16xf32>
        %swap3A_596 = vector.shape_cast %select_n3A_592 : vector<16xf32> to vector<16xf32>
        tpu.vector_store %arg22[%swap3A_593], %swap3A_596 {strides = array<i32>} : memref<128xf32, #tpu.memory_space<vmem>>, vector<16xf32>,
        %swap3A_597 = arith.constant 16 : index
        %swap3A_598 = tpu.vector_load %arg18[%swap3A_597] {strides = array<i32>} : memref<128xi32, #tpu.memory_space<vmem>>, vector<16xi32>,
        %swap3A_599 = vector.shape_cast %swap3A_598 : vector<16xi32> to vector<16xi32>
        %swap3A_600 = vector.shape_cast %get3A_585 : vector<16xi32> to vector<16xi32>
        tpu.vector_store %arg18[%swap3A_597], %swap3A_600 {strides = array<i32>} : memref<128xi32, #tpu.memory_space<vmem>>, vector<16xi32>,
        %get3A_601 = arith.constant 32 : index
        %get3A_602 = tpu.vector_load %arg12[%get3A_601] {strides = array<i32>} : memref<128xi32, #tpu.memory_space<vmem>>, vector<16xi32>,
        %get3A_603 = vector.shape_cast %get3A_602 : vector<16xi32> to vector<16xi32>
        %get3A_604 = arith.constant 32 : index
        %get3A_605 = tpu.vector_load %arg14[%get3A_604] {strides = array<i32>} : memref<128xi32, #tpu.memory_space<vmem>>, vector<16xi32>,
        %get3A_606 = vector.shape_cast %get3A_605 : vector<16xi32> to vector<16xi32>
        %get3A_607 = arith.constant 32 : index
        %get3A_608 = tpu.vector_load %arg22[%get3A_607] {strides = array<i32>} : memref<128xf32, #tpu.memory_space<vmem>>, vector<16xf32>,
        %get3A_609 = vector.shape_cast %get3A_608 : vector<16xf32> to vector<16xf32>
        %ne3A_610 = arith.cmpi ne, %get3A_603, %get3A_606 : vector<16xi32>
        %broadcast_in_dim3A_611 = arith.constant 0.000000e+00 : f32
        %broadcast_in_dim3A_612 = vector.broadcast %broadcast_in_dim3A_611 : f32 to vector<16xf32>
        %select_n3A_613 = arith.select %ne3A_610, %get3A_609, %broadcast_in_dim3A_612 : vector<16xi1>, vector<16xf32>
        %swap3A_614 = arith.constant 32 : index
        %swap3A_615 = tpu.vector_load %arg22[%swap3A_614] {strides = array<i32>} : memref<128xf32, #tpu.memory_space<vmem>>, vector<16xf32>,
        %swap3A_616 = vector.shape_cast %swap3A_615 : vector<16xf32> to vector<16xf32>
        %swap3A_617 = vector.shape_cast %select_n3A_613 : vector<16xf32> to vector<16xf32>
        tpu.vector_store %arg22[%swap3A_614], %swap3A_617 {strides = array<i32>} : memref<128xf32, #tpu.memory_space<vmem>>, vector<16xf32>,
        %swap3A_618 = arith.constant 32 : index
        %swap3A_619 = tpu.vector_load %arg18[%swap3A_618] {strides = array<i32>} : memref<128xi32, #tpu.memory_space<vmem>>, vector<16xi32>,
        %swap3A_620 = vector.shape_cast %swap3A_619 : vector<16xi32> to vector<16xi32>
        %swap3A_621 = vector.shape_cast %get3A_606 : vector<16xi32> to vector<16xi32>
        tpu.vector_store %arg18[%swap3A_618], %swap3A_621 {strides = array<i32>} : memref<128xi32, #tpu.memory_space<vmem>>, vector<16xi32>,
        %get3A_622 = arith.constant 48 : index
        %get3A_623 = tpu.vector_load %arg12[%get3A_622] {strides = array<i32>} : memref<128xi32, #tpu.memory_space<vmem>>, vector<16xi32>,
        %get3A_624 = vector.shape_cast %get3A_623 : vector<16xi32> to vector<16xi32>
        %get3A_625 = arith.constant 48 : index
        %get3A_626 = tpu.vector_load %arg14[%get3A_625] {strides = array<i32>} : memref<128xi32, #tpu.memory_space<vmem>>, vector<16xi32>,
        %get3A_627 = vector.shape_cast %get3A_626 : vector<16xi32> to vector<16xi32>
        %get3A_628 = arith.constant 48 : index
        %get3A_629 = tpu.vector_load %arg22[%get3A_628] {strides = array<i32>} : memref<128xf32, #tpu.memory_space<vmem>>, vector<16xf32>,
        %get3A_630 = vector.shape_cast %get3A_629 : vector<16xf32> to vector<16xf32>
        %ne3A_631 = arith.cmpi ne, %get3A_624, %get3A_627 : vector<16xi32>
        %broadcast_in_dim3A_632 = arith.constant 0.000000e+00 : f32
        %broadcast_in_dim3A_633 = vector.broadcast %broadcast_in_dim3A_632 : f32 to vector<16xf32>
        %select_n3A_634 = arith.select %ne3A_631, %get3A_630, %broadcast_in_dim3A_633 : vector<16xi1>, vector<16xf32>
        %swap3A_635 = arith.constant 48 : index
        %swap3A_636 = tpu.vector_load %arg22[%swap3A_635] {strides = array<i32>} : memref<128xf32, #tpu.memory_space<vmem>>, vector<16xf32>,
        %swap3A_637 = vector.shape_cast %swap3A_636 : vector<16xf32> to vector<16xf32>
        %swap3A_638 = vector.shape_cast %select_n3A_634 : vector<16xf32> to vector<16xf32>
        tpu.vector_store %arg22[%swap3A_635], %swap3A_638 {strides = array<i32>} : memref<128xf32, #tpu.memory_space<vmem>>, vector<16xf32>,
        %swap3A_639 = arith.constant 48 : index
        %swap3A_640 = tpu.vector_load %arg18[%swap3A_639] {strides = array<i32>} : memref<128xi32, #tpu.memory_space<vmem>>, vector<16xi32>,
        %swap3A_641 = vector.shape_cast %swap3A_640 : vector<16xi32> to vector<16xi32>
        %swap3A_642 = vector.shape_cast %get3A_627 : vector<16xi32> to vector<16xi32>
        tpu.vector_store %arg18[%swap3A_639], %swap3A_642 {strides = array<i32>} : memref<128xi32, #tpu.memory_space<vmem>>, vector<16xi32>,
        %get3A_643 = arith.constant 64 : index
        %get3A_644 = tpu.vector_load %arg12[%get3A_643] {strides = array<i32>} : memref<128xi32, #tpu.memory_space<vmem>>, vector<16xi32>,
        %get3A_645 = vector.shape_cast %get3A_644 : vector<16xi32> to vector<16xi32>
        %get3A_646 = arith.constant 64 : index
        %get3A_647 = tpu.vector_load %arg14[%get3A_646] {strides = array<i32>} : memref<128xi32, #tpu.memory_space<vmem>>, vector<16xi32>,
        %get3A_648 = vector.shape_cast %get3A_647 : vector<16xi32> to vector<16xi32>
        %get3A_649 = arith.constant 64 : index
        %get3A_650 = tpu.vector_load %arg22[%get3A_649] {strides = array<i32>} : memref<128xf32, #tpu.memory_space<vmem>>, vector<16xf32>,
        %get3A_651 = vector.shape_cast %get3A_650 : vector<16xf32> to vector<16xf32>
        %ne3A_652 = arith.cmpi ne, %get3A_645, %get3A_648 : vector<16xi32>
        %broadcast_in_dim3A_653 = arith.constant 0.000000e+00 : f32
        %broadcast_in_dim3A_654 = vector.broadcast %broadcast_in_dim3A_653 : f32 to vector<16xf32>
        %select_n3A_655 = arith.select %ne3A_652, %get3A_651, %broadcast_in_dim3A_654 : vector<16xi1>, vector<16xf32>
        %swap3A_656 = arith.constant 64 : index
        %swap3A_657 = tpu.vector_load %arg22[%swap3A_656] {strides = array<i32>} : memref<128xf32, #tpu.memory_space<vmem>>, vector<16xf32>,
        %swap3A_658 = vector.shape_cast %swap3A_657 : vector<16xf32> to vector<16xf32>
        %swap3A_659 = vector.shape_cast %select_n3A_655 : vector<16xf32> to vector<16xf32>
        tpu.vector_store %arg22[%swap3A_656], %swap3A_659 {strides = array<i32>} : memref<128xf32, #tpu.memory_space<vmem>>, vector<16xf32>,
        %swap3A_660 = arith.constant 64 : index
        %swap3A_661 = tpu.vector_load %arg18[%swap3A_660] {strides = array<i32>} : memref<128xi32, #tpu.memory_space<vmem>>, vector<16xi32>,
        %swap3A_662 = vector.shape_cast %swap3A_661 : vector<16xi32> to vector<16xi32>
        %swap3A_663 = vector.shape_cast %get3A_648 : vector<16xi32> to vector<16xi32>
        tpu.vector_store %arg18[%swap3A_660], %swap3A_663 {strides = array<i32>} : memref<128xi32, #tpu.memory_space<vmem>>, vector<16xi32>,
        %get3A_664 = arith.constant 80 : index
        %get3A_665 = tpu.vector_load %arg12[%get3A_664] {strides = array<i32>} : memref<128xi32, #tpu.memory_space<vmem>>, vector<16xi32>,
        %get3A_666 = vector.shape_cast %get3A_665 : vector<16xi32> to vector<16xi32>
        %get3A_667 = arith.constant 80 : index
        %get3A_668 = tpu.vector_load %arg14[%get3A_667] {strides = array<i32>} : memref<128xi32, #tpu.memory_space<vmem>>, vector<16xi32>,
        %get3A_669 = vector.shape_cast %get3A_668 : vector<16xi32> to vector<16xi32>
        %get3A_670 = arith.constant 80 : index
        %get3A_671 = tpu.vector_load %arg22[%get3A_670] {strides = array<i32>} : memref<128xf32, #tpu.memory_space<vmem>>, vector<16xf32>,
        %get3A_672 = vector.shape_cast %get3A_671 : vector<16xf32> to vector<16xf32>
        %ne3A_673 = arith.cmpi ne, %get3A_666, %get3A_669 : vector<16xi32>
        %broadcast_in_dim3A_674 = arith.constant 0.000000e+00 : f32
        %broadcast_in_dim3A_675 = vector.broadcast %broadcast_in_dim3A_674 : f32 to vector<16xf32>
        %select_n3A_676 = arith.select %ne3A_673, %get3A_672, %broadcast_in_dim3A_675 : vector<16xi1>, vector<16xf32>
        %swap3A_677 = arith.constant 80 : index
        %swap3A_678 = tpu.vector_load %arg22[%swap3A_677] {strides = array<i32>} : memref<128xf32, #tpu.memory_space<vmem>>, vector<16xf32>,
        %swap3A_679 = vector.shape_cast %swap3A_678 : vector<16xf32> to vector<16xf32>
        %swap3A_680 = vector.shape_cast %select_n3A_676 : vector<16xf32> to vector<16xf32>
        tpu.vector_store %arg22[%swap3A_677], %swap3A_680 {strides = array<i32>} : memref<128xf32, #tpu.memory_space<vmem>>, vector<16xf32>,
        %swap3A_681 = arith.constant 80 : index
        %swap3A_682 = tpu.vector_load %arg18[%swap3A_681] {strides = array<i32>} : memref<128xi32, #tpu.memory_space<vmem>>, vector<16xi32>,
        %swap3A_683 = vector.shape_cast %swap3A_682 : vector<16xi32> to vector<16xi32>
        %swap3A_684 = vector.shape_cast %get3A_669 : vector<16xi32> to vector<16xi32>
        tpu.vector_store %arg18[%swap3A_681], %swap3A_684 {strides = array<i32>} : memref<128xi32, #tpu.memory_space<vmem>>, vector<16xi32>,
        %get3A_685 = arith.constant 96 : index
        %get3A_686 = tpu.vector_load %arg12[%get3A_685] {strides = array<i32>} : memref<128xi32, #tpu.memory_space<vmem>>, vector<16xi32>,
        %get3A_687 = vector.shape_cast %get3A_686 : vector<16xi32> to vector<16xi32>
        %get3A_688 = arith.constant 96 : index
        %get3A_689 = tpu.vector_load %arg14[%get3A_688] {strides = array<i32>} : memref<128xi32, #tpu.memory_space<vmem>>, vector<16xi32>,
        %get3A_690 = vector.shape_cast %get3A_689 : vector<16xi32> to vector<16xi32>
        %get3A_691 = arith.constant 96 : index
        %get3A_692 = tpu.vector_load %arg22[%get3A_691] {strides = array<i32>} : memref<128xf32, #tpu.memory_space<vmem>>, vector<16xf32>,
        %get3A_693 = vector.shape_cast %get3A_692 : vector<16xf32> to vector<16xf32>
        %ne3A_694 = arith.cmpi ne, %get3A_687, %get3A_690 : vector<16xi32>
        %broadcast_in_dim3A_695 = arith.constant 0.000000e+00 : f32
        %broadcast_in_dim3A_696 = vector.broadcast %broadcast_in_dim3A_695 : f32 to vector<16xf32>
        %select_n3A_697 = arith.select %ne3A_694, %get3A_693, %broadcast_in_dim3A_696 : vector<16xi1>, vector<16xf32>
        %swap3A_698 = arith.constant 96 : index
        %swap3A_699 = tpu.vector_load %arg22[%swap3A_698] {strides = array<i32>} : memref<128xf32, #tpu.memory_space<vmem>>, vector<16xf32>,
        %swap3A_700 = vector.shape_cast %swap3A_699 : vector<16xf32> to vector<16xf32>
        %swap3A_701 = vector.shape_cast %select_n3A_697 : vector<16xf32> to vector<16xf32>
        tpu.vector_store %arg22[%swap3A_698], %swap3A_701 {strides = array<i32>} : memref<128xf32, #tpu.memory_space<vmem>>, vector<16xf32>,
        %swap3A_702 = arith.constant 96 : index
        %swap3A_703 = tpu.vector_load %arg18[%swap3A_702] {strides = array<i32>} : memref<128xi32, #tpu.memory_space<vmem>>, vector<16xi32>,
        %swap3A_704 = vector.shape_cast %swap3A_703 : vector<16xi32> to vector<16xi32>
        %swap3A_705 = vector.shape_cast %get3A_690 : vector<16xi32> to vector<16xi32>
        tpu.vector_store %arg18[%swap3A_702], %swap3A_705 {strides = array<i32>} : memref<128xi32, #tpu.memory_space<vmem>>, vector<16xi32>,
        %get3A_706 = arith.constant 112 : index
        %get3A_707 = tpu.vector_load %arg12[%get3A_706] {strides = array<i32>} : memref<128xi32, #tpu.memory_space<vmem>>, vector<16xi32>,
        %get3A_708 = vector.shape_cast %get3A_707 : vector<16xi32> to vector<16xi32>
        %get3A_709 = arith.constant 112 : index
        %get3A_710 = tpu.vector_load %arg14[%get3A_709] {strides = array<i32>} : memref<128xi32, #tpu.memory_space<vmem>>, vector<16xi32>,
        %get3A_711 = vector.shape_cast %get3A_710 : vector<16xi32> to vector<16xi32>
        %get3A_712 = arith.constant 112 : index
        %get3A_713 = tpu.vector_load %arg22[%get3A_712] {strides = array<i32>} : memref<128xf32, #tpu.memory_space<vmem>>, vector<16xf32>,
        %get3A_714 = vector.shape_cast %get3A_713 : vector<16xf32> to vector<16xf32>
        %ne3A_715 = arith.cmpi ne, %get3A_708, %get3A_711 : vector<16xi32>
        %broadcast_in_dim3A_716 = arith.constant 0.000000e+00 : f32
        %broadcast_in_dim3A_717 = vector.broadcast %broadcast_in_dim3A_716 : f32 to vector<16xf32>
        %select_n3A_718 = arith.select %ne3A_715, %get3A_714, %broadcast_in_dim3A_717 : vector<16xi1>, vector<16xf32>
        %swap3A_719 = arith.constant 112 : index
        %swap3A_720 = tpu.vector_load %arg22[%swap3A_719] {strides = array<i32>} : memref<128xf32, #tpu.memory_space<vmem>>, vector<16xf32>,
        %swap3A_721 = vector.shape_cast %swap3A_720 : vector<16xf32> to vector<16xf32>
        %swap3A_722 = vector.shape_cast %select_n3A_718 : vector<16xf32> to vector<16xf32>
        tpu.vector_store %arg22[%swap3A_719], %swap3A_722 {strides = array<i32>} : memref<128xf32, #tpu.memory_space<vmem>>, vector<16xf32>,
        %swap3A_723 = arith.constant 112 : index
        %swap3A_724 = tpu.vector_load %arg18[%swap3A_723] {strides = array<i32>} : memref<128xi32, #tpu.memory_space<vmem>>, vector<16xi32>,
        %swap3A_725 = vector.shape_cast %swap3A_724 : vector<16xi32> to vector<16xi32>
        %swap3A_726 = vector.shape_cast %get3A_711 : vector<16xi32> to vector<16xi32>
        tpu.vector_store %arg18[%swap3A_723], %swap3A_726 {strides = array<i32>} : memref<128xi32, #tpu.memory_space<vmem>>, vector<16xi32>,
      } else {
      }
      %add3A_308 = arith.constant 2 : i32
      %add3A_309 = arith.addi %mul3A_95, %add3A_308 : i32
      %lt3A_310 = arith.constant 160 : i32
      %lt3A_311 = arith.cmpi slt, %add3A_309, %lt3A_310 : i32
      %convert_element_type3A_312 = arith.extui %lt3A_311 : i1 to i32
      %cond3A_313 = arith.constant 0 : i32
      %cond3A_314 = arith.cmpi ne, %convert_element_type3A_312, %cond3A_313 : i32
      scf.if %cond3A_314 {
        %add3A_561 = arith.constant 2 : i32
        %add3A_562 = arith.addi %mul3A_95, %add3A_561 : i32
        %mul3A_563 = arith.constant 128 : i32
        %mul3A_564 = arith.muli %add3A_562, %mul3A_563 : i32
        %add3A_565 = arith.addi %mul3A_2, %mul3A_564 : i32
        %dma_start3A_566 = tpu.memref_slice %arg2[%add3A_565] : memref<327680xi32, #tpu.memory_space<hbm>> -> memref<128xi32, #tpu.memory_space<hbm>>
        %dma_start3A_567 = tpu.memref_slice %arg2[%add3A_565] : memref<327680xi32, #tpu.memory_space<hbm>> -> memref<128xi32, #tpu.memory_space<hbm>>
        tpu.enqueue_dma source(%dma_start3A_567 : memref<128xi32, #tpu.memory_space<hbm>>) target(%arg12 : memref<128xi32, #tpu.memory_space<vmem>>) target_semaphore(%arg30 : memref<!tpu.dma_semaphore, #tpu.memory_space<semaphore_mem>>)
        %dma_start3A_568 = tpu.memref_slice %arg3[%add3A_565] : memref<327680xi32, #tpu.memory_space<hbm>> -> memref<128xi32, #tpu.memory_space<hbm>>
        %dma_start3A_569 = tpu.memref_slice %arg3[%add3A_565] : memref<327680xi32, #tpu.memory_space<hbm>> -> memref<128xi32, #tpu.memory_space<hbm>>
        tpu.enqueue_dma source(%dma_start3A_569 : memref<128xi32, #tpu.memory_space<hbm>>) target(%arg14 : memref<128xi32, #tpu.memory_space<vmem>>) target_semaphore(%arg30 : memref<!tpu.dma_semaphore, #tpu.memory_space<semaphore_mem>>)
      } else {
      }
      %dma_start3A_315 = arith.constant 0 : i32
      %dma_start3A_316 = arith.constant 0 : i32
      %dma_start3A_317 = tpu.memref_slice %arg26[%dma_start3A_315, %dma_start3A_316] : memref<5504x128xf32, #tpu.memory_space<vmem_shared>> -> memref<5504x128xf32, #tpu.memory_space<vmem_shared>>
      tpu.enqueue_indirect_dma source(%arg20 : memref<128x128xf32, #tpu.memory_space<vmem>>) target(%dma_start3A_317 : memref<5504x128xf32, #tpu.memory_space<vmem_shared>>) offsets(%arg16 : memref<128xi32, #tpu.memory_space<vmem>>) semaphore(%arg32 : memref<!tpu.dma_semaphore, #tpu.memory_space<semaphore_mem>>) {add = true}
      %eq3A_318 = arith.constant 0 : i32
      %eq3A_319 = arith.cmpi eq, %arg0, %eq3A_318 : i32
      %convert_element_type3A_320 = arith.extui %eq3A_319 : i1 to i32
      %cond3A_321 = arith.constant 0 : i32
      %cond3A_322 = arith.cmpi ne, %convert_element_type3A_320, %cond3A_321 : i32
      scf.if %cond3A_322 {
        %dma_start3A_561 = arith.constant 0 : i32
        %dma_start3A_562 = tpu.memref_slice %arg27[%dma_start3A_561] : memref<10752xf32, #tpu.memory_space<vmem_shared>> -> memref<10752xf32, #tpu.memory_space<vmem_shared>>
        tpu.enqueue_indirect_dma source(%arg22 : memref<128xf32, #tpu.memory_space<vmem>>) target(%dma_start3A_562 : memref<10752xf32, #tpu.memory_space<vmem_shared>>) offsets(%arg18 : memref<128xi32, #tpu.memory_space<vmem>>) semaphore(%arg36 : memref<!tpu.dma_semaphore, #tpu.memory_space<semaphore_mem>>) {add = true}
      } else {
      }
      %mul3A_323 = arith.constant 2 : i32
      %mul3A_324 = arith.muli %mul3A_323, %scan3A_93 : i32
      %add3A_325 = arith.constant 1 : i32
      %add3A_326 = arith.addi %mul3A_324, %add3A_325 : i32
      %ge3A_327 = arith.constant 1 : i32
      %ge3A_328 = arith.cmpi sge, %add3A_326, %ge3A_327 : i32
      %convert_element_type3A_329 = arith.extui %ge3A_328 : i1 to i32
      %cond3A_330 = arith.constant 0 : i32
      %cond3A_331 = arith.cmpi ne, %convert_element_type3A_329, %cond3A_330 : i32
      scf.if %cond3A_331 {
        %dma_wait3A_561 = arith.constant 0 : i32
        %dma_wait3A_562 = arith.constant 0 : i32
        %dma_wait3A_563 = tpu.memref_slice %arg26[%dma_wait3A_561, %dma_wait3A_562] : memref<5504x128xf32, #tpu.memory_space<vmem_shared>> -> memref<5504x128xf32, #tpu.memory_space<vmem_shared>>
        tpu.wait_indirect_dma semaphore(%arg32 : memref<!tpu.dma_semaphore, #tpu.memory_space<semaphore_mem>>) src(%arg20 : memref<128x128xf32, #tpu.memory_space<vmem>>) dst(%dma_wait3A_563 : memref<5504x128xf32, #tpu.memory_space<vmem_shared>>)
        %eq3A_564 = arith.constant 0 : i32
        %eq3A_565 = arith.cmpi eq, %arg0, %eq3A_564 : i32
        %convert_element_type3A_566 = arith.extui %eq3A_565 : i1 to i32
        %cond3A_567 = arith.constant 0 : i32
        %cond3A_568 = arith.cmpi ne, %convert_element_type3A_566, %cond3A_567 : i32
        scf.if %cond3A_568 {
          %dma_wait3A_569 = arith.constant 0 : i32
          %dma_wait3A_570 = tpu.memref_slice %arg27[%dma_wait3A_569] : memref<10752xf32, #tpu.memory_space<vmem_shared>> -> memref<10752xf32, #tpu.memory_space<vmem_shared>>
          tpu.wait_indirect_dma semaphore(%arg36 : memref<!tpu.dma_semaphore, #tpu.memory_space<semaphore_mem>>) src(%arg22 : memref<128xf32, #tpu.memory_space<vmem>>) dst(%dma_wait3A_570 : memref<10752xf32, #tpu.memory_space<vmem_shared>>)
        } else {
        }
      } else {
      }
      %add3A_332 = arith.constant 1 : i32
      %add3A_333 = arith.addi %add3A_326, %add3A_332 : i32
      %lt3A_334 = arith.constant 160 : i32
      %lt3A_335 = arith.cmpi slt, %add3A_333, %lt3A_334 : i32
      %convert_element_type3A_336 = arith.extui %lt3A_335 : i1 to i32
      %cond3A_337 = arith.constant 0 : i32
      %cond3A_338 = arith.cmpi ne, %convert_element_type3A_336, %cond3A_337 : i32
      scf.if %cond3A_338 {
        %add3A_561 = arith.constant 1 : i32
        %add3A_562 = arith.addi %add3A_326, %add3A_561 : i32
        %mul3A_563 = arith.constant 128 : i32
        %mul3A_564 = arith.muli %add3A_562, %mul3A_563 : i32
        %add3A_565 = arith.addi %mul3A_2, %mul3A_564 : i32
        %dma_wait3A_566 = tpu.memref_slice %arg2[%add3A_565] : memref<327680xi32, #tpu.memory_space<hbm>> -> memref<128xi32, #tpu.memory_space<hbm>>
        %dma_wait3A_567 = tpu.memref_slice %arg2[%add3A_565] : memref<327680xi32, #tpu.memory_space<hbm>> -> memref<128xi32, #tpu.memory_space<hbm>>
        tpu.wait_dma2 semaphore(%arg30 : memref<!tpu.dma_semaphore, #tpu.memory_space<semaphore_mem>>) src(%dma_wait3A_567 : memref<128xi32, #tpu.memory_space<hbm>>) dst(%arg12 : memref<128xi32, #tpu.memory_space<vmem>>)
        %dma_wait3A_568 = tpu.memref_slice %arg3[%add3A_565] : memref<327680xi32, #tpu.memory_space<hbm>> -> memref<128xi32, #tpu.memory_space<hbm>>
        %dma_wait3A_569 = tpu.memref_slice %arg3[%add3A_565] : memref<327680xi32, #tpu.memory_space<hbm>> -> memref<128xi32, #tpu.memory_space<hbm>>
        tpu.wait_dma2 semaphore(%arg30 : memref<!tpu.dma_semaphore, #tpu.memory_space<semaphore_mem>>) src(%dma_wait3A_569 : memref<128xi32, #tpu.memory_space<hbm>>) dst(%arg14 : memref<128xi32, #tpu.memory_space<vmem>>)
        %eq3A_570 = arith.constant 0 : i32
        %eq3A_571 = arith.cmpi eq, %arg0, %eq3A_570 : i32
        %convert_element_type3A_572 = arith.extui %eq3A_571 : i1 to i32
        %cond3A_573 = arith.constant 0 : i32
        %cond3A_574 = arith.cmpi ne, %convert_element_type3A_572, %cond3A_573 : i32
        scf.if %cond3A_574 {
          %dma_start3A_580 = arith.constant 0 : i32
          %dma_start3A_581 = arith.constant 0 : i32
          %dma_start3A_582 = tpu.memref_slice %arg4[%dma_start3A_580, %dma_start3A_581] : memref<10752x128xf32, #tpu.memory_space<hbm>> -> memref<10752x128xf32, #tpu.memory_space<hbm>>
          tpu.enqueue_indirect_dma source(%dma_start3A_582 : memref<10752x128xf32, #tpu.memory_space<hbm>>) target(%arg20 : memref<128x128xf32, #tpu.memory_space<vmem>>) offsets(%arg12 : memref<128xi32, #tpu.memory_space<vmem>>) semaphore(%arg28 : memref<!tpu.dma_semaphore, #tpu.memory_space<semaphore_mem>>)
          %dma_start3A_583 = arith.constant 0 : i32
          %dma_start3A_584 = tpu.memref_slice %arg6[%dma_start3A_583] : memref<10752xf32, #tpu.memory_space<hbm>> -> memref<10752xf32, #tpu.memory_space<hbm>>
          tpu.enqueue_indirect_dma source(%dma_start3A_584 : memref<10752xf32, #tpu.memory_space<hbm>>) target(%arg22 : memref<128xf32, #tpu.memory_space<vmem>>) offsets(%arg12 : memref<128xi32, #tpu.memory_space<vmem>>) semaphore(%arg34 : memref<!tpu.dma_semaphore, #tpu.memory_space<semaphore_mem>>)
        } else {
        }
        %eq3A_575 = arith.constant 1 : i32
        %eq3A_576 = arith.cmpi eq, %arg0, %eq3A_575 : i32
        %convert_element_type3A_577 = arith.extui %eq3A_576 : i1 to i32
        %cond3A_578 = arith.constant 0 : i32
        %cond3A_579 = arith.cmpi ne, %convert_element_type3A_577, %cond3A_578 : i32
        scf.if %cond3A_579 {
          %dma_start3A_580 = arith.constant 0 : i32
          %dma_start3A_581 = arith.constant 0 : i32
          %dma_start3A_582 = tpu.memref_slice %arg5[%dma_start3A_580, %dma_start3A_581] : memref<10752x128xf32, #tpu.memory_space<hbm>> -> memref<10752x128xf32, #tpu.memory_space<hbm>>
          tpu.enqueue_indirect_dma source(%dma_start3A_582 : memref<10752x128xf32, #tpu.memory_space<hbm>>) target(%arg20 : memref<128x128xf32, #tpu.memory_space<vmem>>) offsets(%arg12 : memref<128xi32, #tpu.memory_space<vmem>>) semaphore(%arg28 : memref<!tpu.dma_semaphore, #tpu.memory_space<semaphore_mem>>)
        } else {
        }
      } else {
      }
      %eq3A_339 = arith.constant 0 : i32
      %eq3A_340 = arith.cmpi eq, %arg0, %eq3A_339 : i32
      %convert_element_type3A_341 = arith.extui %eq3A_340 : i1 to i32
      %cond3A_342 = arith.constant 0 : i32
      %cond3A_343 = arith.cmpi ne, %convert_element_type3A_341, %cond3A_342 : i32
      scf.if %cond3A_343 {
        %dma_wait3A_561 = arith.constant 0 : i32
        %dma_wait3A_562 = arith.constant 0 : i32
        %dma_wait3A_563 = tpu.memref_slice %arg4[%dma_wait3A_561, %dma_wait3A_562] : memref<10752x128xf32, #tpu.memory_space<hbm>> -> memref<10752x128xf32, #tpu.memory_space<hbm>>
        tpu.wait_indirect_dma semaphore(%arg29 : memref<!tpu.dma_semaphore, #tpu.memory_space<semaphore_mem>>) src(%dma_wait3A_563 : memref<10752x128xf32, #tpu.memory_space<hbm>>) dst(%arg21 : memref<128x128xf32, #tpu.memory_space<vmem>>)
        %dma_wait3A_564 = arith.constant 0 : i32
        %dma_wait3A_565 = tpu.memref_slice %arg6[%dma_wait3A_564] : memref<10752xf32, #tpu.memory_space<hbm>> -> memref<10752xf32, #tpu.memory_space<hbm>>
        tpu.wait_indirect_dma semaphore(%arg35 : memref<!tpu.dma_semaphore, #tpu.memory_space<semaphore_mem>>) src(%dma_wait3A_565 : memref<10752xf32, #tpu.memory_space<hbm>>) dst(%arg23 : memref<128xf32, #tpu.memory_space<vmem>>)
      } else {
      }
      %eq3A_344 = arith.constant 1 : i32
      %eq3A_345 = arith.cmpi eq, %arg0, %eq3A_344 : i32
      %convert_element_type3A_346 = arith.extui %eq3A_345 : i1 to i32
      %cond3A_347 = arith.constant 0 : i32
      %cond3A_348 = arith.cmpi ne, %convert_element_type3A_346, %cond3A_347 : i32
      scf.if %cond3A_348 {
        %dma_wait3A_561 = arith.constant 0 : i32
        %dma_wait3A_562 = arith.constant 0 : i32
        %dma_wait3A_563 = tpu.memref_slice %arg5[%dma_wait3A_561, %dma_wait3A_562] : memref<10752x128xf32, #tpu.memory_space<hbm>> -> memref<10752x128xf32, #tpu.memory_space<hbm>>
        tpu.wait_indirect_dma semaphore(%arg29 : memref<!tpu.dma_semaphore, #tpu.memory_space<semaphore_mem>>) src(%dma_wait3A_563 : memref<10752x128xf32, #tpu.memory_space<hbm>>) dst(%arg21 : memref<128x128xf32, #tpu.memory_space<vmem>>)
      } else {
      }
      %get3A_349 = arith.constant 0 : index
      %get3A_350 = tpu.vector_load %arg15[%get3A_349] {strides = array<i32>} : memref<128xi32, #tpu.memory_space<vmem>>, vector<16xi32>,
      %get3A_351 = vector.shape_cast %get3A_350 : vector<16xi32> to vector<16xi32>
      %ge3A_352 = arith.constant 0 : i32
      %ge3A_353 = vector.broadcast %ge3A_352 : i32 to vector<16xi32>
      %ge3A_354 = arith.cmpi sge, %get3A_351, %ge3A_353 : vector<16xi32>
      %lt3A_355 = arith.constant 5376 : i32
      %lt3A_356 = vector.broadcast %lt3A_355 : i32 to vector<16xi32>
      %lt3A_357 = arith.cmpi slt, %get3A_351, %lt3A_356 : vector<16xi32>
      %and3A_358 = arith.andi %ge3A_354, %lt3A_357 : vector<16xi1>
      %sub3A_359 = arith.constant 0 : i32
      %sub3A_360 = vector.broadcast %sub3A_359 : i32 to vector<16xi32>
      %sub3A_361 = arith.subi %get3A_351, %sub3A_360 : vector<16xi32>
      %and3A_362 = arith.constant 127 : i32
      %and3A_363 = vector.broadcast %and3A_362 : i32 to vector<16xi32>
      %and3A_364 = arith.andi %get3A_351, %and3A_363 : vector<16xi32>
      %add3A_365 = arith.constant 5376 : i32
      %add3A_366 = vector.broadcast %add3A_365 : i32 to vector<16xi32>
      %add3A_367 = arith.addi %add3A_366, %and3A_364 : vector<16xi32>
      %select_n3A_368 = arith.select %and3A_358, %sub3A_361, %add3A_367 : vector<16xi1>, vector<16xi32>
      %swap3A_369 = arith.constant 0 : index
      %swap3A_370 = tpu.vector_load %arg17[%swap3A_369] {strides = array<i32>} : memref<128xi32, #tpu.memory_space<vmem>>, vector<16xi32>,
      %swap3A_371 = vector.shape_cast %swap3A_370 : vector<16xi32> to vector<16xi32>
      %swap3A_372 = vector.shape_cast %select_n3A_368 : vector<16xi32> to vector<16xi32>
      tpu.vector_store %arg17[%swap3A_369], %swap3A_372 {strides = array<i32>} : memref<128xi32, #tpu.memory_space<vmem>>, vector<16xi32>,
      %get3A_373 = arith.constant 16 : index
      %get3A_374 = tpu.vector_load %arg15[%get3A_373] {strides = array<i32>} : memref<128xi32, #tpu.memory_space<vmem>>, vector<16xi32>,
      %get3A_375 = vector.shape_cast %get3A_374 : vector<16xi32> to vector<16xi32>
      %ge3A_376 = arith.constant 0 : i32
      %ge3A_377 = vector.broadcast %ge3A_376 : i32 to vector<16xi32>
      %ge3A_378 = arith.cmpi sge, %get3A_375, %ge3A_377 : vector<16xi32>
      %lt3A_379 = arith.constant 5376 : i32
      %lt3A_380 = vector.broadcast %lt3A_379 : i32 to vector<16xi32>
      %lt3A_381 = arith.cmpi slt, %get3A_375, %lt3A_380 : vector<16xi32>
      %and3A_382 = arith.andi %ge3A_378, %lt3A_381 : vector<16xi1>
      %sub3A_383 = arith.constant 0 : i32
      %sub3A_384 = vector.broadcast %sub3A_383 : i32 to vector<16xi32>
      %sub3A_385 = arith.subi %get3A_375, %sub3A_384 : vector<16xi32>
      %and3A_386 = arith.constant 127 : i32
      %and3A_387 = vector.broadcast %and3A_386 : i32 to vector<16xi32>
      %and3A_388 = arith.andi %get3A_375, %and3A_387 : vector<16xi32>
      %add3A_389 = arith.constant 5376 : i32
      %add3A_390 = vector.broadcast %add3A_389 : i32 to vector<16xi32>
      %add3A_391 = arith.addi %add3A_390, %and3A_388 : vector<16xi32>
      %select_n3A_392 = arith.select %and3A_382, %sub3A_385, %add3A_391 : vector<16xi1>, vector<16xi32>
      %swap3A_393 = arith.constant 16 : index
      %swap3A_394 = tpu.vector_load %arg17[%swap3A_393] {strides = array<i32>} : memref<128xi32, #tpu.memory_space<vmem>>, vector<16xi32>,
      %swap3A_395 = vector.shape_cast %swap3A_394 : vector<16xi32> to vector<16xi32>
      %swap3A_396 = vector.shape_cast %select_n3A_392 : vector<16xi32> to vector<16xi32>
      tpu.vector_store %arg17[%swap3A_393], %swap3A_396 {strides = array<i32>} : memref<128xi32, #tpu.memory_space<vmem>>, vector<16xi32>,
      %get3A_397 = arith.constant 32 : index
      %get3A_398 = tpu.vector_load %arg15[%get3A_397] {strides = array<i32>} : memref<128xi32, #tpu.memory_space<vmem>>, vector<16xi32>,
      %get3A_399 = vector.shape_cast %get3A_398 : vector<16xi32> to vector<16xi32>
      %ge3A_400 = arith.constant 0 : i32
      %ge3A_401 = vector.broadcast %ge3A_400 : i32 to vector<16xi32>
      %ge3A_402 = arith.cmpi sge, %get3A_399, %ge3A_401 : vector<16xi32>
      %lt3A_403 = arith.constant 5376 : i32
      %lt3A_404 = vector.broadcast %lt3A_403 : i32 to vector<16xi32>
      %lt3A_405 = arith.cmpi slt, %get3A_399, %lt3A_404 : vector<16xi32>
      %and3A_406 = arith.andi %ge3A_402, %lt3A_405 : vector<16xi1>
      %sub3A_407 = arith.constant 0 : i32
      %sub3A_408 = vector.broadcast %sub3A_407 : i32 to vector<16xi32>
      %sub3A_409 = arith.subi %get3A_399, %sub3A_408 : vector<16xi32>
      %and3A_410 = arith.constant 127 : i32
      %and3A_411 = vector.broadcast %and3A_410 : i32 to vector<16xi32>
      %and3A_412 = arith.andi %get3A_399, %and3A_411 : vector<16xi32>
      %add3A_413 = arith.constant 5376 : i32
      %add3A_414 = vector.broadcast %add3A_413 : i32 to vector<16xi32>
      %add3A_415 = arith.addi %add3A_414, %and3A_412 : vector<16xi32>
      %select_n3A_416 = arith.select %and3A_406, %sub3A_409, %add3A_415 : vector<16xi1>, vector<16xi32>
      %swap3A_417 = arith.constant 32 : index
      %swap3A_418 = tpu.vector_load %arg17[%swap3A_417] {strides = array<i32>} : memref<128xi32, #tpu.memory_space<vmem>>, vector<16xi32>,
      %swap3A_419 = vector.shape_cast %swap3A_418 : vector<16xi32> to vector<16xi32>
      %swap3A_420 = vector.shape_cast %select_n3A_416 : vector<16xi32> to vector<16xi32>
      tpu.vector_store %arg17[%swap3A_417], %swap3A_420 {strides = array<i32>} : memref<128xi32, #tpu.memory_space<vmem>>, vector<16xi32>,
      %get3A_421 = arith.constant 48 : index
      %get3A_422 = tpu.vector_load %arg15[%get3A_421] {strides = array<i32>} : memref<128xi32, #tpu.memory_space<vmem>>, vector<16xi32>,
      %get3A_423 = vector.shape_cast %get3A_422 : vector<16xi32> to vector<16xi32>
      %ge3A_424 = arith.constant 0 : i32
      %ge3A_425 = vector.broadcast %ge3A_424 : i32 to vector<16xi32>
      %ge3A_426 = arith.cmpi sge, %get3A_423, %ge3A_425 : vector<16xi32>
      %lt3A_427 = arith.constant 5376 : i32
      %lt3A_428 = vector.broadcast %lt3A_427 : i32 to vector<16xi32>
      %lt3A_429 = arith.cmpi slt, %get3A_423, %lt3A_428 : vector<16xi32>
      %and3A_430 = arith.andi %ge3A_426, %lt3A_429 : vector<16xi1>
      %sub3A_431 = arith.constant 0 : i32
      %sub3A_432 = vector.broadcast %sub3A_431 : i32 to vector<16xi32>
      %sub3A_433 = arith.subi %get3A_423, %sub3A_432 : vector<16xi32>
      %and3A_434 = arith.constant 127 : i32
      %and3A_435 = vector.broadcast %and3A_434 : i32 to vector<16xi32>
      %and3A_436 = arith.andi %get3A_423, %and3A_435 : vector<16xi32>
      %add3A_437 = arith.constant 5376 : i32
      %add3A_438 = vector.broadcast %add3A_437 : i32 to vector<16xi32>
      %add3A_439 = arith.addi %add3A_438, %and3A_436 : vector<16xi32>
      %select_n3A_440 = arith.select %and3A_430, %sub3A_433, %add3A_439 : vector<16xi1>, vector<16xi32>
      %swap3A_441 = arith.constant 48 : index
      %swap3A_442 = tpu.vector_load %arg17[%swap3A_441] {strides = array<i32>} : memref<128xi32, #tpu.memory_space<vmem>>, vector<16xi32>,
      %swap3A_443 = vector.shape_cast %swap3A_442 : vector<16xi32> to vector<16xi32>
      %swap3A_444 = vector.shape_cast %select_n3A_440 : vector<16xi32> to vector<16xi32>
      tpu.vector_store %arg17[%swap3A_441], %swap3A_444 {strides = array<i32>} : memref<128xi32, #tpu.memory_space<vmem>>, vector<16xi32>,
      %get3A_445 = arith.constant 64 : index
      %get3A_446 = tpu.vector_load %arg15[%get3A_445] {strides = array<i32>} : memref<128xi32, #tpu.memory_space<vmem>>, vector<16xi32>,
      %get3A_447 = vector.shape_cast %get3A_446 : vector<16xi32> to vector<16xi32>
      %ge3A_448 = arith.constant 0 : i32
      %ge3A_449 = vector.broadcast %ge3A_448 : i32 to vector<16xi32>
      %ge3A_450 = arith.cmpi sge, %get3A_447, %ge3A_449 : vector<16xi32>
      %lt3A_451 = arith.constant 5376 : i32
      %lt3A_452 = vector.broadcast %lt3A_451 : i32 to vector<16xi32>
      %lt3A_453 = arith.cmpi slt, %get3A_447, %lt3A_452 : vector<16xi32>
      %and3A_454 = arith.andi %ge3A_450, %lt3A_453 : vector<16xi1>
      %sub3A_455 = arith.constant 0 : i32
      %sub3A_456 = vector.broadcast %sub3A_455 : i32 to vector<16xi32>
      %sub3A_457 = arith.subi %get3A_447, %sub3A_456 : vector<16xi32>
      %and3A_458 = arith.constant 127 : i32
      %and3A_459 = vector.broadcast %and3A_458 : i32 to vector<16xi32>
      %and3A_460 = arith.andi %get3A_447, %and3A_459 : vector<16xi32>
      %add3A_461 = arith.constant 5376 : i32
      %add3A_462 = vector.broadcast %add3A_461 : i32 to vector<16xi32>
      %add3A_463 = arith.addi %add3A_462, %and3A_460 : vector<16xi32>
      %select_n3A_464 = arith.select %and3A_454, %sub3A_457, %add3A_463 : vector<16xi1>, vector<16xi32>
      %swap3A_465 = arith.constant 64 : index
      %swap3A_466 = tpu.vector_load %arg17[%swap3A_465] {strides = array<i32>} : memref<128xi32, #tpu.memory_space<vmem>>, vector<16xi32>,
      %swap3A_467 = vector.shape_cast %swap3A_466 : vector<16xi32> to vector<16xi32>
      %swap3A_468 = vector.shape_cast %select_n3A_464 : vector<16xi32> to vector<16xi32>
      tpu.vector_store %arg17[%swap3A_465], %swap3A_468 {strides = array<i32>} : memref<128xi32, #tpu.memory_space<vmem>>, vector<16xi32>,
      %get3A_469 = arith.constant 80 : index
      %get3A_470 = tpu.vector_load %arg15[%get3A_469] {strides = array<i32>} : memref<128xi32, #tpu.memory_space<vmem>>, vector<16xi32>,
      %get3A_471 = vector.shape_cast %get3A_470 : vector<16xi32> to vector<16xi32>
      %ge3A_472 = arith.constant 0 : i32
      %ge3A_473 = vector.broadcast %ge3A_472 : i32 to vector<16xi32>
      %ge3A_474 = arith.cmpi sge, %get3A_471, %ge3A_473 : vector<16xi32>
      %lt3A_475 = arith.constant 5376 : i32
      %lt3A_476 = vector.broadcast %lt3A_475 : i32 to vector<16xi32>
      %lt3A_477 = arith.cmpi slt, %get3A_471, %lt3A_476 : vector<16xi32>
      %and3A_478 = arith.andi %ge3A_474, %lt3A_477 : vector<16xi1>
      %sub3A_479 = arith.constant 0 : i32
      %sub3A_480 = vector.broadcast %sub3A_479 : i32 to vector<16xi32>
      %sub3A_481 = arith.subi %get3A_471, %sub3A_480 : vector<16xi32>
      %and3A_482 = arith.constant 127 : i32
      %and3A_483 = vector.broadcast %and3A_482 : i32 to vector<16xi32>
      %and3A_484 = arith.andi %get3A_471, %and3A_483 : vector<16xi32>
      %add3A_485 = arith.constant 5376 : i32
      %add3A_486 = vector.broadcast %add3A_485 : i32 to vector<16xi32>
      %add3A_487 = arith.addi %add3A_486, %and3A_484 : vector<16xi32>
      %select_n3A_488 = arith.select %and3A_478, %sub3A_481, %add3A_487 : vector<16xi1>, vector<16xi32>
      %swap3A_489 = arith.constant 80 : index
      %swap3A_490 = tpu.vector_load %arg17[%swap3A_489] {strides = array<i32>} : memref<128xi32, #tpu.memory_space<vmem>>, vector<16xi32>,
      %swap3A_491 = vector.shape_cast %swap3A_490 : vector<16xi32> to vector<16xi32>
      %swap3A_492 = vector.shape_cast %select_n3A_488 : vector<16xi32> to vector<16xi32>
      tpu.vector_store %arg17[%swap3A_489], %swap3A_492 {strides = array<i32>} : memref<128xi32, #tpu.memory_space<vmem>>, vector<16xi32>,
      %get3A_493 = arith.constant 96 : index
      %get3A_494 = tpu.vector_load %arg15[%get3A_493] {strides = array<i32>} : memref<128xi32, #tpu.memory_space<vmem>>, vector<16xi32>,
      %get3A_495 = vector.shape_cast %get3A_494 : vector<16xi32> to vector<16xi32>
      %ge3A_496 = arith.constant 0 : i32
      %ge3A_497 = vector.broadcast %ge3A_496 : i32 to vector<16xi32>
      %ge3A_498 = arith.cmpi sge, %get3A_495, %ge3A_497 : vector<16xi32>
      %lt3A_499 = arith.constant 5376 : i32
      %lt3A_500 = vector.broadcast %lt3A_499 : i32 to vector<16xi32>
      %lt3A_501 = arith.cmpi slt, %get3A_495, %lt3A_500 : vector<16xi32>
      %and3A_502 = arith.andi %ge3A_498, %lt3A_501 : vector<16xi1>
      %sub3A_503 = arith.constant 0 : i32
      %sub3A_504 = vector.broadcast %sub3A_503 : i32 to vector<16xi32>
      %sub3A_505 = arith.subi %get3A_495, %sub3A_504 : vector<16xi32>
      %and3A_506 = arith.constant 127 : i32
      %and3A_507 = vector.broadcast %and3A_506 : i32 to vector<16xi32>
      %and3A_508 = arith.andi %get3A_495, %and3A_507 : vector<16xi32>
      %add3A_509 = arith.constant 5376 : i32
      %add3A_510 = vector.broadcast %add3A_509 : i32 to vector<16xi32>
      %add3A_511 = arith.addi %add3A_510, %and3A_508 : vector<16xi32>
      %select_n3A_512 = arith.select %and3A_502, %sub3A_505, %add3A_511 : vector<16xi1>, vector<16xi32>
      %swap3A_513 = arith.constant 96 : index
      %swap3A_514 = tpu.vector_load %arg17[%swap3A_513] {strides = array<i32>} : memref<128xi32, #tpu.memory_space<vmem>>, vector<16xi32>,
      %swap3A_515 = vector.shape_cast %swap3A_514 : vector<16xi32> to vector<16xi32>
      %swap3A_516 = vector.shape_cast %select_n3A_512 : vector<16xi32> to vector<16xi32>
      tpu.vector_store %arg17[%swap3A_513], %swap3A_516 {strides = array<i32>} : memref<128xi32, #tpu.memory_space<vmem>>, vector<16xi32>,
      %get3A_517 = arith.constant 112 : index
      %get3A_518 = tpu.vector_load %arg15[%get3A_517] {strides = array<i32>} : memref<128xi32, #tpu.memory_space<vmem>>, vector<16xi32>,
      %get3A_519 = vector.shape_cast %get3A_518 : vector<16xi32> to vector<16xi32>
      %ge3A_520 = arith.constant 0 : i32
      %ge3A_521 = vector.broadcast %ge3A_520 : i32 to vector<16xi32>
      %ge3A_522 = arith.cmpi sge, %get3A_519, %ge3A_521 : vector<16xi32>
      %lt3A_523 = arith.constant 5376 : i32
      %lt3A_524 = vector.broadcast %lt3A_523 : i32 to vector<16xi32>
      %lt3A_525 = arith.cmpi slt, %get3A_519, %lt3A_524 : vector<16xi32>
      %and3A_526 = arith.andi %ge3A_522, %lt3A_525 : vector<16xi1>
      %sub3A_527 = arith.constant 0 : i32
      %sub3A_528 = vector.broadcast %sub3A_527 : i32 to vector<16xi32>
      %sub3A_529 = arith.subi %get3A_519, %sub3A_528 : vector<16xi32>
      %and3A_530 = arith.constant 127 : i32
      %and3A_531 = vector.broadcast %and3A_530 : i32 to vector<16xi32>
      %and3A_532 = arith.andi %get3A_519, %and3A_531 : vector<16xi32>
      %add3A_533 = arith.constant 5376 : i32
      %add3A_534 = vector.broadcast %add3A_533 : i32 to vector<16xi32>
      %add3A_535 = arith.addi %add3A_534, %and3A_532 : vector<16xi32>
      %select_n3A_536 = arith.select %and3A_526, %sub3A_529, %add3A_535 : vector<16xi1>, vector<16xi32>
      %swap3A_537 = arith.constant 112 : index
      %swap3A_538 = tpu.vector_load %arg17[%swap3A_537] {strides = array<i32>} : memref<128xi32, #tpu.memory_space<vmem>>, vector<16xi32>,
      %swap3A_539 = vector.shape_cast %swap3A_538 : vector<16xi32> to vector<16xi32>
      %swap3A_540 = vector.shape_cast %select_n3A_536 : vector<16xi32> to vector<16xi32>
      tpu.vector_store %arg17[%swap3A_537], %swap3A_540 {strides = array<i32>} : memref<128xi32, #tpu.memory_space<vmem>>, vector<16xi32>,
      %eq3A_541 = arith.constant 0 : i32
      %eq3A_542 = arith.cmpi eq, %arg0, %eq3A_541 : i32
      %convert_element_type3A_543 = arith.extui %eq3A_542 : i1 to i32
      %cond3A_544 = arith.constant 0 : i32
      %cond3A_545 = arith.cmpi ne, %convert_element_type3A_543, %cond3A_544 : i32
      scf.if %cond3A_545 {
        %get3A_561 = arith.constant 0 : index
        %get3A_562 = tpu.vector_load %arg13[%get3A_561] {strides = array<i32>} : memref<128xi32, #tpu.memory_space<vmem>>, vector<16xi32>,
        %get3A_563 = vector.shape_cast %get3A_562 : vector<16xi32> to vector<16xi32>
        %get3A_564 = arith.constant 0 : index
        %get3A_565 = tpu.vector_load %arg15[%get3A_564] {strides = array<i32>} : memref<128xi32, #tpu.memory_space<vmem>>, vector<16xi32>,
        %get3A_566 = vector.shape_cast %get3A_565 : vector<16xi32> to vector<16xi32>
        %get3A_567 = arith.constant 0 : index
        %get3A_568 = tpu.vector_load %arg23[%get3A_567] {strides = array<i32>} : memref<128xf32, #tpu.memory_space<vmem>>, vector<16xf32>,
        %get3A_569 = vector.shape_cast %get3A_568 : vector<16xf32> to vector<16xf32>
        %ne3A = arith.cmpi ne, %get3A_563, %get3A_566 : vector<16xi32>
        %broadcast_in_dim3A = arith.constant 0.000000e+00 : f32
        %broadcast_in_dim3A_570 = vector.broadcast %broadcast_in_dim3A : f32 to vector<16xf32>
        %select_n3A_571 = arith.select %ne3A, %get3A_569, %broadcast_in_dim3A_570 : vector<16xi1>, vector<16xf32>
        %swap3A_572 = arith.constant 0 : index
        %swap3A_573 = tpu.vector_load %arg23[%swap3A_572] {strides = array<i32>} : memref<128xf32, #tpu.memory_space<vmem>>, vector<16xf32>,
        %swap3A_574 = vector.shape_cast %swap3A_573 : vector<16xf32> to vector<16xf32>
        %swap3A_575 = vector.shape_cast %select_n3A_571 : vector<16xf32> to vector<16xf32>
        tpu.vector_store %arg23[%swap3A_572], %swap3A_575 {strides = array<i32>} : memref<128xf32, #tpu.memory_space<vmem>>, vector<16xf32>,
        %swap3A_576 = arith.constant 0 : index
        %swap3A_577 = tpu.vector_load %arg19[%swap3A_576] {strides = array<i32>} : memref<128xi32, #tpu.memory_space<vmem>>, vector<16xi32>,
        %swap3A_578 = vector.shape_cast %swap3A_577 : vector<16xi32> to vector<16xi32>
        %swap3A_579 = vector.shape_cast %get3A_566 : vector<16xi32> to vector<16xi32>
        tpu.vector_store %arg19[%swap3A_576], %swap3A_579 {strides = array<i32>} : memref<128xi32, #tpu.memory_space<vmem>>, vector<16xi32>,
        %get3A_580 = arith.constant 16 : index
        %get3A_581 = tpu.vector_load %arg13[%get3A_580] {strides = array<i32>} : memref<128xi32, #tpu.memory_space<vmem>>, vector<16xi32>,
        %get3A_582 = vector.shape_cast %get3A_581 : vector<16xi32> to vector<16xi32>
        %get3A_583 = arith.constant 16 : index
        %get3A_584 = tpu.vector_load %arg15[%get3A_583] {strides = array<i32>} : memref<128xi32, #tpu.memory_space<vmem>>, vector<16xi32>,
        %get3A_585 = vector.shape_cast %get3A_584 : vector<16xi32> to vector<16xi32>
        %get3A_586 = arith.constant 16 : index
        %get3A_587 = tpu.vector_load %arg23[%get3A_586] {strides = array<i32>} : memref<128xf32, #tpu.memory_space<vmem>>, vector<16xf32>,
        %get3A_588 = vector.shape_cast %get3A_587 : vector<16xf32> to vector<16xf32>
        %ne3A_589 = arith.cmpi ne, %get3A_582, %get3A_585 : vector<16xi32>
        %broadcast_in_dim3A_590 = arith.constant 0.000000e+00 : f32
        %broadcast_in_dim3A_591 = vector.broadcast %broadcast_in_dim3A_590 : f32 to vector<16xf32>
        %select_n3A_592 = arith.select %ne3A_589, %get3A_588, %broadcast_in_dim3A_591 : vector<16xi1>, vector<16xf32>
        %swap3A_593 = arith.constant 16 : index
        %swap3A_594 = tpu.vector_load %arg23[%swap3A_593] {strides = array<i32>} : memref<128xf32, #tpu.memory_space<vmem>>, vector<16xf32>,
        %swap3A_595 = vector.shape_cast %swap3A_594 : vector<16xf32> to vector<16xf32>
        %swap3A_596 = vector.shape_cast %select_n3A_592 : vector<16xf32> to vector<16xf32>
        tpu.vector_store %arg23[%swap3A_593], %swap3A_596 {strides = array<i32>} : memref<128xf32, #tpu.memory_space<vmem>>, vector<16xf32>,
        %swap3A_597 = arith.constant 16 : index
        %swap3A_598 = tpu.vector_load %arg19[%swap3A_597] {strides = array<i32>} : memref<128xi32, #tpu.memory_space<vmem>>, vector<16xi32>,
        %swap3A_599 = vector.shape_cast %swap3A_598 : vector<16xi32> to vector<16xi32>
        %swap3A_600 = vector.shape_cast %get3A_585 : vector<16xi32> to vector<16xi32>
        tpu.vector_store %arg19[%swap3A_597], %swap3A_600 {strides = array<i32>} : memref<128xi32, #tpu.memory_space<vmem>>, vector<16xi32>,
        %get3A_601 = arith.constant 32 : index
        %get3A_602 = tpu.vector_load %arg13[%get3A_601] {strides = array<i32>} : memref<128xi32, #tpu.memory_space<vmem>>, vector<16xi32>,
        %get3A_603 = vector.shape_cast %get3A_602 : vector<16xi32> to vector<16xi32>
        %get3A_604 = arith.constant 32 : index
        %get3A_605 = tpu.vector_load %arg15[%get3A_604] {strides = array<i32>} : memref<128xi32, #tpu.memory_space<vmem>>, vector<16xi32>,
        %get3A_606 = vector.shape_cast %get3A_605 : vector<16xi32> to vector<16xi32>
        %get3A_607 = arith.constant 32 : index
        %get3A_608 = tpu.vector_load %arg23[%get3A_607] {strides = array<i32>} : memref<128xf32, #tpu.memory_space<vmem>>, vector<16xf32>,
        %get3A_609 = vector.shape_cast %get3A_608 : vector<16xf32> to vector<16xf32>
        %ne3A_610 = arith.cmpi ne, %get3A_603, %get3A_606 : vector<16xi32>
        %broadcast_in_dim3A_611 = arith.constant 0.000000e+00 : f32
        %broadcast_in_dim3A_612 = vector.broadcast %broadcast_in_dim3A_611 : f32 to vector<16xf32>
        %select_n3A_613 = arith.select %ne3A_610, %get3A_609, %broadcast_in_dim3A_612 : vector<16xi1>, vector<16xf32>
        %swap3A_614 = arith.constant 32 : index
        %swap3A_615 = tpu.vector_load %arg23[%swap3A_614] {strides = array<i32>} : memref<128xf32, #tpu.memory_space<vmem>>, vector<16xf32>,
        %swap3A_616 = vector.shape_cast %swap3A_615 : vector<16xf32> to vector<16xf32>
        %swap3A_617 = vector.shape_cast %select_n3A_613 : vector<16xf32> to vector<16xf32>
        tpu.vector_store %arg23[%swap3A_614], %swap3A_617 {strides = array<i32>} : memref<128xf32, #tpu.memory_space<vmem>>, vector<16xf32>,
        %swap3A_618 = arith.constant 32 : index
        %swap3A_619 = tpu.vector_load %arg19[%swap3A_618] {strides = array<i32>} : memref<128xi32, #tpu.memory_space<vmem>>, vector<16xi32>,
        %swap3A_620 = vector.shape_cast %swap3A_619 : vector<16xi32> to vector<16xi32>
        %swap3A_621 = vector.shape_cast %get3A_606 : vector<16xi32> to vector<16xi32>
        tpu.vector_store %arg19[%swap3A_618], %swap3A_621 {strides = array<i32>} : memref<128xi32, #tpu.memory_space<vmem>>, vector<16xi32>,
        %get3A_622 = arith.constant 48 : index
        %get3A_623 = tpu.vector_load %arg13[%get3A_622] {strides = array<i32>} : memref<128xi32, #tpu.memory_space<vmem>>, vector<16xi32>,
        %get3A_624 = vector.shape_cast %get3A_623 : vector<16xi32> to vector<16xi32>
        %get3A_625 = arith.constant 48 : index
        %get3A_626 = tpu.vector_load %arg15[%get3A_625] {strides = array<i32>} : memref<128xi32, #tpu.memory_space<vmem>>, vector<16xi32>,
        %get3A_627 = vector.shape_cast %get3A_626 : vector<16xi32> to vector<16xi32>
        %get3A_628 = arith.constant 48 : index
        %get3A_629 = tpu.vector_load %arg23[%get3A_628] {strides = array<i32>} : memref<128xf32, #tpu.memory_space<vmem>>, vector<16xf32>,
        %get3A_630 = vector.shape_cast %get3A_629 : vector<16xf32> to vector<16xf32>
        %ne3A_631 = arith.cmpi ne, %get3A_624, %get3A_627 : vector<16xi32>
        %broadcast_in_dim3A_632 = arith.constant 0.000000e+00 : f32
        %broadcast_in_dim3A_633 = vector.broadcast %broadcast_in_dim3A_632 : f32 to vector<16xf32>
        %select_n3A_634 = arith.select %ne3A_631, %get3A_630, %broadcast_in_dim3A_633 : vector<16xi1>, vector<16xf32>
        %swap3A_635 = arith.constant 48 : index
        %swap3A_636 = tpu.vector_load %arg23[%swap3A_635] {strides = array<i32>} : memref<128xf32, #tpu.memory_space<vmem>>, vector<16xf32>,
        %swap3A_637 = vector.shape_cast %swap3A_636 : vector<16xf32> to vector<16xf32>
        %swap3A_638 = vector.shape_cast %select_n3A_634 : vector<16xf32> to vector<16xf32>
        tpu.vector_store %arg23[%swap3A_635], %swap3A_638 {strides = array<i32>} : memref<128xf32, #tpu.memory_space<vmem>>, vector<16xf32>,
        %swap3A_639 = arith.constant 48 : index
        %swap3A_640 = tpu.vector_load %arg19[%swap3A_639] {strides = array<i32>} : memref<128xi32, #tpu.memory_space<vmem>>, vector<16xi32>,
        %swap3A_641 = vector.shape_cast %swap3A_640 : vector<16xi32> to vector<16xi32>
        %swap3A_642 = vector.shape_cast %get3A_627 : vector<16xi32> to vector<16xi32>
        tpu.vector_store %arg19[%swap3A_639], %swap3A_642 {strides = array<i32>} : memref<128xi32, #tpu.memory_space<vmem>>, vector<16xi32>,
        %get3A_643 = arith.constant 64 : index
        %get3A_644 = tpu.vector_load %arg13[%get3A_643] {strides = array<i32>} : memref<128xi32, #tpu.memory_space<vmem>>, vector<16xi32>,
        %get3A_645 = vector.shape_cast %get3A_644 : vector<16xi32> to vector<16xi32>
        %get3A_646 = arith.constant 64 : index
        %get3A_647 = tpu.vector_load %arg15[%get3A_646] {strides = array<i32>} : memref<128xi32, #tpu.memory_space<vmem>>, vector<16xi32>,
        %get3A_648 = vector.shape_cast %get3A_647 : vector<16xi32> to vector<16xi32>
        %get3A_649 = arith.constant 64 : index
        %get3A_650 = tpu.vector_load %arg23[%get3A_649] {strides = array<i32>} : memref<128xf32, #tpu.memory_space<vmem>>, vector<16xf32>,
        %get3A_651 = vector.shape_cast %get3A_650 : vector<16xf32> to vector<16xf32>
        %ne3A_652 = arith.cmpi ne, %get3A_645, %get3A_648 : vector<16xi32>
        %broadcast_in_dim3A_653 = arith.constant 0.000000e+00 : f32
        %broadcast_in_dim3A_654 = vector.broadcast %broadcast_in_dim3A_653 : f32 to vector<16xf32>
        %select_n3A_655 = arith.select %ne3A_652, %get3A_651, %broadcast_in_dim3A_654 : vector<16xi1>, vector<16xf32>
        %swap3A_656 = arith.constant 64 : index
        %swap3A_657 = tpu.vector_load %arg23[%swap3A_656] {strides = array<i32>} : memref<128xf32, #tpu.memory_space<vmem>>, vector<16xf32>,
        %swap3A_658 = vector.shape_cast %swap3A_657 : vector<16xf32> to vector<16xf32>
        %swap3A_659 = vector.shape_cast %select_n3A_655 : vector<16xf32> to vector<16xf32>
        tpu.vector_store %arg23[%swap3A_656], %swap3A_659 {strides = array<i32>} : memref<128xf32, #tpu.memory_space<vmem>>, vector<16xf32>,
        %swap3A_660 = arith.constant 64 : index
        %swap3A_661 = tpu.vector_load %arg19[%swap3A_660] {strides = array<i32>} : memref<128xi32, #tpu.memory_space<vmem>>, vector<16xi32>,
        %swap3A_662 = vector.shape_cast %swap3A_661 : vector<16xi32> to vector<16xi32>
        %swap3A_663 = vector.shape_cast %get3A_648 : vector<16xi32> to vector<16xi32>
        tpu.vector_store %arg19[%swap3A_660], %swap3A_663 {strides = array<i32>} : memref<128xi32, #tpu.memory_space<vmem>>, vector<16xi32>,
        %get3A_664 = arith.constant 80 : index
        %get3A_665 = tpu.vector_load %arg13[%get3A_664] {strides = array<i32>} : memref<128xi32, #tpu.memory_space<vmem>>, vector<16xi32>,
        %get3A_666 = vector.shape_cast %get3A_665 : vector<16xi32> to vector<16xi32>
        %get3A_667 = arith.constant 80 : index
        %get3A_668 = tpu.vector_load %arg15[%get3A_667] {strides = array<i32>} : memref<128xi32, #tpu.memory_space<vmem>>, vector<16xi32>,
        %get3A_669 = vector.shape_cast %get3A_668 : vector<16xi32> to vector<16xi32>
        %get3A_670 = arith.constant 80 : index
        %get3A_671 = tpu.vector_load %arg23[%get3A_670] {strides = array<i32>} : memref<128xf32, #tpu.memory_space<vmem>>, vector<16xf32>,
        %get3A_672 = vector.shape_cast %get3A_671 : vector<16xf32> to vector<16xf32>
        %ne3A_673 = arith.cmpi ne, %get3A_666, %get3A_669 : vector<16xi32>
        %broadcast_in_dim3A_674 = arith.constant 0.000000e+00 : f32
        %broadcast_in_dim3A_675 = vector.broadcast %broadcast_in_dim3A_674 : f32 to vector<16xf32>
        %select_n3A_676 = arith.select %ne3A_673, %get3A_672, %broadcast_in_dim3A_675 : vector<16xi1>, vector<16xf32>
        %swap3A_677 = arith.constant 80 : index
        %swap3A_678 = tpu.vector_load %arg23[%swap3A_677] {strides = array<i32>} : memref<128xf32, #tpu.memory_space<vmem>>, vector<16xf32>,
        %swap3A_679 = vector.shape_cast %swap3A_678 : vector<16xf32> to vector<16xf32>
        %swap3A_680 = vector.shape_cast %select_n3A_676 : vector<16xf32> to vector<16xf32>
        tpu.vector_store %arg23[%swap3A_677], %swap3A_680 {strides = array<i32>} : memref<128xf32, #tpu.memory_space<vmem>>, vector<16xf32>,
        %swap3A_681 = arith.constant 80 : index
        %swap3A_682 = tpu.vector_load %arg19[%swap3A_681] {strides = array<i32>} : memref<128xi32, #tpu.memory_space<vmem>>, vector<16xi32>,
        %swap3A_683 = vector.shape_cast %swap3A_682 : vector<16xi32> to vector<16xi32>
        %swap3A_684 = vector.shape_cast %get3A_669 : vector<16xi32> to vector<16xi32>
        tpu.vector_store %arg19[%swap3A_681], %swap3A_684 {strides = array<i32>} : memref<128xi32, #tpu.memory_space<vmem>>, vector<16xi32>,
        %get3A_685 = arith.constant 96 : index
        %get3A_686 = tpu.vector_load %arg13[%get3A_685] {strides = array<i32>} : memref<128xi32, #tpu.memory_space<vmem>>, vector<16xi32>,
        %get3A_687 = vector.shape_cast %get3A_686 : vector<16xi32> to vector<16xi32>
        %get3A_688 = arith.constant 96 : index
        %get3A_689 = tpu.vector_load %arg15[%get3A_688] {strides = array<i32>} : memref<128xi32, #tpu.memory_space<vmem>>, vector<16xi32>,
        %get3A_690 = vector.shape_cast %get3A_689 : vector<16xi32> to vector<16xi32>
        %get3A_691 = arith.constant 96 : index
        %get3A_692 = tpu.vector_load %arg23[%get3A_691] {strides = array<i32>} : memref<128xf32, #tpu.memory_space<vmem>>, vector<16xf32>,
        %get3A_693 = vector.shape_cast %get3A_692 : vector<16xf32> to vector<16xf32>
        %ne3A_694 = arith.cmpi ne, %get3A_687, %get3A_690 : vector<16xi32>
        %broadcast_in_dim3A_695 = arith.constant 0.000000e+00 : f32
        %broadcast_in_dim3A_696 = vector.broadcast %broadcast_in_dim3A_695 : f32 to vector<16xf32>
        %select_n3A_697 = arith.select %ne3A_694, %get3A_693, %broadcast_in_dim3A_696 : vector<16xi1>, vector<16xf32>
        %swap3A_698 = arith.constant 96 : index
        %swap3A_699 = tpu.vector_load %arg23[%swap3A_698] {strides = array<i32>} : memref<128xf32, #tpu.memory_space<vmem>>, vector<16xf32>,
        %swap3A_700 = vector.shape_cast %swap3A_699 : vector<16xf32> to vector<16xf32>
        %swap3A_701 = vector.shape_cast %select_n3A_697 : vector<16xf32> to vector<16xf32>
        tpu.vector_store %arg23[%swap3A_698], %swap3A_701 {strides = array<i32>} : memref<128xf32, #tpu.memory_space<vmem>>, vector<16xf32>,
        %swap3A_702 = arith.constant 96 : index
        %swap3A_703 = tpu.vector_load %arg19[%swap3A_702] {strides = array<i32>} : memref<128xi32, #tpu.memory_space<vmem>>, vector<16xi32>,
        %swap3A_704 = vector.shape_cast %swap3A_703 : vector<16xi32> to vector<16xi32>
        %swap3A_705 = vector.shape_cast %get3A_690 : vector<16xi32> to vector<16xi32>
        tpu.vector_store %arg19[%swap3A_702], %swap3A_705 {strides = array<i32>} : memref<128xi32, #tpu.memory_space<vmem>>, vector<16xi32>,
        %get3A_706 = arith.constant 112 : index
        %get3A_707 = tpu.vector_load %arg13[%get3A_706] {strides = array<i32>} : memref<128xi32, #tpu.memory_space<vmem>>, vector<16xi32>,
        %get3A_708 = vector.shape_cast %get3A_707 : vector<16xi32> to vector<16xi32>
        %get3A_709 = arith.constant 112 : index
        %get3A_710 = tpu.vector_load %arg15[%get3A_709] {strides = array<i32>} : memref<128xi32, #tpu.memory_space<vmem>>, vector<16xi32>,
        %get3A_711 = vector.shape_cast %get3A_710 : vector<16xi32> to vector<16xi32>
        %get3A_712 = arith.constant 112 : index
        %get3A_713 = tpu.vector_load %arg23[%get3A_712] {strides = array<i32>} : memref<128xf32, #tpu.memory_space<vmem>>, vector<16xf32>,
        %get3A_714 = vector.shape_cast %get3A_713 : vector<16xf32> to vector<16xf32>
        %ne3A_715 = arith.cmpi ne, %get3A_708, %get3A_711 : vector<16xi32>
        %broadcast_in_dim3A_716 = arith.constant 0.000000e+00 : f32
        %broadcast_in_dim3A_717 = vector.broadcast %broadcast_in_dim3A_716 : f32 to vector<16xf32>
        %select_n3A_718 = arith.select %ne3A_715, %get3A_714, %broadcast_in_dim3A_717 : vector<16xi1>, vector<16xf32>
        %swap3A_719 = arith.constant 112 : index
        %swap3A_720 = tpu.vector_load %arg23[%swap3A_719] {strides = array<i32>} : memref<128xf32, #tpu.memory_space<vmem>>, vector<16xf32>,
        %swap3A_721 = vector.shape_cast %swap3A_720 : vector<16xf32> to vector<16xf32>
        %swap3A_722 = vector.shape_cast %select_n3A_718 : vector<16xf32> to vector<16xf32>
        tpu.vector_store %arg23[%swap3A_719], %swap3A_722 {strides = array<i32>} : memref<128xf32, #tpu.memory_space<vmem>>, vector<16xf32>,
        %swap3A_723 = arith.constant 112 : index
        %swap3A_724 = tpu.vector_load %arg19[%swap3A_723] {strides = array<i32>} : memref<128xi32, #tpu.memory_space<vmem>>, vector<16xi32>,
        %swap3A_725 = vector.shape_cast %swap3A_724 : vector<16xi32> to vector<16xi32>
        %swap3A_726 = vector.shape_cast %get3A_711 : vector<16xi32> to vector<16xi32>
        tpu.vector_store %arg19[%swap3A_723], %swap3A_726 {strides = array<i32>} : memref<128xi32, #tpu.memory_space<vmem>>, vector<16xi32>,
      } else {
      }
      %add3A_546 = arith.constant 2 : i32
      %add3A_547 = arith.addi %add3A_326, %add3A_546 : i32
      %lt3A_548 = arith.constant 160 : i32
      %lt3A_549 = arith.cmpi slt, %add3A_547, %lt3A_548 : i32
      %convert_element_type3A_550 = arith.extui %lt3A_549 : i1 to i32
      %cond3A_551 = arith.constant 0 : i32
      %cond3A_552 = arith.cmpi ne, %convert_element_type3A_550, %cond3A_551 : i32
      scf.if %cond3A_552 {
        %add3A_561 = arith.constant 2 : i32
        %add3A_562 = arith.addi %add3A_326, %add3A_561 : i32
        %mul3A_563 = arith.constant 128 : i32
        %mul3A_564 = arith.muli %add3A_562, %mul3A_563 : i32
        %add3A_565 = arith.addi %mul3A_2, %mul3A_564 : i32
        %dma_start3A_566 = tpu.memref_slice %arg2[%add3A_565] : memref<327680xi32, #tpu.memory_space<hbm>> -> memref<128xi32, #tpu.memory_space<hbm>>
        %dma_start3A_567 = tpu.memref_slice %arg2[%add3A_565] : memref<327680xi32, #tpu.memory_space<hbm>> -> memref<128xi32, #tpu.memory_space<hbm>>
        tpu.enqueue_dma source(%dma_start3A_567 : memref<128xi32, #tpu.memory_space<hbm>>) target(%arg13 : memref<128xi32, #tpu.memory_space<vmem>>) target_semaphore(%arg31 : memref<!tpu.dma_semaphore, #tpu.memory_space<semaphore_mem>>)
        %dma_start3A_568 = tpu.memref_slice %arg3[%add3A_565] : memref<327680xi32, #tpu.memory_space<hbm>> -> memref<128xi32, #tpu.memory_space<hbm>>
        %dma_start3A_569 = tpu.memref_slice %arg3[%add3A_565] : memref<327680xi32, #tpu.memory_space<hbm>> -> memref<128xi32, #tpu.memory_space<hbm>>
        tpu.enqueue_dma source(%dma_start3A_569 : memref<128xi32, #tpu.memory_space<hbm>>) target(%arg15 : memref<128xi32, #tpu.memory_space<vmem>>) target_semaphore(%arg31 : memref<!tpu.dma_semaphore, #tpu.memory_space<semaphore_mem>>)
      } else {
      }
      %dma_start3A_553 = arith.constant 0 : i32
      %dma_start3A_554 = arith.constant 0 : i32
      %dma_start3A_555 = tpu.memref_slice %arg26[%dma_start3A_553, %dma_start3A_554] : memref<5504x128xf32, #tpu.memory_space<vmem_shared>> -> memref<5504x128xf32, #tpu.memory_space<vmem_shared>>
      tpu.enqueue_indirect_dma source(%arg21 : memref<128x128xf32, #tpu.memory_space<vmem>>) target(%dma_start3A_555 : memref<5504x128xf32, #tpu.memory_space<vmem_shared>>) offsets(%arg17 : memref<128xi32, #tpu.memory_space<vmem>>) semaphore(%arg33 : memref<!tpu.dma_semaphore, #tpu.memory_space<semaphore_mem>>) {add = true}
      %eq3A_556 = arith.constant 0 : i32
      %eq3A_557 = arith.cmpi eq, %arg0, %eq3A_556 : i32
      %convert_element_type3A_558 = arith.extui %eq3A_557 : i1 to i32
      %cond3A_559 = arith.constant 0 : i32
      %cond3A_560 = arith.cmpi ne, %convert_element_type3A_558, %cond3A_559 : i32
      scf.if %cond3A_560 {
        %dma_start3A_561 = arith.constant 0 : i32
        %dma_start3A_562 = tpu.memref_slice %arg27[%dma_start3A_561] : memref<10752xf32, #tpu.memory_space<vmem_shared>> -> memref<10752xf32, #tpu.memory_space<vmem_shared>>
        tpu.enqueue_indirect_dma source(%arg23 : memref<128xf32, #tpu.memory_space<vmem>>) target(%dma_start3A_562 : memref<10752xf32, #tpu.memory_space<vmem_shared>>) offsets(%arg19 : memref<128xi32, #tpu.memory_space<vmem>>) semaphore(%arg37 : memref<!tpu.dma_semaphore, #tpu.memory_space<semaphore_mem>>) {add = true}
      } else {
      }
    }
    %scan3A_22 = arith.constant 80 : i32
    %dma_wait3A = arith.constant 0 : i32
    %dma_wait3A_23 = arith.constant 0 : i32
    %dma_wait3A_24 = tpu.memref_slice %arg26[%dma_wait3A, %dma_wait3A_23] : memref<5504x128xf32, #tpu.memory_space<vmem_shared>> -> memref<5504x128xf32, #tpu.memory_space<vmem_shared>>
    tpu.wait_indirect_dma semaphore(%arg33 : memref<!tpu.dma_semaphore, #tpu.memory_space<semaphore_mem>>) src(%arg21 : memref<128x128xf32, #tpu.memory_space<vmem>>) dst(%dma_wait3A_24 : memref<5504x128xf32, #tpu.memory_space<vmem_shared>>)
    %eq3A_25 = arith.constant 0 : i32
    %eq3A_26 = arith.cmpi eq, %arg0, %eq3A_25 : i32
    %convert_element_type3A_27 = arith.extui %eq3A_26 : i1 to i32
    %cond3A_28 = arith.constant 0 : i32
    %cond3A_29 = arith.cmpi ne, %convert_element_type3A_27, %cond3A_28 : i32
    scf.if %cond3A_29 {
      %dma_wait3A_93 = arith.constant 0 : i32
      %dma_wait3A_94 = tpu.memref_slice %arg27[%dma_wait3A_93] : memref<10752xf32, #tpu.memory_space<vmem_shared>> -> memref<10752xf32, #tpu.memory_space<vmem_shared>>
      tpu.wait_indirect_dma semaphore(%arg37 : memref<!tpu.dma_semaphore, #tpu.memory_space<semaphore_mem>>) src(%arg23 : memref<128xf32, #tpu.memory_space<vmem>>) dst(%dma_wait3A_94 : memref<10752xf32, #tpu.memory_space<vmem_shared>>)
    } else {
    }
    %barrier3A_30 = arith.constant 0 : index
    tpu.barrier barrier_id(%barrier3A_30)
    %mul3A_31 = arith.constant 336 : i32
    %mul3A_32 = arith.muli %arg1, %mul3A_31 : i32
    "tpu.region"() ({
      %run_scoped3A = tpu.sem_alloc : memref<!tpu.dma_semaphore, #tpu.memory_space<semaphore_mem>>
      %dma_start3A_93 = arith.constant 0 : i32
      %dma_start3A_94 = arith.constant 0 : i32
      %dma_start3A_95 = tpu.memref_slice %arg24[%dma_start3A_93, %dma_start3A_94] : memref<344x128xf32, #tpu.memory_space<vmem>> -> memref<336x128xf32, #tpu.memory_space<vmem>>
      %dma_start3A_96 = arith.constant 0 : i32
      %dma_start3A_97 = tpu.memref_slice %arg26[%mul3A_32, %dma_start3A_96] : memref<5504x128xf32, #tpu.memory_space<vmem_shared>> -> memref<336x128xf32, #tpu.memory_space<vmem_shared>>
      %dma_start3A_98 = arith.constant 0 : i32
      %dma_start3A_99 = arith.constant 0 : i32
      %dma_start3A_100 = tpu.memref_slice %arg24[%dma_start3A_98, %dma_start3A_99] : memref<344x128xf32, #tpu.memory_space<vmem>> -> memref<336x128xf32, #tpu.memory_space<vmem>>
      %dma_start3A_101 = arith.constant 0 : i32
      %dma_start3A_102 = tpu.memref_slice %arg26[%mul3A_32, %dma_start3A_101] : memref<5504x128xf32, #tpu.memory_space<vmem_shared>> -> memref<336x128xf32, #tpu.memory_space<vmem_shared>>
      tpu.enqueue_dma source(%dma_start3A_102 : memref<336x128xf32, #tpu.memory_space<vmem_shared>>) target(%dma_start3A_100 : memref<336x128xf32, #tpu.memory_space<vmem>>) target_semaphore(%run_scoped3A : memref<!tpu.dma_semaphore, #tpu.memory_space<semaphore_mem>>)
      %dma_wait3A_103 = arith.constant 0 : i32
      %dma_wait3A_104 = arith.constant 0 : i32
      %dma_wait3A_105 = tpu.memref_slice %arg24[%dma_wait3A_103, %dma_wait3A_104] : memref<344x128xf32, #tpu.memory_space<vmem>> -> memref<336x128xf32, #tpu.memory_space<vmem>>
      %dma_wait3A_106 = arith.constant 0 : i32
      %dma_wait3A_107 = tpu.memref_slice %arg26[%mul3A_32, %dma_wait3A_106] : memref<5504x128xf32, #tpu.memory_space<vmem_shared>> -> memref<336x128xf32, #tpu.memory_space<vmem_shared>>
      %dma_wait3A_108 = arith.constant 0 : i32
      %dma_wait3A_109 = arith.constant 0 : i32
      %dma_wait3A_110 = tpu.memref_slice %arg24[%dma_wait3A_108, %dma_wait3A_109] : memref<344x128xf32, #tpu.memory_space<vmem>> -> memref<336x128xf32, #tpu.memory_space<vmem>>
      %dma_wait3A_111 = arith.constant 0 : i32
      %dma_wait3A_112 = tpu.memref_slice %arg26[%mul3A_32, %dma_wait3A_111] : memref<5504x128xf32, #tpu.memory_space<vmem_shared>> -> memref<336x128xf32, #tpu.memory_space<vmem_shared>>
      tpu.wait_dma2 semaphore(%run_scoped3A : memref<!tpu.dma_semaphore, #tpu.memory_space<semaphore_mem>>) src(%dma_wait3A_112 : memref<336x128xf32, #tpu.memory_space<vmem_shared>>) dst(%dma_wait3A_110 : memref<336x128xf32, #tpu.memory_space<vmem>>)
      tpu.yield
    }) : () -> ()
    %eq3A_33 = arith.constant 0 : i32
    %eq3A_34 = arith.cmpi eq, %arg0, %eq3A_33 : i32
    %convert_element_type3A_35 = arith.extui %eq3A_34 : i1 to i32
    %cond3A_36 = arith.constant 0 : i32
    %cond3A_37 = arith.cmpi ne, %convert_element_type3A_35, %cond3A_36 : i32
    scf.if %cond3A_37 {
      %mul3A_93 = arith.constant 336 : i32
      %mul3A_94 = arith.muli %arg1, %mul3A_93 : i32
      %add3A_95 = arith.constant 0 : i32
      %add3A_96 = arith.addi %add3A_95, %mul3A_94 : i32
      "tpu.region"() ({
        %run_scoped3A = tpu.sem_alloc : memref<!tpu.dma_semaphore, #tpu.memory_space<semaphore_mem>>
        %dma_start3A_97 = arith.constant 0 : i32
        %dma_start3A_98 = arith.constant 0 : i32
        %dma_start3A_99 = tpu.memref_slice %arg24[%dma_start3A_97, %dma_start3A_98] : memref<344x128xf32, #tpu.memory_space<vmem>> -> memref<336x128xf32, #tpu.memory_space<vmem>>
        %dma_start3A_100 = arith.constant 0 : i32
        %dma_start3A_101 = tpu.memref_slice %arg9[%add3A_96, %dma_start3A_100] : memref<10752x128xf32, #tpu.memory_space<hbm>> -> memref<336x128xf32, #tpu.memory_space<hbm>>
        %dma_start3A_102 = arith.constant 0 : i32
        %dma_start3A_103 = tpu.memref_slice %arg9[%add3A_96, %dma_start3A_102] : memref<10752x128xf32, #tpu.memory_space<hbm>> -> memref<336x128xf32, #tpu.memory_space<hbm>>
        %dma_start3A_104 = arith.constant 0 : i32
        %dma_start3A_105 = arith.constant 0 : i32
        %dma_start3A_106 = tpu.memref_slice %arg24[%dma_start3A_104, %dma_start3A_105] : memref<344x128xf32, #tpu.memory_space<vmem>> -> memref<336x128xf32, #tpu.memory_space<vmem>>
        tpu.enqueue_dma source(%dma_start3A_106 : memref<336x128xf32, #tpu.memory_space<vmem>>) target(%dma_start3A_103 : memref<336x128xf32, #tpu.memory_space<hbm>>) target_semaphore(%run_scoped3A : memref<!tpu.dma_semaphore, #tpu.memory_space<semaphore_mem>>)
        %dma_wait3A_107 = arith.constant 0 : i32
        %dma_wait3A_108 = arith.constant 0 : i32
        %dma_wait3A_109 = tpu.memref_slice %arg24[%dma_wait3A_107, %dma_wait3A_108] : memref<344x128xf32, #tpu.memory_space<vmem>> -> memref<336x128xf32, #tpu.memory_space<vmem>>
        %dma_wait3A_110 = arith.constant 0 : i32
        %dma_wait3A_111 = tpu.memref_slice %arg9[%add3A_96, %dma_wait3A_110] : memref<10752x128xf32, #tpu.memory_space<hbm>> -> memref<336x128xf32, #tpu.memory_space<hbm>>
        %dma_wait3A_112 = arith.constant 0 : i32
        %dma_wait3A_113 = tpu.memref_slice %arg9[%add3A_96, %dma_wait3A_112] : memref<10752x128xf32, #tpu.memory_space<hbm>> -> memref<336x128xf32, #tpu.memory_space<hbm>>
        %dma_wait3A_114 = arith.constant 0 : i32
        %dma_wait3A_115 = arith.constant 0 : i32
        %dma_wait3A_116 = tpu.memref_slice %arg24[%dma_wait3A_114, %dma_wait3A_115] : memref<344x128xf32, #tpu.memory_space<vmem>> -> memref<336x128xf32, #tpu.memory_space<vmem>>
        tpu.wait_dma2 semaphore(%run_scoped3A : memref<!tpu.dma_semaphore, #tpu.memory_space<semaphore_mem>>) src(%dma_wait3A_116 : memref<336x128xf32, #tpu.memory_space<vmem>>) dst(%dma_wait3A_113 : memref<336x128xf32, #tpu.memory_space<hbm>>)
        tpu.yield
      }) : () -> ()
    } else {
    }
    %eq3A_38 = arith.constant 1 : i32
    %eq3A_39 = arith.cmpi eq, %arg0, %eq3A_38 : i32
    %convert_element_type3A_40 = arith.extui %eq3A_39 : i1 to i32
    %cond3A_41 = arith.constant 0 : i32
    %cond3A_42 = arith.cmpi ne, %convert_element_type3A_40, %cond3A_41 : i32
    scf.if %cond3A_42 {
      %mul3A_93 = arith.constant 336 : i32
      %mul3A_94 = arith.muli %arg1, %mul3A_93 : i32
      %add3A_95 = arith.constant 0 : i32
      %add3A_96 = arith.addi %add3A_95, %mul3A_94 : i32
      "tpu.region"() ({
        %run_scoped3A = tpu.sem_alloc : memref<!tpu.dma_semaphore, #tpu.memory_space<semaphore_mem>>
        %dma_start3A_97 = arith.constant 0 : i32
        %dma_start3A_98 = arith.constant 0 : i32
        %dma_start3A_99 = tpu.memref_slice %arg24[%dma_start3A_97, %dma_start3A_98] : memref<344x128xf32, #tpu.memory_space<vmem>> -> memref<336x128xf32, #tpu.memory_space<vmem>>
        %dma_start3A_100 = arith.constant 0 : i32
        %dma_start3A_101 = tpu.memref_slice %arg10[%add3A_96, %dma_start3A_100] : memref<10752x128xf32, #tpu.memory_space<hbm>> -> memref<336x128xf32, #tpu.memory_space<hbm>>
        %dma_start3A_102 = arith.constant 0 : i32
        %dma_start3A_103 = tpu.memref_slice %arg10[%add3A_96, %dma_start3A_102] : memref<10752x128xf32, #tpu.memory_space<hbm>> -> memref<336x128xf32, #tpu.memory_space<hbm>>
        %dma_start3A_104 = arith.constant 0 : i32
        %dma_start3A_105 = arith.constant 0 : i32
        %dma_start3A_106 = tpu.memref_slice %arg24[%dma_start3A_104, %dma_start3A_105] : memref<344x128xf32, #tpu.memory_space<vmem>> -> memref<336x128xf32, #tpu.memory_space<vmem>>
        tpu.enqueue_dma source(%dma_start3A_106 : memref<336x128xf32, #tpu.memory_space<vmem>>) target(%dma_start3A_103 : memref<336x128xf32, #tpu.memory_space<hbm>>) target_semaphore(%run_scoped3A : memref<!tpu.dma_semaphore, #tpu.memory_space<semaphore_mem>>)
        %dma_wait3A_107 = arith.constant 0 : i32
        %dma_wait3A_108 = arith.constant 0 : i32
        %dma_wait3A_109 = tpu.memref_slice %arg24[%dma_wait3A_107, %dma_wait3A_108] : memref<344x128xf32, #tpu.memory_space<vmem>> -> memref<336x128xf32, #tpu.memory_space<vmem>>
        %dma_wait3A_110 = arith.constant 0 : i32
        %dma_wait3A_111 = tpu.memref_slice %arg10[%add3A_96, %dma_wait3A_110] : memref<10752x128xf32, #tpu.memory_space<hbm>> -> memref<336x128xf32, #tpu.memory_space<hbm>>
        %dma_wait3A_112 = arith.constant 0 : i32
        %dma_wait3A_113 = tpu.memref_slice %arg10[%add3A_96, %dma_wait3A_112] : memref<10752x128xf32, #tpu.memory_space<hbm>> -> memref<336x128xf32, #tpu.memory_space<hbm>>
        %dma_wait3A_114 = arith.constant 0 : i32
        %dma_wait3A_115 = arith.constant 0 : i32
        %dma_wait3A_116 = tpu.memref_slice %arg24[%dma_wait3A_114, %dma_wait3A_115] : memref<344x128xf32, #tpu.memory_space<vmem>> -> memref<336x128xf32, #tpu.memory_space<vmem>>
        tpu.wait_dma2 semaphore(%run_scoped3A : memref<!tpu.dma_semaphore, #tpu.memory_space<semaphore_mem>>) src(%dma_wait3A_116 : memref<336x128xf32, #tpu.memory_space<vmem>>) dst(%dma_wait3A_113 : memref<336x128xf32, #tpu.memory_space<hbm>>)
        tpu.yield
      }) : () -> ()
    } else {
    }
    %eq3A_43 = arith.constant 0 : i32
    %eq3A_44 = arith.cmpi eq, %arg0, %eq3A_43 : i32
    %convert_element_type3A_45 = arith.extui %eq3A_44 : i1 to i32
    %cond3A_46 = arith.constant 0 : i32
    %cond3A_47 = arith.cmpi ne, %convert_element_type3A_45, %cond3A_46 : i32
    scf.if %cond3A_47 {
      %mul3A_93 = arith.constant 672 : i32
      %mul3A_94 = arith.muli %arg1, %mul3A_93 : i32
      "tpu.region"() ({
        %run_scoped3A = tpu.sem_alloc : memref<!tpu.dma_semaphore, #tpu.memory_space<semaphore_mem>>
        %dma_start3A_97 = tpu.memref_slice %arg27[%mul3A_94] : memref<10752xf32, #tpu.memory_space<vmem_shared>> -> memref<672xf32, #tpu.memory_space<vmem_shared>>
        %dma_start3A_98 = tpu.memref_slice %arg27[%mul3A_94] : memref<10752xf32, #tpu.memory_space<vmem_shared>> -> memref<672xf32, #tpu.memory_space<vmem_shared>>
        tpu.enqueue_dma source(%dma_start3A_98 : memref<672xf32, #tpu.memory_space<vmem_shared>>) target(%arg25 : memref<672xf32, #tpu.memory_space<vmem>>) target_semaphore(%run_scoped3A : memref<!tpu.dma_semaphore, #tpu.memory_space<semaphore_mem>>)
        %dma_wait3A_99 = tpu.memref_slice %arg27[%mul3A_94] : memref<10752xf32, #tpu.memory_space<vmem_shared>> -> memref<672xf32, #tpu.memory_space<vmem_shared>>
        %dma_wait3A_100 = tpu.memref_slice %arg27[%mul3A_94] : memref<10752xf32, #tpu.memory_space<vmem_shared>> -> memref<672xf32, #tpu.memory_space<vmem_shared>>
        tpu.wait_dma2 semaphore(%run_scoped3A : memref<!tpu.dma_semaphore, #tpu.memory_space<semaphore_mem>>) src(%dma_wait3A_100 : memref<672xf32, #tpu.memory_space<vmem_shared>>) dst(%arg25 : memref<672xf32, #tpu.memory_space<vmem>>)
        tpu.yield
      }) : () -> ()
      %mul3A_95 = arith.constant 672 : i32
      %mul3A_96 = arith.muli %arg1, %mul3A_95 : i32
      "tpu.region"() ({
        %run_scoped3A = tpu.sem_alloc : memref<!tpu.dma_semaphore, #tpu.memory_space<semaphore_mem>>
        %dma_start3A_97 = tpu.memref_slice %arg11[%mul3A_96] : memref<10752xf32, #tpu.memory_space<hbm>> -> memref<672xf32, #tpu.memory_space<hbm>>
        %dma_start3A_98 = tpu.memref_slice %arg11[%mul3A_96] : memref<10752xf32, #tpu.memory_space<hbm>> -> memref<672xf32, #tpu.memory_space<hbm>>
        tpu.enqueue_dma source(%arg25 : memref<672xf32, #tpu.memory_space<vmem>>) target(%dma_start3A_98 : memref<672xf32, #tpu.memory_space<hbm>>) target_semaphore(%run_scoped3A : memref<!tpu.dma_semaphore, #tpu.memory_space<semaphore_mem>>)
        %dma_wait3A_99 = tpu.memref_slice %arg11[%mul3A_96] : memref<10752xf32, #tpu.memory_space<hbm>> -> memref<672xf32, #tpu.memory_space<hbm>>
        %dma_wait3A_100 = tpu.memref_slice %arg11[%mul3A_96] : memref<10752xf32, #tpu.memory_space<hbm>> -> memref<672xf32, #tpu.memory_space<hbm>>
        tpu.wait_dma2 semaphore(%run_scoped3A : memref<!tpu.dma_semaphore, #tpu.memory_space<semaphore_mem>>) src(%arg25 : memref<672xf32, #tpu.memory_space<vmem>>) dst(%dma_wait3A_100 : memref<672xf32, #tpu.memory_space<hbm>>)
        tpu.yield
      }) : () -> ()
    } else {
    }
    %barrier3A_48 = arith.constant 0 : index
    tpu.barrier barrier_id(%barrier3A_48)
    "tpu.region"() ({
      %run_scoped3A = tpu.sem_alloc : memref<!tpu.dma_semaphore, #tpu.memory_space<semaphore_mem>>
      tpu.enqueue_dma source(%arg7 : memref<344x128xf32, #tpu.memory_space<hbm>>) target(%arg24 : memref<344x128xf32, #tpu.memory_space<vmem>>) target_semaphore(%run_scoped3A : memref<!tpu.dma_semaphore, #tpu.memory_space<semaphore_mem>>)
      tpu.wait_dma2 semaphore(%run_scoped3A : memref<!tpu.dma_semaphore, #tpu.memory_space<semaphore_mem>>) src(%arg7 : memref<344x128xf32, #tpu.memory_space<hbm>>) dst(%arg24 : memref<344x128xf32, #tpu.memory_space<vmem>>)
      tpu.yield
    }) : () -> ()
    %mul3A_49 = arith.constant 344 : i32
    %mul3A_50 = arith.muli %arg1, %mul3A_49 : i32
    "tpu.region"() ({
      %run_scoped3A = tpu.sem_alloc : memref<!tpu.dma_semaphore, #tpu.memory_space<semaphore_mem>>
      %dma_start3A_93 = arith.constant 0 : i32
      %dma_start3A_94 = tpu.memref_slice %arg26[%mul3A_50, %dma_start3A_93] : memref<5504x128xf32, #tpu.memory_space<vmem_shared>> -> memref<344x128xf32, #tpu.memory_space<vmem_shared>>
      %dma_start3A_95 = arith.constant 0 : i32
      %dma_start3A_96 = tpu.memref_slice %arg26[%mul3A_50, %dma_start3A_95] : memref<5504x128xf32, #tpu.memory_space<vmem_shared>> -> memref<344x128xf32, #tpu.memory_space<vmem_shared>>
      tpu.enqueue_dma source(%arg24 : memref<344x128xf32, #tpu.memory_space<vmem>>) target(%dma_start3A_96 : memref<344x128xf32, #tpu.memory_space<vmem_shared>>) target_semaphore(%run_scoped3A : memref<!tpu.dma_semaphore, #tpu.memory_space<semaphore_mem>>)
      %dma_wait3A_97 = arith.constant 0 : i32
      %dma_wait3A_98 = tpu.memref_slice %arg26[%mul3A_50, %dma_wait3A_97] : memref<5504x128xf32, #tpu.memory_space<vmem_shared>> -> memref<344x128xf32, #tpu.memory_space<vmem_shared>>
      %dma_wait3A_99 = arith.constant 0 : i32
      %dma_wait3A_100 = tpu.memref_slice %arg26[%mul3A_50, %dma_wait3A_99] : memref<5504x128xf32, #tpu.memory_space<vmem_shared>> -> memref<344x128xf32, #tpu.memory_space<vmem_shared>>
      tpu.wait_dma2 semaphore(%run_scoped3A : memref<!tpu.dma_semaphore, #tpu.memory_space<semaphore_mem>>) src(%arg24 : memref<344x128xf32, #tpu.memory_space<vmem>>) dst(%dma_wait3A_100 : memref<344x128xf32, #tpu.memory_space<vmem_shared>>)
      tpu.yield
    }) : () -> ()
    %barrier3A_51 = arith.constant 0 : index
    tpu.barrier barrier_id(%barrier3A_51)
    "tpu.region"() ({
      %run_scoped3A = tpu.sem_alloc : memref<!tpu.dma_semaphore, #tpu.memory_space<semaphore_mem>>
      %dma_start3A_93 = tpu.memref_slice %arg2[%mul3A_2] : memref<327680xi32, #tpu.memory_space<hbm>> -> memref<128xi32, #tpu.memory_space<hbm>>
      %dma_start3A_94 = tpu.memref_slice %arg2[%mul3A_2] : memref<327680xi32, #tpu.memory_space<hbm>> -> memref<128xi32, #tpu.memory_space<hbm>>
      tpu.enqueue_dma source(%dma_start3A_94 : memref<128xi32, #tpu.memory_space<hbm>>) target(%arg12 : memref<128xi32, #tpu.memory_space<vmem>>) target_semaphore(%run_scoped3A : memref<!tpu.dma_semaphore, #tpu.memory_space<semaphore_mem>>)
      %dma_wait3A_95 = tpu.memref_slice %arg2[%mul3A_2] : memref<327680xi32, #tpu.memory_space<hbm>> -> memref<128xi32, #tpu.memory_space<hbm>>
      %dma_wait3A_96 = tpu.memref_slice %arg2[%mul3A_2] : memref<327680xi32, #tpu.memory_space<hbm>> -> memref<128xi32, #tpu.memory_space<hbm>>
      tpu.wait_dma2 semaphore(%run_scoped3A : memref<!tpu.dma_semaphore, #tpu.memory_space<semaphore_mem>>) src(%dma_wait3A_96 : memref<128xi32, #tpu.memory_space<hbm>>) dst(%arg12 : memref<128xi32, #tpu.memory_space<vmem>>)
      tpu.yield
    }) : () -> ()
    "tpu.region"() ({
      %run_scoped3A = tpu.sem_alloc : memref<!tpu.dma_semaphore, #tpu.memory_space<semaphore_mem>>
      %dma_start3A_93 = tpu.memref_slice %arg3[%mul3A_2] : memref<327680xi32, #tpu.memory_space<hbm>> -> memref<128xi32, #tpu.memory_space<hbm>>
      %dma_start3A_94 = tpu.memref_slice %arg3[%mul3A_2] : memref<327680xi32, #tpu.memory_space<hbm>> -> memref<128xi32, #tpu.memory_space<hbm>>
      tpu.enqueue_dma source(%dma_start3A_94 : memref<128xi32, #tpu.memory_space<hbm>>) target(%arg14 : memref<128xi32, #tpu.memory_space<vmem>>) target_semaphore(%run_scoped3A : memref<!tpu.dma_semaphore, #tpu.memory_space<semaphore_mem>>)
      %dma_wait3A_95 = tpu.memref_slice %arg3[%mul3A_2] : memref<327680xi32, #tpu.memory_space<hbm>> -> memref<128xi32, #tpu.memory_space<hbm>>
      %dma_wait3A_96 = tpu.memref_slice %arg3[%mul3A_2] : memref<327680xi32, #tpu.memory_space<hbm>> -> memref<128xi32, #tpu.memory_space<hbm>>
      tpu.wait_dma2 semaphore(%run_scoped3A : memref<!tpu.dma_semaphore, #tpu.memory_space<semaphore_mem>>) src(%dma_wait3A_96 : memref<128xi32, #tpu.memory_space<hbm>>) dst(%arg14 : memref<128xi32, #tpu.memory_space<vmem>>)
      tpu.yield
    }) : () -> ()
    %eq3A_52 = arith.constant 0 : i32
    %eq3A_53 = arith.cmpi eq, %arg0, %eq3A_52 : i32
    %convert_element_type3A_54 = arith.extui %eq3A_53 : i1 to i32
    %cond3A_55 = arith.constant 0 : i32
    %cond3A_56 = arith.cmpi ne, %convert_element_type3A_54, %cond3A_55 : i32
    scf.if %cond3A_56 {
      %dma_start3A_93 = arith.constant 0 : i32
      %dma_start3A_94 = arith.constant 0 : i32
      %dma_start3A_95 = tpu.memref_slice %arg4[%dma_start3A_93, %dma_start3A_94] : memref<10752x128xf32, #tpu.memory_space<hbm>> -> memref<10752x128xf32, #tpu.memory_space<hbm>>
      tpu.enqueue_indirect_dma source(%dma_start3A_95 : memref<10752x128xf32, #tpu.memory_space<hbm>>) target(%arg20 : memref<128x128xf32, #tpu.memory_space<vmem>>) offsets(%arg12 : memref<128xi32, #tpu.memory_space<vmem>>) semaphore(%arg28 : memref<!tpu.dma_semaphore, #tpu.memory_space<semaphore_mem>>)
    } else {
    }
    %eq3A_57 = arith.constant 1 : i32
    %eq3A_58 = arith.cmpi eq, %arg0, %eq3A_57 : i32
    %convert_element_type3A_59 = arith.extui %eq3A_58 : i1 to i32
    %cond3A_60 = arith.constant 0 : i32
    %cond3A_61 = arith.cmpi ne, %convert_element_type3A_59, %cond3A_60 : i32
    scf.if %cond3A_61 {
      %dma_start3A_93 = arith.constant 0 : i32
      %dma_start3A_94 = arith.constant 0 : i32
      %dma_start3A_95 = tpu.memref_slice %arg5[%dma_start3A_93, %dma_start3A_94] : memref<10752x128xf32, #tpu.memory_space<hbm>> -> memref<10752x128xf32, #tpu.memory_space<hbm>>
      tpu.enqueue_indirect_dma source(%dma_start3A_95 : memref<10752x128xf32, #tpu.memory_space<hbm>>) target(%arg20 : memref<128x128xf32, #tpu.memory_space<vmem>>) offsets(%arg12 : memref<128xi32, #tpu.memory_space<vmem>>) semaphore(%arg28 : memref<!tpu.dma_semaphore, #tpu.memory_space<semaphore_mem>>)
    } else {
    }
    %add3A_62 = arith.constant 128 : i32
    %add3A_63 = arith.addi %mul3A_2, %add3A_62 : i32
    %dma_start3A_64 = tpu.memref_slice %arg2[%add3A_63] : memref<327680xi32, #tpu.memory_space<hbm>> -> memref<128xi32, #tpu.memory_space<hbm>>
    %dma_start3A_65 = tpu.memref_slice %arg2[%add3A_63] : memref<327680xi32, #tpu.memory_space<hbm>> -> memref<128xi32, #tpu.memory_space<hbm>>
    tpu.enqueue_dma source(%dma_start3A_65 : memref<128xi32, #tpu.memory_space<hbm>>) target(%arg13 : memref<128xi32, #tpu.memory_space<vmem>>) target_semaphore(%arg31 : memref<!tpu.dma_semaphore, #tpu.memory_space<semaphore_mem>>)
    %add3A_66 = arith.constant 128 : i32
    %add3A_67 = arith.addi %mul3A_2, %add3A_66 : i32
    %dma_start3A_68 = tpu.memref_slice %arg3[%add3A_67] : memref<327680xi32, #tpu.memory_space<hbm>> -> memref<128xi32, #tpu.memory_space<hbm>>
    %dma_start3A_69 = tpu.memref_slice %arg3[%add3A_67] : memref<327680xi32, #tpu.memory_space<hbm>> -> memref<128xi32, #tpu.memory_space<hbm>>
    tpu.enqueue_dma source(%dma_start3A_69 : memref<128xi32, #tpu.memory_space<hbm>>) target(%arg15 : memref<128xi32, #tpu.memory_space<vmem>>) target_semaphore(%arg31 : memref<!tpu.dma_semaphore, #tpu.memory_space<semaphore_mem>>)
    %scan3A_70 = arith.constant 0 : i32
    %scan3A_71 = arith.constant 0 : i32
    %scan3A_72 = arith.constant 80 : i32
    %scan3A_73 = arith.addi %scan3A_71, %scan3A_72 : i32
    %scan3A_74 = arith.constant 1 : i32
    scf.for %scan3A_93 = %scan3A_71 to %scan3A_73 step %scan3A_74  : i32 {
      %mul3A_94 = arith.constant 2 : i32
      %mul3A_95 = arith.muli %mul3A_94, %scan3A_93 : i32
      %ge3A = arith.constant 1 : i32
      %ge3A_96 = arith.cmpi sge, %mul3A_95, %ge3A : i32
      %convert_element_type3A_97 = arith.extui %ge3A_96 : i1 to i32
      %cond3A_98 = arith.constant 0 : i32
      %cond3A_99 = arith.cmpi ne, %convert_element_type3A_97, %cond3A_98 : i32
      scf.if %cond3A_99 {
        %dma_wait3A_541 = arith.constant 0 : i32
        %dma_wait3A_542 = arith.constant 0 : i32
        %dma_wait3A_543 = tpu.memref_slice %arg26[%dma_wait3A_541, %dma_wait3A_542] : memref<5504x128xf32, #tpu.memory_space<vmem_shared>> -> memref<5504x128xf32, #tpu.memory_space<vmem_shared>>
        tpu.wait_indirect_dma semaphore(%arg33 : memref<!tpu.dma_semaphore, #tpu.memory_space<semaphore_mem>>) src(%arg21 : memref<128x128xf32, #tpu.memory_space<vmem>>) dst(%dma_wait3A_543 : memref<5504x128xf32, #tpu.memory_space<vmem_shared>>)
      } else {
      }
      %add3A_100 = arith.constant 1 : i32
      %add3A_101 = arith.addi %mul3A_95, %add3A_100 : i32
      %lt3A = arith.constant 160 : i32
      %lt3A_102 = arith.cmpi slt, %add3A_101, %lt3A : i32
      %convert_element_type3A_103 = arith.extui %lt3A_102 : i1 to i32
      %cond3A_104 = arith.constant 0 : i32
      %cond3A_105 = arith.cmpi ne, %convert_element_type3A_103, %cond3A_104 : i32
      scf.if %cond3A_105 {
        %add3A_541 = arith.constant 1 : i32
        %add3A_542 = arith.addi %mul3A_95, %add3A_541 : i32
        %mul3A_543 = arith.constant 128 : i32
        %mul3A_544 = arith.muli %add3A_542, %mul3A_543 : i32
        %add3A_545 = arith.addi %mul3A_2, %mul3A_544 : i32
        %dma_wait3A_546 = tpu.memref_slice %arg2[%add3A_545] : memref<327680xi32, #tpu.memory_space<hbm>> -> memref<128xi32, #tpu.memory_space<hbm>>
        %dma_wait3A_547 = tpu.memref_slice %arg2[%add3A_545] : memref<327680xi32, #tpu.memory_space<hbm>> -> memref<128xi32, #tpu.memory_space<hbm>>
        tpu.wait_dma2 semaphore(%arg31 : memref<!tpu.dma_semaphore, #tpu.memory_space<semaphore_mem>>) src(%dma_wait3A_547 : memref<128xi32, #tpu.memory_space<hbm>>) dst(%arg13 : memref<128xi32, #tpu.memory_space<vmem>>)
        %dma_wait3A_548 = tpu.memref_slice %arg3[%add3A_545] : memref<327680xi32, #tpu.memory_space<hbm>> -> memref<128xi32, #tpu.memory_space<hbm>>
        %dma_wait3A_549 = tpu.memref_slice %arg3[%add3A_545] : memref<327680xi32, #tpu.memory_space<hbm>> -> memref<128xi32, #tpu.memory_space<hbm>>
        tpu.wait_dma2 semaphore(%arg31 : memref<!tpu.dma_semaphore, #tpu.memory_space<semaphore_mem>>) src(%dma_wait3A_549 : memref<128xi32, #tpu.memory_space<hbm>>) dst(%arg15 : memref<128xi32, #tpu.memory_space<vmem>>)
        %eq3A_550 = arith.constant 0 : i32
        %eq3A_551 = arith.cmpi eq, %arg0, %eq3A_550 : i32
        %convert_element_type3A_552 = arith.extui %eq3A_551 : i1 to i32
        %cond3A_553 = arith.constant 0 : i32
        %cond3A_554 = arith.cmpi ne, %convert_element_type3A_552, %cond3A_553 : i32
        scf.if %cond3A_554 {
          %dma_start3A_560 = arith.constant 0 : i32
          %dma_start3A_561 = arith.constant 0 : i32
          %dma_start3A_562 = tpu.memref_slice %arg4[%dma_start3A_560, %dma_start3A_561] : memref<10752x128xf32, #tpu.memory_space<hbm>> -> memref<10752x128xf32, #tpu.memory_space<hbm>>
          tpu.enqueue_indirect_dma source(%dma_start3A_562 : memref<10752x128xf32, #tpu.memory_space<hbm>>) target(%arg21 : memref<128x128xf32, #tpu.memory_space<vmem>>) offsets(%arg13 : memref<128xi32, #tpu.memory_space<vmem>>) semaphore(%arg29 : memref<!tpu.dma_semaphore, #tpu.memory_space<semaphore_mem>>)
        } else {
        }
        %eq3A_555 = arith.constant 1 : i32
        %eq3A_556 = arith.cmpi eq, %arg0, %eq3A_555 : i32
        %convert_element_type3A_557 = arith.extui %eq3A_556 : i1 to i32
        %cond3A_558 = arith.constant 0 : i32
        %cond3A_559 = arith.cmpi ne, %convert_element_type3A_557, %cond3A_558 : i32
        scf.if %cond3A_559 {
          %dma_start3A_560 = arith.constant 0 : i32
          %dma_start3A_561 = arith.constant 0 : i32
          %dma_start3A_562 = tpu.memref_slice %arg5[%dma_start3A_560, %dma_start3A_561] : memref<10752x128xf32, #tpu.memory_space<hbm>> -> memref<10752x128xf32, #tpu.memory_space<hbm>>
          tpu.enqueue_indirect_dma source(%dma_start3A_562 : memref<10752x128xf32, #tpu.memory_space<hbm>>) target(%arg21 : memref<128x128xf32, #tpu.memory_space<vmem>>) offsets(%arg13 : memref<128xi32, #tpu.memory_space<vmem>>) semaphore(%arg29 : memref<!tpu.dma_semaphore, #tpu.memory_space<semaphore_mem>>)
        } else {
        }
      } else {
      }
      %eq3A_106 = arith.constant 0 : i32
      %eq3A_107 = arith.cmpi eq, %arg0, %eq3A_106 : i32
      %convert_element_type3A_108 = arith.extui %eq3A_107 : i1 to i32
      %cond3A_109 = arith.constant 0 : i32
      %cond3A_110 = arith.cmpi ne, %convert_element_type3A_108, %cond3A_109 : i32
      scf.if %cond3A_110 {
        %dma_wait3A_541 = arith.constant 0 : i32
        %dma_wait3A_542 = arith.constant 0 : i32
        %dma_wait3A_543 = tpu.memref_slice %arg4[%dma_wait3A_541, %dma_wait3A_542] : memref<10752x128xf32, #tpu.memory_space<hbm>> -> memref<10752x128xf32, #tpu.memory_space<hbm>>
        tpu.wait_indirect_dma semaphore(%arg28 : memref<!tpu.dma_semaphore, #tpu.memory_space<semaphore_mem>>) src(%dma_wait3A_543 : memref<10752x128xf32, #tpu.memory_space<hbm>>) dst(%arg20 : memref<128x128xf32, #tpu.memory_space<vmem>>)
      } else {
      }
      %eq3A_111 = arith.constant 1 : i32
      %eq3A_112 = arith.cmpi eq, %arg0, %eq3A_111 : i32
      %convert_element_type3A_113 = arith.extui %eq3A_112 : i1 to i32
      %cond3A_114 = arith.constant 0 : i32
      %cond3A_115 = arith.cmpi ne, %convert_element_type3A_113, %cond3A_114 : i32
      scf.if %cond3A_115 {
        %dma_wait3A_541 = arith.constant 0 : i32
        %dma_wait3A_542 = arith.constant 0 : i32
        %dma_wait3A_543 = tpu.memref_slice %arg5[%dma_wait3A_541, %dma_wait3A_542] : memref<10752x128xf32, #tpu.memory_space<hbm>> -> memref<10752x128xf32, #tpu.memory_space<hbm>>
        tpu.wait_indirect_dma semaphore(%arg28 : memref<!tpu.dma_semaphore, #tpu.memory_space<semaphore_mem>>) src(%dma_wait3A_543 : memref<10752x128xf32, #tpu.memory_space<hbm>>) dst(%arg20 : memref<128x128xf32, #tpu.memory_space<vmem>>)
      } else {
      }
      %get3A = arith.constant 0 : index
      %get3A_116 = tpu.vector_load %arg14[%get3A] {strides = array<i32>} : memref<128xi32, #tpu.memory_space<vmem>>, vector<16xi32>,
      %get3A_117 = vector.shape_cast %get3A_116 : vector<16xi32> to vector<16xi32>
      %ge3A_118 = arith.constant 5376 : i32
      %ge3A_119 = vector.broadcast %ge3A_118 : i32 to vector<16xi32>
      %ge3A_120 = arith.cmpi sge, %get3A_117, %ge3A_119 : vector<16xi32>
      %lt3A_121 = arith.constant 10752 : i32
      %lt3A_122 = vector.broadcast %lt3A_121 : i32 to vector<16xi32>
      %lt3A_123 = arith.cmpi slt, %get3A_117, %lt3A_122 : vector<16xi32>
      %and3A = arith.andi %ge3A_120, %lt3A_123 : vector<16xi1>
      %sub3A = arith.constant 5376 : i32
      %sub3A_124 = vector.broadcast %sub3A : i32 to vector<16xi32>
      %sub3A_125 = arith.subi %get3A_117, %sub3A_124 : vector<16xi32>
      %and3A_126 = arith.constant 127 : i32
      %and3A_127 = vector.broadcast %and3A_126 : i32 to vector<16xi32>
      %and3A_128 = arith.andi %get3A_117, %and3A_127 : vector<16xi32>
      %add3A_129 = arith.constant 5376 : i32
      %add3A_130 = vector.broadcast %add3A_129 : i32 to vector<16xi32>
      %add3A_131 = arith.addi %add3A_130, %and3A_128 : vector<16xi32>
      %select_n3A = arith.select %and3A, %sub3A_125, %add3A_131 : vector<16xi1>, vector<16xi32>
      %swap3A = arith.constant 0 : index
      %swap3A_132 = tpu.vector_load %arg16[%swap3A] {strides = array<i32>} : memref<128xi32, #tpu.memory_space<vmem>>, vector<16xi32>,
      %swap3A_133 = vector.shape_cast %swap3A_132 : vector<16xi32> to vector<16xi32>
      %swap3A_134 = vector.shape_cast %select_n3A : vector<16xi32> to vector<16xi32>
      tpu.vector_store %arg16[%swap3A], %swap3A_134 {strides = array<i32>} : memref<128xi32, #tpu.memory_space<vmem>>, vector<16xi32>,
      %get3A_135 = arith.constant 16 : index
      %get3A_136 = tpu.vector_load %arg14[%get3A_135] {strides = array<i32>} : memref<128xi32, #tpu.memory_space<vmem>>, vector<16xi32>,
      %get3A_137 = vector.shape_cast %get3A_136 : vector<16xi32> to vector<16xi32>
      %ge3A_138 = arith.constant 5376 : i32
      %ge3A_139 = vector.broadcast %ge3A_138 : i32 to vector<16xi32>
      %ge3A_140 = arith.cmpi sge, %get3A_137, %ge3A_139 : vector<16xi32>
      %lt3A_141 = arith.constant 10752 : i32
      %lt3A_142 = vector.broadcast %lt3A_141 : i32 to vector<16xi32>
      %lt3A_143 = arith.cmpi slt, %get3A_137, %lt3A_142 : vector<16xi32>
      %and3A_144 = arith.andi %ge3A_140, %lt3A_143 : vector<16xi1>
      %sub3A_145 = arith.constant 5376 : i32
      %sub3A_146 = vector.broadcast %sub3A_145 : i32 to vector<16xi32>
      %sub3A_147 = arith.subi %get3A_137, %sub3A_146 : vector<16xi32>
      %and3A_148 = arith.constant 127 : i32
      %and3A_149 = vector.broadcast %and3A_148 : i32 to vector<16xi32>
      %and3A_150 = arith.andi %get3A_137, %and3A_149 : vector<16xi32>
      %add3A_151 = arith.constant 5376 : i32
      %add3A_152 = vector.broadcast %add3A_151 : i32 to vector<16xi32>
      %add3A_153 = arith.addi %add3A_152, %and3A_150 : vector<16xi32>
      %select_n3A_154 = arith.select %and3A_144, %sub3A_147, %add3A_153 : vector<16xi1>, vector<16xi32>
      %swap3A_155 = arith.constant 16 : index
      %swap3A_156 = tpu.vector_load %arg16[%swap3A_155] {strides = array<i32>} : memref<128xi32, #tpu.memory_space<vmem>>, vector<16xi32>,
      %swap3A_157 = vector.shape_cast %swap3A_156 : vector<16xi32> to vector<16xi32>
      %swap3A_158 = vector.shape_cast %select_n3A_154 : vector<16xi32> to vector<16xi32>
      tpu.vector_store %arg16[%swap3A_155], %swap3A_158 {strides = array<i32>} : memref<128xi32, #tpu.memory_space<vmem>>, vector<16xi32>,
      %get3A_159 = arith.constant 32 : index
      %get3A_160 = tpu.vector_load %arg14[%get3A_159] {strides = array<i32>} : memref<128xi32, #tpu.memory_space<vmem>>, vector<16xi32>,
      %get3A_161 = vector.shape_cast %get3A_160 : vector<16xi32> to vector<16xi32>
      %ge3A_162 = arith.constant 5376 : i32
      %ge3A_163 = vector.broadcast %ge3A_162 : i32 to vector<16xi32>
      %ge3A_164 = arith.cmpi sge, %get3A_161, %ge3A_163 : vector<16xi32>
      %lt3A_165 = arith.constant 10752 : i32
      %lt3A_166 = vector.broadcast %lt3A_165 : i32 to vector<16xi32>
      %lt3A_167 = arith.cmpi slt, %get3A_161, %lt3A_166 : vector<16xi32>
      %and3A_168 = arith.andi %ge3A_164, %lt3A_167 : vector<16xi1>
      %sub3A_169 = arith.constant 5376 : i32
      %sub3A_170 = vector.broadcast %sub3A_169 : i32 to vector<16xi32>
      %sub3A_171 = arith.subi %get3A_161, %sub3A_170 : vector<16xi32>
      %and3A_172 = arith.constant 127 : i32
      %and3A_173 = vector.broadcast %and3A_172 : i32 to vector<16xi32>
      %and3A_174 = arith.andi %get3A_161, %and3A_173 : vector<16xi32>
      %add3A_175 = arith.constant 5376 : i32
      %add3A_176 = vector.broadcast %add3A_175 : i32 to vector<16xi32>
      %add3A_177 = arith.addi %add3A_176, %and3A_174 : vector<16xi32>
      %select_n3A_178 = arith.select %and3A_168, %sub3A_171, %add3A_177 : vector<16xi1>, vector<16xi32>
      %swap3A_179 = arith.constant 32 : index
      %swap3A_180 = tpu.vector_load %arg16[%swap3A_179] {strides = array<i32>} : memref<128xi32, #tpu.memory_space<vmem>>, vector<16xi32>,
      %swap3A_181 = vector.shape_cast %swap3A_180 : vector<16xi32> to vector<16xi32>
      %swap3A_182 = vector.shape_cast %select_n3A_178 : vector<16xi32> to vector<16xi32>
      tpu.vector_store %arg16[%swap3A_179], %swap3A_182 {strides = array<i32>} : memref<128xi32, #tpu.memory_space<vmem>>, vector<16xi32>,
      %get3A_183 = arith.constant 48 : index
      %get3A_184 = tpu.vector_load %arg14[%get3A_183] {strides = array<i32>} : memref<128xi32, #tpu.memory_space<vmem>>, vector<16xi32>,
      %get3A_185 = vector.shape_cast %get3A_184 : vector<16xi32> to vector<16xi32>
      %ge3A_186 = arith.constant 5376 : i32
      %ge3A_187 = vector.broadcast %ge3A_186 : i32 to vector<16xi32>
      %ge3A_188 = arith.cmpi sge, %get3A_185, %ge3A_187 : vector<16xi32>
      %lt3A_189 = arith.constant 10752 : i32
      %lt3A_190 = vector.broadcast %lt3A_189 : i32 to vector<16xi32>
      %lt3A_191 = arith.cmpi slt, %get3A_185, %lt3A_190 : vector<16xi32>
      %and3A_192 = arith.andi %ge3A_188, %lt3A_191 : vector<16xi1>
      %sub3A_193 = arith.constant 5376 : i32
      %sub3A_194 = vector.broadcast %sub3A_193 : i32 to vector<16xi32>
      %sub3A_195 = arith.subi %get3A_185, %sub3A_194 : vector<16xi32>
      %and3A_196 = arith.constant 127 : i32
      %and3A_197 = vector.broadcast %and3A_196 : i32 to vector<16xi32>
      %and3A_198 = arith.andi %get3A_185, %and3A_197 : vector<16xi32>
      %add3A_199 = arith.constant 5376 : i32
      %add3A_200 = vector.broadcast %add3A_199 : i32 to vector<16xi32>
      %add3A_201 = arith.addi %add3A_200, %and3A_198 : vector<16xi32>
      %select_n3A_202 = arith.select %and3A_192, %sub3A_195, %add3A_201 : vector<16xi1>, vector<16xi32>
      %swap3A_203 = arith.constant 48 : index
      %swap3A_204 = tpu.vector_load %arg16[%swap3A_203] {strides = array<i32>} : memref<128xi32, #tpu.memory_space<vmem>>, vector<16xi32>,
      %swap3A_205 = vector.shape_cast %swap3A_204 : vector<16xi32> to vector<16xi32>
      %swap3A_206 = vector.shape_cast %select_n3A_202 : vector<16xi32> to vector<16xi32>
      tpu.vector_store %arg16[%swap3A_203], %swap3A_206 {strides = array<i32>} : memref<128xi32, #tpu.memory_space<vmem>>, vector<16xi32>,
      %get3A_207 = arith.constant 64 : index
      %get3A_208 = tpu.vector_load %arg14[%get3A_207] {strides = array<i32>} : memref<128xi32, #tpu.memory_space<vmem>>, vector<16xi32>,
      %get3A_209 = vector.shape_cast %get3A_208 : vector<16xi32> to vector<16xi32>
      %ge3A_210 = arith.constant 5376 : i32
      %ge3A_211 = vector.broadcast %ge3A_210 : i32 to vector<16xi32>
      %ge3A_212 = arith.cmpi sge, %get3A_209, %ge3A_211 : vector<16xi32>
      %lt3A_213 = arith.constant 10752 : i32
      %lt3A_214 = vector.broadcast %lt3A_213 : i32 to vector<16xi32>
      %lt3A_215 = arith.cmpi slt, %get3A_209, %lt3A_214 : vector<16xi32>
      %and3A_216 = arith.andi %ge3A_212, %lt3A_215 : vector<16xi1>
      %sub3A_217 = arith.constant 5376 : i32
      %sub3A_218 = vector.broadcast %sub3A_217 : i32 to vector<16xi32>
      %sub3A_219 = arith.subi %get3A_209, %sub3A_218 : vector<16xi32>
      %and3A_220 = arith.constant 127 : i32
      %and3A_221 = vector.broadcast %and3A_220 : i32 to vector<16xi32>
      %and3A_222 = arith.andi %get3A_209, %and3A_221 : vector<16xi32>
      %add3A_223 = arith.constant 5376 : i32
      %add3A_224 = vector.broadcast %add3A_223 : i32 to vector<16xi32>
      %add3A_225 = arith.addi %add3A_224, %and3A_222 : vector<16xi32>
      %select_n3A_226 = arith.select %and3A_216, %sub3A_219, %add3A_225 : vector<16xi1>, vector<16xi32>
      %swap3A_227 = arith.constant 64 : index
      %swap3A_228 = tpu.vector_load %arg16[%swap3A_227] {strides = array<i32>} : memref<128xi32, #tpu.memory_space<vmem>>, vector<16xi32>,
      %swap3A_229 = vector.shape_cast %swap3A_228 : vector<16xi32> to vector<16xi32>
      %swap3A_230 = vector.shape_cast %select_n3A_226 : vector<16xi32> to vector<16xi32>
      tpu.vector_store %arg16[%swap3A_227], %swap3A_230 {strides = array<i32>} : memref<128xi32, #tpu.memory_space<vmem>>, vector<16xi32>,
      %get3A_231 = arith.constant 80 : index
      %get3A_232 = tpu.vector_load %arg14[%get3A_231] {strides = array<i32>} : memref<128xi32, #tpu.memory_space<vmem>>, vector<16xi32>,
      %get3A_233 = vector.shape_cast %get3A_232 : vector<16xi32> to vector<16xi32>
      %ge3A_234 = arith.constant 5376 : i32
      %ge3A_235 = vector.broadcast %ge3A_234 : i32 to vector<16xi32>
      %ge3A_236 = arith.cmpi sge, %get3A_233, %ge3A_235 : vector<16xi32>
      %lt3A_237 = arith.constant 10752 : i32
      %lt3A_238 = vector.broadcast %lt3A_237 : i32 to vector<16xi32>
      %lt3A_239 = arith.cmpi slt, %get3A_233, %lt3A_238 : vector<16xi32>
      %and3A_240 = arith.andi %ge3A_236, %lt3A_239 : vector<16xi1>
      %sub3A_241 = arith.constant 5376 : i32
      %sub3A_242 = vector.broadcast %sub3A_241 : i32 to vector<16xi32>
      %sub3A_243 = arith.subi %get3A_233, %sub3A_242 : vector<16xi32>
      %and3A_244 = arith.constant 127 : i32
      %and3A_245 = vector.broadcast %and3A_244 : i32 to vector<16xi32>
      %and3A_246 = arith.andi %get3A_233, %and3A_245 : vector<16xi32>
      %add3A_247 = arith.constant 5376 : i32
      %add3A_248 = vector.broadcast %add3A_247 : i32 to vector<16xi32>
      %add3A_249 = arith.addi %add3A_248, %and3A_246 : vector<16xi32>
      %select_n3A_250 = arith.select %and3A_240, %sub3A_243, %add3A_249 : vector<16xi1>, vector<16xi32>
      %swap3A_251 = arith.constant 80 : index
      %swap3A_252 = tpu.vector_load %arg16[%swap3A_251] {strides = array<i32>} : memref<128xi32, #tpu.memory_space<vmem>>, vector<16xi32>,
      %swap3A_253 = vector.shape_cast %swap3A_252 : vector<16xi32> to vector<16xi32>
      %swap3A_254 = vector.shape_cast %select_n3A_250 : vector<16xi32> to vector<16xi32>
      tpu.vector_store %arg16[%swap3A_251], %swap3A_254 {strides = array<i32>} : memref<128xi32, #tpu.memory_space<vmem>>, vector<16xi32>,
      %get3A_255 = arith.constant 96 : index
      %get3A_256 = tpu.vector_load %arg14[%get3A_255] {strides = array<i32>} : memref<128xi32, #tpu.memory_space<vmem>>, vector<16xi32>,
      %get3A_257 = vector.shape_cast %get3A_256 : vector<16xi32> to vector<16xi32>
      %ge3A_258 = arith.constant 5376 : i32
      %ge3A_259 = vector.broadcast %ge3A_258 : i32 to vector<16xi32>
      %ge3A_260 = arith.cmpi sge, %get3A_257, %ge3A_259 : vector<16xi32>
      %lt3A_261 = arith.constant 10752 : i32
      %lt3A_262 = vector.broadcast %lt3A_261 : i32 to vector<16xi32>
      %lt3A_263 = arith.cmpi slt, %get3A_257, %lt3A_262 : vector<16xi32>
      %and3A_264 = arith.andi %ge3A_260, %lt3A_263 : vector<16xi1>
      %sub3A_265 = arith.constant 5376 : i32
      %sub3A_266 = vector.broadcast %sub3A_265 : i32 to vector<16xi32>
      %sub3A_267 = arith.subi %get3A_257, %sub3A_266 : vector<16xi32>
      %and3A_268 = arith.constant 127 : i32
      %and3A_269 = vector.broadcast %and3A_268 : i32 to vector<16xi32>
      %and3A_270 = arith.andi %get3A_257, %and3A_269 : vector<16xi32>
      %add3A_271 = arith.constant 5376 : i32
      %add3A_272 = vector.broadcast %add3A_271 : i32 to vector<16xi32>
      %add3A_273 = arith.addi %add3A_272, %and3A_270 : vector<16xi32>
      %select_n3A_274 = arith.select %and3A_264, %sub3A_267, %add3A_273 : vector<16xi1>, vector<16xi32>
      %swap3A_275 = arith.constant 96 : index
      %swap3A_276 = tpu.vector_load %arg16[%swap3A_275] {strides = array<i32>} : memref<128xi32, #tpu.memory_space<vmem>>, vector<16xi32>,
      %swap3A_277 = vector.shape_cast %swap3A_276 : vector<16xi32> to vector<16xi32>
      %swap3A_278 = vector.shape_cast %select_n3A_274 : vector<16xi32> to vector<16xi32>
      tpu.vector_store %arg16[%swap3A_275], %swap3A_278 {strides = array<i32>} : memref<128xi32, #tpu.memory_space<vmem>>, vector<16xi32>,
      %get3A_279 = arith.constant 112 : index
      %get3A_280 = tpu.vector_load %arg14[%get3A_279] {strides = array<i32>} : memref<128xi32, #tpu.memory_space<vmem>>, vector<16xi32>,
      %get3A_281 = vector.shape_cast %get3A_280 : vector<16xi32> to vector<16xi32>
      %ge3A_282 = arith.constant 5376 : i32
      %ge3A_283 = vector.broadcast %ge3A_282 : i32 to vector<16xi32>
      %ge3A_284 = arith.cmpi sge, %get3A_281, %ge3A_283 : vector<16xi32>
      %lt3A_285 = arith.constant 10752 : i32
      %lt3A_286 = vector.broadcast %lt3A_285 : i32 to vector<16xi32>
      %lt3A_287 = arith.cmpi slt, %get3A_281, %lt3A_286 : vector<16xi32>
      %and3A_288 = arith.andi %ge3A_284, %lt3A_287 : vector<16xi1>
      %sub3A_289 = arith.constant 5376 : i32
      %sub3A_290 = vector.broadcast %sub3A_289 : i32 to vector<16xi32>
      %sub3A_291 = arith.subi %get3A_281, %sub3A_290 : vector<16xi32>
      %and3A_292 = arith.constant 127 : i32
      %and3A_293 = vector.broadcast %and3A_292 : i32 to vector<16xi32>
      %and3A_294 = arith.andi %get3A_281, %and3A_293 : vector<16xi32>
      %add3A_295 = arith.constant 5376 : i32
      %add3A_296 = vector.broadcast %add3A_295 : i32 to vector<16xi32>
      %add3A_297 = arith.addi %add3A_296, %and3A_294 : vector<16xi32>
      %select_n3A_298 = arith.select %and3A_288, %sub3A_291, %add3A_297 : vector<16xi1>, vector<16xi32>
      %swap3A_299 = arith.constant 112 : index
      %swap3A_300 = tpu.vector_load %arg16[%swap3A_299] {strides = array<i32>} : memref<128xi32, #tpu.memory_space<vmem>>, vector<16xi32>,
      %swap3A_301 = vector.shape_cast %swap3A_300 : vector<16xi32> to vector<16xi32>
      %swap3A_302 = vector.shape_cast %select_n3A_298 : vector<16xi32> to vector<16xi32>
      tpu.vector_store %arg16[%swap3A_299], %swap3A_302 {strides = array<i32>} : memref<128xi32, #tpu.memory_space<vmem>>, vector<16xi32>,
      %add3A_303 = arith.constant 2 : i32
      %add3A_304 = arith.addi %mul3A_95, %add3A_303 : i32
      %lt3A_305 = arith.constant 160 : i32
      %lt3A_306 = arith.cmpi slt, %add3A_304, %lt3A_305 : i32
      %convert_element_type3A_307 = arith.extui %lt3A_306 : i1 to i32
      %cond3A_308 = arith.constant 0 : i32
      %cond3A_309 = arith.cmpi ne, %convert_element_type3A_307, %cond3A_308 : i32
      scf.if %cond3A_309 {
        %add3A_541 = arith.constant 2 : i32
        %add3A_542 = arith.addi %mul3A_95, %add3A_541 : i32
        %mul3A_543 = arith.constant 128 : i32
        %mul3A_544 = arith.muli %add3A_542, %mul3A_543 : i32
        %add3A_545 = arith.addi %mul3A_2, %mul3A_544 : i32
        %dma_start3A_546 = tpu.memref_slice %arg2[%add3A_545] : memref<327680xi32, #tpu.memory_space<hbm>> -> memref<128xi32, #tpu.memory_space<hbm>>
        %dma_start3A_547 = tpu.memref_slice %arg2[%add3A_545] : memref<327680xi32, #tpu.memory_space<hbm>> -> memref<128xi32, #tpu.memory_space<hbm>>
        tpu.enqueue_dma source(%dma_start3A_547 : memref<128xi32, #tpu.memory_space<hbm>>) target(%arg12 : memref<128xi32, #tpu.memory_space<vmem>>) target_semaphore(%arg30 : memref<!tpu.dma_semaphore, #tpu.memory_space<semaphore_mem>>)
        %dma_start3A_548 = tpu.memref_slice %arg3[%add3A_545] : memref<327680xi32, #tpu.memory_space<hbm>> -> memref<128xi32, #tpu.memory_space<hbm>>
        %dma_start3A_549 = tpu.memref_slice %arg3[%add3A_545] : memref<327680xi32, #tpu.memory_space<hbm>> -> memref<128xi32, #tpu.memory_space<hbm>>
        tpu.enqueue_dma source(%dma_start3A_549 : memref<128xi32, #tpu.memory_space<hbm>>) target(%arg14 : memref<128xi32, #tpu.memory_space<vmem>>) target_semaphore(%arg30 : memref<!tpu.dma_semaphore, #tpu.memory_space<semaphore_mem>>)
      } else {
      }
      %dma_start3A_310 = arith.constant 0 : i32
      %dma_start3A_311 = arith.constant 0 : i32
      %dma_start3A_312 = tpu.memref_slice %arg26[%dma_start3A_310, %dma_start3A_311] : memref<5504x128xf32, #tpu.memory_space<vmem_shared>> -> memref<5504x128xf32, #tpu.memory_space<vmem_shared>>
      tpu.enqueue_indirect_dma source(%arg20 : memref<128x128xf32, #tpu.memory_space<vmem>>) target(%dma_start3A_312 : memref<5504x128xf32, #tpu.memory_space<vmem_shared>>) offsets(%arg16 : memref<128xi32, #tpu.memory_space<vmem>>) semaphore(%arg32 : memref<!tpu.dma_semaphore, #tpu.memory_space<semaphore_mem>>) {add = true}
      %mul3A_313 = arith.constant 2 : i32
      %mul3A_314 = arith.muli %mul3A_313, %scan3A_93 : i32
      %add3A_315 = arith.constant 1 : i32
      %add3A_316 = arith.addi %mul3A_314, %add3A_315 : i32
      %ge3A_317 = arith.constant 1 : i32
      %ge3A_318 = arith.cmpi sge, %add3A_316, %ge3A_317 : i32
      %convert_element_type3A_319 = arith.extui %ge3A_318 : i1 to i32
      %cond3A_320 = arith.constant 0 : i32
      %cond3A_321 = arith.cmpi ne, %convert_element_type3A_319, %cond3A_320 : i32
      scf.if %cond3A_321 {
        %dma_wait3A_541 = arith.constant 0 : i32
        %dma_wait3A_542 = arith.constant 0 : i32
        %dma_wait3A_543 = tpu.memref_slice %arg26[%dma_wait3A_541, %dma_wait3A_542] : memref<5504x128xf32, #tpu.memory_space<vmem_shared>> -> memref<5504x128xf32, #tpu.memory_space<vmem_shared>>
        tpu.wait_indirect_dma semaphore(%arg32 : memref<!tpu.dma_semaphore, #tpu.memory_space<semaphore_mem>>) src(%arg20 : memref<128x128xf32, #tpu.memory_space<vmem>>) dst(%dma_wait3A_543 : memref<5504x128xf32, #tpu.memory_space<vmem_shared>>)
      } else {
      }
      %add3A_322 = arith.constant 1 : i32
      %add3A_323 = arith.addi %add3A_316, %add3A_322 : i32
      %lt3A_324 = arith.constant 160 : i32
      %lt3A_325 = arith.cmpi slt, %add3A_323, %lt3A_324 : i32
      %convert_element_type3A_326 = arith.extui %lt3A_325 : i1 to i32
      %cond3A_327 = arith.constant 0 : i32
      %cond3A_328 = arith.cmpi ne, %convert_element_type3A_326, %cond3A_327 : i32
      scf.if %cond3A_328 {
        %add3A_541 = arith.constant 1 : i32
        %add3A_542 = arith.addi %add3A_316, %add3A_541 : i32
        %mul3A_543 = arith.constant 128 : i32
        %mul3A_544 = arith.muli %add3A_542, %mul3A_543 : i32
        %add3A_545 = arith.addi %mul3A_2, %mul3A_544 : i32
        %dma_wait3A_546 = tpu.memref_slice %arg2[%add3A_545] : memref<327680xi32, #tpu.memory_space<hbm>> -> memref<128xi32, #tpu.memory_space<hbm>>
        %dma_wait3A_547 = tpu.memref_slice %arg2[%add3A_545] : memref<327680xi32, #tpu.memory_space<hbm>> -> memref<128xi32, #tpu.memory_space<hbm>>
        tpu.wait_dma2 semaphore(%arg30 : memref<!tpu.dma_semaphore, #tpu.memory_space<semaphore_mem>>) src(%dma_wait3A_547 : memref<128xi32, #tpu.memory_space<hbm>>) dst(%arg12 : memref<128xi32, #tpu.memory_space<vmem>>)
        %dma_wait3A_548 = tpu.memref_slice %arg3[%add3A_545] : memref<327680xi32, #tpu.memory_space<hbm>> -> memref<128xi32, #tpu.memory_space<hbm>>
        %dma_wait3A_549 = tpu.memref_slice %arg3[%add3A_545] : memref<327680xi32, #tpu.memory_space<hbm>> -> memref<128xi32, #tpu.memory_space<hbm>>
        tpu.wait_dma2 semaphore(%arg30 : memref<!tpu.dma_semaphore, #tpu.memory_space<semaphore_mem>>) src(%dma_wait3A_549 : memref<128xi32, #tpu.memory_space<hbm>>) dst(%arg14 : memref<128xi32, #tpu.memory_space<vmem>>)
        %eq3A_550 = arith.constant 0 : i32
        %eq3A_551 = arith.cmpi eq, %arg0, %eq3A_550 : i32
        %convert_element_type3A_552 = arith.extui %eq3A_551 : i1 to i32
        %cond3A_553 = arith.constant 0 : i32
        %cond3A_554 = arith.cmpi ne, %convert_element_type3A_552, %cond3A_553 : i32
        scf.if %cond3A_554 {
          %dma_start3A_560 = arith.constant 0 : i32
          %dma_start3A_561 = arith.constant 0 : i32
          %dma_start3A_562 = tpu.memref_slice %arg4[%dma_start3A_560, %dma_start3A_561] : memref<10752x128xf32, #tpu.memory_space<hbm>> -> memref<10752x128xf32, #tpu.memory_space<hbm>>
          tpu.enqueue_indirect_dma source(%dma_start3A_562 : memref<10752x128xf32, #tpu.memory_space<hbm>>) target(%arg20 : memref<128x128xf32, #tpu.memory_space<vmem>>) offsets(%arg12 : memref<128xi32, #tpu.memory_space<vmem>>) semaphore(%arg28 : memref<!tpu.dma_semaphore, #tpu.memory_space<semaphore_mem>>)
        } else {
        }
        %eq3A_555 = arith.constant 1 : i32
        %eq3A_556 = arith.cmpi eq, %arg0, %eq3A_555 : i32
        %convert_element_type3A_557 = arith.extui %eq3A_556 : i1 to i32
        %cond3A_558 = arith.constant 0 : i32
        %cond3A_559 = arith.cmpi ne, %convert_element_type3A_557, %cond3A_558 : i32
        scf.if %cond3A_559 {
          %dma_start3A_560 = arith.constant 0 : i32
          %dma_start3A_561 = arith.constant 0 : i32
          %dma_start3A_562 = tpu.memref_slice %arg5[%dma_start3A_560, %dma_start3A_561] : memref<10752x128xf32, #tpu.memory_space<hbm>> -> memref<10752x128xf32, #tpu.memory_space<hbm>>
          tpu.enqueue_indirect_dma source(%dma_start3A_562 : memref<10752x128xf32, #tpu.memory_space<hbm>>) target(%arg20 : memref<128x128xf32, #tpu.memory_space<vmem>>) offsets(%arg12 : memref<128xi32, #tpu.memory_space<vmem>>) semaphore(%arg28 : memref<!tpu.dma_semaphore, #tpu.memory_space<semaphore_mem>>)
        } else {
        }
      } else {
      }
      %eq3A_329 = arith.constant 0 : i32
      %eq3A_330 = arith.cmpi eq, %arg0, %eq3A_329 : i32
      %convert_element_type3A_331 = arith.extui %eq3A_330 : i1 to i32
      %cond3A_332 = arith.constant 0 : i32
      %cond3A_333 = arith.cmpi ne, %convert_element_type3A_331, %cond3A_332 : i32
      scf.if %cond3A_333 {
        %dma_wait3A_541 = arith.constant 0 : i32
        %dma_wait3A_542 = arith.constant 0 : i32
        %dma_wait3A_543 = tpu.memref_slice %arg4[%dma_wait3A_541, %dma_wait3A_542] : memref<10752x128xf32, #tpu.memory_space<hbm>> -> memref<10752x128xf32, #tpu.memory_space<hbm>>
        tpu.wait_indirect_dma semaphore(%arg29 : memref<!tpu.dma_semaphore, #tpu.memory_space<semaphore_mem>>) src(%dma_wait3A_543 : memref<10752x128xf32, #tpu.memory_space<hbm>>) dst(%arg21 : memref<128x128xf32, #tpu.memory_space<vmem>>)
      } else {
      }
      %eq3A_334 = arith.constant 1 : i32
      %eq3A_335 = arith.cmpi eq, %arg0, %eq3A_334 : i32
      %convert_element_type3A_336 = arith.extui %eq3A_335 : i1 to i32
      %cond3A_337 = arith.constant 0 : i32
      %cond3A_338 = arith.cmpi ne, %convert_element_type3A_336, %cond3A_337 : i32
      scf.if %cond3A_338 {
        %dma_wait3A_541 = arith.constant 0 : i32
        %dma_wait3A_542 = arith.constant 0 : i32
        %dma_wait3A_543 = tpu.memref_slice %arg5[%dma_wait3A_541, %dma_wait3A_542] : memref<10752x128xf32, #tpu.memory_space<hbm>> -> memref<10752x128xf32, #tpu.memory_space<hbm>>
        tpu.wait_indirect_dma semaphore(%arg29 : memref<!tpu.dma_semaphore, #tpu.memory_space<semaphore_mem>>) src(%dma_wait3A_543 : memref<10752x128xf32, #tpu.memory_space<hbm>>) dst(%arg21 : memref<128x128xf32, #tpu.memory_space<vmem>>)
      } else {
      }
      %get3A_339 = arith.constant 0 : index
      %get3A_340 = tpu.vector_load %arg15[%get3A_339] {strides = array<i32>} : memref<128xi32, #tpu.memory_space<vmem>>, vector<16xi32>,
      %get3A_341 = vector.shape_cast %get3A_340 : vector<16xi32> to vector<16xi32>
      %ge3A_342 = arith.constant 5376 : i32
      %ge3A_343 = vector.broadcast %ge3A_342 : i32 to vector<16xi32>
      %ge3A_344 = arith.cmpi sge, %get3A_341, %ge3A_343 : vector<16xi32>
      %lt3A_345 = arith.constant 10752 : i32
      %lt3A_346 = vector.broadcast %lt3A_345 : i32 to vector<16xi32>
      %lt3A_347 = arith.cmpi slt, %get3A_341, %lt3A_346 : vector<16xi32>
      %and3A_348 = arith.andi %ge3A_344, %lt3A_347 : vector<16xi1>
      %sub3A_349 = arith.constant 5376 : i32
      %sub3A_350 = vector.broadcast %sub3A_349 : i32 to vector<16xi32>
      %sub3A_351 = arith.subi %get3A_341, %sub3A_350 : vector<16xi32>
      %and3A_352 = arith.constant 127 : i32
      %and3A_353 = vector.broadcast %and3A_352 : i32 to vector<16xi32>
      %and3A_354 = arith.andi %get3A_341, %and3A_353 : vector<16xi32>
      %add3A_355 = arith.constant 5376 : i32
      %add3A_356 = vector.broadcast %add3A_355 : i32 to vector<16xi32>
      %add3A_357 = arith.addi %add3A_356, %and3A_354 : vector<16xi32>
      %select_n3A_358 = arith.select %and3A_348, %sub3A_351, %add3A_357 : vector<16xi1>, vector<16xi32>
      %swap3A_359 = arith.constant 0 : index
      %swap3A_360 = tpu.vector_load %arg17[%swap3A_359] {strides = array<i32>} : memref<128xi32, #tpu.memory_space<vmem>>, vector<16xi32>,
      %swap3A_361 = vector.shape_cast %swap3A_360 : vector<16xi32> to vector<16xi32>
      %swap3A_362 = vector.shape_cast %select_n3A_358 : vector<16xi32> to vector<16xi32>
      tpu.vector_store %arg17[%swap3A_359], %swap3A_362 {strides = array<i32>} : memref<128xi32, #tpu.memory_space<vmem>>, vector<16xi32>,
      %get3A_363 = arith.constant 16 : index
      %get3A_364 = tpu.vector_load %arg15[%get3A_363] {strides = array<i32>} : memref<128xi32, #tpu.memory_space<vmem>>, vector<16xi32>,
      %get3A_365 = vector.shape_cast %get3A_364 : vector<16xi32> to vector<16xi32>
      %ge3A_366 = arith.constant 5376 : i32
      %ge3A_367 = vector.broadcast %ge3A_366 : i32 to vector<16xi32>
      %ge3A_368 = arith.cmpi sge, %get3A_365, %ge3A_367 : vector<16xi32>
      %lt3A_369 = arith.constant 10752 : i32
      %lt3A_370 = vector.broadcast %lt3A_369 : i32 to vector<16xi32>
      %lt3A_371 = arith.cmpi slt, %get3A_365, %lt3A_370 : vector<16xi32>
      %and3A_372 = arith.andi %ge3A_368, %lt3A_371 : vector<16xi1>
      %sub3A_373 = arith.constant 5376 : i32
      %sub3A_374 = vector.broadcast %sub3A_373 : i32 to vector<16xi32>
      %sub3A_375 = arith.subi %get3A_365, %sub3A_374 : vector<16xi32>
      %and3A_376 = arith.constant 127 : i32
      %and3A_377 = vector.broadcast %and3A_376 : i32 to vector<16xi32>
      %and3A_378 = arith.andi %get3A_365, %and3A_377 : vector<16xi32>
      %add3A_379 = arith.constant 5376 : i32
      %add3A_380 = vector.broadcast %add3A_379 : i32 to vector<16xi32>
      %add3A_381 = arith.addi %add3A_380, %and3A_378 : vector<16xi32>
      %select_n3A_382 = arith.select %and3A_372, %sub3A_375, %add3A_381 : vector<16xi1>, vector<16xi32>
      %swap3A_383 = arith.constant 16 : index
      %swap3A_384 = tpu.vector_load %arg17[%swap3A_383] {strides = array<i32>} : memref<128xi32, #tpu.memory_space<vmem>>, vector<16xi32>,
      %swap3A_385 = vector.shape_cast %swap3A_384 : vector<16xi32> to vector<16xi32>
      %swap3A_386 = vector.shape_cast %select_n3A_382 : vector<16xi32> to vector<16xi32>
      tpu.vector_store %arg17[%swap3A_383], %swap3A_386 {strides = array<i32>} : memref<128xi32, #tpu.memory_space<vmem>>, vector<16xi32>,
      %get3A_387 = arith.constant 32 : index
      %get3A_388 = tpu.vector_load %arg15[%get3A_387] {strides = array<i32>} : memref<128xi32, #tpu.memory_space<vmem>>, vector<16xi32>,
      %get3A_389 = vector.shape_cast %get3A_388 : vector<16xi32> to vector<16xi32>
      %ge3A_390 = arith.constant 5376 : i32
      %ge3A_391 = vector.broadcast %ge3A_390 : i32 to vector<16xi32>
      %ge3A_392 = arith.cmpi sge, %get3A_389, %ge3A_391 : vector<16xi32>
      %lt3A_393 = arith.constant 10752 : i32
      %lt3A_394 = vector.broadcast %lt3A_393 : i32 to vector<16xi32>
      %lt3A_395 = arith.cmpi slt, %get3A_389, %lt3A_394 : vector<16xi32>
      %and3A_396 = arith.andi %ge3A_392, %lt3A_395 : vector<16xi1>
      %sub3A_397 = arith.constant 5376 : i32
      %sub3A_398 = vector.broadcast %sub3A_397 : i32 to vector<16xi32>
      %sub3A_399 = arith.subi %get3A_389, %sub3A_398 : vector<16xi32>
      %and3A_400 = arith.constant 127 : i32
      %and3A_401 = vector.broadcast %and3A_400 : i32 to vector<16xi32>
      %and3A_402 = arith.andi %get3A_389, %and3A_401 : vector<16xi32>
      %add3A_403 = arith.constant 5376 : i32
      %add3A_404 = vector.broadcast %add3A_403 : i32 to vector<16xi32>
      %add3A_405 = arith.addi %add3A_404, %and3A_402 : vector<16xi32>
      %select_n3A_406 = arith.select %and3A_396, %sub3A_399, %add3A_405 : vector<16xi1>, vector<16xi32>
      %swap3A_407 = arith.constant 32 : index
      %swap3A_408 = tpu.vector_load %arg17[%swap3A_407] {strides = array<i32>} : memref<128xi32, #tpu.memory_space<vmem>>, vector<16xi32>,
      %swap3A_409 = vector.shape_cast %swap3A_408 : vector<16xi32> to vector<16xi32>
      %swap3A_410 = vector.shape_cast %select_n3A_406 : vector<16xi32> to vector<16xi32>
      tpu.vector_store %arg17[%swap3A_407], %swap3A_410 {strides = array<i32>} : memref<128xi32, #tpu.memory_space<vmem>>, vector<16xi32>,
      %get3A_411 = arith.constant 48 : index
      %get3A_412 = tpu.vector_load %arg15[%get3A_411] {strides = array<i32>} : memref<128xi32, #tpu.memory_space<vmem>>, vector<16xi32>,
      %get3A_413 = vector.shape_cast %get3A_412 : vector<16xi32> to vector<16xi32>
      %ge3A_414 = arith.constant 5376 : i32
      %ge3A_415 = vector.broadcast %ge3A_414 : i32 to vector<16xi32>
      %ge3A_416 = arith.cmpi sge, %get3A_413, %ge3A_415 : vector<16xi32>
      %lt3A_417 = arith.constant 10752 : i32
      %lt3A_418 = vector.broadcast %lt3A_417 : i32 to vector<16xi32>
      %lt3A_419 = arith.cmpi slt, %get3A_413, %lt3A_418 : vector<16xi32>
      %and3A_420 = arith.andi %ge3A_416, %lt3A_419 : vector<16xi1>
      %sub3A_421 = arith.constant 5376 : i32
      %sub3A_422 = vector.broadcast %sub3A_421 : i32 to vector<16xi32>
      %sub3A_423 = arith.subi %get3A_413, %sub3A_422 : vector<16xi32>
      %and3A_424 = arith.constant 127 : i32
      %and3A_425 = vector.broadcast %and3A_424 : i32 to vector<16xi32>
      %and3A_426 = arith.andi %get3A_413, %and3A_425 : vector<16xi32>
      %add3A_427 = arith.constant 5376 : i32
      %add3A_428 = vector.broadcast %add3A_427 : i32 to vector<16xi32>
      %add3A_429 = arith.addi %add3A_428, %and3A_426 : vector<16xi32>
      %select_n3A_430 = arith.select %and3A_420, %sub3A_423, %add3A_429 : vector<16xi1>, vector<16xi32>
      %swap3A_431 = arith.constant 48 : index
      %swap3A_432 = tpu.vector_load %arg17[%swap3A_431] {strides = array<i32>} : memref<128xi32, #tpu.memory_space<vmem>>, vector<16xi32>,
      %swap3A_433 = vector.shape_cast %swap3A_432 : vector<16xi32> to vector<16xi32>
      %swap3A_434 = vector.shape_cast %select_n3A_430 : vector<16xi32> to vector<16xi32>
      tpu.vector_store %arg17[%swap3A_431], %swap3A_434 {strides = array<i32>} : memref<128xi32, #tpu.memory_space<vmem>>, vector<16xi32>,
      %get3A_435 = arith.constant 64 : index
      %get3A_436 = tpu.vector_load %arg15[%get3A_435] {strides = array<i32>} : memref<128xi32, #tpu.memory_space<vmem>>, vector<16xi32>,
      %get3A_437 = vector.shape_cast %get3A_436 : vector<16xi32> to vector<16xi32>
      %ge3A_438 = arith.constant 5376 : i32
      %ge3A_439 = vector.broadcast %ge3A_438 : i32 to vector<16xi32>
      %ge3A_440 = arith.cmpi sge, %get3A_437, %ge3A_439 : vector<16xi32>
      %lt3A_441 = arith.constant 10752 : i32
      %lt3A_442 = vector.broadcast %lt3A_441 : i32 to vector<16xi32>
      %lt3A_443 = arith.cmpi slt, %get3A_437, %lt3A_442 : vector<16xi32>
      %and3A_444 = arith.andi %ge3A_440, %lt3A_443 : vector<16xi1>
      %sub3A_445 = arith.constant 5376 : i32
      %sub3A_446 = vector.broadcast %sub3A_445 : i32 to vector<16xi32>
      %sub3A_447 = arith.subi %get3A_437, %sub3A_446 : vector<16xi32>
      %and3A_448 = arith.constant 127 : i32
      %and3A_449 = vector.broadcast %and3A_448 : i32 to vector<16xi32>
      %and3A_450 = arith.andi %get3A_437, %and3A_449 : vector<16xi32>
      %add3A_451 = arith.constant 5376 : i32
      %add3A_452 = vector.broadcast %add3A_451 : i32 to vector<16xi32>
      %add3A_453 = arith.addi %add3A_452, %and3A_450 : vector<16xi32>
      %select_n3A_454 = arith.select %and3A_444, %sub3A_447, %add3A_453 : vector<16xi1>, vector<16xi32>
      %swap3A_455 = arith.constant 64 : index
      %swap3A_456 = tpu.vector_load %arg17[%swap3A_455] {strides = array<i32>} : memref<128xi32, #tpu.memory_space<vmem>>, vector<16xi32>,
      %swap3A_457 = vector.shape_cast %swap3A_456 : vector<16xi32> to vector<16xi32>
      %swap3A_458 = vector.shape_cast %select_n3A_454 : vector<16xi32> to vector<16xi32>
      tpu.vector_store %arg17[%swap3A_455], %swap3A_458 {strides = array<i32>} : memref<128xi32, #tpu.memory_space<vmem>>, vector<16xi32>,
      %get3A_459 = arith.constant 80 : index
      %get3A_460 = tpu.vector_load %arg15[%get3A_459] {strides = array<i32>} : memref<128xi32, #tpu.memory_space<vmem>>, vector<16xi32>,
      %get3A_461 = vector.shape_cast %get3A_460 : vector<16xi32> to vector<16xi32>
      %ge3A_462 = arith.constant 5376 : i32
      %ge3A_463 = vector.broadcast %ge3A_462 : i32 to vector<16xi32>
      %ge3A_464 = arith.cmpi sge, %get3A_461, %ge3A_463 : vector<16xi32>
      %lt3A_465 = arith.constant 10752 : i32
      %lt3A_466 = vector.broadcast %lt3A_465 : i32 to vector<16xi32>
      %lt3A_467 = arith.cmpi slt, %get3A_461, %lt3A_466 : vector<16xi32>
      %and3A_468 = arith.andi %ge3A_464, %lt3A_467 : vector<16xi1>
      %sub3A_469 = arith.constant 5376 : i32
      %sub3A_470 = vector.broadcast %sub3A_469 : i32 to vector<16xi32>
      %sub3A_471 = arith.subi %get3A_461, %sub3A_470 : vector<16xi32>
      %and3A_472 = arith.constant 127 : i32
      %and3A_473 = vector.broadcast %and3A_472 : i32 to vector<16xi32>
      %and3A_474 = arith.andi %get3A_461, %and3A_473 : vector<16xi32>
      %add3A_475 = arith.constant 5376 : i32
      %add3A_476 = vector.broadcast %add3A_475 : i32 to vector<16xi32>
      %add3A_477 = arith.addi %add3A_476, %and3A_474 : vector<16xi32>
      %select_n3A_478 = arith.select %and3A_468, %sub3A_471, %add3A_477 : vector<16xi1>, vector<16xi32>
      %swap3A_479 = arith.constant 80 : index
      %swap3A_480 = tpu.vector_load %arg17[%swap3A_479] {strides = array<i32>} : memref<128xi32, #tpu.memory_space<vmem>>, vector<16xi32>,
      %swap3A_481 = vector.shape_cast %swap3A_480 : vector<16xi32> to vector<16xi32>
      %swap3A_482 = vector.shape_cast %select_n3A_478 : vector<16xi32> to vector<16xi32>
      tpu.vector_store %arg17[%swap3A_479], %swap3A_482 {strides = array<i32>} : memref<128xi32, #tpu.memory_space<vmem>>, vector<16xi32>,
      %get3A_483 = arith.constant 96 : index
      %get3A_484 = tpu.vector_load %arg15[%get3A_483] {strides = array<i32>} : memref<128xi32, #tpu.memory_space<vmem>>, vector<16xi32>,
      %get3A_485 = vector.shape_cast %get3A_484 : vector<16xi32> to vector<16xi32>
      %ge3A_486 = arith.constant 5376 : i32
      %ge3A_487 = vector.broadcast %ge3A_486 : i32 to vector<16xi32>
      %ge3A_488 = arith.cmpi sge, %get3A_485, %ge3A_487 : vector<16xi32>
      %lt3A_489 = arith.constant 10752 : i32
      %lt3A_490 = vector.broadcast %lt3A_489 : i32 to vector<16xi32>
      %lt3A_491 = arith.cmpi slt, %get3A_485, %lt3A_490 : vector<16xi32>
      %and3A_492 = arith.andi %ge3A_488, %lt3A_491 : vector<16xi1>
      %sub3A_493 = arith.constant 5376 : i32
      %sub3A_494 = vector.broadcast %sub3A_493 : i32 to vector<16xi32>
      %sub3A_495 = arith.subi %get3A_485, %sub3A_494 : vector<16xi32>
      %and3A_496 = arith.constant 127 : i32
      %and3A_497 = vector.broadcast %and3A_496 : i32 to vector<16xi32>
      %and3A_498 = arith.andi %get3A_485, %and3A_497 : vector<16xi32>
      %add3A_499 = arith.constant 5376 : i32
      %add3A_500 = vector.broadcast %add3A_499 : i32 to vector<16xi32>
      %add3A_501 = arith.addi %add3A_500, %and3A_498 : vector<16xi32>
      %select_n3A_502 = arith.select %and3A_492, %sub3A_495, %add3A_501 : vector<16xi1>, vector<16xi32>
      %swap3A_503 = arith.constant 96 : index
      %swap3A_504 = tpu.vector_load %arg17[%swap3A_503] {strides = array<i32>} : memref<128xi32, #tpu.memory_space<vmem>>, vector<16xi32>,
      %swap3A_505 = vector.shape_cast %swap3A_504 : vector<16xi32> to vector<16xi32>
      %swap3A_506 = vector.shape_cast %select_n3A_502 : vector<16xi32> to vector<16xi32>
      tpu.vector_store %arg17[%swap3A_503], %swap3A_506 {strides = array<i32>} : memref<128xi32, #tpu.memory_space<vmem>>, vector<16xi32>,
      %get3A_507 = arith.constant 112 : index
      %get3A_508 = tpu.vector_load %arg15[%get3A_507] {strides = array<i32>} : memref<128xi32, #tpu.memory_space<vmem>>, vector<16xi32>,
      %get3A_509 = vector.shape_cast %get3A_508 : vector<16xi32> to vector<16xi32>
      %ge3A_510 = arith.constant 5376 : i32
      %ge3A_511 = vector.broadcast %ge3A_510 : i32 to vector<16xi32>
      %ge3A_512 = arith.cmpi sge, %get3A_509, %ge3A_511 : vector<16xi32>
      %lt3A_513 = arith.constant 10752 : i32
      %lt3A_514 = vector.broadcast %lt3A_513 : i32 to vector<16xi32>
      %lt3A_515 = arith.cmpi slt, %get3A_509, %lt3A_514 : vector<16xi32>
      %and3A_516 = arith.andi %ge3A_512, %lt3A_515 : vector<16xi1>
      %sub3A_517 = arith.constant 5376 : i32
      %sub3A_518 = vector.broadcast %sub3A_517 : i32 to vector<16xi32>
      %sub3A_519 = arith.subi %get3A_509, %sub3A_518 : vector<16xi32>
      %and3A_520 = arith.constant 127 : i32
      %and3A_521 = vector.broadcast %and3A_520 : i32 to vector<16xi32>
      %and3A_522 = arith.andi %get3A_509, %and3A_521 : vector<16xi32>
      %add3A_523 = arith.constant 5376 : i32
      %add3A_524 = vector.broadcast %add3A_523 : i32 to vector<16xi32>
      %add3A_525 = arith.addi %add3A_524, %and3A_522 : vector<16xi32>
      %select_n3A_526 = arith.select %and3A_516, %sub3A_519, %add3A_525 : vector<16xi1>, vector<16xi32>
      %swap3A_527 = arith.constant 112 : index
      %swap3A_528 = tpu.vector_load %arg17[%swap3A_527] {strides = array<i32>} : memref<128xi32, #tpu.memory_space<vmem>>, vector<16xi32>,
      %swap3A_529 = vector.shape_cast %swap3A_528 : vector<16xi32> to vector<16xi32>
      %swap3A_530 = vector.shape_cast %select_n3A_526 : vector<16xi32> to vector<16xi32>
      tpu.vector_store %arg17[%swap3A_527], %swap3A_530 {strides = array<i32>} : memref<128xi32, #tpu.memory_space<vmem>>, vector<16xi32>,
      %add3A_531 = arith.constant 2 : i32
      %add3A_532 = arith.addi %add3A_316, %add3A_531 : i32
      %lt3A_533 = arith.constant 160 : i32
      %lt3A_534 = arith.cmpi slt, %add3A_532, %lt3A_533 : i32
      %convert_element_type3A_535 = arith.extui %lt3A_534 : i1 to i32
      %cond3A_536 = arith.constant 0 : i32
      %cond3A_537 = arith.cmpi ne, %convert_element_type3A_535, %cond3A_536 : i32
      scf.if %cond3A_537 {
        %add3A_541 = arith.constant 2 : i32
        %add3A_542 = arith.addi %add3A_316, %add3A_541 : i32
        %mul3A_543 = arith.constant 128 : i32
        %mul3A_544 = arith.muli %add3A_542, %mul3A_543 : i32
        %add3A_545 = arith.addi %mul3A_2, %mul3A_544 : i32
        %dma_start3A_546 = tpu.memref_slice %arg2[%add3A_545] : memref<327680xi32, #tpu.memory_space<hbm>> -> memref<128xi32, #tpu.memory_space<hbm>>
        %dma_start3A_547 = tpu.memref_slice %arg2[%add3A_545] : memref<327680xi32, #tpu.memory_space<hbm>> -> memref<128xi32, #tpu.memory_space<hbm>>
        tpu.enqueue_dma source(%dma_start3A_547 : memref<128xi32, #tpu.memory_space<hbm>>) target(%arg13 : memref<128xi32, #tpu.memory_space<vmem>>) target_semaphore(%arg31 : memref<!tpu.dma_semaphore, #tpu.memory_space<semaphore_mem>>)
        %dma_start3A_548 = tpu.memref_slice %arg3[%add3A_545] : memref<327680xi32, #tpu.memory_space<hbm>> -> memref<128xi32, #tpu.memory_space<hbm>>
        %dma_start3A_549 = tpu.memref_slice %arg3[%add3A_545] : memref<327680xi32, #tpu.memory_space<hbm>> -> memref<128xi32, #tpu.memory_space<hbm>>
        tpu.enqueue_dma source(%dma_start3A_549 : memref<128xi32, #tpu.memory_space<hbm>>) target(%arg15 : memref<128xi32, #tpu.memory_space<vmem>>) target_semaphore(%arg31 : memref<!tpu.dma_semaphore, #tpu.memory_space<semaphore_mem>>)
      } else {
      }
      %dma_start3A_538 = arith.constant 0 : i32
      %dma_start3A_539 = arith.constant 0 : i32
      %dma_start3A_540 = tpu.memref_slice %arg26[%dma_start3A_538, %dma_start3A_539] : memref<5504x128xf32, #tpu.memory_space<vmem_shared>> -> memref<5504x128xf32, #tpu.memory_space<vmem_shared>>
      tpu.enqueue_indirect_dma source(%arg21 : memref<128x128xf32, #tpu.memory_space<vmem>>) target(%dma_start3A_540 : memref<5504x128xf32, #tpu.memory_space<vmem_shared>>) offsets(%arg17 : memref<128xi32, #tpu.memory_space<vmem>>) semaphore(%arg33 : memref<!tpu.dma_semaphore, #tpu.memory_space<semaphore_mem>>) {add = true}
    }
    %scan3A_75 = arith.constant 80 : i32
    %dma_wait3A_76 = arith.constant 0 : i32
    %dma_wait3A_77 = arith.constant 0 : i32
    %dma_wait3A_78 = tpu.memref_slice %arg26[%dma_wait3A_76, %dma_wait3A_77] : memref<5504x128xf32, #tpu.memory_space<vmem_shared>> -> memref<5504x128xf32, #tpu.memory_space<vmem_shared>>
    tpu.wait_indirect_dma semaphore(%arg33 : memref<!tpu.dma_semaphore, #tpu.memory_space<semaphore_mem>>) src(%arg21 : memref<128x128xf32, #tpu.memory_space<vmem>>) dst(%dma_wait3A_78 : memref<5504x128xf32, #tpu.memory_space<vmem_shared>>)
    %barrier3A_79 = arith.constant 0 : index
    tpu.barrier barrier_id(%barrier3A_79)
    %mul3A_80 = arith.constant 336 : i32
    %mul3A_81 = arith.muli %arg1, %mul3A_80 : i32
    "tpu.region"() ({
      %run_scoped3A = tpu.sem_alloc : memref<!tpu.dma_semaphore, #tpu.memory_space<semaphore_mem>>
      %dma_start3A_93 = arith.constant 0 : i32
      %dma_start3A_94 = arith.constant 0 : i32
      %dma_start3A_95 = tpu.memref_slice %arg24[%dma_start3A_93, %dma_start3A_94] : memref<344x128xf32, #tpu.memory_space<vmem>> -> memref<336x128xf32, #tpu.memory_space<vmem>>
      %dma_start3A_96 = arith.constant 0 : i32
      %dma_start3A_97 = tpu.memref_slice %arg26[%mul3A_81, %dma_start3A_96] : memref<5504x128xf32, #tpu.memory_space<vmem_shared>> -> memref<336x128xf32, #tpu.memory_space<vmem_shared>>
      %dma_start3A_98 = arith.constant 0 : i32
      %dma_start3A_99 = arith.constant 0 : i32
      %dma_start3A_100 = tpu.memref_slice %arg24[%dma_start3A_98, %dma_start3A_99] : memref<344x128xf32, #tpu.memory_space<vmem>> -> memref<336x128xf32, #tpu.memory_space<vmem>>
      %dma_start3A_101 = arith.constant 0 : i32
      %dma_start3A_102 = tpu.memref_slice %arg26[%mul3A_81, %dma_start3A_101] : memref<5504x128xf32, #tpu.memory_space<vmem_shared>> -> memref<336x128xf32, #tpu.memory_space<vmem_shared>>
      tpu.enqueue_dma source(%dma_start3A_102 : memref<336x128xf32, #tpu.memory_space<vmem_shared>>) target(%dma_start3A_100 : memref<336x128xf32, #tpu.memory_space<vmem>>) target_semaphore(%run_scoped3A : memref<!tpu.dma_semaphore, #tpu.memory_space<semaphore_mem>>)
      %dma_wait3A_103 = arith.constant 0 : i32
      %dma_wait3A_104 = arith.constant 0 : i32
      %dma_wait3A_105 = tpu.memref_slice %arg24[%dma_wait3A_103, %dma_wait3A_104] : memref<344x128xf32, #tpu.memory_space<vmem>> -> memref<336x128xf32, #tpu.memory_space<vmem>>
      %dma_wait3A_106 = arith.constant 0 : i32
      %dma_wait3A_107 = tpu.memref_slice %arg26[%mul3A_81, %dma_wait3A_106] : memref<5504x128xf32, #tpu.memory_space<vmem_shared>> -> memref<336x128xf32, #tpu.memory_space<vmem_shared>>
      %dma_wait3A_108 = arith.constant 0 : i32
      %dma_wait3A_109 = arith.constant 0 : i32
      %dma_wait3A_110 = tpu.memref_slice %arg24[%dma_wait3A_108, %dma_wait3A_109] : memref<344x128xf32, #tpu.memory_space<vmem>> -> memref<336x128xf32, #tpu.memory_space<vmem>>
      %dma_wait3A_111 = arith.constant 0 : i32
      %dma_wait3A_112 = tpu.memref_slice %arg26[%mul3A_81, %dma_wait3A_111] : memref<5504x128xf32, #tpu.memory_space<vmem_shared>> -> memref<336x128xf32, #tpu.memory_space<vmem_shared>>
      tpu.wait_dma2 semaphore(%run_scoped3A : memref<!tpu.dma_semaphore, #tpu.memory_space<semaphore_mem>>) src(%dma_wait3A_112 : memref<336x128xf32, #tpu.memory_space<vmem_shared>>) dst(%dma_wait3A_110 : memref<336x128xf32, #tpu.memory_space<vmem>>)
      tpu.yield
    }) : () -> ()
    %eq3A_82 = arith.constant 0 : i32
    %eq3A_83 = arith.cmpi eq, %arg0, %eq3A_82 : i32
    %convert_element_type3A_84 = arith.extui %eq3A_83 : i1 to i32
    %cond3A_85 = arith.constant 0 : i32
    %cond3A_86 = arith.cmpi ne, %convert_element_type3A_84, %cond3A_85 : i32
    scf.if %cond3A_86 {
      %mul3A_93 = arith.constant 336 : i32
      %mul3A_94 = arith.muli %arg1, %mul3A_93 : i32
      %add3A_95 = arith.constant 5376 : i32
      %add3A_96 = arith.addi %add3A_95, %mul3A_94 : i32
      "tpu.region"() ({
        %run_scoped3A = tpu.sem_alloc : memref<!tpu.dma_semaphore, #tpu.memory_space<semaphore_mem>>
        %dma_start3A_97 = arith.constant 0 : i32
        %dma_start3A_98 = arith.constant 0 : i32
        %dma_start3A_99 = tpu.memref_slice %arg24[%dma_start3A_97, %dma_start3A_98] : memref<344x128xf32, #tpu.memory_space<vmem>> -> memref<336x128xf32, #tpu.memory_space<vmem>>
        %dma_start3A_100 = arith.constant 0 : i32
        %dma_start3A_101 = tpu.memref_slice %arg9[%add3A_96, %dma_start3A_100] : memref<10752x128xf32, #tpu.memory_space<hbm>> -> memref<336x128xf32, #tpu.memory_space<hbm>>
        %dma_start3A_102 = arith.constant 0 : i32
        %dma_start3A_103 = tpu.memref_slice %arg9[%add3A_96, %dma_start3A_102] : memref<10752x128xf32, #tpu.memory_space<hbm>> -> memref<336x128xf32, #tpu.memory_space<hbm>>
        %dma_start3A_104 = arith.constant 0 : i32
        %dma_start3A_105 = arith.constant 0 : i32
        %dma_start3A_106 = tpu.memref_slice %arg24[%dma_start3A_104, %dma_start3A_105] : memref<344x128xf32, #tpu.memory_space<vmem>> -> memref<336x128xf32, #tpu.memory_space<vmem>>
        tpu.enqueue_dma source(%dma_start3A_106 : memref<336x128xf32, #tpu.memory_space<vmem>>) target(%dma_start3A_103 : memref<336x128xf32, #tpu.memory_space<hbm>>) target_semaphore(%run_scoped3A : memref<!tpu.dma_semaphore, #tpu.memory_space<semaphore_mem>>)
        %dma_wait3A_107 = arith.constant 0 : i32
        %dma_wait3A_108 = arith.constant 0 : i32
        %dma_wait3A_109 = tpu.memref_slice %arg24[%dma_wait3A_107, %dma_wait3A_108] : memref<344x128xf32, #tpu.memory_space<vmem>> -> memref<336x128xf32, #tpu.memory_space<vmem>>
        %dma_wait3A_110 = arith.constant 0 : i32
        %dma_wait3A_111 = tpu.memref_slice %arg9[%add3A_96, %dma_wait3A_110] : memref<10752x128xf32, #tpu.memory_space<hbm>> -> memref<336x128xf32, #tpu.memory_space<hbm>>
        %dma_wait3A_112 = arith.constant 0 : i32
        %dma_wait3A_113 = tpu.memref_slice %arg9[%add3A_96, %dma_wait3A_112] : memref<10752x128xf32, #tpu.memory_space<hbm>> -> memref<336x128xf32, #tpu.memory_space<hbm>>
        %dma_wait3A_114 = arith.constant 0 : i32
        %dma_wait3A_115 = arith.constant 0 : i32
        %dma_wait3A_116 = tpu.memref_slice %arg24[%dma_wait3A_114, %dma_wait3A_115] : memref<344x128xf32, #tpu.memory_space<vmem>> -> memref<336x128xf32, #tpu.memory_space<vmem>>
        tpu.wait_dma2 semaphore(%run_scoped3A : memref<!tpu.dma_semaphore, #tpu.memory_space<semaphore_mem>>) src(%dma_wait3A_116 : memref<336x128xf32, #tpu.memory_space<vmem>>) dst(%dma_wait3A_113 : memref<336x128xf32, #tpu.memory_space<hbm>>)
        tpu.yield
      }) : () -> ()
    } else {
    }
    %eq3A_87 = arith.constant 1 : i32
    %eq3A_88 = arith.cmpi eq, %arg0, %eq3A_87 : i32
    %convert_element_type3A_89 = arith.extui %eq3A_88 : i1 to i32
    %cond3A_90 = arith.constant 0 : i32
    %cond3A_91 = arith.cmpi ne, %convert_element_type3A_89, %cond3A_90 : i32
    scf.if %cond3A_91 {
      %mul3A_93 = arith.constant 336 : i32
      %mul3A_94 = arith.muli %arg1, %mul3A_93 : i32
      %add3A_95 = arith.constant 5376 : i32
      %add3A_96 = arith.addi %add3A_95, %mul3A_94 : i32
      "tpu.region"() ({
        %run_scoped3A = tpu.sem_alloc : memref<!tpu.dma_semaphore, #tpu.memory_space<semaphore_mem>>
        %dma_start3A_97 = arith.constant 0 : i32
        %dma_start3A_98 = arith.constant 0 : i32
        %dma_start3A_99 = tpu.memref_slice %arg24[%dma_start3A_97, %dma_start3A_98] : memref<344x128xf32, #tpu.memory_space<vmem>> -> memref<336x128xf32, #tpu.memory_space<vmem>>
        %dma_start3A_100 = arith.constant 0 : i32
        %dma_start3A_101 = tpu.memref_slice %arg10[%add3A_96, %dma_start3A_100] : memref<10752x128xf32, #tpu.memory_space<hbm>> -> memref<336x128xf32, #tpu.memory_space<hbm>>
        %dma_start3A_102 = arith.constant 0 : i32
        %dma_start3A_103 = tpu.memref_slice %arg10[%add3A_96, %dma_start3A_102] : memref<10752x128xf32, #tpu.memory_space<hbm>> -> memref<336x128xf32, #tpu.memory_space<hbm>>
        %dma_start3A_104 = arith.constant 0 : i32
        %dma_start3A_105 = arith.constant 0 : i32
        %dma_start3A_106 = tpu.memref_slice %arg24[%dma_start3A_104, %dma_start3A_105] : memref<344x128xf32, #tpu.memory_space<vmem>> -> memref<336x128xf32, #tpu.memory_space<vmem>>
        tpu.enqueue_dma source(%dma_start3A_106 : memref<336x128xf32, #tpu.memory_space<vmem>>) target(%dma_start3A_103 : memref<336x128xf32, #tpu.memory_space<hbm>>) target_semaphore(%run_scoped3A : memref<!tpu.dma_semaphore, #tpu.memory_space<semaphore_mem>>)
        %dma_wait3A_107 = arith.constant 0 : i32
        %dma_wait3A_108 = arith.constant 0 : i32
        %dma_wait3A_109 = tpu.memref_slice %arg24[%dma_wait3A_107, %dma_wait3A_108] : memref<344x128xf32, #tpu.memory_space<vmem>> -> memref<336x128xf32, #tpu.memory_space<vmem>>
        %dma_wait3A_110 = arith.constant 0 : i32
        %dma_wait3A_111 = tpu.memref_slice %arg10[%add3A_96, %dma_wait3A_110] : memref<10752x128xf32, #tpu.memory_space<hbm>> -> memref<336x128xf32, #tpu.memory_space<hbm>>
        %dma_wait3A_112 = arith.constant 0 : i32
        %dma_wait3A_113 = tpu.memref_slice %arg10[%add3A_96, %dma_wait3A_112] : memref<10752x128xf32, #tpu.memory_space<hbm>> -> memref<336x128xf32, #tpu.memory_space<hbm>>
        %dma_wait3A_114 = arith.constant 0 : i32
        %dma_wait3A_115 = arith.constant 0 : i32
        %dma_wait3A_116 = tpu.memref_slice %arg24[%dma_wait3A_114, %dma_wait3A_115] : memref<344x128xf32, #tpu.memory_space<vmem>> -> memref<336x128xf32, #tpu.memory_space<vmem>>
        tpu.wait_dma2 semaphore(%run_scoped3A : memref<!tpu.dma_semaphore, #tpu.memory_space<semaphore_mem>>) src(%dma_wait3A_116 : memref<336x128xf32, #tpu.memory_space<vmem>>) dst(%dma_wait3A_113 : memref<336x128xf32, #tpu.memory_space<hbm>>)
        tpu.yield
      }) : () -> ()
    } else {
    }
    %barrier3A_92 = arith.constant 0 : index
    tpu.barrier barrier_id(%barrier3A_92)
    return
  }
}

module attributes {stable_mosaic.version = 14 : i64} {
  func.func @_k3a_body(%arg0: i32, %arg1: memref<128x128xf32, #tpu.memory_space<vmem>>, %arg2: memref<128x384xf32, #tpu.memory_space<vmem>>, %arg3: memref<80x128xi32, #tpu.memory_space<vmem>>, %arg4: memref<128x384xf32, #tpu.memory_space<vmem>>, %arg5: memref<1x128xi32, #tpu.memory_space<vmem>>) attributes {dimension_semantics = [#tpu.dimension_semantics<arbitrary>], iteration_bounds = array<i64: 84>, scalar_prefetch = 0 : i64, scratch_operands = 0 : i64, tpu.core_type = #tpu.core_type<tc>, window_params = [{transform_indices = @transform_0, window_bounds = array<i64: 128, 128>}, {pipeline_mode = #tpu.pipeline_mode<synchronous>, transform_indices = @transform_1, window_bounds = array<i64: 128, 384>}, {pipeline_mode = #tpu.pipeline_mode<synchronous>, transform_indices = @transform_2, window_bounds = array<i64: 80, 128>}, {transform_indices = @transform_3, window_bounds = array<i64: 128, 384>}, {pipeline_mode = #tpu.pipeline_mode<synchronous>, transform_indices = @transform_4, window_bounds = array<i64: 1, 128>}]} {
    %get3A = arith.constant 0 : index
    %get3A_0 = arith.constant 0 : index
    %get3A_1 = vector.load %arg1[%get3A, %get3A_0] : memref<128x128xf32, #tpu.memory_space<vmem>>, vector<128x128xf32>
    %get3A_2 = arith.constant 0 : index
    %get3A_3 = arith.constant 0 : index
    %get3A_4 = vector.load %arg2[%get3A_2, %get3A_3] : memref<128x384xf32, #tpu.memory_space<vmem>>, vector<128x384xf32>
    %dot_general3A = arith.constant dense<0.000000e+00> : vector<128x384xf32>
    %dot_general3A_5 = tpu.matmul %get3A_1, %get3A_4, %dot_general3A {dimension_numbers = #tpu.dot_dimension_numbers<[1], [0], [0], [1], [0, 0, 1, 1], [], []>, transpose_lhs_hint = false} : vector<128x128xf32>, vector<128x384xf32>, vector<128x384xf32> -> vector<128x384xf32>
    %swap3A = arith.constant 0 : index
    %swap3A_6 = arith.constant 0 : index
    %swap3A_7 = vector.load %arg4[%swap3A, %swap3A_6] : memref<128x384xf32, #tpu.memory_space<vmem>>, vector<128x384xf32>
    tpu.vector_store %arg4[%swap3A, %swap3A_6], %dot_general3A_5 {strides = array<i32>} : memref<128x384xf32, #tpu.memory_space<vmem>>, vector<128x384xf32>,
    %eq3A = arith.constant 0 : i32
    %eq3A_8 = arith.cmpi eq, %arg0, %eq3A : i32
    %convert_element_type3A = arith.extui %eq3A_8 : i1 to i32
    %cond3A = arith.constant 0 : i32
    %cond3A_9 = arith.cmpi ne, %convert_element_type3A, %cond3A : i32
    scf.if %cond3A_9 {
      %get3A_10 = arith.constant 0 : index
      %get3A_11 = arith.constant 0 : index
      %get3A_12 = vector.load %arg3[%get3A_10, %get3A_11] : memref<80x128xi32, #tpu.memory_space<vmem>>, vector<80x128xi32>
      %iota3A = tpu.iota {dimensions = array<i32: 1>} : vector<1x128xi32>
      %broadcast_in_dim3A = arith.constant 0 : i32
      %broadcast_in_dim3A_13 = vector.broadcast %broadcast_in_dim3A : i32 to vector<1x128xi32>
      %lt3A = arith.constant 0 : i32
      %lt3A_14 = vector.broadcast %lt3A : i32 to vector<80x128xi32>
      %lt3A_15 = arith.cmpi slt, %get3A_12, %lt3A_14 : vector<80x128xi32>
      %convert_element_type3A_16 = arith.extui %lt3A_15 : vector<80x128xi1> to vector<80x128xi32>
      %reduce_sum3A = vector.shape_cast %convert_element_type3A_16 : vector<80x128xi32> to vector<1x80x128xi32>
      %reduce_sum3A_17 = arith.constant dense<0> : vector<1xi32>
      %reduce_sum3A_18 = vector.multi_reduction <add>, %reduce_sum3A, %reduce_sum3A_17 [1, 2] : vector<1x80x128xi32> to vector<1xi32>
      %reduce_sum3A_19 = vector.shape_cast %reduce_sum3A_18 : vector<1xi32> to vector<1x1x1xi32>
      %reduce_sum3A_20 = vector.extract %reduce_sum3A_19[0, 0, 0] : i32 from vector<1x1x1xi32>
      %eq3A_21 = arith.constant 0 : i32
      %eq3A_22 = vector.broadcast %eq3A_21 : i32 to vector<1x128xi32>
      %eq3A_23 = arith.cmpi eq, %iota3A, %eq3A_22 : vector<1x128xi32>
      %broadcast_in_dim3A_24 = vector.broadcast %reduce_sum3A_20 : i32 to vector<1x128xi32>
      %select_n3A = arith.select %eq3A_23, %broadcast_in_dim3A_24, %broadcast_in_dim3A_13 : vector<1x128xi1>, vector<1x128xi32>
      %lt3A_25 = arith.constant 1 : i32
      %lt3A_26 = vector.broadcast %lt3A_25 : i32 to vector<80x128xi32>
      %lt3A_27 = arith.cmpi slt, %get3A_12, %lt3A_26 : vector<80x128xi32>
      %convert_element_type3A_28 = arith.extui %lt3A_27 : vector<80x128xi1> to vector<80x128xi32>
      %reduce_sum3A_29 = vector.shape_cast %convert_element_type3A_28 : vector<80x128xi32> to vector<1x80x128xi32>
      %reduce_sum3A_30 = arith.constant dense<0> : vector<1xi32>
      %reduce_sum3A_31 = vector.multi_reduction <add>, %reduce_sum3A_29, %reduce_sum3A_30 [1, 2] : vector<1x80x128xi32> to vector<1xi32>
      %reduce_sum3A_32 = vector.shape_cast %reduce_sum3A_31 : vector<1xi32> to vector<1x1x1xi32>
      %reduce_sum3A_33 = vector.extract %reduce_sum3A_32[0, 0, 0] : i32 from vector<1x1x1xi32>
      %eq3A_34 = arith.constant 1 : i32
      %eq3A_35 = vector.broadcast %eq3A_34 : i32 to vector<1x128xi32>
      %eq3A_36 = arith.cmpi eq, %iota3A, %eq3A_35 : vector<1x128xi32>
      %broadcast_in_dim3A_37 = vector.broadcast %reduce_sum3A_33 : i32 to vector<1x128xi32>
      %select_n3A_38 = arith.select %eq3A_36, %broadcast_in_dim3A_37, %select_n3A : vector<1x128xi1>, vector<1x128xi32>
      %lt3A_39 = arith.constant 2 : i32
      %lt3A_40 = vector.broadcast %lt3A_39 : i32 to vector<80x128xi32>
      %lt3A_41 = arith.cmpi slt, %get3A_12, %lt3A_40 : vector<80x128xi32>
      %convert_element_type3A_42 = arith.extui %lt3A_41 : vector<80x128xi1> to vector<80x128xi32>
      %reduce_sum3A_43 = vector.shape_cast %convert_element_type3A_42 : vector<80x128xi32> to vector<1x80x128xi32>
      %reduce_sum3A_44 = arith.constant dense<0> : vector<1xi32>
      %reduce_sum3A_45 = vector.multi_reduction <add>, %reduce_sum3A_43, %reduce_sum3A_44 [1, 2] : vector<1x80x128xi32> to vector<1xi32>
      %reduce_sum3A_46 = vector.shape_cast %reduce_sum3A_45 : vector<1xi32> to vector<1x1x1xi32>
      %reduce_sum3A_47 = vector.extract %reduce_sum3A_46[0, 0, 0] : i32 from vector<1x1x1xi32>
      %eq3A_48 = arith.constant 2 : i32
      %eq3A_49 = vector.broadcast %eq3A_48 : i32 to vector<1x128xi32>
      %eq3A_50 = arith.cmpi eq, %iota3A, %eq3A_49 : vector<1x128xi32>
      %broadcast_in_dim3A_51 = vector.broadcast %reduce_sum3A_47 : i32 to vector<1x128xi32>
      %select_n3A_52 = arith.select %eq3A_50, %broadcast_in_dim3A_51, %select_n3A_38 : vector<1x128xi1>, vector<1x128xi32>
      %lt3A_53 = arith.constant 3 : i32
      %lt3A_54 = vector.broadcast %lt3A_53 : i32 to vector<80x128xi32>
      %lt3A_55 = arith.cmpi slt, %get3A_12, %lt3A_54 : vector<80x128xi32>
      %convert_element_type3A_56 = arith.extui %lt3A_55 : vector<80x128xi1> to vector<80x128xi32>
      %reduce_sum3A_57 = vector.shape_cast %convert_element_type3A_56 : vector<80x128xi32> to vector<1x80x128xi32>
      %reduce_sum3A_58 = arith.constant dense<0> : vector<1xi32>
      %reduce_sum3A_59 = vector.multi_reduction <add>, %reduce_sum3A_57, %reduce_sum3A_58 [1, 2] : vector<1x80x128xi32> to vector<1xi32>
      %reduce_sum3A_60 = vector.shape_cast %reduce_sum3A_59 : vector<1xi32> to vector<1x1x1xi32>
      %reduce_sum3A_61 = vector.extract %reduce_sum3A_60[0, 0, 0] : i32 from vector<1x1x1xi32>
      %eq3A_62 = arith.constant 3 : i32
      %eq3A_63 = vector.broadcast %eq3A_62 : i32 to vector<1x128xi32>
      %eq3A_64 = arith.cmpi eq, %iota3A, %eq3A_63 : vector<1x128xi32>
      %broadcast_in_dim3A_65 = vector.broadcast %reduce_sum3A_61 : i32 to vector<1x128xi32>
      %select_n3A_66 = arith.select %eq3A_64, %broadcast_in_dim3A_65, %select_n3A_52 : vector<1x128xi1>, vector<1x128xi32>
      %lt3A_67 = arith.constant 4 : i32
      %lt3A_68 = vector.broadcast %lt3A_67 : i32 to vector<80x128xi32>
      %lt3A_69 = arith.cmpi slt, %get3A_12, %lt3A_68 : vector<80x128xi32>
      %convert_element_type3A_70 = arith.extui %lt3A_69 : vector<80x128xi1> to vector<80x128xi32>
      %reduce_sum3A_71 = vector.shape_cast %convert_element_type3A_70 : vector<80x128xi32> to vector<1x80x128xi32>
      %reduce_sum3A_72 = arith.constant dense<0> : vector<1xi32>
      %reduce_sum3A_73 = vector.multi_reduction <add>, %reduce_sum3A_71, %reduce_sum3A_72 [1, 2] : vector<1x80x128xi32> to vector<1xi32>
      %reduce_sum3A_74 = vector.shape_cast %reduce_sum3A_73 : vector<1xi32> to vector<1x1x1xi32>
      %reduce_sum3A_75 = vector.extract %reduce_sum3A_74[0, 0, 0] : i32 from vector<1x1x1xi32>
      %eq3A_76 = arith.constant 4 : i32
      %eq3A_77 = vector.broadcast %eq3A_76 : i32 to vector<1x128xi32>
      %eq3A_78 = arith.cmpi eq, %iota3A, %eq3A_77 : vector<1x128xi32>
      %broadcast_in_dim3A_79 = vector.broadcast %reduce_sum3A_75 : i32 to vector<1x128xi32>
      %select_n3A_80 = arith.select %eq3A_78, %broadcast_in_dim3A_79, %select_n3A_66 : vector<1x128xi1>, vector<1x128xi32>
      %lt3A_81 = arith.constant 5 : i32
      %lt3A_82 = vector.broadcast %lt3A_81 : i32 to vector<80x128xi32>
      %lt3A_83 = arith.cmpi slt, %get3A_12, %lt3A_82 : vector<80x128xi32>
      %convert_element_type3A_84 = arith.extui %lt3A_83 : vector<80x128xi1> to vector<80x128xi32>
      %reduce_sum3A_85 = vector.shape_cast %convert_element_type3A_84 : vector<80x128xi32> to vector<1x80x128xi32>
      %reduce_sum3A_86 = arith.constant dense<0> : vector<1xi32>
      %reduce_sum3A_87 = vector.multi_reduction <add>, %reduce_sum3A_85, %reduce_sum3A_86 [1, 2] : vector<1x80x128xi32> to vector<1xi32>
      %reduce_sum3A_88 = vector.shape_cast %reduce_sum3A_87 : vector<1xi32> to vector<1x1x1xi32>
      %reduce_sum3A_89 = vector.extract %reduce_sum3A_88[0, 0, 0] : i32 from vector<1x1x1xi32>
      %eq3A_90 = arith.constant 5 : i32
      %eq3A_91 = vector.broadcast %eq3A_90 : i32 to vector<1x128xi32>
      %eq3A_92 = arith.cmpi eq, %iota3A, %eq3A_91 : vector<1x128xi32>
      %broadcast_in_dim3A_93 = vector.broadcast %reduce_sum3A_89 : i32 to vector<1x128xi32>
      %select_n3A_94 = arith.select %eq3A_92, %broadcast_in_dim3A_93, %select_n3A_80 : vector<1x128xi1>, vector<1x128xi32>
      %lt3A_95 = arith.constant 6 : i32
      %lt3A_96 = vector.broadcast %lt3A_95 : i32 to vector<80x128xi32>
      %lt3A_97 = arith.cmpi slt, %get3A_12, %lt3A_96 : vector<80x128xi32>
      %convert_element_type3A_98 = arith.extui %lt3A_97 : vector<80x128xi1> to vector<80x128xi32>
      %reduce_sum3A_99 = vector.shape_cast %convert_element_type3A_98 : vector<80x128xi32> to vector<1x80x128xi32>
      %reduce_sum3A_100 = arith.constant dense<0> : vector<1xi32>
      %reduce_sum3A_101 = vector.multi_reduction <add>, %reduce_sum3A_99, %reduce_sum3A_100 [1, 2] : vector<1x80x128xi32> to vector<1xi32>
      %reduce_sum3A_102 = vector.shape_cast %reduce_sum3A_101 : vector<1xi32> to vector<1x1x1xi32>
      %reduce_sum3A_103 = vector.extract %reduce_sum3A_102[0, 0, 0] : i32 from vector<1x1x1xi32>
      %eq3A_104 = arith.constant 6 : i32
      %eq3A_105 = vector.broadcast %eq3A_104 : i32 to vector<1x128xi32>
      %eq3A_106 = arith.cmpi eq, %iota3A, %eq3A_105 : vector<1x128xi32>
      %broadcast_in_dim3A_107 = vector.broadcast %reduce_sum3A_103 : i32 to vector<1x128xi32>
      %select_n3A_108 = arith.select %eq3A_106, %broadcast_in_dim3A_107, %select_n3A_94 : vector<1x128xi1>, vector<1x128xi32>
      %lt3A_109 = arith.constant 7 : i32
      %lt3A_110 = vector.broadcast %lt3A_109 : i32 to vector<80x128xi32>
      %lt3A_111 = arith.cmpi slt, %get3A_12, %lt3A_110 : vector<80x128xi32>
      %convert_element_type3A_112 = arith.extui %lt3A_111 : vector<80x128xi1> to vector<80x128xi32>
      %reduce_sum3A_113 = vector.shape_cast %convert_element_type3A_112 : vector<80x128xi32> to vector<1x80x128xi32>
      %reduce_sum3A_114 = arith.constant dense<0> : vector<1xi32>
      %reduce_sum3A_115 = vector.multi_reduction <add>, %reduce_sum3A_113, %reduce_sum3A_114 [1, 2] : vector<1x80x128xi32> to vector<1xi32>
      %reduce_sum3A_116 = vector.shape_cast %reduce_sum3A_115 : vector<1xi32> to vector<1x1x1xi32>
      %reduce_sum3A_117 = vector.extract %reduce_sum3A_116[0, 0, 0] : i32 from vector<1x1x1xi32>
      %eq3A_118 = arith.constant 7 : i32
      %eq3A_119 = vector.broadcast %eq3A_118 : i32 to vector<1x128xi32>
      %eq3A_120 = arith.cmpi eq, %iota3A, %eq3A_119 : vector<1x128xi32>
      %broadcast_in_dim3A_121 = vector.broadcast %reduce_sum3A_117 : i32 to vector<1x128xi32>
      %select_n3A_122 = arith.select %eq3A_120, %broadcast_in_dim3A_121, %select_n3A_108 : vector<1x128xi1>, vector<1x128xi32>
      %lt3A_123 = arith.constant 8 : i32
      %lt3A_124 = vector.broadcast %lt3A_123 : i32 to vector<80x128xi32>
      %lt3A_125 = arith.cmpi slt, %get3A_12, %lt3A_124 : vector<80x128xi32>
      %convert_element_type3A_126 = arith.extui %lt3A_125 : vector<80x128xi1> to vector<80x128xi32>
      %reduce_sum3A_127 = vector.shape_cast %convert_element_type3A_126 : vector<80x128xi32> to vector<1x80x128xi32>
      %reduce_sum3A_128 = arith.constant dense<0> : vector<1xi32>
      %reduce_sum3A_129 = vector.multi_reduction <add>, %reduce_sum3A_127, %reduce_sum3A_128 [1, 2] : vector<1x80x128xi32> to vector<1xi32>
      %reduce_sum3A_130 = vector.shape_cast %reduce_sum3A_129 : vector<1xi32> to vector<1x1x1xi32>
      %reduce_sum3A_131 = vector.extract %reduce_sum3A_130[0, 0, 0] : i32 from vector<1x1x1xi32>
      %eq3A_132 = arith.constant 8 : i32
      %eq3A_133 = vector.broadcast %eq3A_132 : i32 to vector<1x128xi32>
      %eq3A_134 = arith.cmpi eq, %iota3A, %eq3A_133 : vector<1x128xi32>
      %broadcast_in_dim3A_135 = vector.broadcast %reduce_sum3A_131 : i32 to vector<1x128xi32>
      %select_n3A_136 = arith.select %eq3A_134, %broadcast_in_dim3A_135, %select_n3A_122 : vector<1x128xi1>, vector<1x128xi32>
      %lt3A_137 = arith.constant 9 : i32
      %lt3A_138 = vector.broadcast %lt3A_137 : i32 to vector<80x128xi32>
      %lt3A_139 = arith.cmpi slt, %get3A_12, %lt3A_138 : vector<80x128xi32>
      %convert_element_type3A_140 = arith.extui %lt3A_139 : vector<80x128xi1> to vector<80x128xi32>
      %reduce_sum3A_141 = vector.shape_cast %convert_element_type3A_140 : vector<80x128xi32> to vector<1x80x128xi32>
      %reduce_sum3A_142 = arith.constant dense<0> : vector<1xi32>
      %reduce_sum3A_143 = vector.multi_reduction <add>, %reduce_sum3A_141, %reduce_sum3A_142 [1, 2] : vector<1x80x128xi32> to vector<1xi32>
      %reduce_sum3A_144 = vector.shape_cast %reduce_sum3A_143 : vector<1xi32> to vector<1x1x1xi32>
      %reduce_sum3A_145 = vector.extract %reduce_sum3A_144[0, 0, 0] : i32 from vector<1x1x1xi32>
      %eq3A_146 = arith.constant 9 : i32
      %eq3A_147 = vector.broadcast %eq3A_146 : i32 to vector<1x128xi32>
      %eq3A_148 = arith.cmpi eq, %iota3A, %eq3A_147 : vector<1x128xi32>
      %broadcast_in_dim3A_149 = vector.broadcast %reduce_sum3A_145 : i32 to vector<1x128xi32>
      %select_n3A_150 = arith.select %eq3A_148, %broadcast_in_dim3A_149, %select_n3A_136 : vector<1x128xi1>, vector<1x128xi32>
      %lt3A_151 = arith.constant 10 : i32
      %lt3A_152 = vector.broadcast %lt3A_151 : i32 to vector<80x128xi32>
      %lt3A_153 = arith.cmpi slt, %get3A_12, %lt3A_152 : vector<80x128xi32>
      %convert_element_type3A_154 = arith.extui %lt3A_153 : vector<80x128xi1> to vector<80x128xi32>
      %reduce_sum3A_155 = vector.shape_cast %convert_element_type3A_154 : vector<80x128xi32> to vector<1x80x128xi32>
      %reduce_sum3A_156 = arith.constant dense<0> : vector<1xi32>
      %reduce_sum3A_157 = vector.multi_reduction <add>, %reduce_sum3A_155, %reduce_sum3A_156 [1, 2] : vector<1x80x128xi32> to vector<1xi32>
      %reduce_sum3A_158 = vector.shape_cast %reduce_sum3A_157 : vector<1xi32> to vector<1x1x1xi32>
      %reduce_sum3A_159 = vector.extract %reduce_sum3A_158[0, 0, 0] : i32 from vector<1x1x1xi32>
      %eq3A_160 = arith.constant 10 : i32
      %eq3A_161 = vector.broadcast %eq3A_160 : i32 to vector<1x128xi32>
      %eq3A_162 = arith.cmpi eq, %iota3A, %eq3A_161 : vector<1x128xi32>
      %broadcast_in_dim3A_163 = vector.broadcast %reduce_sum3A_159 : i32 to vector<1x128xi32>
      %select_n3A_164 = arith.select %eq3A_162, %broadcast_in_dim3A_163, %select_n3A_150 : vector<1x128xi1>, vector<1x128xi32>
      %lt3A_165 = arith.constant 11 : i32
      %lt3A_166 = vector.broadcast %lt3A_165 : i32 to vector<80x128xi32>
      %lt3A_167 = arith.cmpi slt, %get3A_12, %lt3A_166 : vector<80x128xi32>
      %convert_element_type3A_168 = arith.extui %lt3A_167 : vector<80x128xi1> to vector<80x128xi32>
      %reduce_sum3A_169 = vector.shape_cast %convert_element_type3A_168 : vector<80x128xi32> to vector<1x80x128xi32>
      %reduce_sum3A_170 = arith.constant dense<0> : vector<1xi32>
      %reduce_sum3A_171 = vector.multi_reduction <add>, %reduce_sum3A_169, %reduce_sum3A_170 [1, 2] : vector<1x80x128xi32> to vector<1xi32>
      %reduce_sum3A_172 = vector.shape_cast %reduce_sum3A_171 : vector<1xi32> to vector<1x1x1xi32>
      %reduce_sum3A_173 = vector.extract %reduce_sum3A_172[0, 0, 0] : i32 from vector<1x1x1xi32>
      %eq3A_174 = arith.constant 11 : i32
      %eq3A_175 = vector.broadcast %eq3A_174 : i32 to vector<1x128xi32>
      %eq3A_176 = arith.cmpi eq, %iota3A, %eq3A_175 : vector<1x128xi32>
      %broadcast_in_dim3A_177 = vector.broadcast %reduce_sum3A_173 : i32 to vector<1x128xi32>
      %select_n3A_178 = arith.select %eq3A_176, %broadcast_in_dim3A_177, %select_n3A_164 : vector<1x128xi1>, vector<1x128xi32>
      %lt3A_179 = arith.constant 12 : i32
      %lt3A_180 = vector.broadcast %lt3A_179 : i32 to vector<80x128xi32>
      %lt3A_181 = arith.cmpi slt, %get3A_12, %lt3A_180 : vector<80x128xi32>
      %convert_element_type3A_182 = arith.extui %lt3A_181 : vector<80x128xi1> to vector<80x128xi32>
      %reduce_sum3A_183 = vector.shape_cast %convert_element_type3A_182 : vector<80x128xi32> to vector<1x80x128xi32>
      %reduce_sum3A_184 = arith.constant dense<0> : vector<1xi32>
      %reduce_sum3A_185 = vector.multi_reduction <add>, %reduce_sum3A_183, %reduce_sum3A_184 [1, 2] : vector<1x80x128xi32> to vector<1xi32>
      %reduce_sum3A_186 = vector.shape_cast %reduce_sum3A_185 : vector<1xi32> to vector<1x1x1xi32>
      %reduce_sum3A_187 = vector.extract %reduce_sum3A_186[0, 0, 0] : i32 from vector<1x1x1xi32>
      %eq3A_188 = arith.constant 12 : i32
      %eq3A_189 = vector.broadcast %eq3A_188 : i32 to vector<1x128xi32>
      %eq3A_190 = arith.cmpi eq, %iota3A, %eq3A_189 : vector<1x128xi32>
      %broadcast_in_dim3A_191 = vector.broadcast %reduce_sum3A_187 : i32 to vector<1x128xi32>
      %select_n3A_192 = arith.select %eq3A_190, %broadcast_in_dim3A_191, %select_n3A_178 : vector<1x128xi1>, vector<1x128xi32>
      %lt3A_193 = arith.constant 13 : i32
      %lt3A_194 = vector.broadcast %lt3A_193 : i32 to vector<80x128xi32>
      %lt3A_195 = arith.cmpi slt, %get3A_12, %lt3A_194 : vector<80x128xi32>
      %convert_element_type3A_196 = arith.extui %lt3A_195 : vector<80x128xi1> to vector<80x128xi32>
      %reduce_sum3A_197 = vector.shape_cast %convert_element_type3A_196 : vector<80x128xi32> to vector<1x80x128xi32>
      %reduce_sum3A_198 = arith.constant dense<0> : vector<1xi32>
      %reduce_sum3A_199 = vector.multi_reduction <add>, %reduce_sum3A_197, %reduce_sum3A_198 [1, 2] : vector<1x80x128xi32> to vector<1xi32>
      %reduce_sum3A_200 = vector.shape_cast %reduce_sum3A_199 : vector<1xi32> to vector<1x1x1xi32>
      %reduce_sum3A_201 = vector.extract %reduce_sum3A_200[0, 0, 0] : i32 from vector<1x1x1xi32>
      %eq3A_202 = arith.constant 13 : i32
      %eq3A_203 = vector.broadcast %eq3A_202 : i32 to vector<1x128xi32>
      %eq3A_204 = arith.cmpi eq, %iota3A, %eq3A_203 : vector<1x128xi32>
      %broadcast_in_dim3A_205 = vector.broadcast %reduce_sum3A_201 : i32 to vector<1x128xi32>
      %select_n3A_206 = arith.select %eq3A_204, %broadcast_in_dim3A_205, %select_n3A_192 : vector<1x128xi1>, vector<1x128xi32>
      %lt3A_207 = arith.constant 14 : i32
      %lt3A_208 = vector.broadcast %lt3A_207 : i32 to vector<80x128xi32>
      %lt3A_209 = arith.cmpi slt, %get3A_12, %lt3A_208 : vector<80x128xi32>
      %convert_element_type3A_210 = arith.extui %lt3A_209 : vector<80x128xi1> to vector<80x128xi32>
      %reduce_sum3A_211 = vector.shape_cast %convert_element_type3A_210 : vector<80x128xi32> to vector<1x80x128xi32>
      %reduce_sum3A_212 = arith.constant dense<0> : vector<1xi32>
      %reduce_sum3A_213 = vector.multi_reduction <add>, %reduce_sum3A_211, %reduce_sum3A_212 [1, 2] : vector<1x80x128xi32> to vector<1xi32>
      %reduce_sum3A_214 = vector.shape_cast %reduce_sum3A_213 : vector<1xi32> to vector<1x1x1xi32>
      %reduce_sum3A_215 = vector.extract %reduce_sum3A_214[0, 0, 0] : i32 from vector<1x1x1xi32>
      %eq3A_216 = arith.constant 14 : i32
      %eq3A_217 = vector.broadcast %eq3A_216 : i32 to vector<1x128xi32>
      %eq3A_218 = arith.cmpi eq, %iota3A, %eq3A_217 : vector<1x128xi32>
      %broadcast_in_dim3A_219 = vector.broadcast %reduce_sum3A_215 : i32 to vector<1x128xi32>
      %select_n3A_220 = arith.select %eq3A_218, %broadcast_in_dim3A_219, %select_n3A_206 : vector<1x128xi1>, vector<1x128xi32>
      %lt3A_221 = arith.constant 15 : i32
      %lt3A_222 = vector.broadcast %lt3A_221 : i32 to vector<80x128xi32>
      %lt3A_223 = arith.cmpi slt, %get3A_12, %lt3A_222 : vector<80x128xi32>
      %convert_element_type3A_224 = arith.extui %lt3A_223 : vector<80x128xi1> to vector<80x128xi32>
      %reduce_sum3A_225 = vector.shape_cast %convert_element_type3A_224 : vector<80x128xi32> to vector<1x80x128xi32>
      %reduce_sum3A_226 = arith.constant dense<0> : vector<1xi32>
      %reduce_sum3A_227 = vector.multi_reduction <add>, %reduce_sum3A_225, %reduce_sum3A_226 [1, 2] : vector<1x80x128xi32> to vector<1xi32>
      %reduce_sum3A_228 = vector.shape_cast %reduce_sum3A_227 : vector<1xi32> to vector<1x1x1xi32>
      %reduce_sum3A_229 = vector.extract %reduce_sum3A_228[0, 0, 0] : i32 from vector<1x1x1xi32>
      %eq3A_230 = arith.constant 15 : i32
      %eq3A_231 = vector.broadcast %eq3A_230 : i32 to vector<1x128xi32>
      %eq3A_232 = arith.cmpi eq, %iota3A, %eq3A_231 : vector<1x128xi32>
      %broadcast_in_dim3A_233 = vector.broadcast %reduce_sum3A_229 : i32 to vector<1x128xi32>
      %select_n3A_234 = arith.select %eq3A_232, %broadcast_in_dim3A_233, %select_n3A_220 : vector<1x128xi1>, vector<1x128xi32>
      %lt3A_235 = arith.constant 16 : i32
      %lt3A_236 = vector.broadcast %lt3A_235 : i32 to vector<80x128xi32>
      %lt3A_237 = arith.cmpi slt, %get3A_12, %lt3A_236 : vector<80x128xi32>
      %convert_element_type3A_238 = arith.extui %lt3A_237 : vector<80x128xi1> to vector<80x128xi32>
      %reduce_sum3A_239 = vector.shape_cast %convert_element_type3A_238 : vector<80x128xi32> to vector<1x80x128xi32>
      %reduce_sum3A_240 = arith.constant dense<0> : vector<1xi32>
      %reduce_sum3A_241 = vector.multi_reduction <add>, %reduce_sum3A_239, %reduce_sum3A_240 [1, 2] : vector<1x80x128xi32> to vector<1xi32>
      %reduce_sum3A_242 = vector.shape_cast %reduce_sum3A_241 : vector<1xi32> to vector<1x1x1xi32>
      %reduce_sum3A_243 = vector.extract %reduce_sum3A_242[0, 0, 0] : i32 from vector<1x1x1xi32>
      %eq3A_244 = arith.constant 16 : i32
      %eq3A_245 = vector.broadcast %eq3A_244 : i32 to vector<1x128xi32>
      %eq3A_246 = arith.cmpi eq, %iota3A, %eq3A_245 : vector<1x128xi32>
      %broadcast_in_dim3A_247 = vector.broadcast %reduce_sum3A_243 : i32 to vector<1x128xi32>
      %select_n3A_248 = arith.select %eq3A_246, %broadcast_in_dim3A_247, %select_n3A_234 : vector<1x128xi1>, vector<1x128xi32>
      %swap3A_249 = arith.constant 0 : index
      %swap3A_250 = arith.constant 0 : index
      %swap3A_251 = vector.load %arg5[%swap3A_249, %swap3A_250] : memref<1x128xi32, #tpu.memory_space<vmem>>, vector<1x128xi32>
      tpu.vector_store %arg5[%swap3A_249, %swap3A_250], %select_n3A_248 {strides = array<i32>} : memref<1x128xi32, #tpu.memory_space<vmem>>, vector<1x128xi32>,
    } else {
    }
    return
  }
  func.func @transform_0(%arg0: i32) -> (i32, i32) {
    %c0_i32 = arith.constant 0 : i32
    %c0_i32_0 = arith.constant 0 : i32
    return %arg0, %c0_i32 : i32, i32
  }
  func.func @transform_1(%arg0: i32) -> (i32, i32) {
    %c0_i32 = arith.constant 0 : i32
    %c0_i32_0 = arith.constant 0 : i32
    %c0_i32_1 = arith.constant 0 : i32
    return %c0_i32, %c0_i32_0 : i32, i32
  }
  func.func @transform_2(%arg0: i32) -> (i32, i32) {
    %c0_i32 = arith.constant 0 : i32
    %c0_i32_0 = arith.constant 0 : i32
    %c0_i32_1 = arith.constant 0 : i32
    return %c0_i32, %c0_i32_0 : i32, i32
  }
  func.func @transform_3(%arg0: i32) -> (i32, i32) {
    %c0_i32 = arith.constant 0 : i32
    %c0_i32_0 = arith.constant 0 : i32
    return %arg0, %c0_i32 : i32, i32
  }
  func.func @transform_4(%arg0: i32) -> (i32, i32) {
    %c0_i32 = arith.constant 0 : i32
    %c0_i32_0 = arith.constant 0 : i32
    %c0_i32_1 = arith.constant 0 : i32
    return %c0_i32, %c0_i32_0 : i32, i32
  }
}

module attributes {stable_mosaic.version = 14 : i64} {
  func.func @_k3c_body(%arg0: i32, %arg1: memref<128x384xf32, #tpu.memory_space<vmem>>, %arg2: memref<128x1xf32, #tpu.memory_space<vmem>>, %arg3: memref<128x1xf32, #tpu.memory_space<vmem>>, %arg4: memref<128x1xf32, #tpu.memory_space<vmem>>, %arg5: memref<128x1xf32, #tpu.memory_space<vmem>>, %arg6: memref<128x128xf32, #tpu.memory_space<vmem>>, %arg7: memref<128x128xf32, #tpu.memory_space<vmem>>, %arg8: memref<128x1xf32, #tpu.memory_space<vmem>>, %arg9: memref<128x1xf32, #tpu.memory_space<vmem>>, %arg10: memref<128x1xf32, #tpu.memory_space<vmem>>, %arg11: memref<128x1xf32, #tpu.memory_space<vmem>>) attributes {dimension_semantics = [#tpu.dimension_semantics<arbitrary>], iteration_bounds = array<i64: 84>, scalar_prefetch = 0 : i64, scratch_operands = 0 : i64, tpu.core_type = #tpu.core_type<tc>, window_params = [{transform_indices = @transform_0, window_bounds = array<i64: 128, 384>}, {transform_indices = @transform_1, window_bounds = array<i64: 128, 1>}, {transform_indices = @transform_2, window_bounds = array<i64: 128, 1>}, {transform_indices = @transform_3, window_bounds = array<i64: 128, 1>}, {transform_indices = @transform_4, window_bounds = array<i64: 128, 1>}, {transform_indices = @transform_5, window_bounds = array<i64: 128, 128>}, {transform_indices = @transform_6, window_bounds = array<i64: 128, 128>}, {transform_indices = @transform_7, window_bounds = array<i64: 128, 1>}, {transform_indices = @transform_8, window_bounds = array<i64: 128, 1>}, {transform_indices = @transform_9, window_bounds = array<i64: 128, 1>}, {transform_indices = @transform_10, window_bounds = array<i64: 128, 1>}]} {
    %get3A = arith.constant 0 : index
    %get3A_0 = arith.constant 0 : index
    %get3A_1 = vector.load %arg1[%get3A, %get3A_0] : memref<128x384xf32, #tpu.memory_space<vmem>>, vector<128x384xf32>
    %get3A_2 = arith.constant 0 : index
    %get3A_3 = arith.constant 0 : index
    %get3A_4 = vector.load %arg2[%get3A_2, %get3A_3] : memref<128x1xf32, #tpu.memory_space<vmem>>, vector<128x1xf32>
    %get3A_5 = arith.constant 0 : index
    %get3A_6 = arith.constant 0 : index
    %get3A_7 = vector.load %arg3[%get3A_5, %get3A_6] : memref<128x1xf32, #tpu.memory_space<vmem>>, vector<128x1xf32>
    %add3A = arith.addf %get3A_4, %get3A_7 : vector<128x1xf32>
    %get3A_8 = arith.constant 0 : index
    %get3A_9 = arith.constant 0 : index
    %get3A_10 = vector.load %arg4[%get3A_8, %get3A_9] : memref<128x1xf32, #tpu.memory_space<vmem>>, vector<128x1xf32>
    %get3A_11 = arith.constant 0 : index
    %get3A_12 = arith.constant 0 : index
    %get3A_13 = vector.load %arg5[%get3A_11, %get3A_12] : memref<128x1xf32, #tpu.memory_space<vmem>>, vector<128x1xf32>
    %add3A_14 = arith.addf %get3A_10, %get3A_13 : vector<128x1xf32>
    %gt3A = arith.constant 0.000000e+00 : f32
    %gt3A_15 = vector.broadcast %gt3A : f32 to vector<128x1xf32>
    %gt3A_16 = arith.cmpf ogt, %add3A, %gt3A_15 : vector<128x1xf32>
    %gt3A_17 = arith.constant 0.000000e+00 : f32
    %gt3A_18 = vector.broadcast %gt3A_17 : f32 to vector<128x1xf32>
    %gt3A_19 = arith.cmpf ogt, %add3A, %gt3A_18 : vector<128x1xf32>
    %jit3A = arith.constant 1.000000e+00 : f32
    %broadcast_in_dim3A = vector.broadcast %jit3A : f32 to vector<128x1xf32>
    %select_n3A = arith.select %gt3A_19, %add3A, %broadcast_in_dim3A : vector<128x1xi1>, vector<128x1xf32>
    %rsqrt3A = math.rsqrt %select_n3A : vector<128x1xf32>
    %jit3A_20 = arith.constant 0.000000e+00 : f32
    %broadcast_in_dim3A_21 = vector.broadcast %jit3A_20 : f32 to vector<128x1xf32>
    %select_n3A_22 = arith.select %gt3A_16, %rsqrt3A, %broadcast_in_dim3A_21 : vector<128x1xi1>, vector<128x1xf32>
    %add3A_23 = arith.constant 1.000000e+00 : f32
    %add3A_24 = vector.broadcast %add3A_23 : f32 to vector<128x1xf32>
    %add3A_25 = arith.addf %add3A_14, %add3A_24 : vector<128x1xf32>
    %rsqrt3A_26 = math.rsqrt %add3A_25 : vector<128x1xf32>
    %slice3A = vector.extract_strided_slice %get3A_1 {offsets = [0, 0], sizes = [128, 128], strides = [1, 1]} : vector<128x384xf32> to vector<128x128xf32>
    %mul3A = vector.broadcast %rsqrt3A_26 : vector<128x1xf32> to vector<128x128xf32>
    %mul3A_27 = arith.mulf %mul3A, %slice3A : vector<128x128xf32>
    %swap3A = arith.constant 0 : index
    %swap3A_28 = arith.constant 0 : index
    %swap3A_29 = vector.load %arg6[%swap3A, %swap3A_28] : memref<128x128xf32, #tpu.memory_space<vmem>>, vector<128x128xf32>
    tpu.vector_store %arg6[%swap3A, %swap3A_28], %mul3A_27 {strides = array<i32>} : memref<128x128xf32, #tpu.memory_space<vmem>>, vector<128x128xf32>,
    %slice3A_30 = vector.extract_strided_slice %get3A_1 {offsets = [0, 128], sizes = [128, 128], strides = [1, 1]} : vector<128x384xf32> to vector<128x128xf32>
    %mul3A_31 = vector.broadcast %rsqrt3A_26 : vector<128x1xf32> to vector<128x128xf32>
    %mul3A_32 = arith.mulf %mul3A_31, %slice3A_30 : vector<128x128xf32>
    %swap3A_33 = arith.constant 0 : index
    %swap3A_34 = arith.constant 0 : index
    %swap3A_35 = vector.load %arg7[%swap3A_33, %swap3A_34] : memref<128x128xf32, #tpu.memory_space<vmem>>, vector<128x128xf32>
    tpu.vector_store %arg7[%swap3A_33, %swap3A_34], %mul3A_32 {strides = array<i32>} : memref<128x128xf32, #tpu.memory_space<vmem>>, vector<128x128xf32>,
    %slice3A_36 = vector.extract_strided_slice %get3A_1 {offsets = [0, 256], sizes = [128, 1], strides = [1, 1]} : vector<128x384xf32> to vector<128x1xf32>
    %mul3A_37 = arith.mulf %select_n3A_22, %slice3A_36 : vector<128x1xf32>
    %swap3A_38 = arith.constant 0 : index
    %swap3A_39 = arith.constant 0 : index
    %swap3A_40 = vector.load %arg8[%swap3A_38, %swap3A_39] : memref<128x1xf32, #tpu.memory_space<vmem>>, vector<128x1xf32>
    tpu.vector_store %arg8[%swap3A_38, %swap3A_39], %mul3A_37 {strides = array<i32>} : memref<128x1xf32, #tpu.memory_space<vmem>>, vector<128x1xf32>,
    %swap3A_41 = arith.constant 0 : index
    %swap3A_42 = arith.constant 0 : index
    %swap3A_43 = vector.load %arg9[%swap3A_41, %swap3A_42] : memref<128x1xf32, #tpu.memory_space<vmem>>, vector<128x1xf32>
    tpu.vector_store %arg9[%swap3A_41, %swap3A_42], %rsqrt3A_26 {strides = array<i32>} : memref<128x1xf32, #tpu.memory_space<vmem>>, vector<128x1xf32>,
    %swap3A_44 = arith.constant 0 : index
    %swap3A_45 = arith.constant 0 : index
    %swap3A_46 = vector.load %arg10[%swap3A_44, %swap3A_45] : memref<128x1xf32, #tpu.memory_space<vmem>>, vector<128x1xf32>
    tpu.vector_store %arg10[%swap3A_44, %swap3A_45], %select_n3A_22 {strides = array<i32>} : memref<128x1xf32, #tpu.memory_space<vmem>>, vector<128x1xf32>,
    %slice3A_47 = vector.extract_strided_slice %get3A_1 {offsets = [0, 257], sizes = [128, 1], strides = [1, 1]} : vector<128x384xf32> to vector<128x1xf32>
    %swap3A_48 = arith.constant 0 : index
    %swap3A_49 = arith.constant 0 : index
    %swap3A_50 = vector.load %arg11[%swap3A_48, %swap3A_49] : memref<128x1xf32, #tpu.memory_space<vmem>>, vector<128x1xf32>
    tpu.vector_store %arg11[%swap3A_48, %swap3A_49], %slice3A_47 {strides = array<i32>} : memref<128x1xf32, #tpu.memory_space<vmem>>, vector<128x1xf32>,
    return
  }
  func.func @transform_0(%arg0: i32) -> (i32, i32) {
    %c0_i32 = arith.constant 0 : i32
    %c0_i32_0 = arith.constant 0 : i32
    return %arg0, %c0_i32 : i32, i32
  }
  func.func @transform_1(%arg0: i32) -> (i32, i32) {
    %c0_i32 = arith.constant 0 : i32
    %c0_i32_0 = arith.constant 0 : i32
    return %arg0, %c0_i32 : i32, i32
  }
  func.func @transform_2(%arg0: i32) -> (i32, i32) {
    %c0_i32 = arith.constant 0 : i32
    %c0_i32_0 = arith.constant 0 : i32
    return %arg0, %c0_i32 : i32, i32
  }
  func.func @transform_3(%arg0: i32) -> (i32, i32) {
    %c0_i32 = arith.constant 0 : i32
    %c0_i32_0 = arith.constant 0 : i32
    return %arg0, %c0_i32 : i32, i32
  }
  func.func @transform_4(%arg0: i32) -> (i32, i32) {
    %c0_i32 = arith.constant 0 : i32
    %c0_i32_0 = arith.constant 0 : i32
    return %arg0, %c0_i32 : i32, i32
  }
  func.func @transform_5(%arg0: i32) -> (i32, i32) {
    %c0_i32 = arith.constant 0 : i32
    %c0_i32_0 = arith.constant 0 : i32
    return %arg0, %c0_i32 : i32, i32
  }
  func.func @transform_6(%arg0: i32) -> (i32, i32) {
    %c0_i32 = arith.constant 0 : i32
    %c0_i32_0 = arith.constant 0 : i32
    return %arg0, %c0_i32 : i32, i32
  }
  func.func @transform_7(%arg0: i32) -> (i32, i32) {
    %c0_i32 = arith.constant 0 : i32
    %c0_i32_0 = arith.constant 0 : i32
    return %arg0, %c0_i32 : i32, i32
  }
  func.func @transform_8(%arg0: i32) -> (i32, i32) {
    %c0_i32 = arith.constant 0 : i32
    %c0_i32_0 = arith.constant 0 : i32
    return %arg0, %c0_i32 : i32, i32
  }
  func.func @transform_9(%arg0: i32) -> (i32, i32) {
    %c0_i32 = arith.constant 0 : i32
    %c0_i32_0 = arith.constant 0 : i32
    return %arg0, %c0_i32 : i32, i32
  }
  func.func @transform_10(%arg0: i32) -> (i32, i32) {
    %c0_i32 = arith.constant 0 : i32
    %c0_i32_0 = arith.constant 0 : i32
    return %arg0, %c0_i32 : i32, i32
  }
}

module attributes {stable_mosaic.version = 14 : i64} {
  func.func @_k45_body(%arg0: i32, %arg1: memref<128x128xf32, #tpu.memory_space<vmem>>, %arg2: memref<128x128xf32, #tpu.memory_space<vmem>>, %arg3: memref<128x128xf32, #tpu.memory_space<vmem>>, %arg4: memref<128x128xf32, #tpu.memory_space<vmem>>, %arg5: memref<128x128xf32, #tpu.memory_space<vmem>>, %arg6: memref<128x1xf32, #tpu.memory_space<vmem>>, %arg7: memref<128x1xf32, #tpu.memory_space<vmem>>, %arg8: memref<128x1xf32, #tpu.memory_space<vmem>>, %arg9: memref<128x1xf32, #tpu.memory_space<vmem>>, %arg10: memref<1x128xf32, #tpu.memory_space<vmem>>, %arg11: memref<1x128xf32, #tpu.memory_space<vmem>>, %arg12: memref<1x1xf32, #tpu.memory_space<vmem>>, %arg13: memref<128x128xf32, #tpu.memory_space<vmem>>, %arg14: memref<128x128xf32, #tpu.memory_space<vmem>>, %arg15: memref<128x128xf32, #tpu.memory_space<vmem>>) attributes {dimension_semantics = [#tpu.dimension_semantics<arbitrary>], iteration_bounds = array<i64: 84>, scalar_prefetch = 0 : i64, scratch_operands = 0 : i64, tpu.core_type = #tpu.core_type<tc>, window_params = [{transform_indices = @transform_0, window_bounds = array<i64: 128, 128>}, {transform_indices = @transform_1, window_bounds = array<i64: 128, 128>}, {transform_indices = @transform_2, window_bounds = array<i64: 128, 128>}, {transform_indices = @transform_3, window_bounds = array<i64: 128, 128>}, {transform_indices = @transform_4, window_bounds = array<i64: 128, 128>}, {transform_indices = @transform_5, window_bounds = array<i64: 128, 1>}, {transform_indices = @transform_6, window_bounds = array<i64: 128, 1>}, {transform_indices = @transform_7, window_bounds = array<i64: 128, 1>}, {transform_indices = @transform_8, window_bounds = array<i64: 128, 1>}, {pipeline_mode = #tpu.pipeline_mode<synchronous>, transform_indices = @transform_9, window_bounds = array<i64: 1, 128>}, {pipeline_mode = #tpu.pipeline_mode<synchronous>, transform_indices = @transform_10, window_bounds = array<i64: 1, 128>}, {pipeline_mode = #tpu.pipeline_mode<synchronous>, transform_indices = @transform_11, window_bounds = array<i64: 1, 1>}, {transform_indices = @transform_12, window_bounds = array<i64: 128, 128>}, {transform_indices = @transform_13, window_bounds = array<i64: 128, 128>}, {transform_indices = @transform_14, window_bounds = array<i64: 128, 128>}]} {
    %get3A = arith.constant 0 : index
    %get3A_0 = arith.constant 0 : index
    %get3A_1 = vector.load %arg7[%get3A, %get3A_0] : memref<128x1xf32, #tpu.memory_space<vmem>>, vector<128x1xf32>
    %get3A_2 = arith.constant 0 : index
    %get3A_3 = arith.constant 0 : index
    %get3A_4 = vector.load %arg8[%get3A_2, %get3A_3] : memref<128x1xf32, #tpu.memory_space<vmem>>, vector<128x1xf32>
    %get3A_5 = arith.constant 0 : index
    %get3A_6 = arith.constant 0 : index
    %get3A_7 = vector.load %arg4[%get3A_5, %get3A_6] : memref<128x128xf32, #tpu.memory_space<vmem>>, vector<128x128xf32>
    %get3A_8 = arith.constant 0 : index
    %get3A_9 = arith.constant 0 : index
    %get3A_10 = vector.load %arg2[%get3A_8, %get3A_9] : memref<128x128xf32, #tpu.memory_space<vmem>>, vector<128x128xf32>
    %add3A = arith.addf %get3A_7, %get3A_10 : vector<128x128xf32>
    %mul3A = vector.broadcast %get3A_1 : vector<128x1xf32> to vector<128x128xf32>
    %mul3A_11 = arith.mulf %mul3A, %add3A : vector<128x128xf32>
    %get3A_12 = arith.constant 0 : index
    %get3A_13 = arith.constant 0 : index
    %get3A_14 = vector.load %arg10[%get3A_12, %get3A_13] : memref<1x128xf32, #tpu.memory_space<vmem>>, vector<1x128xf32>
    %add3A_15 = vector.broadcast %get3A_14 : vector<1x128xf32> to vector<128x128xf32>
    %add3A_16 = arith.addf %mul3A_11, %add3A_15 : vector<128x128xf32>
    %swap3A = arith.constant 0 : index
    %swap3A_17 = arith.constant 0 : index
    %swap3A_18 = vector.load %arg13[%swap3A, %swap3A_17] : memref<128x128xf32, #tpu.memory_space<vmem>>, vector<128x128xf32>
    tpu.vector_store %arg13[%swap3A, %swap3A_17], %add3A_16 {strides = array<i32>} : memref<128x128xf32, #tpu.memory_space<vmem>>, vector<128x128xf32>,
    %get3A_19 = arith.constant 0 : index
    %get3A_20 = arith.constant 0 : index
    %get3A_21 = vector.load %arg5[%get3A_19, %get3A_20] : memref<128x128xf32, #tpu.memory_space<vmem>>, vector<128x128xf32>
    %get3A_22 = arith.constant 0 : index
    %get3A_23 = arith.constant 0 : index
    %get3A_24 = vector.load %arg3[%get3A_22, %get3A_23] : memref<128x128xf32, #tpu.memory_space<vmem>>, vector<128x128xf32>
    %add3A_25 = arith.addf %get3A_21, %get3A_24 : vector<128x128xf32>
    %mul3A_26 = vector.broadcast %get3A_1 : vector<128x1xf32> to vector<128x128xf32>
    %mul3A_27 = arith.mulf %mul3A_26, %add3A_25 : vector<128x128xf32>
    %get3A_28 = arith.constant 0 : index
    %get3A_29 = arith.constant 0 : index
    %get3A_30 = vector.load %arg11[%get3A_28, %get3A_29] : memref<1x128xf32, #tpu.memory_space<vmem>>, vector<1x128xf32>
    %add3A_31 = vector.broadcast %get3A_30 : vector<1x128xf32> to vector<128x128xf32>
    %add3A_32 = arith.addf %mul3A_27, %add3A_31 : vector<128x128xf32>
    %swap3A_33 = arith.constant 0 : index
    %swap3A_34 = arith.constant 0 : index
    %swap3A_35 = vector.load %arg14[%swap3A_33, %swap3A_34] : memref<128x128xf32, #tpu.memory_space<vmem>>, vector<128x128xf32>
    tpu.vector_store %arg14[%swap3A_33, %swap3A_34], %add3A_32 {strides = array<i32>} : memref<128x128xf32, #tpu.memory_space<vmem>>, vector<128x128xf32>,
    %get3A_36 = arith.constant 0 : index
    %get3A_37 = arith.constant 0 : index
    %get3A_38 = vector.load %arg6[%get3A_36, %get3A_37] : memref<128x1xf32, #tpu.memory_space<vmem>>, vector<128x1xf32>
    %mul3A_39 = arith.mulf %get3A_4, %get3A_38 : vector<128x1xf32>
    %get3A_40 = arith.constant 0 : index
    %get3A_41 = arith.constant 0 : index
    %get3A_42 = vector.load %arg9[%get3A_40, %get3A_41] : memref<128x1xf32, #tpu.memory_space<vmem>>, vector<128x1xf32>
    %mul3A_43 = arith.constant 5.000000e-01 : f32
    %mul3A_44 = vector.broadcast %mul3A_43 : f32 to vector<128x1xf32>
    %mul3A_45 = arith.mulf %mul3A_44, %get3A_42 : vector<128x1xf32>
    %mul3A_46 = arith.constant 5.000000e-01 : f32
    %mul3A_47 = vector.broadcast %mul3A_46 : f32 to vector<128x1xf32>
    %mul3A_48 = arith.mulf %mul3A_47, %mul3A_39 : vector<128x1xf32>
    %add3A_49 = arith.addf %mul3A_45, %mul3A_48 : vector<128x1xf32>
    %get3A_50 = arith.constant 0 : index
    %get3A_51 = arith.constant 0 : index
    %get3A_52 = vector.load %arg12[%get3A_50, %get3A_51] : memref<1x1xf32, #tpu.memory_space<vmem>>, vector<1x1xf32>
    %get3A_53 = vector.extract %get3A_52[0, 0] : f32 from vector<1x1xf32>
    %add3A_54 = vector.broadcast %get3A_53 : f32 to vector<128x1xf32>
    %add3A_55 = arith.addf %add3A_49, %add3A_54 : vector<128x1xf32>
    %get3A_56 = arith.constant 0 : index
    %get3A_57 = arith.constant 0 : index
    %get3A_58 = vector.load %arg1[%get3A_56, %get3A_57] : memref<128x128xf32, #tpu.memory_space<vmem>>, vector<128x128xf32>
    %tanh3A = math.tanh %add3A_55 : vector<128x1xf32>
    %mul3A_59 = vector.broadcast %tanh3A : vector<128x1xf32> to vector<128x128xf32>
    %mul3A_60 = arith.mulf %get3A_58, %mul3A_59 : vector<128x128xf32>
    %swap3A_61 = arith.constant 0 : index
    %swap3A_62 = arith.constant 0 : index
    %swap3A_63 = vector.load %arg15[%swap3A_61, %swap3A_62] : memref<128x128xf32, #tpu.memory_space<vmem>>, vector<128x128xf32>
    tpu.vector_store %arg15[%swap3A_61, %swap3A_62], %mul3A_60 {strides = array<i32>} : memref<128x128xf32, #tpu.memory_space<vmem>>, vector<128x128xf32>,
    return
  }
  func.func @transform_0(%arg0: i32) -> (i32, i32) {
    %c0_i32 = arith.constant 0 : i32
    %c0_i32_0 = arith.constant 0 : i32
    return %arg0, %c0_i32 : i32, i32
  }
  func.func @transform_1(%arg0: i32) -> (i32, i32) {
    %c0_i32 = arith.constant 0 : i32
    %c0_i32_0 = arith.constant 0 : i32
    return %arg0, %c0_i32 : i32, i32
  }
  func.func @transform_2(%arg0: i32) -> (i32, i32) {
    %c0_i32 = arith.constant 0 : i32
    %c0_i32_0 = arith.constant 0 : i32
    return %arg0, %c0_i32 : i32, i32
  }
  func.func @transform_3(%arg0: i32) -> (i32, i32) {
    %c0_i32 = arith.constant 0 : i32
    %c0_i32_0 = arith.constant 0 : i32
    return %arg0, %c0_i32 : i32, i32
  }
  func.func @transform_4(%arg0: i32) -> (i32, i32) {
    %c0_i32 = arith.constant 0 : i32
    %c0_i32_0 = arith.constant 0 : i32
    return %arg0, %c0_i32 : i32, i32
  }
  func.func @transform_5(%arg0: i32) -> (i32, i32) {
    %c0_i32 = arith.constant 0 : i32
    %c0_i32_0 = arith.constant 0 : i32
    return %arg0, %c0_i32 : i32, i32
  }
  func.func @transform_6(%arg0: i32) -> (i32, i32) {
    %c0_i32 = arith.constant 0 : i32
    %c0_i32_0 = arith.constant 0 : i32
    return %arg0, %c0_i32 : i32, i32
  }
  func.func @transform_7(%arg0: i32) -> (i32, i32) {
    %c0_i32 = arith.constant 0 : i32
    %c0_i32_0 = arith.constant 0 : i32
    return %arg0, %c0_i32 : i32, i32
  }
  func.func @transform_8(%arg0: i32) -> (i32, i32) {
    %c0_i32 = arith.constant 0 : i32
    %c0_i32_0 = arith.constant 0 : i32
    return %arg0, %c0_i32 : i32, i32
  }
  func.func @transform_9(%arg0: i32) -> (i32, i32) {
    %c0_i32 = arith.constant 0 : i32
    %c0_i32_0 = arith.constant 0 : i32
    %c0_i32_1 = arith.constant 0 : i32
    return %c0_i32, %c0_i32_0 : i32, i32
  }
  func.func @transform_10(%arg0: i32) -> (i32, i32) {
    %c0_i32 = arith.constant 0 : i32
    %c0_i32_0 = arith.constant 0 : i32
    %c0_i32_1 = arith.constant 0 : i32
    return %c0_i32, %c0_i32_0 : i32, i32
  }
  func.func @transform_11(%arg0: i32) -> (i32, i32) {
    %c0_i32 = arith.constant 0 : i32
    %c0_i32_0 = arith.constant 0 : i32
    %c0_i32_1 = arith.constant 0 : i32
    return %c0_i32, %c0_i32_0 : i32, i32
  }
  func.func @transform_12(%arg0: i32) -> (i32, i32) {
    %c0_i32 = arith.constant 0 : i32
    %c0_i32_0 = arith.constant 0 : i32
    return %arg0, %c0_i32 : i32, i32
  }
  func.func @transform_13(%arg0: i32) -> (i32, i32) {
    %c0_i32 = arith.constant 0 : i32
    %c0_i32_0 = arith.constant 0 : i32
    return %arg0, %c0_i32 : i32, i32
  }
  func.func @transform_14(%arg0: i32) -> (i32, i32) {
    %c0_i32 = arith.constant 0 : i32
    %c0_i32_0 = arith.constant 0 : i32
    return %arg0, %c0_i32 : i32, i32
  }
}

module attributes {stable_mosaic.version = 14 : i64} {
  func.func @_k5_body(%arg0: i32, %arg1: memref<32xi32, #tpu.memory_space<smem>>, %arg2: memref<10752x128xf32, #tpu.memory_space<vmem>>, %arg3: memref<10752x128xf32, #tpu.memory_space<vmem>>, %arg4: memref<10752x128xf32, #tpu.memory_space<vmem>>, %arg5: memref<128x128xf32, #tpu.memory_space<vmem>>, %arg6: memref<1x128xf32, #tpu.memory_space<vmem>>, %arg7: memref<128x128xf32, #tpu.memory_space<vmem>>, %arg8: memref<1x128xf32, #tpu.memory_space<vmem>>, %arg9: memref<1x128xf32, #tpu.memory_space<vmem>>, %arg10: memref<1x128xf32, #tpu.memory_space<vmem>>, %arg11: memref<1x128xf32, #tpu.memory_space<vmem>>, %arg12: memref<1x128xf32, #tpu.memory_space<vmem>>, %arg13: memref<1x64xf32, #tpu.memory_space<vmem>>, %arg14: memref<1x128xf32, #tpu.memory_space<vmem>>, %arg15: memref<1x1x128xf32, #tpu.memory_space<vmem>>) attributes {dimension_semantics = [#tpu.dimension_semantics<arbitrary>], iteration_bounds = array<i64: 16>, scalar_prefetch = 0 : i64, scratch_operands = 0 : i64, tpu.core_type = #tpu.core_type<tc>, window_params = [{transform_indices = @transform_0, window_bounds = array<i64: 32>}, {pipeline_mode = #tpu.pipeline_mode<synchronous>, transform_indices = @transform_1, window_bounds = array<i64: 10752, 128>}, {pipeline_mode = #tpu.pipeline_mode<synchronous>, transform_indices = @transform_2, window_bounds = array<i64: 10752, 128>}, {pipeline_mode = #tpu.pipeline_mode<synchronous>, transform_indices = @transform_3, window_bounds = array<i64: 10752, 128>}, {pipeline_mode = #tpu.pipeline_mode<synchronous>, transform_indices = @transform_4, window_bounds = array<i64: 128, 128>}, {pipeline_mode = #tpu.pipeline_mode<synchronous>, transform_indices = @transform_5, window_bounds = array<i64: 1, 128>}, {pipeline_mode = #tpu.pipeline_mode<synchronous>, transform_indices = @transform_6, window_bounds = array<i64: 128, 128>}, {pipeline_mode = #tpu.pipeline_mode<synchronous>, transform_indices = @transform_7, window_bounds = array<i64: 1, 128>}, {pipeline_mode = #tpu.pipeline_mode<synchronous>, transform_indices = @transform_8, window_bounds = array<i64: 1, 128>}, {pipeline_mode = #tpu.pipeline_mode<synchronous>, transform_indices = @transform_9, window_bounds = array<i64: 1, 128>}, {pipeline_mode = #tpu.pipeline_mode<synchronous>, transform_indices = @transform_10, window_bounds = array<i64: 1, 128>}, {pipeline_mode = #tpu.pipeline_mode<synchronous>, transform_indices = @transform_11, window_bounds = array<i64: 1, 128>}, {pipeline_mode = #tpu.pipeline_mode<synchronous>, transform_indices = @transform_12, window_bounds = array<i64: 1, 64>}, {pipeline_mode = #tpu.pipeline_mode<synchronous>, transform_indices = @transform_13, window_bounds = array<i64: 1, 128>}, {transform_indices = @transform_14, window_bounds = array<i64: 1, 1, 128>}]} {
    %get3A = arith.index_cast %arg0 : i32 to index
    %get3A_0 = memref.load %arg1[%get3A] : memref<32xi32, #tpu.memory_space<smem>>
    %add3A = arith.constant 1 : i32
    %add3A_1 = arith.addi %arg0, %add3A : i32
    %get3A_2 = arith.index_cast %add3A_1 : i32 to index
    %get3A_3 = memref.load %arg1[%get3A_2] : memref<32xi32, #tpu.memory_space<smem>>
    %sub3A = arith.subi %get3A_3, %get3A_0 : i32
    %get3A_4 = arith.index_cast %get3A_0 : i32 to index
    %get3A_5 = arith.constant 0 : index
    %get3A_6 = vector.load %arg2[%get3A_4, %get3A_5] : memref<10752x128xf32, #tpu.memory_space<vmem>>, vector<64x128xf32>
    %iota3A = tpu.iota {dimensions = array<i32: 0>} : vector<64x1xi32>
    %lt3A = vector.broadcast %sub3A : i32 to vector<64x1xi32>
    %lt3A_7 = arith.cmpi slt, %iota3A, %lt3A : vector<64x1xi32>
    %jit3A = arith.constant 0.000000e+00 : f32
    %broadcast_in_dim3A = vector.shape_cast %lt3A_7 : vector<64x1xi1> to vector<64x1xi1>
    %broadcast_in_dim3A_8 = vector.broadcast %broadcast_in_dim3A : vector<64x1xi1> to vector<64x128xi1>
    %broadcast_in_dim3A_9 = vector.broadcast %jit3A : f32 to vector<64x128xf32>
    %select_n3A = arith.select %broadcast_in_dim3A_8, %get3A_6, %broadcast_in_dim3A_9 : vector<64x128xi1>, vector<64x128xf32>
    %get3A_10 = arith.constant 0 : index
    %get3A_11 = arith.constant 0 : index
    %get3A_12 = vector.load %arg5[%get3A_10, %get3A_11] : memref<128x128xf32, #tpu.memory_space<vmem>>, vector<128x128xf32>
    %dot_general3A = arith.constant dense<0.000000e+00> : vector<64x128xf32>
    %dot_general3A_13 = tpu.matmul %select_n3A, %get3A_12, %dot_general3A {dimension_numbers = #tpu.dot_dimension_numbers<[1], [0], [0], [1], [0, 0, 1, 1], [], []>, transpose_lhs_hint = false} : vector<64x128xf32>, vector<128x128xf32>, vector<64x128xf32> -> vector<64x128xf32>
    %get3A_14 = arith.constant 0 : index
    %get3A_15 = arith.constant 0 : index
    %get3A_16 = vector.load %arg6[%get3A_14, %get3A_15] : memref<1x128xf32, #tpu.memory_space<vmem>>, vector<1x128xf32>
    %add3A_17 = vector.broadcast %get3A_16 : vector<1x128xf32> to vector<64x128xf32>
    %add3A_18 = arith.addf %dot_general3A_13, %add3A_17 : vector<64x128xf32>
    %sqrt3A = arith.constant 1.280000e+02 : f32
    %sqrt3A_19 = math.sqrt %sqrt3A : f32
    %div3A = arith.constant 1.000000e+00 : f32
    %div3A_20 = arith.divf %div3A, %sqrt3A_19 : f32
    %add3A_21 = arith.constant 512 : i32
    %add3A_22 = arith.addi %sub3A, %add3A_21 : i32
    %sub3A_23 = arith.constant 1 : i32
    %sub3A_24 = arith.subi %add3A_22, %sub3A_23 : i32
    %jit3A_25 = arith.constant 512 : i32
    %div3A_26 = arith.divsi %sub3A_24, %jit3A_25 : i32
    %sign3A = arith.constant 0 : i32
    %sign3A_27 = arith.cmpi sgt, %sub3A_24, %sign3A : i32
    %sign3A_28 = arith.extui %sign3A_27 : i1 to i32
    %sign3A_29 = arith.constant 0 : i32
    %sign3A_30 = arith.cmpi slt, %sub3A_24, %sign3A_29 : i32
    %sign3A_31 = arith.extui %sign3A_30 : i1 to i32
    %sign3A_32 = arith.subi %sign3A_28, %sign3A_31 : i32
    %sign3A_33 = arith.constant 0 : i32
    %sign3A_34 = arith.cmpi sgt, %jit3A_25, %sign3A_33 : i32
    %sign3A_35 = arith.extui %sign3A_34 : i1 to i32
    %sign3A_36 = arith.constant 0 : i32
    %sign3A_37 = arith.cmpi slt, %jit3A_25, %sign3A_36 : i32
    %sign3A_38 = arith.extui %sign3A_37 : i1 to i32
    %sign3A_39 = arith.subi %sign3A_35, %sign3A_38 : i32
    %ne3A = arith.cmpi ne, %sign3A_32, %sign3A_39 : i32
    %rem3A = arith.remsi %sub3A_24, %jit3A_25 : i32
    %ne3A_40 = arith.constant 0 : i32
    %ne3A_41 = arith.cmpi ne, %rem3A, %ne3A_40 : i32
    %and3A = arith.andi %ne3A, %ne3A_41 : i1
    %sub3A_42 = arith.constant 1 : i32
    %sub3A_43 = arith.subi %div3A_26, %sub3A_42 : i32
    %select_n3A_44 = arith.select %and3A, %sub3A_43, %div3A_26 : i32
    %slice3A = vector.extract_strided_slice %add3A_18 {offsets = [0, 0], sizes = [64, 32], strides = [1, 1]} : vector<64x128xf32> to vector<64x32xf32>
    %broadcast_in_dim3A_45 = arith.constant -1.000000e+30 : f32
    %broadcast_in_dim3A_46 = vector.broadcast %broadcast_in_dim3A_45 : f32 to vector<64x1xf32>
    %broadcast_in_dim3A_47 = arith.constant 0.000000e+00 : f32
    %broadcast_in_dim3A_48 = vector.broadcast %broadcast_in_dim3A_47 : f32 to vector<64x1xf32>
    %broadcast_in_dim3A_49 = arith.constant 0.000000e+00 : f32
    %broadcast_in_dim3A_50 = vector.broadcast %broadcast_in_dim3A_49 : f32 to vector<64x32xf32>
    %while3A = arith.constant 0 : i32
    %while3A_51 = arith.subi %select_n3A_44, %while3A : i32
    %while3A_52 = arith.addi %while3A, %while3A_51 : i32
    %while3A_53 = arith.constant 1 : i32
    %while3A_54 = arith.divsi %while3A_51, %while3A_53 : i32
    %while3A_55 = arith.muli %while3A_54, %while3A_53 : i32
    %while3A_56 = arith.addi %while3A, %while3A_55 : i32
    %while3A_57 = arith.constant 1 : i32
    %while3A_58:3 = scf.for %while3A_268 = %while3A to %while3A_56 step %while3A_57 iter_args(%while3A_269 = %broadcast_in_dim3A_46, %while3A_270 = %broadcast_in_dim3A_48, %while3A_271 = %broadcast_in_dim3A_50) -> (vector<64x1xf32>, vector<64x1xf32>, vector<64x32xf32>)  : i32 {
      %mul3A_272 = arith.constant 512 : i32
      %mul3A_273 = arith.muli %while3A_268, %mul3A_272 : i32
      %add3A_274 = arith.addi %get3A_0, %mul3A_273 : i32
      %get3A_275 = arith.index_cast %add3A_274 : i32 to index
      %get3A_276 = arith.constant 0 : index
      %get3A_277 = vector.load %arg3[%get3A_275, %get3A_276] : memref<10752x128xf32, #tpu.memory_space<vmem>>, vector<512x128xf32>
      %slice3A_278 = vector.extract_strided_slice %get3A_277 {offsets = [0, 0], sizes = [512, 32], strides = [1, 1]} : vector<512x128xf32> to vector<512x32xf32>
      %get3A_279 = arith.index_cast %add3A_274 : i32 to index
      %get3A_280 = arith.constant 0 : index
      %get3A_281 = vector.load %arg4[%get3A_279, %get3A_280] : memref<10752x128xf32, #tpu.memory_space<vmem>>, vector<512x128xf32>
      %slice3A_282 = vector.extract_strided_slice %get3A_281 {offsets = [0, 0], sizes = [512, 32], strides = [1, 1]} : vector<512x128xf32> to vector<512x32xf32>
      %dot_general3A_283 = arith.constant dense<0.000000e+00> : vector<64x512xf32>
      %dot_general3A_284 = tpu.matmul %slice3A, %slice3A_278, %dot_general3A_283 {dimension_numbers = #tpu.dot_dimension_numbers<[1], [1], [0], [0], [0, 0, 1, 0], [], []>, transpose_lhs_hint = false} : vector<64x32xf32>, vector<512x32xf32>, vector<64x512xf32> -> vector<64x512xf32>
      %mul3A_285 = vector.broadcast %div3A_20 : f32 to vector<64x512xf32>
      %mul3A_286 = arith.mulf %dot_general3A_284, %mul3A_285 : vector<64x512xf32>
      %iota3A_287 = tpu.iota {dimensions = array<i32: 1>} : vector<64x512xi32>
      %mul3A_288 = arith.constant 512 : i32
      %mul3A_289 = arith.muli %while3A_268, %mul3A_288 : i32
      %sub3A_290 = arith.subi %sub3A, %mul3A_289 : i32
      %lt3A_291 = vector.broadcast %sub3A_290 : i32 to vector<64x512xi32>
      %lt3A_292 = arith.cmpi slt, %iota3A_287, %lt3A_291 : vector<64x512xi32>
      %jit3A_293 = arith.constant 0.000000e+00 : f32
      %jit3A_294 = arith.constant -1.000000e+09 : f32
      %broadcast_in_dim3A_295 = vector.broadcast %jit3A_293 : f32 to vector<64x512xf32>
      %broadcast_in_dim3A_296 = vector.broadcast %jit3A_294 : f32 to vector<64x512xf32>
      %select_n3A_297 = arith.select %lt3A_292, %broadcast_in_dim3A_295, %broadcast_in_dim3A_296 : vector<64x512xi1>, vector<64x512xf32>
      %add3A_298 = arith.addf %mul3A_286, %select_n3A_297 : vector<64x512xf32>
      %reduce_max3A = arith.constant dense<0xFF800000> : vector<64xf32>
      %reduce_max3A_299 = vector.multi_reduction <maximumf>, %add3A_298, %reduce_max3A [1] : vector<64x512xf32> to vector<64xf32>
      %broadcast_in_dim3A_300 = vector.shape_cast %reduce_max3A_299 : vector<64xf32> to vector<64x1xf32>
      %max3A_301 = arith.maximumf %while3A_269, %broadcast_in_dim3A_300 : vector<64x1xf32>
      %sub3A_302 = vector.broadcast %max3A_301 : vector<64x1xf32> to vector<64x512xf32>
      %sub3A_303 = arith.subf %add3A_298, %sub3A_302 : vector<64x512xf32>
      %exp3A = math.exp %sub3A_303 : vector<64x512xf32>
      %sub3A_304 = arith.subf %while3A_269, %max3A_301 : vector<64x1xf32>
      %exp3A_305 = math.exp %sub3A_304 : vector<64x1xf32>
      %mul3A_306 = arith.mulf %while3A_270, %exp3A_305 : vector<64x1xf32>
      %reduce_sum3A_307 = arith.constant dense<0.000000e+00> : vector<64xf32>
      %reduce_sum3A_308 = vector.multi_reduction <add>, %exp3A, %reduce_sum3A_307 [1] : vector<64x512xf32> to vector<64xf32>
      %broadcast_in_dim3A_309 = vector.shape_cast %reduce_sum3A_308 : vector<64xf32> to vector<64x1xf32>
      %add3A_310 = arith.addf %mul3A_306, %broadcast_in_dim3A_309 : vector<64x1xf32>
      %mul3A_311 = vector.broadcast %exp3A_305 : vector<64x1xf32> to vector<64x32xf32>
      %mul3A_312 = arith.mulf %while3A_271, %mul3A_311 : vector<64x32xf32>
      %dot_general3A_313 = arith.constant dense<0.000000e+00> : vector<64x32xf32>
      %dot_general3A_314 = tpu.matmul %exp3A, %slice3A_282, %dot_general3A_313 {dimension_numbers = #tpu.dot_dimension_numbers<[1], [0], [0], [1], [0, 0, 1, 1], [], []>, transpose_lhs_hint = false} : vector<64x512xf32>, vector<512x32xf32>, vector<64x32xf32> -> vector<64x32xf32>
      %add3A_315 = arith.addf %mul3A_312, %dot_general3A_314 : vector<64x32xf32>
      scf.yield %max3A_301, %add3A_310, %add3A_315 : vector<64x1xf32>, vector<64x1xf32>, vector<64x32xf32>
    }
    %while3A_59 = arith.constant 1 : i32
    %while3A_60:3 = scf.for %while3A_268 = %while3A_56 to %while3A_52 step %while3A_59 iter_args(%while3A_269 = %while3A_58#0, %while3A_270 = %while3A_58#1, %while3A_271 = %while3A_58#2) -> (vector<64x1xf32>, vector<64x1xf32>, vector<64x32xf32>)  : i32 {
      %mul3A_272 = arith.constant 512 : i32
      %mul3A_273 = arith.muli %while3A_268, %mul3A_272 : i32
      %add3A_274 = arith.addi %get3A_0, %mul3A_273 : i32
      %get3A_275 = arith.index_cast %add3A_274 : i32 to index
      %get3A_276 = arith.constant 0 : index
      %get3A_277 = vector.load %arg3[%get3A_275, %get3A_276] : memref<10752x128xf32, #tpu.memory_space<vmem>>, vector<512x128xf32>
      %slice3A_278 = vector.extract_strided_slice %get3A_277 {offsets = [0, 0], sizes = [512, 32], strides = [1, 1]} : vector<512x128xf32> to vector<512x32xf32>
      %get3A_279 = arith.index_cast %add3A_274 : i32 to index
      %get3A_280 = arith.constant 0 : index
      %get3A_281 = vector.load %arg4[%get3A_279, %get3A_280] : memref<10752x128xf32, #tpu.memory_space<vmem>>, vector<512x128xf32>
      %slice3A_282 = vector.extract_strided_slice %get3A_281 {offsets = [0, 0], sizes = [512, 32], strides = [1, 1]} : vector<512x128xf32> to vector<512x32xf32>
      %dot_general3A_283 = arith.constant dense<0.000000e+00> : vector<64x512xf32>
      %dot_general3A_284 = tpu.matmul %slice3A, %slice3A_278, %dot_general3A_283 {dimension_numbers = #tpu.dot_dimension_numbers<[1], [1], [0], [0], [0, 0, 1, 0], [], []>, transpose_lhs_hint = false} : vector<64x32xf32>, vector<512x32xf32>, vector<64x512xf32> -> vector<64x512xf32>
      %mul3A_285 = vector.broadcast %div3A_20 : f32 to vector<64x512xf32>
      %mul3A_286 = arith.mulf %dot_general3A_284, %mul3A_285 : vector<64x512xf32>
      %iota3A_287 = tpu.iota {dimensions = array<i32: 1>} : vector<64x512xi32>
      %mul3A_288 = arith.constant 512 : i32
      %mul3A_289 = arith.muli %while3A_268, %mul3A_288 : i32
      %sub3A_290 = arith.subi %sub3A, %mul3A_289 : i32
      %lt3A_291 = vector.broadcast %sub3A_290 : i32 to vector<64x512xi32>
      %lt3A_292 = arith.cmpi slt, %iota3A_287, %lt3A_291 : vector<64x512xi32>
      %jit3A_293 = arith.constant 0.000000e+00 : f32
      %jit3A_294 = arith.constant -1.000000e+09 : f32
      %broadcast_in_dim3A_295 = vector.broadcast %jit3A_293 : f32 to vector<64x512xf32>
      %broadcast_in_dim3A_296 = vector.broadcast %jit3A_294 : f32 to vector<64x512xf32>
      %select_n3A_297 = arith.select %lt3A_292, %broadcast_in_dim3A_295, %broadcast_in_dim3A_296 : vector<64x512xi1>, vector<64x512xf32>
      %add3A_298 = arith.addf %mul3A_286, %select_n3A_297 : vector<64x512xf32>
      %reduce_max3A = arith.constant dense<0xFF800000> : vector<64xf32>
      %reduce_max3A_299 = vector.multi_reduction <maximumf>, %add3A_298, %reduce_max3A [1] : vector<64x512xf32> to vector<64xf32>
      %broadcast_in_dim3A_300 = vector.shape_cast %reduce_max3A_299 : vector<64xf32> to vector<64x1xf32>
      %max3A_301 = arith.maximumf %while3A_269, %broadcast_in_dim3A_300 : vector<64x1xf32>
      %sub3A_302 = vector.broadcast %max3A_301 : vector<64x1xf32> to vector<64x512xf32>
      %sub3A_303 = arith.subf %add3A_298, %sub3A_302 : vector<64x512xf32>
      %exp3A = math.exp %sub3A_303 : vector<64x512xf32>
      %sub3A_304 = arith.subf %while3A_269, %max3A_301 : vector<64x1xf32>
      %exp3A_305 = math.exp %sub3A_304 : vector<64x1xf32>
      %mul3A_306 = arith.mulf %while3A_270, %exp3A_305 : vector<64x1xf32>
      %reduce_sum3A_307 = arith.constant dense<0.000000e+00> : vector<64xf32>
      %reduce_sum3A_308 = vector.multi_reduction <add>, %exp3A, %reduce_sum3A_307 [1] : vector<64x512xf32> to vector<64xf32>
      %broadcast_in_dim3A_309 = vector.shape_cast %reduce_sum3A_308 : vector<64xf32> to vector<64x1xf32>
      %add3A_310 = arith.addf %mul3A_306, %broadcast_in_dim3A_309 : vector<64x1xf32>
      %mul3A_311 = vector.broadcast %exp3A_305 : vector<64x1xf32> to vector<64x32xf32>
      %mul3A_312 = arith.mulf %while3A_271, %mul3A_311 : vector<64x32xf32>
      %dot_general3A_313 = arith.constant dense<0.000000e+00> : vector<64x32xf32>
      %dot_general3A_314 = tpu.matmul %exp3A, %slice3A_282, %dot_general3A_313 {dimension_numbers = #tpu.dot_dimension_numbers<[1], [0], [0], [1], [0, 0, 1, 1], [], []>, transpose_lhs_hint = false} : vector<64x512xf32>, vector<512x32xf32>, vector<64x32xf32> -> vector<64x32xf32>
      %add3A_315 = arith.addf %mul3A_312, %dot_general3A_314 : vector<64x32xf32>
      scf.yield %max3A_301, %add3A_310, %add3A_315 : vector<64x1xf32>, vector<64x1xf32>, vector<64x32xf32>
    }
    %gt3A = arith.constant 0.000000e+00 : f32
    %gt3A_61 = vector.broadcast %gt3A : f32 to vector<64x1xf32>
    %gt3A_62 = arith.cmpf ogt, %while3A_60#1, %gt3A_61 : vector<64x1xf32>
    %gt3A_63 = arith.constant 0.000000e+00 : f32
    %gt3A_64 = vector.broadcast %gt3A_63 : f32 to vector<64x1xf32>
    %gt3A_65 = arith.cmpf ogt, %while3A_60#1, %gt3A_64 : vector<64x1xf32>
    %jit3A_66 = arith.constant 1.000000e+00 : f32
    %broadcast_in_dim3A_67 = vector.broadcast %jit3A_66 : f32 to vector<64x1xf32>
    %select_n3A_68 = arith.select %gt3A_65, %while3A_60#1, %broadcast_in_dim3A_67 : vector<64x1xi1>, vector<64x1xf32>
    %div3A_69 = vector.broadcast %select_n3A_68 : vector<64x1xf32> to vector<64x32xf32>
    %div3A_70 = arith.divf %while3A_60#2, %div3A_69 : vector<64x32xf32>
    %jit3A_71 = arith.constant 0.000000e+00 : f32
    %broadcast_in_dim3A_72 = vector.shape_cast %gt3A_62 : vector<64x1xi1> to vector<64x1xi1>
    %broadcast_in_dim3A_73 = vector.broadcast %broadcast_in_dim3A_72 : vector<64x1xi1> to vector<64x32xi1>
    %broadcast_in_dim3A_74 = vector.broadcast %jit3A_71 : f32 to vector<64x32xf32>
    %select_n3A_75 = arith.select %broadcast_in_dim3A_73, %div3A_70, %broadcast_in_dim3A_74 : vector<64x32xi1>, vector<64x32xf32>
    %slice3A_76 = vector.extract_strided_slice %add3A_18 {offsets = [0, 32], sizes = [64, 32], strides = [1, 1]} : vector<64x128xf32> to vector<64x32xf32>
    %broadcast_in_dim3A_77 = arith.constant -1.000000e+30 : f32
    %broadcast_in_dim3A_78 = vector.broadcast %broadcast_in_dim3A_77 : f32 to vector<64x1xf32>
    %broadcast_in_dim3A_79 = arith.constant 0.000000e+00 : f32
    %broadcast_in_dim3A_80 = vector.broadcast %broadcast_in_dim3A_79 : f32 to vector<64x1xf32>
    %broadcast_in_dim3A_81 = arith.constant 0.000000e+00 : f32
    %broadcast_in_dim3A_82 = vector.broadcast %broadcast_in_dim3A_81 : f32 to vector<64x32xf32>
    %while3A_83 = arith.constant 0 : i32
    %while3A_84 = arith.subi %select_n3A_44, %while3A_83 : i32
    %while3A_85 = arith.addi %while3A_83, %while3A_84 : i32
    %while3A_86 = arith.constant 1 : i32
    %while3A_87 = arith.divsi %while3A_84, %while3A_86 : i32
    %while3A_88 = arith.muli %while3A_87, %while3A_86 : i32
    %while3A_89 = arith.addi %while3A_83, %while3A_88 : i32
    %while3A_90 = arith.constant 1 : i32
    %while3A_91:3 = scf.for %while3A_268 = %while3A_83 to %while3A_89 step %while3A_90 iter_args(%while3A_269 = %broadcast_in_dim3A_78, %while3A_270 = %broadcast_in_dim3A_80, %while3A_271 = %broadcast_in_dim3A_82) -> (vector<64x1xf32>, vector<64x1xf32>, vector<64x32xf32>)  : i32 {
      %mul3A_272 = arith.constant 512 : i32
      %mul3A_273 = arith.muli %while3A_268, %mul3A_272 : i32
      %add3A_274 = arith.addi %get3A_0, %mul3A_273 : i32
      %get3A_275 = arith.index_cast %add3A_274 : i32 to index
      %get3A_276 = arith.constant 0 : index
      %get3A_277 = vector.load %arg3[%get3A_275, %get3A_276] : memref<10752x128xf32, #tpu.memory_space<vmem>>, vector<512x128xf32>
      %slice3A_278 = vector.extract_strided_slice %get3A_277 {offsets = [0, 32], sizes = [512, 32], strides = [1, 1]} : vector<512x128xf32> to vector<512x32xf32>
      %get3A_279 = arith.index_cast %add3A_274 : i32 to index
      %get3A_280 = arith.constant 0 : index
      %get3A_281 = vector.load %arg4[%get3A_279, %get3A_280] : memref<10752x128xf32, #tpu.memory_space<vmem>>, vector<512x128xf32>
      %slice3A_282 = vector.extract_strided_slice %get3A_281 {offsets = [0, 32], sizes = [512, 32], strides = [1, 1]} : vector<512x128xf32> to vector<512x32xf32>
      %dot_general3A_283 = arith.constant dense<0.000000e+00> : vector<64x512xf32>
      %dot_general3A_284 = tpu.matmul %slice3A_76, %slice3A_278, %dot_general3A_283 {dimension_numbers = #tpu.dot_dimension_numbers<[1], [1], [0], [0], [0, 0, 1, 0], [], []>, transpose_lhs_hint = false} : vector<64x32xf32>, vector<512x32xf32>, vector<64x512xf32> -> vector<64x512xf32>
      %mul3A_285 = vector.broadcast %div3A_20 : f32 to vector<64x512xf32>
      %mul3A_286 = arith.mulf %dot_general3A_284, %mul3A_285 : vector<64x512xf32>
      %iota3A_287 = tpu.iota {dimensions = array<i32: 1>} : vector<64x512xi32>
      %mul3A_288 = arith.constant 512 : i32
      %mul3A_289 = arith.muli %while3A_268, %mul3A_288 : i32
      %sub3A_290 = arith.subi %sub3A, %mul3A_289 : i32
      %lt3A_291 = vector.broadcast %sub3A_290 : i32 to vector<64x512xi32>
      %lt3A_292 = arith.cmpi slt, %iota3A_287, %lt3A_291 : vector<64x512xi32>
      %jit3A_293 = arith.constant 0.000000e+00 : f32
      %jit3A_294 = arith.constant -1.000000e+09 : f32
      %broadcast_in_dim3A_295 = vector.broadcast %jit3A_293 : f32 to vector<64x512xf32>
      %broadcast_in_dim3A_296 = vector.broadcast %jit3A_294 : f32 to vector<64x512xf32>
      %select_n3A_297 = arith.select %lt3A_292, %broadcast_in_dim3A_295, %broadcast_in_dim3A_296 : vector<64x512xi1>, vector<64x512xf32>
      %add3A_298 = arith.addf %mul3A_286, %select_n3A_297 : vector<64x512xf32>
      %reduce_max3A = arith.constant dense<0xFF800000> : vector<64xf32>
      %reduce_max3A_299 = vector.multi_reduction <maximumf>, %add3A_298, %reduce_max3A [1] : vector<64x512xf32> to vector<64xf32>
      %broadcast_in_dim3A_300 = vector.shape_cast %reduce_max3A_299 : vector<64xf32> to vector<64x1xf32>
      %max3A_301 = arith.maximumf %while3A_269, %broadcast_in_dim3A_300 : vector<64x1xf32>
      %sub3A_302 = vector.broadcast %max3A_301 : vector<64x1xf32> to vector<64x512xf32>
      %sub3A_303 = arith.subf %add3A_298, %sub3A_302 : vector<64x512xf32>
      %exp3A = math.exp %sub3A_303 : vector<64x512xf32>
      %sub3A_304 = arith.subf %while3A_269, %max3A_301 : vector<64x1xf32>
      %exp3A_305 = math.exp %sub3A_304 : vector<64x1xf32>
      %mul3A_306 = arith.mulf %while3A_270, %exp3A_305 : vector<64x1xf32>
      %reduce_sum3A_307 = arith.constant dense<0.000000e+00> : vector<64xf32>
      %reduce_sum3A_308 = vector.multi_reduction <add>, %exp3A, %reduce_sum3A_307 [1] : vector<64x512xf32> to vector<64xf32>
      %broadcast_in_dim3A_309 = vector.shape_cast %reduce_sum3A_308 : vector<64xf32> to vector<64x1xf32>
      %add3A_310 = arith.addf %mul3A_306, %broadcast_in_dim3A_309 : vector<64x1xf32>
      %mul3A_311 = vector.broadcast %exp3A_305 : vector<64x1xf32> to vector<64x32xf32>
      %mul3A_312 = arith.mulf %while3A_271, %mul3A_311 : vector<64x32xf32>
      %dot_general3A_313 = arith.constant dense<0.000000e+00> : vector<64x32xf32>
      %dot_general3A_314 = tpu.matmul %exp3A, %slice3A_282, %dot_general3A_313 {dimension_numbers = #tpu.dot_dimension_numbers<[1], [0], [0], [1], [0, 0, 1, 1], [], []>, transpose_lhs_hint = false} : vector<64x512xf32>, vector<512x32xf32>, vector<64x32xf32> -> vector<64x32xf32>
      %add3A_315 = arith.addf %mul3A_312, %dot_general3A_314 : vector<64x32xf32>
      scf.yield %max3A_301, %add3A_310, %add3A_315 : vector<64x1xf32>, vector<64x1xf32>, vector<64x32xf32>
    }
    %while3A_92 = arith.constant 1 : i32
    %while3A_93:3 = scf.for %while3A_268 = %while3A_89 to %while3A_85 step %while3A_92 iter_args(%while3A_269 = %while3A_91#0, %while3A_270 = %while3A_91#1, %while3A_271 = %while3A_91#2) -> (vector<64x1xf32>, vector<64x1xf32>, vector<64x32xf32>)  : i32 {
      %mul3A_272 = arith.constant 512 : i32
      %mul3A_273 = arith.muli %while3A_268, %mul3A_272 : i32
      %add3A_274 = arith.addi %get3A_0, %mul3A_273 : i32
      %get3A_275 = arith.index_cast %add3A_274 : i32 to index
      %get3A_276 = arith.constant 0 : index
      %get3A_277 = vector.load %arg3[%get3A_275, %get3A_276] : memref<10752x128xf32, #tpu.memory_space<vmem>>, vector<512x128xf32>
      %slice3A_278 = vector.extract_strided_slice %get3A_277 {offsets = [0, 32], sizes = [512, 32], strides = [1, 1]} : vector<512x128xf32> to vector<512x32xf32>
      %get3A_279 = arith.index_cast %add3A_274 : i32 to index
      %get3A_280 = arith.constant 0 : index
      %get3A_281 = vector.load %arg4[%get3A_279, %get3A_280] : memref<10752x128xf32, #tpu.memory_space<vmem>>, vector<512x128xf32>
      %slice3A_282 = vector.extract_strided_slice %get3A_281 {offsets = [0, 32], sizes = [512, 32], strides = [1, 1]} : vector<512x128xf32> to vector<512x32xf32>
      %dot_general3A_283 = arith.constant dense<0.000000e+00> : vector<64x512xf32>
      %dot_general3A_284 = tpu.matmul %slice3A_76, %slice3A_278, %dot_general3A_283 {dimension_numbers = #tpu.dot_dimension_numbers<[1], [1], [0], [0], [0, 0, 1, 0], [], []>, transpose_lhs_hint = false} : vector<64x32xf32>, vector<512x32xf32>, vector<64x512xf32> -> vector<64x512xf32>
      %mul3A_285 = vector.broadcast %div3A_20 : f32 to vector<64x512xf32>
      %mul3A_286 = arith.mulf %dot_general3A_284, %mul3A_285 : vector<64x512xf32>
      %iota3A_287 = tpu.iota {dimensions = array<i32: 1>} : vector<64x512xi32>
      %mul3A_288 = arith.constant 512 : i32
      %mul3A_289 = arith.muli %while3A_268, %mul3A_288 : i32
      %sub3A_290 = arith.subi %sub3A, %mul3A_289 : i32
      %lt3A_291 = vector.broadcast %sub3A_290 : i32 to vector<64x512xi32>
      %lt3A_292 = arith.cmpi slt, %iota3A_287, %lt3A_291 : vector<64x512xi32>
      %jit3A_293 = arith.constant 0.000000e+00 : f32
      %jit3A_294 = arith.constant -1.000000e+09 : f32
      %broadcast_in_dim3A_295 = vector.broadcast %jit3A_293 : f32 to vector<64x512xf32>
      %broadcast_in_dim3A_296 = vector.broadcast %jit3A_294 : f32 to vector<64x512xf32>
      %select_n3A_297 = arith.select %lt3A_292, %broadcast_in_dim3A_295, %broadcast_in_dim3A_296 : vector<64x512xi1>, vector<64x512xf32>
      %add3A_298 = arith.addf %mul3A_286, %select_n3A_297 : vector<64x512xf32>
      %reduce_max3A = arith.constant dense<0xFF800000> : vector<64xf32>
      %reduce_max3A_299 = vector.multi_reduction <maximumf>, %add3A_298, %reduce_max3A [1] : vector<64x512xf32> to vector<64xf32>
      %broadcast_in_dim3A_300 = vector.shape_cast %reduce_max3A_299 : vector<64xf32> to vector<64x1xf32>
      %max3A_301 = arith.maximumf %while3A_269, %broadcast_in_dim3A_300 : vector<64x1xf32>
      %sub3A_302 = vector.broadcast %max3A_301 : vector<64x1xf32> to vector<64x512xf32>
      %sub3A_303 = arith.subf %add3A_298, %sub3A_302 : vector<64x512xf32>
      %exp3A = math.exp %sub3A_303 : vector<64x512xf32>
      %sub3A_304 = arith.subf %while3A_269, %max3A_301 : vector<64x1xf32>
      %exp3A_305 = math.exp %sub3A_304 : vector<64x1xf32>
      %mul3A_306 = arith.mulf %while3A_270, %exp3A_305 : vector<64x1xf32>
      %reduce_sum3A_307 = arith.constant dense<0.000000e+00> : vector<64xf32>
      %reduce_sum3A_308 = vector.multi_reduction <add>, %exp3A, %reduce_sum3A_307 [1] : vector<64x512xf32> to vector<64xf32>
      %broadcast_in_dim3A_309 = vector.shape_cast %reduce_sum3A_308 : vector<64xf32> to vector<64x1xf32>
      %add3A_310 = arith.addf %mul3A_306, %broadcast_in_dim3A_309 : vector<64x1xf32>
      %mul3A_311 = vector.broadcast %exp3A_305 : vector<64x1xf32> to vector<64x32xf32>
      %mul3A_312 = arith.mulf %while3A_271, %mul3A_311 : vector<64x32xf32>
      %dot_general3A_313 = arith.constant dense<0.000000e+00> : vector<64x32xf32>
      %dot_general3A_314 = tpu.matmul %exp3A, %slice3A_282, %dot_general3A_313 {dimension_numbers = #tpu.dot_dimension_numbers<[1], [0], [0], [1], [0, 0, 1, 1], [], []>, transpose_lhs_hint = false} : vector<64x512xf32>, vector<512x32xf32>, vector<64x32xf32> -> vector<64x32xf32>
      %add3A_315 = arith.addf %mul3A_312, %dot_general3A_314 : vector<64x32xf32>
      scf.yield %max3A_301, %add3A_310, %add3A_315 : vector<64x1xf32>, vector<64x1xf32>, vector<64x32xf32>
    }
    %gt3A_94 = arith.constant 0.000000e+00 : f32
    %gt3A_95 = vector.broadcast %gt3A_94 : f32 to vector<64x1xf32>
    %gt3A_96 = arith.cmpf ogt, %while3A_93#1, %gt3A_95 : vector<64x1xf32>
    %gt3A_97 = arith.constant 0.000000e+00 : f32
    %gt3A_98 = vector.broadcast %gt3A_97 : f32 to vector<64x1xf32>
    %gt3A_99 = arith.cmpf ogt, %while3A_93#1, %gt3A_98 : vector<64x1xf32>
    %jit3A_100 = arith.constant 1.000000e+00 : f32
    %broadcast_in_dim3A_101 = vector.broadcast %jit3A_100 : f32 to vector<64x1xf32>
    %select_n3A_102 = arith.select %gt3A_99, %while3A_93#1, %broadcast_in_dim3A_101 : vector<64x1xi1>, vector<64x1xf32>
    %div3A_103 = vector.broadcast %select_n3A_102 : vector<64x1xf32> to vector<64x32xf32>
    %div3A_104 = arith.divf %while3A_93#2, %div3A_103 : vector<64x32xf32>
    %jit3A_105 = arith.constant 0.000000e+00 : f32
    %broadcast_in_dim3A_106 = vector.shape_cast %gt3A_96 : vector<64x1xi1> to vector<64x1xi1>
    %broadcast_in_dim3A_107 = vector.broadcast %broadcast_in_dim3A_106 : vector<64x1xi1> to vector<64x32xi1>
    %broadcast_in_dim3A_108 = vector.broadcast %jit3A_105 : f32 to vector<64x32xf32>
    %select_n3A_109 = arith.select %broadcast_in_dim3A_107, %div3A_104, %broadcast_in_dim3A_108 : vector<64x32xi1>, vector<64x32xf32>
    %slice3A_110 = vector.extract_strided_slice %add3A_18 {offsets = [0, 64], sizes = [64, 32], strides = [1, 1]} : vector<64x128xf32> to vector<64x32xf32>
    %broadcast_in_dim3A_111 = arith.constant -1.000000e+30 : f32
    %broadcast_in_dim3A_112 = vector.broadcast %broadcast_in_dim3A_111 : f32 to vector<64x1xf32>
    %broadcast_in_dim3A_113 = arith.constant 0.000000e+00 : f32
    %broadcast_in_dim3A_114 = vector.broadcast %broadcast_in_dim3A_113 : f32 to vector<64x1xf32>
    %broadcast_in_dim3A_115 = arith.constant 0.000000e+00 : f32
    %broadcast_in_dim3A_116 = vector.broadcast %broadcast_in_dim3A_115 : f32 to vector<64x32xf32>
    %while3A_117 = arith.constant 0 : i32
    %while3A_118 = arith.subi %select_n3A_44, %while3A_117 : i32
    %while3A_119 = arith.addi %while3A_117, %while3A_118 : i32
    %while3A_120 = arith.constant 1 : i32
    %while3A_121 = arith.divsi %while3A_118, %while3A_120 : i32
    %while3A_122 = arith.muli %while3A_121, %while3A_120 : i32
    %while3A_123 = arith.addi %while3A_117, %while3A_122 : i32
    %while3A_124 = arith.constant 1 : i32
    %while3A_125:3 = scf.for %while3A_268 = %while3A_117 to %while3A_123 step %while3A_124 iter_args(%while3A_269 = %broadcast_in_dim3A_112, %while3A_270 = %broadcast_in_dim3A_114, %while3A_271 = %broadcast_in_dim3A_116) -> (vector<64x1xf32>, vector<64x1xf32>, vector<64x32xf32>)  : i32 {
      %mul3A_272 = arith.constant 512 : i32
      %mul3A_273 = arith.muli %while3A_268, %mul3A_272 : i32
      %add3A_274 = arith.addi %get3A_0, %mul3A_273 : i32
      %get3A_275 = arith.index_cast %add3A_274 : i32 to index
      %get3A_276 = arith.constant 0 : index
      %get3A_277 = vector.load %arg3[%get3A_275, %get3A_276] : memref<10752x128xf32, #tpu.memory_space<vmem>>, vector<512x128xf32>
      %slice3A_278 = vector.extract_strided_slice %get3A_277 {offsets = [0, 64], sizes = [512, 32], strides = [1, 1]} : vector<512x128xf32> to vector<512x32xf32>
      %get3A_279 = arith.index_cast %add3A_274 : i32 to index
      %get3A_280 = arith.constant 0 : index
      %get3A_281 = vector.load %arg4[%get3A_279, %get3A_280] : memref<10752x128xf32, #tpu.memory_space<vmem>>, vector<512x128xf32>
      %slice3A_282 = vector.extract_strided_slice %get3A_281 {offsets = [0, 64], sizes = [512, 32], strides = [1, 1]} : vector<512x128xf32> to vector<512x32xf32>
      %dot_general3A_283 = arith.constant dense<0.000000e+00> : vector<64x512xf32>
      %dot_general3A_284 = tpu.matmul %slice3A_110, %slice3A_278, %dot_general3A_283 {dimension_numbers = #tpu.dot_dimension_numbers<[1], [1], [0], [0], [0, 0, 1, 0], [], []>, transpose_lhs_hint = false} : vector<64x32xf32>, vector<512x32xf32>, vector<64x512xf32> -> vector<64x512xf32>
      %mul3A_285 = vector.broadcast %div3A_20 : f32 to vector<64x512xf32>
      %mul3A_286 = arith.mulf %dot_general3A_284, %mul3A_285 : vector<64x512xf32>
      %iota3A_287 = tpu.iota {dimensions = array<i32: 1>} : vector<64x512xi32>
      %mul3A_288 = arith.constant 512 : i32
      %mul3A_289 = arith.muli %while3A_268, %mul3A_288 : i32
      %sub3A_290 = arith.subi %sub3A, %mul3A_289 : i32
      %lt3A_291 = vector.broadcast %sub3A_290 : i32 to vector<64x512xi32>
      %lt3A_292 = arith.cmpi slt, %iota3A_287, %lt3A_291 : vector<64x512xi32>
      %jit3A_293 = arith.constant 0.000000e+00 : f32
      %jit3A_294 = arith.constant -1.000000e+09 : f32
      %broadcast_in_dim3A_295 = vector.broadcast %jit3A_293 : f32 to vector<64x512xf32>
      %broadcast_in_dim3A_296 = vector.broadcast %jit3A_294 : f32 to vector<64x512xf32>
      %select_n3A_297 = arith.select %lt3A_292, %broadcast_in_dim3A_295, %broadcast_in_dim3A_296 : vector<64x512xi1>, vector<64x512xf32>
      %add3A_298 = arith.addf %mul3A_286, %select_n3A_297 : vector<64x512xf32>
      %reduce_max3A = arith.constant dense<0xFF800000> : vector<64xf32>
      %reduce_max3A_299 = vector.multi_reduction <maximumf>, %add3A_298, %reduce_max3A [1] : vector<64x512xf32> to vector<64xf32>
      %broadcast_in_dim3A_300 = vector.shape_cast %reduce_max3A_299 : vector<64xf32> to vector<64x1xf32>
      %max3A_301 = arith.maximumf %while3A_269, %broadcast_in_dim3A_300 : vector<64x1xf32>
      %sub3A_302 = vector.broadcast %max3A_301 : vector<64x1xf32> to vector<64x512xf32>
      %sub3A_303 = arith.subf %add3A_298, %sub3A_302 : vector<64x512xf32>
      %exp3A = math.exp %sub3A_303 : vector<64x512xf32>
      %sub3A_304 = arith.subf %while3A_269, %max3A_301 : vector<64x1xf32>
      %exp3A_305 = math.exp %sub3A_304 : vector<64x1xf32>
      %mul3A_306 = arith.mulf %while3A_270, %exp3A_305 : vector<64x1xf32>
      %reduce_sum3A_307 = arith.constant dense<0.000000e+00> : vector<64xf32>
      %reduce_sum3A_308 = vector.multi_reduction <add>, %exp3A, %reduce_sum3A_307 [1] : vector<64x512xf32> to vector<64xf32>
      %broadcast_in_dim3A_309 = vector.shape_cast %reduce_sum3A_308 : vector<64xf32> to vector<64x1xf32>
      %add3A_310 = arith.addf %mul3A_306, %broadcast_in_dim3A_309 : vector<64x1xf32>
      %mul3A_311 = vector.broadcast %exp3A_305 : vector<64x1xf32> to vector<64x32xf32>
      %mul3A_312 = arith.mulf %while3A_271, %mul3A_311 : vector<64x32xf32>
      %dot_general3A_313 = arith.constant dense<0.000000e+00> : vector<64x32xf32>
      %dot_general3A_314 = tpu.matmul %exp3A, %slice3A_282, %dot_general3A_313 {dimension_numbers = #tpu.dot_dimension_numbers<[1], [0], [0], [1], [0, 0, 1, 1], [], []>, transpose_lhs_hint = false} : vector<64x512xf32>, vector<512x32xf32>, vector<64x32xf32> -> vector<64x32xf32>
      %add3A_315 = arith.addf %mul3A_312, %dot_general3A_314 : vector<64x32xf32>
      scf.yield %max3A_301, %add3A_310, %add3A_315 : vector<64x1xf32>, vector<64x1xf32>, vector<64x32xf32>
    }
    %while3A_126 = arith.constant 1 : i32
    %while3A_127:3 = scf.for %while3A_268 = %while3A_123 to %while3A_119 step %while3A_126 iter_args(%while3A_269 = %while3A_125#0, %while3A_270 = %while3A_125#1, %while3A_271 = %while3A_125#2) -> (vector<64x1xf32>, vector<64x1xf32>, vector<64x32xf32>)  : i32 {
      %mul3A_272 = arith.constant 512 : i32
      %mul3A_273 = arith.muli %while3A_268, %mul3A_272 : i32
      %add3A_274 = arith.addi %get3A_0, %mul3A_273 : i32
      %get3A_275 = arith.index_cast %add3A_274 : i32 to index
      %get3A_276 = arith.constant 0 : index
      %get3A_277 = vector.load %arg3[%get3A_275, %get3A_276] : memref<10752x128xf32, #tpu.memory_space<vmem>>, vector<512x128xf32>
      %slice3A_278 = vector.extract_strided_slice %get3A_277 {offsets = [0, 64], sizes = [512, 32], strides = [1, 1]} : vector<512x128xf32> to vector<512x32xf32>
      %get3A_279 = arith.index_cast %add3A_274 : i32 to index
      %get3A_280 = arith.constant 0 : index
      %get3A_281 = vector.load %arg4[%get3A_279, %get3A_280] : memref<10752x128xf32, #tpu.memory_space<vmem>>, vector<512x128xf32>
      %slice3A_282 = vector.extract_strided_slice %get3A_281 {offsets = [0, 64], sizes = [512, 32], strides = [1, 1]} : vector<512x128xf32> to vector<512x32xf32>
      %dot_general3A_283 = arith.constant dense<0.000000e+00> : vector<64x512xf32>
      %dot_general3A_284 = tpu.matmul %slice3A_110, %slice3A_278, %dot_general3A_283 {dimension_numbers = #tpu.dot_dimension_numbers<[1], [1], [0], [0], [0, 0, 1, 0], [], []>, transpose_lhs_hint = false} : vector<64x32xf32>, vector<512x32xf32>, vector<64x512xf32> -> vector<64x512xf32>
      %mul3A_285 = vector.broadcast %div3A_20 : f32 to vector<64x512xf32>
      %mul3A_286 = arith.mulf %dot_general3A_284, %mul3A_285 : vector<64x512xf32>
      %iota3A_287 = tpu.iota {dimensions = array<i32: 1>} : vector<64x512xi32>
      %mul3A_288 = arith.constant 512 : i32
      %mul3A_289 = arith.muli %while3A_268, %mul3A_288 : i32
      %sub3A_290 = arith.subi %sub3A, %mul3A_289 : i32
      %lt3A_291 = vector.broadcast %sub3A_290 : i32 to vector<64x512xi32>
      %lt3A_292 = arith.cmpi slt, %iota3A_287, %lt3A_291 : vector<64x512xi32>
      %jit3A_293 = arith.constant 0.000000e+00 : f32
      %jit3A_294 = arith.constant -1.000000e+09 : f32
      %broadcast_in_dim3A_295 = vector.broadcast %jit3A_293 : f32 to vector<64x512xf32>
      %broadcast_in_dim3A_296 = vector.broadcast %jit3A_294 : f32 to vector<64x512xf32>
      %select_n3A_297 = arith.select %lt3A_292, %broadcast_in_dim3A_295, %broadcast_in_dim3A_296 : vector<64x512xi1>, vector<64x512xf32>
      %add3A_298 = arith.addf %mul3A_286, %select_n3A_297 : vector<64x512xf32>
      %reduce_max3A = arith.constant dense<0xFF800000> : vector<64xf32>
      %reduce_max3A_299 = vector.multi_reduction <maximumf>, %add3A_298, %reduce_max3A [1] : vector<64x512xf32> to vector<64xf32>
      %broadcast_in_dim3A_300 = vector.shape_cast %reduce_max3A_299 : vector<64xf32> to vector<64x1xf32>
      %max3A_301 = arith.maximumf %while3A_269, %broadcast_in_dim3A_300 : vector<64x1xf32>
      %sub3A_302 = vector.broadcast %max3A_301 : vector<64x1xf32> to vector<64x512xf32>
      %sub3A_303 = arith.subf %add3A_298, %sub3A_302 : vector<64x512xf32>
      %exp3A = math.exp %sub3A_303 : vector<64x512xf32>
      %sub3A_304 = arith.subf %while3A_269, %max3A_301 : vector<64x1xf32>
      %exp3A_305 = math.exp %sub3A_304 : vector<64x1xf32>
      %mul3A_306 = arith.mulf %while3A_270, %exp3A_305 : vector<64x1xf32>
      %reduce_sum3A_307 = arith.constant dense<0.000000e+00> : vector<64xf32>
      %reduce_sum3A_308 = vector.multi_reduction <add>, %exp3A, %reduce_sum3A_307 [1] : vector<64x512xf32> to vector<64xf32>
      %broadcast_in_dim3A_309 = vector.shape_cast %reduce_sum3A_308 : vector<64xf32> to vector<64x1xf32>
      %add3A_310 = arith.addf %mul3A_306, %broadcast_in_dim3A_309 : vector<64x1xf32>
      %mul3A_311 = vector.broadcast %exp3A_305 : vector<64x1xf32> to vector<64x32xf32>
      %mul3A_312 = arith.mulf %while3A_271, %mul3A_311 : vector<64x32xf32>
      %dot_general3A_313 = arith.constant dense<0.000000e+00> : vector<64x32xf32>
      %dot_general3A_314 = tpu.matmul %exp3A, %slice3A_282, %dot_general3A_313 {dimension_numbers = #tpu.dot_dimension_numbers<[1], [0], [0], [1], [0, 0, 1, 1], [], []>, transpose_lhs_hint = false} : vector<64x512xf32>, vector<512x32xf32>, vector<64x32xf32> -> vector<64x32xf32>
      %add3A_315 = arith.addf %mul3A_312, %dot_general3A_314 : vector<64x32xf32>
      scf.yield %max3A_301, %add3A_310, %add3A_315 : vector<64x1xf32>, vector<64x1xf32>, vector<64x32xf32>
    }
    %gt3A_128 = arith.constant 0.000000e+00 : f32
    %gt3A_129 = vector.broadcast %gt3A_128 : f32 to vector<64x1xf32>
    %gt3A_130 = arith.cmpf ogt, %while3A_127#1, %gt3A_129 : vector<64x1xf32>
    %gt3A_131 = arith.constant 0.000000e+00 : f32
    %gt3A_132 = vector.broadcast %gt3A_131 : f32 to vector<64x1xf32>
    %gt3A_133 = arith.cmpf ogt, %while3A_127#1, %gt3A_132 : vector<64x1xf32>
    %jit3A_134 = arith.constant 1.000000e+00 : f32
    %broadcast_in_dim3A_135 = vector.broadcast %jit3A_134 : f32 to vector<64x1xf32>
    %select_n3A_136 = arith.select %gt3A_133, %while3A_127#1, %broadcast_in_dim3A_135 : vector<64x1xi1>, vector<64x1xf32>
    %div3A_137 = vector.broadcast %select_n3A_136 : vector<64x1xf32> to vector<64x32xf32>
    %div3A_138 = arith.divf %while3A_127#2, %div3A_137 : vector<64x32xf32>
    %jit3A_139 = arith.constant 0.000000e+00 : f32
    %broadcast_in_dim3A_140 = vector.shape_cast %gt3A_130 : vector<64x1xi1> to vector<64x1xi1>
    %broadcast_in_dim3A_141 = vector.broadcast %broadcast_in_dim3A_140 : vector<64x1xi1> to vector<64x32xi1>
    %broadcast_in_dim3A_142 = vector.broadcast %jit3A_139 : f32 to vector<64x32xf32>
    %select_n3A_143 = arith.select %broadcast_in_dim3A_141, %div3A_138, %broadcast_in_dim3A_142 : vector<64x32xi1>, vector<64x32xf32>
    %slice3A_144 = vector.extract_strided_slice %add3A_18 {offsets = [0, 96], sizes = [64, 32], strides = [1, 1]} : vector<64x128xf32> to vector<64x32xf32>
    %broadcast_in_dim3A_145 = arith.constant -1.000000e+30 : f32
    %broadcast_in_dim3A_146 = vector.broadcast %broadcast_in_dim3A_145 : f32 to vector<64x1xf32>
    %broadcast_in_dim3A_147 = arith.constant 0.000000e+00 : f32
    %broadcast_in_dim3A_148 = vector.broadcast %broadcast_in_dim3A_147 : f32 to vector<64x1xf32>
    %broadcast_in_dim3A_149 = arith.constant 0.000000e+00 : f32
    %broadcast_in_dim3A_150 = vector.broadcast %broadcast_in_dim3A_149 : f32 to vector<64x32xf32>
    %while3A_151 = arith.constant 0 : i32
    %while3A_152 = arith.subi %select_n3A_44, %while3A_151 : i32
    %while3A_153 = arith.addi %while3A_151, %while3A_152 : i32
    %while3A_154 = arith.constant 1 : i32
    %while3A_155 = arith.divsi %while3A_152, %while3A_154 : i32
    %while3A_156 = arith.muli %while3A_155, %while3A_154 : i32
    %while3A_157 = arith.addi %while3A_151, %while3A_156 : i32
    %while3A_158 = arith.constant 1 : i32
    %while3A_159:3 = scf.for %while3A_268 = %while3A_151 to %while3A_157 step %while3A_158 iter_args(%while3A_269 = %broadcast_in_dim3A_146, %while3A_270 = %broadcast_in_dim3A_148, %while3A_271 = %broadcast_in_dim3A_150) -> (vector<64x1xf32>, vector<64x1xf32>, vector<64x32xf32>)  : i32 {
      %mul3A_272 = arith.constant 512 : i32
      %mul3A_273 = arith.muli %while3A_268, %mul3A_272 : i32
      %add3A_274 = arith.addi %get3A_0, %mul3A_273 : i32
      %get3A_275 = arith.index_cast %add3A_274 : i32 to index
      %get3A_276 = arith.constant 0 : index
      %get3A_277 = vector.load %arg3[%get3A_275, %get3A_276] : memref<10752x128xf32, #tpu.memory_space<vmem>>, vector<512x128xf32>
      %slice3A_278 = vector.extract_strided_slice %get3A_277 {offsets = [0, 96], sizes = [512, 32], strides = [1, 1]} : vector<512x128xf32> to vector<512x32xf32>
      %get3A_279 = arith.index_cast %add3A_274 : i32 to index
      %get3A_280 = arith.constant 0 : index
      %get3A_281 = vector.load %arg4[%get3A_279, %get3A_280] : memref<10752x128xf32, #tpu.memory_space<vmem>>, vector<512x128xf32>
      %slice3A_282 = vector.extract_strided_slice %get3A_281 {offsets = [0, 96], sizes = [512, 32], strides = [1, 1]} : vector<512x128xf32> to vector<512x32xf32>
      %dot_general3A_283 = arith.constant dense<0.000000e+00> : vector<64x512xf32>
      %dot_general3A_284 = tpu.matmul %slice3A_144, %slice3A_278, %dot_general3A_283 {dimension_numbers = #tpu.dot_dimension_numbers<[1], [1], [0], [0], [0, 0, 1, 0], [], []>, transpose_lhs_hint = false} : vector<64x32xf32>, vector<512x32xf32>, vector<64x512xf32> -> vector<64x512xf32>
      %mul3A_285 = vector.broadcast %div3A_20 : f32 to vector<64x512xf32>
      %mul3A_286 = arith.mulf %dot_general3A_284, %mul3A_285 : vector<64x512xf32>
      %iota3A_287 = tpu.iota {dimensions = array<i32: 1>} : vector<64x512xi32>
      %mul3A_288 = arith.constant 512 : i32
      %mul3A_289 = arith.muli %while3A_268, %mul3A_288 : i32
      %sub3A_290 = arith.subi %sub3A, %mul3A_289 : i32
      %lt3A_291 = vector.broadcast %sub3A_290 : i32 to vector<64x512xi32>
      %lt3A_292 = arith.cmpi slt, %iota3A_287, %lt3A_291 : vector<64x512xi32>
      %jit3A_293 = arith.constant 0.000000e+00 : f32
      %jit3A_294 = arith.constant -1.000000e+09 : f32
      %broadcast_in_dim3A_295 = vector.broadcast %jit3A_293 : f32 to vector<64x512xf32>
      %broadcast_in_dim3A_296 = vector.broadcast %jit3A_294 : f32 to vector<64x512xf32>
      %select_n3A_297 = arith.select %lt3A_292, %broadcast_in_dim3A_295, %broadcast_in_dim3A_296 : vector<64x512xi1>, vector<64x512xf32>
      %add3A_298 = arith.addf %mul3A_286, %select_n3A_297 : vector<64x512xf32>
      %reduce_max3A = arith.constant dense<0xFF800000> : vector<64xf32>
      %reduce_max3A_299 = vector.multi_reduction <maximumf>, %add3A_298, %reduce_max3A [1] : vector<64x512xf32> to vector<64xf32>
      %broadcast_in_dim3A_300 = vector.shape_cast %reduce_max3A_299 : vector<64xf32> to vector<64x1xf32>
      %max3A_301 = arith.maximumf %while3A_269, %broadcast_in_dim3A_300 : vector<64x1xf32>
      %sub3A_302 = vector.broadcast %max3A_301 : vector<64x1xf32> to vector<64x512xf32>
      %sub3A_303 = arith.subf %add3A_298, %sub3A_302 : vector<64x512xf32>
      %exp3A = math.exp %sub3A_303 : vector<64x512xf32>
      %sub3A_304 = arith.subf %while3A_269, %max3A_301 : vector<64x1xf32>
      %exp3A_305 = math.exp %sub3A_304 : vector<64x1xf32>
      %mul3A_306 = arith.mulf %while3A_270, %exp3A_305 : vector<64x1xf32>
      %reduce_sum3A_307 = arith.constant dense<0.000000e+00> : vector<64xf32>
      %reduce_sum3A_308 = vector.multi_reduction <add>, %exp3A, %reduce_sum3A_307 [1] : vector<64x512xf32> to vector<64xf32>
      %broadcast_in_dim3A_309 = vector.shape_cast %reduce_sum3A_308 : vector<64xf32> to vector<64x1xf32>
      %add3A_310 = arith.addf %mul3A_306, %broadcast_in_dim3A_309 : vector<64x1xf32>
      %mul3A_311 = vector.broadcast %exp3A_305 : vector<64x1xf32> to vector<64x32xf32>
      %mul3A_312 = arith.mulf %while3A_271, %mul3A_311 : vector<64x32xf32>
      %dot_general3A_313 = arith.constant dense<0.000000e+00> : vector<64x32xf32>
      %dot_general3A_314 = tpu.matmul %exp3A, %slice3A_282, %dot_general3A_313 {dimension_numbers = #tpu.dot_dimension_numbers<[1], [0], [0], [1], [0, 0, 1, 1], [], []>, transpose_lhs_hint = false} : vector<64x512xf32>, vector<512x32xf32>, vector<64x32xf32> -> vector<64x32xf32>
      %add3A_315 = arith.addf %mul3A_312, %dot_general3A_314 : vector<64x32xf32>
      scf.yield %max3A_301, %add3A_310, %add3A_315 : vector<64x1xf32>, vector<64x1xf32>, vector<64x32xf32>
    }
    %while3A_160 = arith.constant 1 : i32
    %while3A_161:3 = scf.for %while3A_268 = %while3A_157 to %while3A_153 step %while3A_160 iter_args(%while3A_269 = %while3A_159#0, %while3A_270 = %while3A_159#1, %while3A_271 = %while3A_159#2) -> (vector<64x1xf32>, vector<64x1xf32>, vector<64x32xf32>)  : i32 {
      %mul3A_272 = arith.constant 512 : i32
      %mul3A_273 = arith.muli %while3A_268, %mul3A_272 : i32
      %add3A_274 = arith.addi %get3A_0, %mul3A_273 : i32
      %get3A_275 = arith.index_cast %add3A_274 : i32 to index
      %get3A_276 = arith.constant 0 : index
      %get3A_277 = vector.load %arg3[%get3A_275, %get3A_276] : memref<10752x128xf32, #tpu.memory_space<vmem>>, vector<512x128xf32>
      %slice3A_278 = vector.extract_strided_slice %get3A_277 {offsets = [0, 96], sizes = [512, 32], strides = [1, 1]} : vector<512x128xf32> to vector<512x32xf32>
      %get3A_279 = arith.index_cast %add3A_274 : i32 to index
      %get3A_280 = arith.constant 0 : index
      %get3A_281 = vector.load %arg4[%get3A_279, %get3A_280] : memref<10752x128xf32, #tpu.memory_space<vmem>>, vector<512x128xf32>
      %slice3A_282 = vector.extract_strided_slice %get3A_281 {offsets = [0, 96], sizes = [512, 32], strides = [1, 1]} : vector<512x128xf32> to vector<512x32xf32>
      %dot_general3A_283 = arith.constant dense<0.000000e+00> : vector<64x512xf32>
      %dot_general3A_284 = tpu.matmul %slice3A_144, %slice3A_278, %dot_general3A_283 {dimension_numbers = #tpu.dot_dimension_numbers<[1], [1], [0], [0], [0, 0, 1, 0], [], []>, transpose_lhs_hint = false} : vector<64x32xf32>, vector<512x32xf32>, vector<64x512xf32> -> vector<64x512xf32>
      %mul3A_285 = vector.broadcast %div3A_20 : f32 to vector<64x512xf32>
      %mul3A_286 = arith.mulf %dot_general3A_284, %mul3A_285 : vector<64x512xf32>
      %iota3A_287 = tpu.iota {dimensions = array<i32: 1>} : vector<64x512xi32>
      %mul3A_288 = arith.constant 512 : i32
      %mul3A_289 = arith.muli %while3A_268, %mul3A_288 : i32
      %sub3A_290 = arith.subi %sub3A, %mul3A_289 : i32
      %lt3A_291 = vector.broadcast %sub3A_290 : i32 to vector<64x512xi32>
      %lt3A_292 = arith.cmpi slt, %iota3A_287, %lt3A_291 : vector<64x512xi32>
      %jit3A_293 = arith.constant 0.000000e+00 : f32
      %jit3A_294 = arith.constant -1.000000e+09 : f32
      %broadcast_in_dim3A_295 = vector.broadcast %jit3A_293 : f32 to vector<64x512xf32>
      %broadcast_in_dim3A_296 = vector.broadcast %jit3A_294 : f32 to vector<64x512xf32>
      %select_n3A_297 = arith.select %lt3A_292, %broadcast_in_dim3A_295, %broadcast_in_dim3A_296 : vector<64x512xi1>, vector<64x512xf32>
      %add3A_298 = arith.addf %mul3A_286, %select_n3A_297 : vector<64x512xf32>
      %reduce_max3A = arith.constant dense<0xFF800000> : vector<64xf32>
      %reduce_max3A_299 = vector.multi_reduction <maximumf>, %add3A_298, %reduce_max3A [1] : vector<64x512xf32> to vector<64xf32>
      %broadcast_in_dim3A_300 = vector.shape_cast %reduce_max3A_299 : vector<64xf32> to vector<64x1xf32>
      %max3A_301 = arith.maximumf %while3A_269, %broadcast_in_dim3A_300 : vector<64x1xf32>
      %sub3A_302 = vector.broadcast %max3A_301 : vector<64x1xf32> to vector<64x512xf32>
      %sub3A_303 = arith.subf %add3A_298, %sub3A_302 : vector<64x512xf32>
      %exp3A = math.exp %sub3A_303 : vector<64x512xf32>
      %sub3A_304 = arith.subf %while3A_269, %max3A_301 : vector<64x1xf32>
      %exp3A_305 = math.exp %sub3A_304 : vector<64x1xf32>
      %mul3A_306 = arith.mulf %while3A_270, %exp3A_305 : vector<64x1xf32>
      %reduce_sum3A_307 = arith.constant dense<0.000000e+00> : vector<64xf32>
      %reduce_sum3A_308 = vector.multi_reduction <add>, %exp3A, %reduce_sum3A_307 [1] : vector<64x512xf32> to vector<64xf32>
      %broadcast_in_dim3A_309 = vector.shape_cast %reduce_sum3A_308 : vector<64xf32> to vector<64x1xf32>
      %add3A_310 = arith.addf %mul3A_306, %broadcast_in_dim3A_309 : vector<64x1xf32>
      %mul3A_311 = vector.broadcast %exp3A_305 : vector<64x1xf32> to vector<64x32xf32>
      %mul3A_312 = arith.mulf %while3A_271, %mul3A_311 : vector<64x32xf32>
      %dot_general3A_313 = arith.constant dense<0.000000e+00> : vector<64x32xf32>
      %dot_general3A_314 = tpu.matmul %exp3A, %slice3A_282, %dot_general3A_313 {dimension_numbers = #tpu.dot_dimension_numbers<[1], [0], [0], [1], [0, 0, 1, 1], [], []>, transpose_lhs_hint = false} : vector<64x512xf32>, vector<512x32xf32>, vector<64x32xf32> -> vector<64x32xf32>
      %add3A_315 = arith.addf %mul3A_312, %dot_general3A_314 : vector<64x32xf32>
      scf.yield %max3A_301, %add3A_310, %add3A_315 : vector<64x1xf32>, vector<64x1xf32>, vector<64x32xf32>
    }
    %gt3A_162 = arith.constant 0.000000e+00 : f32
    %gt3A_163 = vector.broadcast %gt3A_162 : f32 to vector<64x1xf32>
    %gt3A_164 = arith.cmpf ogt, %while3A_161#1, %gt3A_163 : vector<64x1xf32>
    %gt3A_165 = arith.constant 0.000000e+00 : f32
    %gt3A_166 = vector.broadcast %gt3A_165 : f32 to vector<64x1xf32>
    %gt3A_167 = arith.cmpf ogt, %while3A_161#1, %gt3A_166 : vector<64x1xf32>
    %jit3A_168 = arith.constant 1.000000e+00 : f32
    %broadcast_in_dim3A_169 = vector.broadcast %jit3A_168 : f32 to vector<64x1xf32>
    %select_n3A_170 = arith.select %gt3A_167, %while3A_161#1, %broadcast_in_dim3A_169 : vector<64x1xi1>, vector<64x1xf32>
    %div3A_171 = vector.broadcast %select_n3A_170 : vector<64x1xf32> to vector<64x32xf32>
    %div3A_172 = arith.divf %while3A_161#2, %div3A_171 : vector<64x32xf32>
    %jit3A_173 = arith.constant 0.000000e+00 : f32
    %broadcast_in_dim3A_174 = vector.shape_cast %gt3A_164 : vector<64x1xi1> to vector<64x1xi1>
    %broadcast_in_dim3A_175 = vector.broadcast %broadcast_in_dim3A_174 : vector<64x1xi1> to vector<64x32xi1>
    %broadcast_in_dim3A_176 = vector.broadcast %jit3A_173 : f32 to vector<64x32xf32>
    %select_n3A_177 = arith.select %broadcast_in_dim3A_175, %div3A_172, %broadcast_in_dim3A_176 : vector<64x32xi1>, vector<64x32xf32>
    %concatenate3A = tpu.concatenate %select_n3A_75, %select_n3A_109, %select_n3A_143, %select_n3A_177 in 1 : vector<64x32xf32>, vector<64x32xf32>, vector<64x32xf32>, vector<64x32xf32> -> vector<64x128xf32>
    %add3A_178 = arith.addf %add3A_18, %concatenate3A : vector<64x128xf32>
    %get3A_179 = arith.constant 0 : index
    %get3A_180 = arith.constant 0 : index
    %get3A_181 = vector.load %arg9[%get3A_179, %get3A_180] : memref<1x128xf32, #tpu.memory_space<vmem>>, vector<1x128xf32>
    %get3A_182 = arith.constant 0 : index
    %get3A_183 = arith.constant 0 : index
    %get3A_184 = vector.load %arg10[%get3A_182, %get3A_183] : memref<1x128xf32, #tpu.memory_space<vmem>>, vector<1x128xf32>
    %reduce_sum3A = arith.constant dense<0.000000e+00> : vector<64xf32>
    %reduce_sum3A_185 = vector.multi_reduction <add>, %add3A_178, %reduce_sum3A [1] : vector<64x128xf32> to vector<64xf32>
    %broadcast_in_dim3A_186 = vector.shape_cast %reduce_sum3A_185 : vector<64xf32> to vector<64x1xf32>
    %div3A_187 = arith.constant 1.280000e+02 : f32
    %div3A_188 = vector.broadcast %div3A_187 : f32 to vector<64x1xf32>
    %div3A_189 = arith.divf %broadcast_in_dim3A_186, %div3A_188 : vector<64x1xf32>
    %sub3A_190 = vector.broadcast %div3A_189 : vector<64x1xf32> to vector<64x128xf32>
    %sub3A_191 = arith.subf %add3A_178, %sub3A_190 : vector<64x128xf32>
    %integer_pow3A = arith.mulf %sub3A_191, %sub3A_191 : vector<64x128xf32>
    %reduce_sum3A_192 = arith.constant dense<0.000000e+00> : vector<64xf32>
    %reduce_sum3A_193 = vector.multi_reduction <add>, %integer_pow3A, %reduce_sum3A_192 [1] : vector<64x128xf32> to vector<64xf32>
    %broadcast_in_dim3A_194 = vector.shape_cast %reduce_sum3A_193 : vector<64xf32> to vector<64x1xf32>
    %div3A_195 = arith.constant 1.280000e+02 : f32
    %div3A_196 = vector.broadcast %div3A_195 : f32 to vector<64x1xf32>
    %div3A_197 = arith.divf %broadcast_in_dim3A_194, %div3A_196 : vector<64x1xf32>
    %sub3A_198 = vector.broadcast %div3A_189 : vector<64x1xf32> to vector<64x128xf32>
    %sub3A_199 = arith.subf %add3A_178, %sub3A_198 : vector<64x128xf32>
    %add3A_200 = arith.constant 9.99999974E-6 : f32
    %add3A_201 = vector.broadcast %add3A_200 : f32 to vector<64x1xf32>
    %add3A_202 = arith.addf %div3A_197, %add3A_201 : vector<64x1xf32>
    %rsqrt3A = math.rsqrt %add3A_202 : vector<64x1xf32>
    %mul3A = vector.broadcast %rsqrt3A : vector<64x1xf32> to vector<64x128xf32>
    %mul3A_203 = arith.mulf %sub3A_199, %mul3A : vector<64x128xf32>
    %mul3A_204 = vector.broadcast %get3A_181 : vector<1x128xf32> to vector<64x128xf32>
    %mul3A_205 = arith.mulf %mul3A_203, %mul3A_204 : vector<64x128xf32>
    %add3A_206 = vector.broadcast %get3A_184 : vector<1x128xf32> to vector<64x128xf32>
    %add3A_207 = arith.addf %mul3A_205, %add3A_206 : vector<64x128xf32>
    %get3A_208 = arith.constant 0 : index
    %get3A_209 = arith.constant 0 : index
    %get3A_210 = vector.load %arg7[%get3A_208, %get3A_209] : memref<128x128xf32, #tpu.memory_space<vmem>>, vector<128x128xf32>
    %dot_general3A_211 = arith.constant dense<0.000000e+00> : vector<64x128xf32>
    %dot_general3A_212 = tpu.matmul %add3A_207, %get3A_210, %dot_general3A_211 {dimension_numbers = #tpu.dot_dimension_numbers<[1], [0], [0], [1], [0, 0, 1, 1], [], []>, transpose_lhs_hint = false} : vector<64x128xf32>, vector<128x128xf32>, vector<64x128xf32> -> vector<64x128xf32>
    %get3A_213 = arith.constant 0 : index
    %get3A_214 = arith.constant 0 : index
    %get3A_215 = vector.load %arg8[%get3A_213, %get3A_214] : memref<1x128xf32, #tpu.memory_space<vmem>>, vector<1x128xf32>
    %add3A_216 = vector.broadcast %get3A_215 : vector<1x128xf32> to vector<64x128xf32>
    %add3A_217 = arith.addf %dot_general3A_212, %add3A_216 : vector<64x128xf32>
    %max3A = arith.constant 0.000000e+00 : f32
    %max3A_218 = vector.broadcast %max3A : f32 to vector<64x128xf32>
    %max3A_219 = arith.maximumf %add3A_217, %max3A_218 : vector<64x128xf32>
    %add3A_220 = arith.addf %add3A_207, %max3A_219 : vector<64x128xf32>
    %get3A_221 = arith.constant 0 : index
    %get3A_222 = arith.constant 0 : index
    %get3A_223 = vector.load %arg11[%get3A_221, %get3A_222] : memref<1x128xf32, #tpu.memory_space<vmem>>, vector<1x128xf32>
    %get3A_224 = arith.constant 0 : index
    %get3A_225 = arith.constant 0 : index
    %get3A_226 = vector.load %arg12[%get3A_224, %get3A_225] : memref<1x128xf32, #tpu.memory_space<vmem>>, vector<1x128xf32>
    %reduce_sum3A_227 = arith.constant dense<0.000000e+00> : vector<64xf32>
    %reduce_sum3A_228 = vector.multi_reduction <add>, %add3A_220, %reduce_sum3A_227 [1] : vector<64x128xf32> to vector<64xf32>
    %broadcast_in_dim3A_229 = vector.shape_cast %reduce_sum3A_228 : vector<64xf32> to vector<64x1xf32>
    %div3A_230 = arith.constant 1.280000e+02 : f32
    %div3A_231 = vector.broadcast %div3A_230 : f32 to vector<64x1xf32>
    %div3A_232 = arith.divf %broadcast_in_dim3A_229, %div3A_231 : vector<64x1xf32>
    %sub3A_233 = vector.broadcast %div3A_232 : vector<64x1xf32> to vector<64x128xf32>
    %sub3A_234 = arith.subf %add3A_220, %sub3A_233 : vector<64x128xf32>
    %integer_pow3A_235 = arith.mulf %sub3A_234, %sub3A_234 : vector<64x128xf32>
    %reduce_sum3A_236 = arith.constant dense<0.000000e+00> : vector<64xf32>
    %reduce_sum3A_237 = vector.multi_reduction <add>, %integer_pow3A_235, %reduce_sum3A_236 [1] : vector<64x128xf32> to vector<64xf32>
    %broadcast_in_dim3A_238 = vector.shape_cast %reduce_sum3A_237 : vector<64xf32> to vector<64x1xf32>
    %div3A_239 = arith.constant 1.280000e+02 : f32
    %div3A_240 = vector.broadcast %div3A_239 : f32 to vector<64x1xf32>
    %div3A_241 = arith.divf %broadcast_in_dim3A_238, %div3A_240 : vector<64x1xf32>
    %sub3A_242 = vector.broadcast %div3A_232 : vector<64x1xf32> to vector<64x128xf32>
    %sub3A_243 = arith.subf %add3A_220, %sub3A_242 : vector<64x128xf32>
    %add3A_244 = arith.constant 9.99999974E-6 : f32
    %add3A_245 = vector.broadcast %add3A_244 : f32 to vector<64x1xf32>
    %add3A_246 = arith.addf %div3A_241, %add3A_245 : vector<64x1xf32>
    %rsqrt3A_247 = math.rsqrt %add3A_246 : vector<64x1xf32>
    %mul3A_248 = vector.broadcast %rsqrt3A_247 : vector<64x1xf32> to vector<64x128xf32>
    %mul3A_249 = arith.mulf %sub3A_243, %mul3A_248 : vector<64x128xf32>
    %mul3A_250 = vector.broadcast %get3A_223 : vector<1x128xf32> to vector<64x128xf32>
    %mul3A_251 = arith.mulf %mul3A_249, %mul3A_250 : vector<64x128xf32>
    %add3A_252 = vector.broadcast %get3A_226 : vector<1x128xf32> to vector<64x128xf32>
    %add3A_253 = arith.addf %mul3A_251, %add3A_252 : vector<64x128xf32>
    %get3A_254 = arith.constant 0 : index
    %get3A_255 = arith.constant 0 : index
    %get3A_256 = vector.load %arg13[%get3A_254, %get3A_255] : memref<1x64xf32, #tpu.memory_space<vmem>>, vector<1x64xf32>
    %dot_general3A_257 = arith.constant dense<0.000000e+00> : vector<1x128xf32>
    %dot_general3A_258 = tpu.matmul %get3A_256, %add3A_253, %dot_general3A_257 {dimension_numbers = #tpu.dot_dimension_numbers<[1], [0], [0], [1], [0, 0, 1, 1], [], []>, transpose_lhs_hint = false} : vector<1x64xf32>, vector<64x128xf32>, vector<1x128xf32> -> vector<1x128xf32>
    %get3A_259 = arith.constant 0 : index
    %get3A_260 = arith.constant 0 : index
    %get3A_261 = vector.load %arg14[%get3A_259, %get3A_260] : memref<1x128xf32, #tpu.memory_space<vmem>>, vector<1x128xf32>
    %add3A_262 = arith.addf %dot_general3A_258, %get3A_261 : vector<1x128xf32>
    %swap3A = arith.constant 0 : index
    %swap3A_263 = arith.constant 0 : index
    %swap3A_264 = arith.constant 0 : index
    %swap3A_265 = vector.load %arg15[%swap3A, %swap3A_263, %swap3A_264] : memref<1x1x128xf32, #tpu.memory_space<vmem>>, vector<1x1x128xf32>
    %swap3A_266 = vector.shape_cast %swap3A_265 : vector<1x1x128xf32> to vector<1x128xf32>
    %swap3A_267 = vector.shape_cast %add3A_262 : vector<1x128xf32> to vector<1x1x128xf32>
    tpu.vector_store %arg15[%swap3A, %swap3A_263, %swap3A_264], %swap3A_267 {strides = array<i32>} : memref<1x1x128xf32, #tpu.memory_space<vmem>>, vector<1x1x128xf32>,
    return
  }
  func.func @transform_0(%arg0: i32) -> i32 {
    %c0_i32 = arith.constant 0 : i32
    %c0_i32_0 = arith.constant 0 : i32
    return %c0_i32 : i32
  }
  func.func @transform_1(%arg0: i32) -> (i32, i32) {
    %c0_i32 = arith.constant 0 : i32
    %c0_i32_0 = arith.constant 0 : i32
    %c0_i32_1 = arith.constant 0 : i32
    return %c0_i32, %c0_i32_0 : i32, i32
  }
  func.func @transform_2(%arg0: i32) -> (i32, i32) {
    %c0_i32 = arith.constant 0 : i32
    %c0_i32_0 = arith.constant 0 : i32
    %c0_i32_1 = arith.constant 0 : i32
    return %c0_i32, %c0_i32_0 : i32, i32
  }
  func.func @transform_3(%arg0: i32) -> (i32, i32) {
    %c0_i32 = arith.constant 0 : i32
    %c0_i32_0 = arith.constant 0 : i32
    %c0_i32_1 = arith.constant 0 : i32
    return %c0_i32, %c0_i32_0 : i32, i32
  }
  func.func @transform_4(%arg0: i32) -> (i32, i32) {
    %c0_i32 = arith.constant 0 : i32
    %c0_i32_0 = arith.constant 0 : i32
    %c0_i32_1 = arith.constant 0 : i32
    return %c0_i32, %c0_i32_0 : i32, i32
  }
  func.func @transform_5(%arg0: i32) -> (i32, i32) {
    %c0_i32 = arith.constant 0 : i32
    %c0_i32_0 = arith.constant 0 : i32
    %c0_i32_1 = arith.constant 0 : i32
    return %c0_i32, %c0_i32_0 : i32, i32
  }
  func.func @transform_6(%arg0: i32) -> (i32, i32) {
    %c0_i32 = arith.constant 0 : i32
    %c0_i32_0 = arith.constant 0 : i32
    %c0_i32_1 = arith.constant 0 : i32
    return %c0_i32, %c0_i32_0 : i32, i32
  }
  func.func @transform_7(%arg0: i32) -> (i32, i32) {
    %c0_i32 = arith.constant 0 : i32
    %c0_i32_0 = arith.constant 0 : i32
    %c0_i32_1 = arith.constant 0 : i32
    return %c0_i32, %c0_i32_0 : i32, i32
  }
  func.func @transform_8(%arg0: i32) -> (i32, i32) {
    %c0_i32 = arith.constant 0 : i32
    %c0_i32_0 = arith.constant 0 : i32
    %c0_i32_1 = arith.constant 0 : i32
    return %c0_i32, %c0_i32_0 : i32, i32
  }
  func.func @transform_9(%arg0: i32) -> (i32, i32) {
    %c0_i32 = arith.constant 0 : i32
    %c0_i32_0 = arith.constant 0 : i32
    %c0_i32_1 = arith.constant 0 : i32
    return %c0_i32, %c0_i32_0 : i32, i32
  }
  func.func @transform_10(%arg0: i32) -> (i32, i32) {
    %c0_i32 = arith.constant 0 : i32
    %c0_i32_0 = arith.constant 0 : i32
    %c0_i32_1 = arith.constant 0 : i32
    return %c0_i32, %c0_i32_0 : i32, i32
  }
  func.func @transform_11(%arg0: i32) -> (i32, i32) {
    %c0_i32 = arith.constant 0 : i32
    %c0_i32_0 = arith.constant 0 : i32
    %c0_i32_1 = arith.constant 0 : i32
    return %c0_i32, %c0_i32_0 : i32, i32
  }
  func.func @transform_12(%arg0: i32) -> (i32, i32) {
    %c0_i32 = arith.constant 0 : i32
    %c0_i32_0 = arith.constant 0 : i32
    %c0_i32_1 = arith.constant 0 : i32
    return %c0_i32, %c0_i32_0 : i32, i32
  }
  func.func @transform_13(%arg0: i32) -> (i32, i32) {
    %c0_i32 = arith.constant 0 : i32
    %c0_i32_0 = arith.constant 0 : i32
    %c0_i32_1 = arith.constant 0 : i32
    return %c0_i32, %c0_i32_0 : i32, i32
  }
  func.func @transform_14(%arg0: i32) -> (i32, i32, i32) {
    %c0_i32 = arith.constant 0 : i32
    %c0_i32_0 = arith.constant 0 : i32
    %c0_i32_1 = arith.constant 0 : i32
    return %arg0, %c0_i32, %c0_i32_0 : i32, i32, i32
  }
}

</mosaic_0001>

<sc_bundles>
// kernel: kernel.11.cloned.1.call-start
scs
__scs_entry_jumppad:
0x0: {  	(pc) =	sbr.rel $0x88, $3  }
0x1: {  	(tag) =	ssettag $0x0;
	lr =	simm.s32 $0x1  }
0x2: {  	[smem:$0x3F8C] =	sst lr;
	_ =	strace $0xD0000000  }
0x3: {  	_ = 	snop  }
0x4: {  	_ = 	snop  }
0x5: {  	_ = 	snop  }
0x6: {  	_ = 	snop  }
0x7: {  	_ = 	snop  }
__scs_overlays_trampoline_lowered:
0x8: {  	[smem:$0x3F9B] =	sst s0  }
0x9: {  	[smem:$0x3F9C] =	sst s1  }
0xa: {  	[smem:$0x3F9D] =	sst s2  }
0xb: {  	[smem:$0x3F9E] =	sst s3  }
0xc: {  	[smem:$0x3F9F] =	sst s4  }
0xd: {  	[smem:$0x3FA0] =	sst s5  }
0xe: {  	[smem:$0x3FA1] =	sst s6  }
0xf: {  	[smem:$0x3FA2] =	sst s7  }
0x10: {  	[smem:$0x3FA3] =	sst s8  }
0x11: {  	[smem:$0x3FA4] =	sst s9;
	s0 =	simm.s32 @!p0 $0x0  }
0x12: {  	s1 =	sld [smem:$0x3F8A];
	s0 =	simm.s32 @p0 $0x1  }
0x13: {  	[smem:$0x3FA5] =	sst s0;
	s0 =	simm.s32 @!p1 $0x0  }
0x14: {  	s2 =	sld [smem:$0x3F89];
	s0 =	simm.s32 @p1 $0x1  }
0x15: {  	[smem:$0x3FA6] =	sst s0;
	s0 =	simm.s32 @!p2 $0x0  }
0x16: {  	s3 =	sld [smem:$0x3FDB];
	s0 =	simm.s32 @p2 $0x1  }
0x17: {  	s4 =	simm.s32 $0x1BF5;
	[smem:$0x3FA8] =	sst s0  }
0x18: {  	s0 =	sld [smem:$0x3F8B];
	_ =	swait.ge [sflag:s4], $0x0  }
0x19: {  	s7 =	sld [smem:$0x3F8C]  }
0x1a: {  	s8 =	sadd.s32 $0xFFFFE003, lr  }
0x1b: {  	s9 =	sadd.s32 $0xFFFFFEF7, lr;
	s5 =	simm.s32 $0xFFFFFFFF;
	p2 =	slt.u32 s8, $0xFFFFF086  }
0x1c: {  	p1 =	slt.u32 s9, $0xF7A;
	s5 =	simm.s32 @!p2 $0x0  }
0x1d: {  	s5 =	simm.s32 @p1 $0x1;
	p0 =	seq.s32 s7, s2  }
0x1e: {  	s7 =	smul.u32 @!p0 $0xF7A, s2;
	p2 =	seq.s32 @!p0 s5, $0x0  }
0x1f: {  	s9 =	smul.u32 $0xF7A, s1;
	s8 =	simm.s32 @!p0 $0x1BF5;
	p2 =	por !p2, p0  }
0x20: {  	[sflag:s8] =	ssyncset.s32 @!p0 $0xFFFFF086;
	s6 =	sadd.s32 @!p0 s3, s7;
	s7 =	simm.s32 @!p0 $0x108  }
0x21: {  	s3 =	sadd.s32 s3, s9;
	s6 =	sadd.s32 @!p0 $0x88, s6;
	s7 =	simm.s32 @p2 $0x1082  }
0x22: {  	[simem:s7], [sflag:s8] =	dma.local @!p0 [hbm:s6], $0xF7A  }
0x23: {  	s9 =	sor.u32 $0xD0000000, s2;
	s6 =	simm.s32 $0x108;
	_ =	swait.ge @!p0 [sflag:s8], $0x0  }
0x24: {  	s3 =	sadd.s32 $0x88, s3;
	s6 =	simm.s32 @!p1 $0x1082;
	[sflag:s4] =	ssyncset.s32 $0xFFFFF086  }
0x25: {  	[simem:s6], [sflag:s4] =	dma.local [hbm:s3], $0xF7A  }
0x26: {  	[smem:$0x3F8C] =	sst s1;
	(tag) =	ssettag s2;
	_ =	strace s9  }
0x27: {  	s1 =	sld [smem:$0x3F9C]  }
0x28: {  	s2 =	sld [smem:$0x3F9D]  }
0x29: {  	s4 =	sld [smem:$0x3F9F]  }
0x2a: {  	p0 =	seq.s32 s5, $0x0;
	s5 =	sld [smem:$0x3FA0]  }
0x2b: {  	s6 =	sld [smem:$0x3FA1]  }
0x2c: {  	s7 =	sld [smem:$0x3FA2]  }
0x2d: {  	s3 =	simm.s32 $0x108;
	s8 =	sld [smem:$0x3FA3]  }
0x2e: {  	s3 =	simm.s32 @!p0 $0x1082;
	s9 =	sld [smem:$0x3FA4]  }
0x2f: {  	lr =	sadd.s32 s0, s3;
	s0 =	sld [smem:$0x3F9B]  }
0x30: {  	s3 =	sld [smem:$0x3F9E]  }
0x31: {  	[smem:$0x3FA7] =	sst s10  }
0x32: {  	s10 =	sld [smem:$0x3FA5];
	_ =	sdelay $0x3  }
0x33: {  	p0 =	seq.s32 s10, $0x1;
	s10 =	sld [smem:$0x3FA7];
	_ =	sdelay $0x3  }
0x34: {  	[smem:$0x3FA7] =	sst s10  }
0x35: {  	s10 =	sld [smem:$0x3FA6];
	_ =	sdelay $0x3  }
0x36: {  	p1 =	seq.s32 s10, $0x1;
	s10 =	sld [smem:$0x3FA7];
	_ =	sdelay $0x3  }
0x37: {  	[smem:$0x3FA7] =	sst s10  }
0x38: {  	s10 =	sld [smem:$0x3FA8]  }
0x39: {  	_ = 	snop;
	(pc) =	sbr.ind lr, $3  }
0x3a: {  	_ = 	snop  }
0x3b: {  	_ = 	snop  }
0x3c: {  	p2 =	seq.s32 s10, $0x1;
	s10 =	sld [smem:$0x3FA7]  }
0x3d: {  	_ =	shalt  }
0x3e: {  	_ =	shalt  }
0x3f: {  	_ =	shalt  }
0x40: {  	_ =	shalt  }
0x41: {  	_ =	shalt  }
0x42: {  	_ =	shalt  }
0x43: {  	_ =	shalt  }
0x44: {  	_ =	shalt  }
0x45: {  	_ =	shalt  }
0x46: {  	_ =	shalt  }
0x47: {  	_ =	shalt  }
0x48: {  	_ =	shalt  }
0x49: {  	_ =	shalt  }
0x4a: {  	_ =	shalt  }
0x4b: {  	_ =	shalt  }
0x4c: {  	_ =	shalt  }
0x4d: {  	_ =	shalt  }
0x4e: {  	_ =	shalt  }
0x4f: {  	_ =	shalt  }
0x50: {  	_ =	shalt  }
0x51: {  	_ =	shalt  }
0x52: {  	_ =	shalt  }
0x53: {  	_ =	shalt  }
0x54: {  	_ =	shalt  }
0x55: {  	_ =	shalt  }
0x56: {  	_ =	shalt  }
0x57: {  	_ =	shalt  }
0x58: {  	_ =	shalt  }
0x59: {  	_ =	shalt  }
0x5a: {  	_ =	shalt  }
0x5b: {  	_ =	shalt  }
0x5c: {  	_ =	shalt  }
0x5d: {  	_ =	shalt  }
0x5e: {  	_ =	shalt  }
0x5f: {  	_ =	shalt  }
0x60: {  	_ =	shalt  }
0x61: {  	_ =	shalt  }
0x62: {  	_ =	shalt  }
0x63: {  	_ =	shalt  }
0x64: {  	_ =	shalt  }
0x65: {  	_ =	shalt  }
0x66: {  	_ =	shalt  }
0x67: {  	_ =	shalt  }
0x68: {  	_ =	shalt  }
0x69: {  	_ =	shalt  }
0x6a: {  	_ =	shalt  }
0x6b: {  	_ =	shalt  }
0x6c: {  	_ =	shalt  }
0x6d: {  	_ =	shalt  }
0x6e: {  	_ =	shalt  }
0x6f: {  	_ =	shalt  }
0x70: {  	_ =	shalt  }
0x71: {  	_ =	shalt  }
0x72: {  	_ =	shalt  }
0x73: {  	_ =	shalt  }
0x74: {  	_ =	shalt  }
0x75: {  	_ =	shalt  }
0x76: {  	_ =	shalt  }
0x77: {  	_ =	shalt  }
0x78: {  	_ =	shalt  }
0x79: {  	_ =	shalt  }
0x7a: {  	_ =	shalt  }
0x7b: {  	_ =	shalt  }
0x7c: {  	_ =	shalt  }
0x7d: {  	_ =	shalt  }
0x7e: {  	_ =	shalt  }
0x7f: {  	_ =	shalt  }
0x80: {  	_ =	shalt  }
0x81: {  	_ =	shalt  }
0x82: {  	_ =	shalt  }
0x83: {  	_ =	shalt  }
0x84: {  	_ =	shalt  }
0x85: {  	_ =	shalt  }
0x86: {  	_ =	shalt  }
0x87: {  	_ =	shalt  }
.Lfunc_end0:
.L_simem_size_0:
called_computation.1_lowered:
.L_overlay_start_0:
0x88: {  	s2 =	sld [smem:$0x3FD9]  }
0x89: {  	s3 =	sld [smem:$0x3FFE];
	_ =	sdelay $0x1  }
0x8a: {  	s1 =	srdreg.scid  }
0x8b: {  	s0 =	sand.u32 $0x1, s1  }
0x8c: {  	s17 =	sshll.u32 s0, $0xA;
	s2 =	sadd.s32 s3, s2  }
0x8d: {  	s2 =	sadd.s32 s2, s17  }
0x8e: {  	[smem:$0x3FB3] =	sst s2  }
0x8f: {  	_ = 	snop  }
0x90: {  	s2 =	sld [smem:$0x3FD0];
	(tm) =	ssettm $0x1  }
0x91: {  	s18 =	sld [smem:$0x3FFB];
	_ =	sdelay $0x3  }
0x92: {  	_ =	strace s18  }
0x93: {  	s3 =	sld [smem:$0x3FFC];
	_ =	sdelay $0x3  }
0x94: {  	_ =	strace s3  }
0x95: {  	s3 =	sld [smem:$0x3FFD];
	_ =	sdelay $0x3  }
0x96: {  	_ =	strace s3  }
0x97: {  	_ =	strace $0x8FFFFFFF  }
0x98: {  	s19 =	sld [smem:$0x3FDB];
	_ =	sdelay $0x1  }
0x99: {  	s4 =	simm.s32 $_scs_section_size  }
0x9a: {  	s5 =	simm.s32 $_size__tile_overlayer_lowered;
	s6 =	simm.s32 $_tile_overlayer_lowered  }
0x9b: {  	s22 =	simm.s32 $0x1BFF;
	s21 =	sshll.u32 s6, $0x1;
	s3 =	sadd.s32 s4, s19  }
0x9c: {  	s7 =	simm.s32 $0x0;
	s20 =	sshll.u32 s5, $0x1;
	s5 =	sadd.s32 s21, s3  }
0x9d: {  	[timem:s7], [sflag:s22] =	dma.local [hbm:s5], s20  }
0x9e: {  	_ =	swait.ge [sflag:s22], s20  }
0x9f: {  	s4 =	ssub.s32 $0x0, s20;
	[sflag:s22] =	ssyncset.done $0x0  }
0xa0: {  	[sflag:s22] =	ssyncadd.s32 s4;
	_ =	sdelay $0x1  }
0xa1: {  	s23 =	simm.s32 $0x1B8B  }
0xa2: {  	_ =	swait.ge [sflag:s23], $0x1  }
0xa3: {  	[sflag:s23] =	ssyncset.done $0x0  }
0xa4: {  	s25 =	simm.s32 $0x1B8E;
	s24 =	sld [smem:$0x3FFE];
	[sflag:s23] =	ssyncadd.s32 $0xFFFFFFFF  }
0xa5: {  	s26 =	simm.s32 $execute0_lowered;
	[smem:$0x3FD2] =	sst s25  }
0xa6: {  	s5 =	sshll.u32 s26, $0x1;
	_ =	strace $0x80000049;
	[dreg:$0x1] =	wrdreg $0xFFFFFFFF  }
0xa7: {  	s28 =	simm.s32 $_size_execute0_lowered;
	s3 =	sadd.s32 s3, s5;
	[dreg:$0x0] =	wrdreg $0x0  }
0xa8: {  	s5 =	sshll.u32 s28, $0x1;
	[dreg:$0x2] =	wrdreg s3  }
0xa9: {  	[dreg:$0x3] =	wrdreg s5  }
0xaa: {  	[dreg:$0x4] =	wrdreg $0xC0  }
0xab: {  	_ =	task [dreg:s7], $0x5FFFF  }
0xac: {  	[dreg:$0x1] =	wrdreg $0xFFFFFFFF  }
0xad: {  	[dreg:$0x0] =	wrdreg $0x60  }
0xae: {  	[dreg:$0x2] =	wrdreg s24  }
0xaf: {  	[dreg:$0x3] =	wrdreg s2  }
0xb0: {  	[dreg:$0x4] =	wrdreg $0x134000  }
0xb1: {  	[dreg:$0x5] =	wrdreg $0x1E0000  }
0xb2: {  	[dreg:$0x6] =	wrdreg $0x9  }
0xb3: {  	_ =	task.clear_ibuf [dreg:s7], $0x7FFFF;
	_ =	strace $0x90000049  }
0xb4: {  	s29 =	simm.s32 $0x9;
	_ =	strace $0x8000004B  }
0xb5: {  	_ =	swait.ge [sflag:s29], $0x1  }
0xb6: {  	[sflag:s29] =	ssyncadd.s32 $0xFFFFFFFF  }
0xb7: {  	_ =	strace $0x9000004B  }
0xb8: {  	_ =	sfence  }
0xb9: {  	s30 =	sld [smem:$0x0];
	_ =	sdelay $0x2  }
0xba: {  	s31 =	sshll.u32 s1, $0xD;
	s1 =	sshrl.u32 s1, $0x2  }
0xbb: {  	s3 =	sand.u32 $0x4000, s31;
	s1 =	sadd.s32 s1, s30  }
0xbc: {  	s0 =	sor.u32 s3, s0;
	s1 =	sshll.u32 s1, $0x11  }
0xbd: {  	s0 =	sor.u32 s1, s0  }
0xbe: {  	s0 =	sadd.s32 $0x8F2B, s0  }
0xbf: {  	[sflag:s0] =	ssyncadd.remote.s32 $0x1  }
0xc0: {  	_ =	sfence.sel $0xFFFF  }
0xc1: {  	[dreg:$0x0] =	wrdreg $0xFFFFFFFF;
	(pc) =	sbr.abs _section_cstart, $3  }
0xc2: {  	[dreg:$0x1] =	wrdreg $0xFFFFFFFF  }
0xc3: {  	_ =	task.clear_ibuf [dreg:s7], $0x2FFFF;
	_ =	strace $0x9FFFFFFF  }
0xc4: {  	(tm) =	ssettm $0x7FFFFFFF  }
0xc5: {  	_ =	shalt  }
tec
execute0_lowered:
.L_overlay_start_1:
0x0: {  	(tag) =	ssettag $0x1  }
0x1: {  	s0 =	rddreg [dreg:$0x0]  }
0x2: {  	s2 =	rddreg [dreg:$0x2]  }
0x3: {  	s3 =	rddreg [dreg:$0x3];
	s4 =	simm.s32 $0x0;
	s18 =	stileid.u32  }
0x4: {  	s25 =	srdreg.scid;
	s30 =	simm.s32 $0x80;
	s31 =	simm.s32 $0x180  }
0x5: {  	[smem:$0x7FF] =	sst s4;
	s1 =	sadd.s32 $0x3A00, s0;
	s11 =	smul.u32 $0x2A0, s18  }
0x6: {  	s5 =	sadd.s32 $0xDA00, s0;
	s6 =	sadd.s32 $0x41A00, s0;
	s14 =	smul.u32 $0x2B000, s18  }
0x7: {  	s7 =	sadd.s32 $0x17A00, s0;
	s8 =	sadd.s32 $0x95A00, s0;
	s17 =	smul.u32 $0x5000, s18  }
0x8: {  	s9 =	sadd.s32 $0x96000, s0;
	s10 =	sadd.s32 $0x97C00, s0;
	s19 =	smul.u32 $0xA800, s18  }
0x9: {  	s12 =	sadd.s32 $0xC1C00, s0;
	s20 =	smul.u32 $0x2A000, s18;
	_ =	strace $0x8000004A  }
0xa: {  	[dreg:$0x5] =	wrdreg s9;
	s9 =	sand.u32 $0x1, s25;
	s25 =	smul.u32 $0xA00, s18  }
0xb: {  	s13 =	ssub.s32 $0x2, s9;
	s15 =	sshrl.u32 s11, $0x3;
	s14 =	sshrl.u32 s14, $0x2  }
0xc: {  	s11 =	sadd.s32 s11, s3;
	s28 =	sshrl.u32 s17, $0x3;
	p0 =	seq.s32 s9, $0x0  }
0xd: {  	s23 =	sshrl.u32 s19, $0x3;
	s24 =	sshrl.u32 s20, $0x2;
	p1 =	sne.s32 s9, $0x0  }
0xe: {  	s19 =	simm.s32 $0x400;
	s9 =	simm.s32 $0x9;
	s17 =	simm.s32 $0x0  }
0xf: {  	s16 =	sshrl.u32 s13, $0x1;
	[dreg:$0x6] =	wrdreg s11;
	s26 =	sadd.s32 s14, s2  }
0x10: {  	s0 =	sadd.s32 s15, s0;
	s29 =	sadd.s32 s1, s28;
	[dreg:$0x7] =	wrdreg s26  }
0x11: {  	s15 =	sadd.s32 s5, s28;
	s11 =	sor.u32 $0x10, s28;
	[dreg:$0x8] =	wrdreg s29  }
0x12: {  	s13 =	ssub.s32 s13, s16;
	[dreg:$0x9] =	wrdreg s15;
	s22 =	sadd.s32 s1, s11  }
0x13: {  	s16 =	smul.u32 $0x1500, s18;
	s11 =	sadd.s32 s5, s11;
	[dreg:$0xc] =	wrdreg s22  }
0x14: {  	s26 =	sadd.s32 s24, s2;
	s0 =	sadd.s32 $0x97600, s0;
	[dreg:$0xd] =	wrdreg s11  }
0x15: {  	s18 =	simm.s32 $0x8500;
	s15 =	simm.s32 $0x7;
	[dreg:$0xe] =	wrdreg s26  }
0x16: {  	s24 =	simm.s32 $0x5;
	[dreg:$0xf] =	wrdreg s0;
	s28 =	smax.u32 s13, $0x1  }
0x17: {  	s22 =	sadd.s32 s25, s1;
	s26 =	simm.s32 $0xB;
	s0 =	simm.s32 $0x4  }
0x18: {  	s11 =	simm.s32 $0x8;
	s13 =	simm.s32 $0x6;
	s21 =	sadd.s32 s12, s16  }
0x19: {  	s14 =	sadd.s32 s10, s16;
	s12 =	smov.u32 @p0 s10;
	[dreg:$0x10] =	wrdreg s28  }
.Ltmp0:
0x1a: {  	s16 =	simm.s32 $0x3;
	[dreg:$0xa] =	wrdreg s21;
	(pc) =	sbr.rel .LBB2_1-.Ltmp0, $4  }
0x1b: {  	[dreg:$0xb] =	wrdreg s14;
	s10 =	sadd.s32 s12, s23;
	s21 =	sadd.s32 s25, s5  }
0x1c: {  	s23 =	smov.u32 s7;
	s5 =	simm.s32 $0x4400;
	s14 =	simm.s32 $0x1  }
0x1d: {  	s25 =	simm.s32 $0x200;
	s12 =	simm.s32 $0x280;
	s29 =	sadd.s32 $0x15000, s10  }
0x1e: {  	s23 =	smov.u32 @p0 s6;
	s10 =	simm.s32 $0x2;
	[dreg:$0x11] =	wrdreg s29  }
.LBB2_21:
0x1f: {  	[spmem:s2] =	stream.indirect.scatter.add.f32 [tilespmem:s5], [sflag:$0x6], $0x80, s12, s30, $0xb8;
	[tilespmem:$0x1E2A0] =	vst v63  }
0x20: {  	_ =	swait.ge [sflag:s13], $0x4000  }
0x21: {  	[sflag:s13] =	ssyncset.done $0x0  }
0x22: {  	[sflag:s13] =	ssyncadd.s32 $0xFFFFC000  }
0x23: {  	[bflag:$0x0] =	sbarrier.arrive $0xFFFF  }
0x24: {  	s18 =	simm.s32 $0x8500;
	s1 =	rddreg [dreg:$0xe]  }
0x25: {  	[tilespmem:s18], [sflag:$0xB] =	stream.linear.gather [spmem:s1], $0xA800, $0x38;
	[tilespmem:$0x1E2A0] =	vst v63  }
0x26: {  	_ =	swait.ge [sflag:s26], $0xA800  }
0x27: {  	[sflag:s26] =	ssyncset.done $0x0  }
0x28: {  	s28 =	rddreg [dreg:$0x11];
	[sflag:s26] =	ssyncadd.s32 $0xFFFF5800  }
0x29: {  	[hbm4b:s28+s4] =	stream.linear.scatter [tilespmem:s18], [sflag:$0xB], $0xA800, $0x38;
	[tilespmem:$0x1E2A0] =	vst v63  }
0x2a: {  	_ =	swait.ge [sflag:s26], $0xA800  }
0x2b: {  	s17 =	rddreg [dreg:$0x12]  }
0x2c: {  	s29 =	rddreg [dreg:$0x10];
	s17 =	sadd.s32 $0x1, s17  }
0x2d: {  	p2 =	sne.s32 s17, s29  }
.Ltmp1:
0x2e: {  	_ = 	snop;
	(pc) =	sbr.rel @!p2 .LBB2_22-.Ltmp1, $3  }
0x2f: {  	[sflag:s26] =	ssyncset.done $0x0  }
0x30: {  	[sflag:s26] =	ssyncadd.s32 $0xFFFF5800  }
0x31: {  	[bflag:$0x0] =	sbarrier.arrive $0xFFFF;
	_ =	sdelay $0x1  }
.LBB2_1:
0x32: {  	[dreg:$0x12] =	wrdreg s17  }
0x33: {  	s1 =	rddreg [dreg:$0x1];
	s20 =	simm.s32 $0x13100  }
0x34: {  	[tilespmem:s20], [sflag:$0xB] =	stream.linear.gather [hbm4b:s1+s4], $0x300, $0x38;
	[tilespmem:$0x1E2A0] =	vst v63  }
0x35: {  	_ =	swait.ge [sflag:s26], $0x300  }
0x36: {  	[sflag:s26] =	ssyncset.done $0x0  }
0x37: {  	s29 =	rddreg [dreg:$0x6];
	[sflag:s26] =	ssyncadd.s32 $0xFFFFFD00  }
0x38: {  	[spmem:s29] =	stream.linear.scatter [tilespmem:s20], [sflag:$0xB], $0x2A0, $0x38;
	[tilespmem:$0x1E2A0] =	vst v63  }
0x39: {  	_ =	swait.ge [sflag:s26], $0x2A0  }
0x3a: {  	[sflag:s26] =	ssyncset.done $0x0  }
0x3b: {  	s17 =	rddreg [dreg:$0x5];
	[sflag:s26] =	ssyncadd.s32 $0xFFFFFD60  }
0x3c: {  	[tilespmem:s18], [sflag:$0xB] =	stream.linear.gather [hbm4b:s17+s4], $0xAC00, $0x38;
	[tilespmem:$0x1E2A0] =	vst v63  }
0x3d: {  	_ =	swait.ge [sflag:s26], $0xAC00  }
0x3e: {  	[sflag:s26] =	ssyncset.done $0x0  }
0x3f: {  	s20 =	rddreg [dreg:$0x7];
	[sflag:s26] =	ssyncadd.s32 $0xFFFF5400  }
0x40: {  	[spmem:s20] =	stream.linear.scatter [tilespmem:s18], [sflag:$0xB], $0xAC00, $0x38;
	[tilespmem:$0x1E2A0] =	vst v63  }
0x41: {  	_ =	swait.ge [sflag:s26], $0xAC00  }
0x42: {  	[sflag:s26] =	ssyncset.done $0x0  }
0x43: {  	[sflag:s26] =	ssyncadd.s32 $0xFFFF5400  }
0x44: {  	[bflag:$0x0] =	sbarrier.arrive $0xFFFF  }
0x45: {  	s29 =	rddreg [dreg:$0x8]  }
0x46: {  	[tilespmem:s4], [sflag:$0xB] =	stream.linear.gather [hbm4b:s29+s4], $0x80, $0x38;
	[tilespmem:$0x1E2A0] =	vst v63  }
0x47: {  	_ =	swait.ge [sflag:s26], $0x80  }
0x48: {  	[sflag:s26] =	ssyncset.done $0x0  }
0x49: {  	s18 =	simm.s32 $0x100;
	s17 =	rddreg [dreg:$0x9];
	[sflag:s26] =	ssyncadd.s32 $0xFFFFFF80  }
0x4a: {  	[tilespmem:s18], [sflag:$0xB] =	stream.linear.gather [hbm4b:s17+s4], $0x80, $0x38;
	[tilespmem:$0x1E2A0] =	vst v63  }
0x4b: {  	_ =	swait.ge [sflag:s26], $0x80  }
0x4c: {  	s28 =	simm.s32 @p1 $0x400;
	[sflag:s26] =	ssyncset.done $0x0  }
0x4d: {  	s1 =	simm.s32 @p1 $0x80;
	s18 =	simm.s32 @p1 $0x0;
	[sflag:s26] =	ssyncadd.s32 $0xFFFFFF80  }
0x4e: {  	[tilespmem:s28], [sflag:$0x1] =	stream.indirect.gather @p1 [hbm4b:s7+s1], $0x80, s18, s1, $0xb8;
	[tilespmem:$0x1E2A0] =	vst v63  }
0x4f: {  	s1 =	simm.s32 @!p1 $0x80;
	s18 =	simm.s32 @!p1 $0x0;
	s28 =	simm.s32 @!p1 $0x400  }
0x50: {  	[tilespmem:s28], [sflag:$0x1] =	stream.indirect.gather @!p1 [hbm4b:s6+s1], $0x80, s18, s1, $0xb8;
	[tilespmem:$0x1E2A0] =	vst v63  }
0x51: {  	s28 =	simm.s32 @!p1 $0x8400  }
0x52: {  	[tilespmem:s28], [sflag:$0x7] =	stream.indirect.gather @!p1 [hbm4b:s8+s1], $0x1, s18, s1, $0xb8;
	[tilespmem:$0x1E2A0] =	vst v63  }
.Ltmp2:
0x53: {  	_ = 	snop;
	(pc) =	sbr.rel .LBB2_2-.Ltmp2, $4  }
0x54: {  	s20 =	rddreg [dreg:$0xc]  }
0x55: {  	[tilespmem:s30], [sflag:$0x4] =	stream.linear.gather [hbm4b:s20+s4], $0x80, $0x38;
	[tilespmem:$0x1E2A0] =	vst v63  }
0x56: {  	s29 =	rddreg [dreg:$0xd];
	s28 =	simm.s32 $0x0  }
0x57: {  	[tilespmem:s31], [sflag:$0x4] =	stream.linear.gather [hbm4b:s29+s4], $0x80, $0x38;
	[tilespmem:$0x1E2A0] =	vst v63  }
.LBB2_15:
0x58: {  	[tilespmem:s19], [sflag:$0x1] =	stream.indirect.gather [hbm4b:s7+s30], $0x80, s4, s30, $0xb8;
	[tilespmem:$0x1E2A0] =	vst v63  }
.LBB2_16:
0x59: {  	_ =	swait.ge [sflag:s10], $0x4000  }
0x5a: {  	[sflag:s10] =	ssyncset.done $0x0  }
0x5b: {  	[sflag:s10] =	ssyncadd.s32 $0xFFFFC000  }
.LBB2_17:
0x5c: {  	v0 =	vld [tilespmem:$0x180]  }
0x5d: {  	v1 =	vld [tilespmem:$0x190]  }
0x5e: {  	v2 =	vld [tilespmem:$0x1A0]  }
0x5f: {  	v3 =	vld [tilespmem:$0x1B0]  }
0x60: {  	v4 =	vld [tilespmem:$0x1C0]  }
0x61: {  	v5 =	vld [tilespmem:$0x1D0]  }
0x62: {  	v6 =	vld [tilespmem:$0x1E0]  }
0x63: {  	v7 =	vld [tilespmem:$0x1F0]  }
0x64: {  	v8 =	vld @!p1 [tilespmem:$0x80]  }
0x65: {  	v9 =	vld @!p1 [tilespmem:$0x180]  }
0x66: {  	v11 =	vld @!p1 [tilespmem:$0x8480];
	v10 =	vand.u32 $0x7F, v0;
	vm0 =	vlt.u32 v0, $0x1500  }
0x67: {  	v13 =	vld @!p1 [tilespmem:$0x90];
	v12 =	vand.u32 $0x7F, v1;
	vm11 =	vlt.u32 v1, $0x1500;
	vm1 =	vlt.u32 v2, $0x1500  }
0x68: {  	v16 =	vld @!p1 [tilespmem:$0x8490];
	v14 =	vand.u32 $0x7F, v2;
	v15 =	vand.u32 $0x7F, v3;
	vm2 =	vlt.u32 v3, $0x1500  }
0x69: {  	v17 =	vld @!p1 [tilespmem:$0xA0];
	vm12 =	vlt.u32 v4, $0x1500;
	v55 =	vand.u32 $0x7F, v4;
	v10 =	vor.u32 $0x1500, v10  }
0x6a: {  	[tilespmem:$0x380] =	vst @!p1 v9;
	v52 =	vor.u32 $0x1500, v12;
	v12 =	vld @!p1 [tilespmem:$0x190];
	v15 =	vor.u32 $0x1500, v15;
	v0 =	vsel vm0, v0, v10  }
0x6b: {  	v14 =	vor.u32 $0x1500, v14;
	v1 =	vsel vm11, v1, v52;
	v54 =	vsel vm2, v3, v15;
	v3 =	vld @!p1 [tilespmem:$0x1A0];
	[tilespmem:$0x280] =	vst v0  }
0x6c: {  	v56 =	vand.u32 $0x7F, v5;
	v61 =	vand.u32 $0x7F, v7;
	v53 =	vsel vm1, v2, v14;
	v14 =	vld @!p1 [tilespmem:$0x84A0];
	[tilespmem:$0x290] =	vst v1  }
0x6d: {  	vm13 =	vlt.u32 v5, $0x1500;
	vm15 =	vlt.u32 v7, $0x1500;
	v62 =	vor.u32 $0x1500, v61;
	v10 =	vld @!p1 [tilespmem:$0xB0];
	[tilespmem:$0x2A0] =	vst v53  }
0x6e: {  	v59 =	vand.u32 $0x7F, v6;
	v57 =	vor.u32 $0x1500, v55;
	v2 =	vld @!p1 [tilespmem:$0xC0];
	v63 =	vsel vm15, v7, v62;
	[tilespmem:$0x2B0] =	vst v54  }
0x6f: {  	v58 =	vor.u32 $0x1500, v56;
	vm0 =	veq.s32 @!p1 v8, v9;
	v8 =	vld @!p1 [tilespmem:$0x1D0];
	v0 =	vsel vm12, v4, v57;
	[tilespmem:$0x2F0] =	vst v63  }
0x70: {  	vm14 =	vlt.u32 v6, $0x1500;
	v60 =	vor.u32 $0x1500, v59;
	v1 =	vsel vm13, v5, v58;
	v4 =	vld @!p1 [tilespmem:$0x1B0];
	[tilespmem:$0x2C0] =	vst v0  }
0x71: {  	v5 =	vld @!p1 [tilespmem:$0x84B0];
	[tilespmem:$0x2D0] =	vst v1;
	v0 =	vsel vm14, v6, v60  }
0x72: {  	v1 =	vld @!p1 [tilespmem:$0x1C0];
	[tilespmem:$0x2E0] =	vst v0;
	v0 =	vsel @!p1 vm0, $0x0, v11  }
0x73: {  	v6 =	vld @!p1 [tilespmem:$0x84C0];
	[tilespmem:$0x8480] =	vst @!p1 v0  }
0x74: {  	v11 =	vld @!p1 [tilespmem:$0xE0];
	vm0 =	veq.s32 @!p1 v13, v12;
	[tilespmem:$0x390] =	vst @!p1 v12  }
0x75: {  	v0 =	vld @!p1 [tilespmem:$0xD0];
	v7 =	vsel @!p1 vm0, $0x0, v16;
	[tilespmem:$0x3A0] =	vst @!p1 v3  }
0x76: {  	vm0 =	veq.s32 @!p1 v17, v3;
	[tilespmem:$0x8490] =	vst @!p1 v7;
	v7 =	vld @!p1 [tilespmem:$0x84D0]  }
0x77: {  	v9 =	vsel @!p1 vm0, $0x0, v14;
	vm0 =	veq.s32 @!p1 v10, v4;
	[tilespmem:$0x3B0] =	vst @!p1 v4;
	v4 =	vld @!p1 [tilespmem:$0x1F0]  }
0x78: {  	[tilespmem:$0x84A0] =	vst @!p1 v9;
	v9 =	vld @!p1 [tilespmem:$0x1E0]  }
0x79: {  	[tilespmem:$0x3D0] =	vst @!p1 v8;
	v3 =	vsel @!p1 vm0, $0x0, v5;
	v5 =	vld @!p1 [tilespmem:$0x84E0]  }
0x7a: {  	vm0 =	veq.s32 @!p1 v2, v1;
	v2 =	vld @!p1 [tilespmem:$0xF0];
	[tilespmem:$0x3C0] =	vst @!p1 v1  }
0x7b: {  	[tilespmem:$0x84B0] =	vst @!p1 v3;
	v3 =	vsel @!p1 vm0, $0x0, v6;
	vm0 =	veq.s32 @!p1 v0, v8;
	v0 =	vld @!p1 [tilespmem:$0x84F0]  }
0x7c: {  	[tilespmem:$0x84C0] =	vst @!p1 v3  }
0x7d: {  	v1 =	vsel @!p1 vm0, $0x0, v7;
	[tilespmem:$0x3F0] =	vst @!p1 v4  }
0x7e: {  	[tilespmem:$0x84D0] =	vst @!p1 v1;
	vm0 =	veq.s32 @!p1 v11, v9  }
0x7f: {  	[tilespmem:$0x3E0] =	vst @!p1 v9;
	v1 =	vsel @!p1 vm0, $0x0, v5;
	vm0 =	veq.s32 @!p1 v2, v4  }
0x80: {  	[tilespmem:$0x84E0] =	vst @!p1 v1;
	v0 =	vsel @!p1 vm0, $0x0, v0  }
0x81: {  	s1 =	sadd.s32 @!p2 $0x30, s1;
	s17 =	simm.s32 @!p2 $0x0;
	s20 =	simm.s32 @!p2 $0x80;
	[tilespmem:$0x84F0] =	vst @!p1 v0  }
0x82: {  	[tilespmem:s20], [sflag:$0x4] =	stream.linear.gather @!p2 [hbm4b:s1+s17], $0x80, $0x38;
	[tilespmem:$0x1E2A0] =	vst v63  }
0x83: {  	s28 =	sadd.s32 $0x20, s28;
	s1 =	sadd.s32 @!p2 $0x30, s18;
	s18 =	simm.s32 @!p2 $0x180  }
0x84: {  	[tilespmem:s18], [sflag:$0x4] =	stream.linear.gather @!p2 [hbm4b:s1+s17], $0x80, $0x38;
	[tilespmem:$0x1E2A0] =	vst v63  }
0x85: {  	p2 =	sne.s32 s28, $0xA00  }
.Ltmp3:
0x86: {  	_ = 	snop;
	(pc) =	sbr.rel @!p2 .LBB2_18-.Ltmp3, $4  }
0x87: {  	_ = 	snop  }
0x88: {  	[spmem:s2] =	stream.indirect.scatter.add.f32 [tilespmem:s5], [sflag:$0x6], $0x80, s12, s30, $0xb8;
	[tilespmem:$0x1E2A0] =	vst v63  }
0x89: {  	s1 =	simm.s32 @!p1 $0x80;
	s17 =	simm.s32 @!p1 $0x380;
	s18 =	simm.s32 @!p1 $0x8480  }
0x8a: {  	[spmem:s3] =	stream.indirect.scatter.add.f32 @!p1 [tilespmem:s18], [sflag:$0xA], $0x1, s17, s1, $0xb8;
	[tilespmem:$0x1E2A0] =	vst v63  }
.LBB2_2:
0x8b: {  	p2 =	seq.s32 s28, $0x0  }
.Ltmp4:
0x8c: {  	_ = 	snop;
	(pc) =	sbr.rel @p2 .LBB2_5-.Ltmp4, $1  }
0x8d: {  	_ =	sdelay $0x3  }
.Ltmp5:
0x8e: {  	(pc) =	sbr.rel @p1 .LBB2_7-.Ltmp5, $4  }
0x8f: {  	_ = 	snop  }
0x90: {  	_ =	swait.ge [sflag:s13], $0x4000  }
0x91: {  	[sflag:s13] =	ssyncset.done $0x0  }
0x92: {  	[sflag:s13] =	ssyncadd.s32 $0xFFFFC000  }
0x93: {  	s1 =	simm.s32 $0xA  }
0x94: {  	_ =	swait.ge [sflag:s1], $0x80  }
0x95: {  	[sflag:s1] =	ssyncset.done $0x0  }
0x96: {  	[sflag:s1] =	ssyncadd.s32 $0xFFFFFF80  }
.LBB2_5:
0x97: {  	_ =	swait.ge [sflag:s0], $0x80  }
.Ltmp6:
0x98: {  	[sflag:s0] =	ssyncset.done $0x0;
	(pc) =	sbr.rel @!p0 .LBB2_8-.Ltmp6, $4  }
0x99: {  	[sflag:s0] =	ssyncadd.s32 $0xFFFFFF80  }
0x9a: {  	_ =	swait.ge [sflag:s0], $0x80  }
0x9b: {  	[sflag:s0] =	ssyncset.done $0x0  }
0x9c: {  	[sflag:s0] =	ssyncadd.s32 $0xFFFFFF80  }
0x9d: {  	[tilespmem:s5], [sflag:$0x2] =	stream.indirect.gather [hbm4b:s6+s30], $0x80, s30, s30, $0xb8;
	[tilespmem:$0x1E2A0] =	vst v63  }
0x9e: {  	s1 =	simm.s32 $0x8480  }
0x9f: {  	[tilespmem:s1], [sflag:$0x8] =	stream.indirect.gather [hbm4b:s8+s30], $0x1, s30, s30, $0xb8;
	[tilespmem:$0x1E2A0] =	vst v63  }
0xa0: {  	_ =	swait.ge [sflag:s14], $0x4000  }
.Ltmp7:
0xa1: {  	[sflag:s14] =	ssyncset.done $0x0;
	(pc) =	sbr.rel .LBB2_9-.Ltmp7, $4  }
0xa2: {  	[sflag:s14] =	ssyncadd.s32 $0xFFFFC000  }
0xa3: {  	_ =	swait.ge [sflag:s15], $0x80  }
0xa4: {  	[sflag:s15] =	ssyncset.done $0x0  }
0xa5: {  	[sflag:s15] =	ssyncadd.s32 $0xFFFFFF80  }
.LBB2_7:
0xa6: {  	_ =	swait.ge [sflag:s0], $0x80  }
0xa7: {  	[sflag:s0] =	ssyncset.done $0x0  }
0xa8: {  	[sflag:s0] =	ssyncadd.s32 $0xFFFFFF80  }
0xa9: {  	_ =	swait.ge [sflag:s0], $0x80  }
0xaa: {  	[sflag:s0] =	ssyncset.done $0x0  }
0xab: {  	[sflag:s0] =	ssyncadd.s32 $0xFFFFFF80  }
.LBB2_8:
0xac: {  	[tilespmem:s5], [sflag:$0x2] =	stream.indirect.gather [hbm4b:s7+s30], $0x80, s30, s30, $0xb8;
	[tilespmem:$0x1E2A0] =	vst v63  }
0xad: {  	_ =	swait.ge [sflag:s14], $0x4000  }
0xae: {  	[sflag:s14] =	ssyncset.done $0x0  }
0xaf: {  	[sflag:s14] =	ssyncadd.s32 $0xFFFFC000  }
.LBB2_9:
0xb0: {  	v0 =	vld [tilespmem:$0x100]  }
0xb1: {  	v1 =	vld [tilespmem:$0x110]  }
0xb2: {  	v2 =	vld [tilespmem:$0x120]  }
0xb3: {  	v3 =	vld [tilespmem:$0x130]  }
0xb4: {  	v4 =	vld [tilespmem:$0x140]  }
0xb5: {  	v5 =	vld [tilespmem:$0x150]  }
0xb6: {  	v6 =	vld [tilespmem:$0x160]  }
0xb7: {  	v7 =	vld [tilespmem:$0x170]  }
0xb8: {  	v8 =	vld @!p1 [tilespmem:$0x0]  }
0xb9: {  	v9 =	vld @!p1 [tilespmem:$0x100]  }
0xba: {  	v11 =	vld @!p1 [tilespmem:$0x8400];
	v10 =	vand.u32 $0x7F, v0;
	vm0 =	vlt.u32 v0, $0x1500  }
0xbb: {  	v13 =	vld @!p1 [tilespmem:$0x10];
	v12 =	vand.u32 $0x7F, v1;
	vm11 =	vlt.u32 v1, $0x1500;
	vm1 =	vlt.u32 v2, $0x1500  }
0xbc: {  	v16 =	vld @!p1 [tilespmem:$0x8410];
	v14 =	vand.u32 $0x7F, v2;
	v15 =	vand.u32 $0x7F, v3;
	vm2 =	vlt.u32 v3, $0x1500  }
0xbd: {  	v17 =	vld @!p1 [tilespmem:$0x20];
	vm12 =	vlt.u32 v4, $0x1500;
	v55 =	vand.u32 $0x7F, v4;
	v10 =	vor.u32 $0x1500, v10  }
0xbe: {  	[tilespmem:$0x300] =	vst @!p1 v9;
	v52 =	vor.u32 $0x1500, v12;
	v12 =	vld @!p1 [tilespmem:$0x110];
	v15 =	vor.u32 $0x1500, v15;
	v0 =	vsel vm0, v0, v10  }
0xbf: {  	v14 =	vor.u32 $0x1500, v14;
	v1 =	vsel vm11, v1, v52;
	v54 =	vsel vm2, v3, v15;
	v3 =	vld @!p1 [tilespmem:$0x120];
	[tilespmem:$0x200] =	vst v0  }
0xc0: {  	v56 =	vand.u32 $0x7F, v5;
	v61 =	vand.u32 $0x7F, v7;
	v53 =	vsel vm1, v2, v14;
	v14 =	vld @!p1 [tilespmem:$0x8420];
	[tilespmem:$0x210] =	vst v1  }
0xc1: {  	vm13 =	vlt.u32 v5, $0x1500;
	vm15 =	vlt.u32 v7, $0x1500;
	v62 =	vor.u32 $0x1500, v61;
	v10 =	vld @!p1 [tilespmem:$0x30];
	[tilespmem:$0x220] =	vst v53  }
0xc2: {  	v59 =	vand.u32 $0x7F, v6;
	v57 =	vor.u32 $0x1500, v55;
	v2 =	vld @!p1 [tilespmem:$0x40];
	v63 =	vsel vm15, v7, v62;
	[tilespmem:$0x230] =	vst v54  }
0xc3: {  	v58 =	vor.u32 $0x1500, v56;
	vm0 =	veq.s32 @!p1 v8, v9;
	v8 =	vld @!p1 [tilespmem:$0x150];
	v0 =	vsel vm12, v4, v57;
	[tilespmem:$0x270] =	vst v63  }
0xc4: {  	vm14 =	vlt.u32 v6, $0x1500;
	v60 =	vor.u32 $0x1500, v59;
	v1 =	vsel vm13, v5, v58;
	v4 =	vld @!p1 [tilespmem:$0x130];
	[tilespmem:$0x240] =	vst v0  }
0xc5: {  	v5 =	vld @!p1 [tilespmem:$0x8430];
	[tilespmem:$0x250] =	vst v1;
	v0 =	vsel vm14, v6, v60  }
0xc6: {  	v1 =	vld @!p1 [tilespmem:$0x140];
	[tilespmem:$0x260] =	vst v0;
	v0 =	vsel @!p1 vm0, $0x0, v11  }
0xc7: {  	v6 =	vld @!p1 [tilespmem:$0x8440];
	[tilespmem:$0x8400] =	vst @!p1 v0  }
0xc8: {  	v11 =	vld @!p1 [tilespmem:$0x60];
	vm0 =	veq.s32 @!p1 v13, v12;
	[tilespmem:$0x310] =	vst @!p1 v12  }
0xc9: {  	v0 =	vld @!p1 [tilespmem:$0x50];
	v7 =	vsel @!p1 vm0, $0x0, v16;
	[tilespmem:$0x320] =	vst @!p1 v3  }
0xca: {  	vm0 =	veq.s32 @!p1 v17, v3;
	[tilespmem:$0x8410] =	vst @!p1 v7;
	v7 =	vld @!p1 [tilespmem:$0x8450]  }
0xcb: {  	v9 =	vsel @!p1 vm0, $0x0, v14;
	vm0 =	veq.s32 @!p1 v10, v4;
	[tilespmem:$0x330] =	vst @!p1 v4;
	v4 =	vld @!p1 [tilespmem:$0x170]  }
0xcc: {  	[tilespmem:$0x8420] =	vst @!p1 v9;
	v9 =	vld @!p1 [tilespmem:$0x160]  }
0xcd: {  	[tilespmem:$0x350] =	vst @!p1 v8;
	v3 =	vsel @!p1 vm0, $0x0, v5;
	v5 =	vld @!p1 [tilespmem:$0x8460]  }
0xce: {  	vm0 =	veq.s32 @!p1 v2, v1;
	v2 =	vld @!p1 [tilespmem:$0x70];
	[tilespmem:$0x340] =	vst @!p1 v1  }
0xcf: {  	[tilespmem:$0x8430] =	vst @!p1 v3;
	v3 =	vsel @!p1 vm0, $0x0, v6;
	vm0 =	veq.s32 @!p1 v0, v8;
	v0 =	vld @!p1 [tilespmem:$0x8470]  }
0xd0: {  	[tilespmem:$0x8440] =	vst @!p1 v3  }
0xd1: {  	v1 =	vsel @!p1 vm0, $0x0, v7;
	[tilespmem:$0x370] =	vst @!p1 v4  }
0xd2: {  	[tilespmem:$0x8450] =	vst @!p1 v1;
	vm0 =	veq.s32 @!p1 v11, v9  }
0xd3: {  	p2 =	seq.s32 s28, $0x9E0;
	[tilespmem:$0x360] =	vst @!p1 v9;
	v1 =	vsel @!p1 vm0, $0x0, v5;
	vm0 =	veq.s32 @!p1 v2, v4  }
0xd4: {  	s1 =	sadd.s32 @!p2 s28, s22;
	[tilespmem:$0x8460] =	vst @!p1 v1;
	v0 =	vsel @!p1 vm0, $0x0, v0  }
0xd5: {  	s29 =	simm.s32 @!p2 $0x0;
	s18 =	sadd.s32 @!p2 $0x20, s1;
	[tilespmem:$0x8470] =	vst @!p1 v0  }
0xd6: {  	[tilespmem:s29], [sflag:$0x3] =	stream.linear.gather @!p2 [hbm4b:s18+s29], $0x80, $0x38;
	[tilespmem:$0x1E2A0] =	vst v63  }
.Ltmp8:
0xd7: {  	s18 =	sadd.s32 @!p2 s28, s21;
	(pc) =	sbr.rel @p1 .LBB2_11-.Ltmp8, $4  }
0xd8: {  	s17 =	simm.s32 @!p2 $0x100;
	s20 =	sadd.s32 @!p2 $0x20, s18  }
0xd9: {  	[tilespmem:s17], [sflag:$0x3] =	stream.linear.gather @!p2 [hbm4b:s20+s29], $0x80, $0x38;
	[tilespmem:$0x1E2A0] =	vst v63  }
0xda: {  	_ = 	snop  }
0xdb: {  	[spmem:s2] =	stream.indirect.scatter.add.f32 [tilespmem:s19], [sflag:$0x5], $0x80, s25, s30, $0xb8;
	[tilespmem:$0x1E2A0] =	vst v63  }
0xdc: {  	s17 =	simm.s32 $0x300;
	s20 =	simm.s32 $0x8400  }
0xdd: {  	[spmem:s3] =	stream.indirect.scatter.add.f32 [tilespmem:s20], [sflag:$0x9], $0x1, s17, s30, $0xb8;
	[tilespmem:$0x1E2A0] =	vst v63  }
0xde: {  	_ =	swait.ge [sflag:s24], $0x4000  }
.Ltmp9:
0xdf: {  	[sflag:s24] =	ssyncset.done $0x0;
	(pc) =	sbr.rel @p2 .LBB2_14-.Ltmp9, $4  }
.Ltmp10:
0xe0: {  	[sflag:s24] =	ssyncadd.s32 $0xFFFFC000;
	(pc) =	sbr.rel @!p2 .LBB2_12-.Ltmp10, $4  }
0xe1: {  	_ =	swait.ge [sflag:s9], $0x80  }
0xe2: {  	[sflag:s9] =	ssyncset.done $0x0  }
0xe3: {  	[sflag:s9] =	ssyncadd.s32 $0xFFFFFF80  }
0xe4: {  	_ = 	snop  }
.LBB2_11:
.Ltmp11:
0xe5: {  	(pc) =	sbr.rel @p2 .LBB2_16-.Ltmp11, $4  }
0xe6: {  	_ = 	snop  }
0xe7: {  	_ =	swait.ge [sflag:s24], $0x4000  }
0xe8: {  	[sflag:s24] =	ssyncset.done $0x0  }
0xe9: {  	[sflag:s24] =	ssyncadd.s32 $0xFFFFC000  }
.LBB2_12:
0xea: {  	_ =	swait.ge [sflag:s16], $0x80  }
.Ltmp12:
0xeb: {  	[sflag:s16] =	ssyncset.done $0x0;
	(pc) =	sbr.rel @p1 .LBB2_15-.Ltmp12, $4  }
0xec: {  	[sflag:s16] =	ssyncadd.s32 $0xFFFFFF80  }
0xed: {  	_ =	swait.ge [sflag:s16], $0x80  }
0xee: {  	[sflag:s16] =	ssyncset.done $0x0  }
0xef: {  	[sflag:s16] =	ssyncadd.s32 $0xFFFFFF80  }
0xf0: {  	[tilespmem:s19], [sflag:$0x1] =	stream.indirect.gather [hbm4b:s6+s30], $0x80, s4, s30, $0xb8;
	[tilespmem:$0x1E2A0] =	vst v63  }
0xf1: {  	s17 =	simm.s32 $0x8400  }
0xf2: {  	[tilespmem:s17], [sflag:$0x7] =	stream.indirect.gather [hbm4b:s8+s30], $0x1, s4, s30, $0xb8;
	[tilespmem:$0x1E2A0] =	vst v63  }
.LBB2_14:
0xf3: {  	_ =	swait.ge [sflag:s10], $0x4000  }
.Ltmp13:
0xf4: {  	[sflag:s10] =	ssyncset.done $0x0;
	(pc) =	sbr.rel .LBB2_17-.Ltmp13, $4  }
0xf5: {  	[sflag:s10] =	ssyncadd.s32 $0xFFFFC000  }
0xf6: {  	_ =	swait.ge [sflag:s11], $0x80  }
0xf7: {  	[sflag:s11] =	ssyncset.done $0x0  }
0xf8: {  	[sflag:s11] =	ssyncadd.s32 $0xFFFFFF80  }
.LBB2_18:
0xf9: {  	_ =	swait.ge [sflag:s13], $0x4000  }
0xfa: {  	[sflag:s13] =	ssyncset.done $0x0  }
0xfb: {  	[sflag:s13] =	ssyncadd.s32 $0xFFFFC000  }
0xfc: {  	[bflag:$0x0] =	sbarrier.arrive @p1 $0xFFFF  }
0xfd: {  	s1 =	simm.s32 @p1 $0x8500;
	s17 =	simm.s32 @p1 $0xB;
	s28 =	rddreg [dreg:$0xe]  }
0xfe: {  	[tilespmem:s1], [sflag:$0xB] =	stream.linear.gather @p1 [spmem:s28], $0xA800, $0x38;
	[tilespmem:$0x1E2A0] =	vst v63  }
0xff: {  	_ =	swait.ge @p1 [sflag:s17], $0xA800  }
0x100: {  	[sflag:s17] =	ssyncset.done @p1 $0x0  }
0x101: {  	s18 =	simm.s32 @p1 $0x0;
	s20 =	rddreg [dreg:$0xa];
	[sflag:s17] =	ssyncadd.s32 @p1 $0xFFFF5800  }
0x102: {  	[hbm4b:s20+s18] =	stream.linear.scatter @p1 [tilespmem:s1], [sflag:$0xB], $0xA800, $0x38;
	[tilespmem:$0x1E2A0] =	vst v63  }
0x103: {  	_ =	swait.ge @p1 [sflag:s17], $0xA800  }
0x104: {  	[sflag:s17] =	ssyncset.done @p1 $0x0  }
0x105: {  	s1 =	simm.s32 @!p1 $0xA;
	[sflag:s17] =	ssyncadd.s32 @p1 $0xFFFF5800  }
0x106: {  	_ =	swait.ge @!p1 [sflag:s1], $0x80  }
0x107: {  	[sflag:s1] =	ssyncset.done @!p1 $0x0  }
0x108: {  	[sflag:s1] =	ssyncadd.s32 @!p1 $0xFFFFFF80  }
0x109: {  	s17 =	simm.s32 @!p1 $0xB;
	s1 =	simm.s32 @!p1 $0x8500;
	[bflag:$0x0] =	sbarrier.arrive @!p1 $0xFFFF  }
0x10a: {  	[tilespmem:s1], [sflag:$0xB] =	stream.linear.gather @!p1 [spmem:s28], $0xA800, $0x38;
	[tilespmem:$0x1E2A0] =	vst v63  }
0x10b: {  	_ =	swait.ge @!p1 [sflag:s17], $0xA800  }
0x10c: {  	[sflag:s17] =	ssyncset.done @!p1 $0x0  }
0x10d: {  	s18 =	simm.s32 @!p1 $0x0;
	s20 =	rddreg [dreg:$0xb];
	[sflag:s17] =	ssyncadd.s32 @!p1 $0xFFFF5800  }
0x10e: {  	[hbm4b:s20+s18] =	stream.linear.scatter @!p1 [tilespmem:s1], [sflag:$0xB], $0xA800, $0x38;
	[tilespmem:$0x1E2A0] =	vst v63  }
0x10f: {  	_ =	swait.ge @!p1 [sflag:s17], $0xA800  }
0x110: {  	[sflag:s17] =	ssyncset.done @!p1 $0x0  }
0x111: {  	s1 =	simm.s32 @!p1 $0x13100;
	s20 =	rddreg [dreg:$0x6];
	[sflag:s17] =	ssyncadd.s32 @!p1 $0xFFFF5800  }
0x112: {  	[tilespmem:s1], [sflag:$0xB] =	stream.linear.gather @!p1 [spmem:s20], $0x2A0, $0x38;
	[tilespmem:$0x1E2A0] =	vst v63  }
0x113: {  	_ =	swait.ge @!p1 [sflag:s17], $0x2A0  }
0x114: {  	[sflag:s17] =	ssyncset.done @!p1 $0x0  }
0x115: {  	s20 =	rddreg [dreg:$0xf];
	[sflag:s17] =	ssyncadd.s32 @!p1 $0xFFFFFD60  }
0x116: {  	[hbm4b:s20+s18] =	stream.linear.scatter @!p1 [tilespmem:s1], [sflag:$0xB], $0x2A0, $0x38;
	[tilespmem:$0x1E2A0] =	vst v63  }
0x117: {  	_ =	swait.ge @!p1 [sflag:s17], $0x2A0  }
0x118: {  	[sflag:s17] =	ssyncset.done @!p1 $0x0  }
0x119: {  	[sflag:s17] =	ssyncadd.s32 @!p1 $0xFFFFFD60  }
0x11a: {  	[bflag:$0x0] =	sbarrier.arrive $0xFFFF  }
0x11b: {  	s28 =	simm.s32 $0x0;
	s18 =	simm.s32 $0x8500;
	s17 =	rddreg [dreg:$0x5]  }
0x11c: {  	[tilespmem:s18], [sflag:$0xB] =	stream.linear.gather [hbm4b:s17+s28], $0xAC00, $0x38;
	[tilespmem:$0x1E2A0] =	vst v63  }
0x11d: {  	_ =	swait.ge [sflag:s26], $0xAC00  }
0x11e: {  	[sflag:s26] =	ssyncset.done $0x0  }
0x11f: {  	s20 =	rddreg [dreg:$0x7];
	[sflag:s26] =	ssyncadd.s32 $0xFFFF5400  }
0x120: {  	[spmem:s20] =	stream.linear.scatter [tilespmem:s18], [sflag:$0xB], $0xAC00, $0x38;
	[tilespmem:$0x1E2A0] =	vst v63  }
0x121: {  	_ =	swait.ge [sflag:s26], $0xAC00  }
0x122: {  	[sflag:s26] =	ssyncset.done $0x0  }
0x123: {  	[sflag:s26] =	ssyncadd.s32 $0xFFFF5400  }
0x124: {  	[bflag:$0x0] =	sbarrier.arrive $0xFFFF  }
0x125: {  	s29 =	rddreg [dreg:$0x8]  }
0x126: {  	[tilespmem:s28], [sflag:$0xB] =	stream.linear.gather [hbm4b:s29+s28], $0x80, $0x38;
	[tilespmem:$0x1E2A0] =	vst v63  }
0x127: {  	_ =	swait.ge [sflag:s26], $0x80  }
0x128: {  	[sflag:s26] =	ssyncset.done $0x0  }
0x129: {  	s18 =	simm.s32 $0x100;
	s17 =	rddreg [dreg:$0x9];
	[sflag:s26] =	ssyncadd.s32 $0xFFFFFF80  }
0x12a: {  	[tilespmem:s18], [sflag:$0xB] =	stream.linear.gather [hbm4b:s17+s28], $0x80, $0x38;
	[tilespmem:$0x1E2A0] =	vst v63  }
0x12b: {  	_ =	swait.ge [sflag:s26], $0x80  }
0x12c: {  	s1 =	smov.u32 s6;
	[sflag:s26] =	ssyncset.done $0x0  }
0x12d: {  	s1 =	smov.u32 @p1 s7;
	[sflag:s26] =	ssyncadd.s32 $0xFFFFFF80  }
0x12e: {  	[tilespmem:s19], [sflag:$0x1] =	stream.indirect.gather [hbm4b:s1+s30], $0x80, s28, s30, $0xb8;
	[tilespmem:$0x1E2A0] =	vst v63  }
0x12f: {  	s20 =	rddreg [dreg:$0xc]  }
0x130: {  	[tilespmem:s30], [sflag:$0x4] =	stream.linear.gather [hbm4b:s20+s28], $0x80, $0x38;
	[tilespmem:$0x1E2A0] =	vst v63  }
0x131: {  	s29 =	rddreg [dreg:$0xd]  }
0x132: {  	[tilespmem:s31], [sflag:$0x4] =	stream.linear.gather [hbm4b:s29+s28], $0x80, $0x38;
	[tilespmem:$0x1E2A0] =	vst v63  }
.LBB2_19:
0x133: {  	p2 =	seq.s32 s28, $0x0  }
0x134: {  	s1 =	simm.s32 @!p2 $0x6  }
0x135: {  	_ =	swait.ge @!p2 [sflag:s1], $0x4000  }
0x136: {  	[sflag:s1] =	ssyncset.done @!p2 $0x0  }
0x137: {  	[sflag:s1] =	ssyncadd.s32 @!p2 $0xFFFFC000  }
0x138: {  	_ =	swait.ge [sflag:s0], $0x80  }
0x139: {  	[sflag:s0] =	ssyncset.done $0x0  }
0x13a: {  	[sflag:s0] =	ssyncadd.s32 $0xFFFFFF80  }
0x13b: {  	_ =	swait.ge [sflag:s0], $0x80  }
0x13c: {  	[sflag:s0] =	ssyncset.done $0x0  }
0x13d: {  	[sflag:s0] =	ssyncadd.s32 $0xFFFFFF80  }
0x13e: {  	[tilespmem:s5], [sflag:$0x2] =	stream.indirect.gather [hbm4b:s23+s30], $0x80, s30, s30, $0xb8;
	[tilespmem:$0x1E2A0] =	vst v63  }
0x13f: {  	_ =	swait.ge [sflag:s14], $0x4000  }
0x140: {  	[sflag:s14] =	ssyncset.done $0x0  }
0x141: {  	[sflag:s14] =	ssyncadd.s32 $0xFFFFC000  }
0x142: {  	v0 =	vld [tilespmem:$0x100]  }
0x143: {  	v1 =	vld [tilespmem:$0x110]  }
0x144: {  	v2 =	vld [tilespmem:$0x120]  }
0x145: {  	v4 =	vld [tilespmem:$0x130]  }
0x146: {  	v6 =	vld [tilespmem:$0x140]  }
0x147: {  	v17 =	vld [tilespmem:$0x150]  }
0x148: {  	v8 =	vld [tilespmem:$0x160]  }
0x149: {  	v9 =	vld [tilespmem:$0x170]  }
0x14a: {  	v3 =	vadd.s32 $0xFFFFEB00, v0;
	v0 =	vand.u32 $0x7F, v0;
	v5 =	vadd.s32 $0xFFFFEB00, v1  }
0x14b: {  	v1 =	vand.u32 $0x7F, v1;
	v16 =	vadd.s32 $0xFFFFEB00, v2;
	v2 =	vand.u32 $0x7F, v2  }
0x14c: {  	v7 =	vadd.s32 $0xFFFFEB00, v4;
	v18 =	vand.u32 $0x7F, v4;
	v19 =	vadd.s32 $0xFFFFEB00, v6  }
0x14d: {  	v6 =	vand.u32 $0x7F, v6;
	v23 =	vadd.s32 $0xFFFFEB00, v17;
	v24 =	vand.u32 $0x7F, v17  }
0x14e: {  	v26 =	vadd.s32 $0xFFFFEB00, v8;
	v28 =	vand.u32 $0x7F, v8;
	v30 =	vadd.s32 $0xFFFFEB00, v9  }
0x14f: {  	v31 =	vand.u32 $0x7F, v9;
	vm0 =	vlt.u32 v3, $0x1500;
	v0 =	vor.u32 $0x1500, v0  }
0x150: {  	vm13 =	vlt.u32 v5, $0x1500;
	v1 =	vor.u32 $0x1500, v1;
	v0 =	vsel vm0, v3, v0  }
0x151: {  	vm14 =	vlt.u32 v16, $0x1500;
	v2 =	vor.u32 $0x1500, v2;
	v1 =	vsel vm13, v5, v1;
	[tilespmem:$0x200] =	vst v0  }
0x152: {  	vm4 =	vlt.u32 v19, $0x1500;
	v21 =	vor.u32 $0x1500, v6;
	v2 =	vsel vm14, v16, v2;
	[tilespmem:$0x210] =	vst v1  }
0x153: {  	vm5 =	vlt.u32 v23, $0x1500;
	v25 =	vor.u32 $0x1500, v24;
	v22 =	vsel vm4, v19, v21;
	[tilespmem:$0x220] =	vst v2  }
0x154: {  	vm6 =	vlt.u32 v26, $0x1500;
	v29 =	vor.u32 $0x1500, v28;
	v27 =	vsel vm5, v23, v25;
	[tilespmem:$0x240] =	vst v22  }
0x155: {  	vm7 =	vlt.u32 v30, $0x1500;
	v33 =	vor.u32 $0x1500, v31;
	v32 =	vsel vm6, v26, v29;
	[tilespmem:$0x250] =	vst v27  }
0x156: {  	vm15 =	vlt.u32 v7, $0x1500;
	v3 =	vor.u32 $0x1500, v18;
	v34 =	vsel vm7, v30, v33;
	[tilespmem:$0x260] =	vst v32  }
0x157: {  	p2 =	seq.s32 s28, $0x9E0;
	v20 =	vsel vm15, v7, v3;
	[tilespmem:$0x270] =	vst v34  }
0x158: {  	s1 =	simm.s32 @p2 $0x80;
	s17 =	simm.s32 @p2 $0x200;
	s18 =	simm.s32 @p2 $0x400;
	[tilespmem:$0x230] =	vst v20  }
0x159: {  	[spmem:s2] =	stream.indirect.scatter.add.f32 @p2 [tilespmem:s18], [sflag:$0x5], $0x80, s17, s1, $0xb8;
	[tilespmem:$0x1E2A0] =	vst v63  }
0x15a: {  	s1 =	simm.s32 @p2 $0x5  }
0x15b: {  	_ =	swait.ge @p2 [sflag:s1], $0x4000  }
0x15c: {  	s17 =	sadd.s32 @!p2 s28, s22;
	[sflag:s1] =	ssyncset.done @p2 $0x0  }
0x15d: {  	[sflag:s1] =	ssyncadd.s32 @p2 $0xFFFFC000;
	s1 =	sadd.s32 @!p2 $0x20, s17;
	s17 =	simm.s32 @!p2 $0x0  }
0x15e: {  	[tilespmem:s17], [sflag:$0x3] =	stream.linear.gather @!p2 [hbm4b:s1+s17], $0x80, $0x38;
	[tilespmem:$0x1E2A0] =	vst v63  }
0x15f: {  	s1 =	sadd.s32 @!p2 s28, s21  }
0x160: {  	s18 =	simm.s32 @!p2 $0x100;
	s1 =	sadd.s32 @!p2 $0x20, s1  }
0x161: {  	[tilespmem:s18], [sflag:$0x3] =	stream.linear.gather @!p2 [hbm4b:s1+s17], $0x80, $0x38;
	[tilespmem:$0x1E2A0] =	vst v63  }
0x162: {  	s20 =	simm.s32 @!p2 $0x400;
	s1 =	simm.s32 @!p2 $0x80;
	s18 =	simm.s32 @!p2 $0x200  }
0x163: {  	[spmem:s2] =	stream.indirect.scatter.add.f32 @!p2 [tilespmem:s20], [sflag:$0x5], $0x80, s18, s1, $0xb8;
	[tilespmem:$0x1E2A0] =	vst v63  }
0x164: {  	s18 =	simm.s32 @!p2 $0x5  }
0x165: {  	_ =	swait.ge @!p2 [sflag:s18], $0x4000  }
0x166: {  	[sflag:s18] =	ssyncset.done @!p2 $0x0  }
0x167: {  	[sflag:s18] =	ssyncadd.s32 @!p2 $0xFFFFC000;
	s18 =	simm.s32 @!p2 $0x3  }
0x168: {  	_ =	swait.ge @!p2 [sflag:s18], $0x80  }
0x169: {  	[sflag:s18] =	ssyncset.done @!p2 $0x0  }
0x16a: {  	[sflag:s18] =	ssyncadd.s32 @!p2 $0xFFFFFF80  }
0x16b: {  	_ =	swait.ge @!p2 [sflag:s18], $0x80  }
0x16c: {  	[sflag:s18] =	ssyncset.done @!p2 $0x0  }
0x16d: {  	[sflag:s18] =	ssyncadd.s32 @!p2 $0xFFFFFF80  }
0x16e: {  	[tilespmem:s20], [sflag:$0x1] =	stream.indirect.gather @!p2 [hbm4b:s23+s1], $0x80, s17, s1, $0xb8;
	[tilespmem:$0x1E2A0] =	vst v63  }
0x16f: {  	_ =	swait.ge [sflag:s10], $0x4000  }
0x170: {  	[sflag:s10] =	ssyncset.done $0x0  }
0x171: {  	[sflag:s10] =	ssyncadd.s32 $0xFFFFC000  }
0x172: {  	v35 =	vld [tilespmem:$0x180]  }
0x173: {  	v36 =	vld [tilespmem:$0x190]  }
0x174: {  	v37 =	vld [tilespmem:$0x1A0]  }
0x175: {  	v39 =	vld [tilespmem:$0x1B0]  }
0x176: {  	v41 =	vld [tilespmem:$0x1C0]  }
0x177: {  	v43 =	vld [tilespmem:$0x1D0]  }
0x178: {  	v45 =	vld [tilespmem:$0x1E0]  }
0x179: {  	v48 =	vld [tilespmem:$0x1F0]  }
0x17a: {  	v38 =	vadd.s32 $0xFFFFEB00, v35;
	v0 =	vand.u32 $0x7F, v35;
	v40 =	vadd.s32 $0xFFFFEB00, v36  }
0x17b: {  	v1 =	vand.u32 $0x7F, v36;
	v42 =	vadd.s32 $0xFFFFEB00, v37;
	v2 =	vand.u32 $0x7F, v37  }
0x17c: {  	v44 =	vadd.s32 $0xFFFFEB00, v39;
	v46 =	vand.u32 $0x7F, v39;
	v47 =	vadd.s32 $0xFFFFEB00, v41  }
0x17d: {  	v6 =	vand.u32 $0x7F, v41;
	v52 =	vadd.s32 $0xFFFFEB00, v43;
	v53 =	vand.u32 $0x7F, v43  }
0x17e: {  	v55 =	vadd.s32 $0xFFFFEB00, v45;
	v57 =	vand.u32 $0x7F, v45;
	v59 =	vadd.s32 $0xFFFFEB00, v48  }
0x17f: {  	v60 =	vand.u32 $0x7F, v48;
	vm8 =	vlt.u32 v38, $0x1500;
	v0 =	vor.u32 $0x1500, v0  }
0x180: {  	vm9 =	vlt.u32 v40, $0x1500;
	v1 =	vor.u32 $0x1500, v1;
	v0 =	vsel vm8, v38, v0  }
0x181: {  	vm10 =	vlt.u32 v42, $0x1500;
	v2 =	vor.u32 $0x1500, v2;
	v1 =	vsel vm9, v40, v1;
	[tilespmem:$0x280] =	vst v0  }
0x182: {  	vm11 =	vlt.u32 v44, $0x1500;
	v3 =	vor.u32 $0x1500, v46;
	v2 =	vsel vm10, v42, v2;
	[tilespmem:$0x290] =	vst v1  }
0x183: {  	vm12 =	vlt.u32 v47, $0x1500;
	v50 =	vor.u32 $0x1500, v6;
	v49 =	vsel vm11, v44, v3;
	[tilespmem:$0x2A0] =	vst v2  }
.Ltmp14:
0x184: {  	vm13 =	vlt.u32 v52, $0x1500;
	v54 =	vor.u32 $0x1500, v53;
	v51 =	vsel vm12, v47, v50;
	[tilespmem:$0x2B0] =	vst v49;
	(pc) =	sbr.rel @p2 .LBB2_21-.Ltmp14, $4  }
0x185: {  	vm14 =	vlt.u32 v55, $0x1500;
	v58 =	vor.u32 $0x1500, v57;
	v56 =	vsel vm13, v52, v54;
	[tilespmem:$0x2C0] =	vst v51  }
0x186: {  	vm15 =	vlt.u32 v59, $0x1500;
	v62 =	vor.u32 $0x1500, v60;
	v61 =	vsel vm14, v55, v58;
	[tilespmem:$0x2D0] =	vst v56  }
0x187: {  	v63 =	vsel vm15, v59, v62;
	[tilespmem:$0x2E0] =	vst v61  }
0x188: {  	[tilespmem:$0x2F0] =	vst v63  }
0x189: {  	s1 =	sadd.s32 s28, s22  }
0x18a: {  	s1 =	sadd.s32 $0x30, s1  }
0x18b: {  	[tilespmem:s30], [sflag:$0x4] =	stream.linear.gather [hbm4b:s1+s4], $0x80, $0x38;
	[tilespmem:$0x1E2A0] =	vst v63  }
.Ltmp15:
0x18c: {  	s29 =	sadd.s32 s28, s21;
	(pc) =	sbr.rel .LBB2_19-.Ltmp15, $4  }
0x18d: {  	s1 =	sadd.s32 $0x30, s29  }
0x18e: {  	[tilespmem:s31], [sflag:$0x4] =	stream.linear.gather [hbm4b:s1+s4], $0x80, $0x38;
	[tilespmem:$0x1E2A0] =	vst v63  }
0x18f: {  	s28 =	sadd.s32 $0x20, s28  }
0x190: {  	[spmem:s2] =	stream.indirect.scatter.add.f32 [tilespmem:s5], [sflag:$0x6], $0x80, s12, s30, $0xb8;
	[tilespmem:$0x1E2A0] =	vst v63  }
.LBB2_22:
0x191: {  	_ =	sfence.sel $0x180000  }
0x192: {  	[bflag:$0x0] =	sbarrier.arrive $0xFFFF  }
0x193: {  	_ =	strace $0x9000004A  }
0x194: {  	s0 =	stileid.u32;
	[bflag:$0x2] =	sbarrier.arrive $0xFFFF  }
0x195: {  	p0 =	sne.s32 s0, $0x0;
	s0 =	rddreg [dreg:$0x4]  }
0x196: {  	s0 =	sadd.s32 @!p0 $0x100000, s0  }
0x197: {  	[sflag:s0] =	ssyncadd.tile.s32 @!p0 $0x1;
	_ =	shalt  }
.Lfunc_end2:
_tile_overlayer_lowered:
.L_overlay_start_2:
0x198: {  	(tag) =	ssettag $0x2  }
0x199: {  	s0 =	rddreg [dreg:$0x0];
	s2 =	stileid.u32  }
0x19a: {  	s1 =	rddreg [dreg:$0x1];
	p0 =	sne.s32 s2, $0x0  }
0x19b: {  	s3 =	rddreg [dreg:$0x2];
	[bflag:$0x3] =	sbarrier.arrive $0xFFFF;
	s2 =	simm.s32 @!p0 $0x1C0B  }
0x19c: {  	[timem:s3], [sflag:s2] =	dma.local @!p0 [hbm:s0], s1  }
0x19d: {  	s0 =	simm.s32 @!p0 $0xB  }
0x19e: {  	_ =	swait.ge @!p0 [sflag:s0], s1  }
0x19f: {  	s1 =	ssub.s32 @!p0 $0x0, s1;
	[sflag:s0] =	ssyncset.done @!p0 $0x0  }
0x1a0: {  	[sflag:s0] =	ssyncadd.s32 @!p0 s1  }
0x1a1: {  	[bflag:$0x3] =	sbarrier.arrive $0xFFFF  }
0x1a2: {  	_ =	shalt  }

// kernel: kernel.8.cloned.1.call-start
scs
__scs_entry_jumppad:
0x0: {  	(pc) =	sbr.rel $0x88, $3  }
0x1: {  	(tag) =	ssettag $0x0;
	lr =	simm.s32 $0x1  }
0x2: {  	[smem:$0x3F8C] =	sst lr;
	_ =	strace $0xD0000000  }
0x3: {  	_ = 	snop  }
0x4: {  	_ = 	snop  }
0x5: {  	_ = 	snop  }
0x6: {  	_ = 	snop  }
0x7: {  	_ = 	snop  }
__scs_overlays_trampoline_lowered:
0x8: {  	[smem:$0x3F9B] =	sst s0  }
0x9: {  	[smem:$0x3F9C] =	sst s1  }
0xa: {  	[smem:$0x3F9D] =	sst s2  }
0xb: {  	[smem:$0x3F9E] =	sst s3  }
0xc: {  	[smem:$0x3F9F] =	sst s4  }
0xd: {  	[smem:$0x3FA0] =	sst s5  }
0xe: {  	[smem:$0x3FA1] =	sst s6  }
0xf: {  	[smem:$0x3FA2] =	sst s7  }
0x10: {  	[smem:$0x3FA3] =	sst s8  }
0x11: {  	[smem:$0x3FA4] =	sst s9;
	s0 =	simm.s32 @!p0 $0x0  }
0x12: {  	s1 =	sld [smem:$0x3F8A];
	s0 =	simm.s32 @p0 $0x1  }
0x13: {  	[smem:$0x3FA5] =	sst s0;
	s0 =	simm.s32 @!p1 $0x0  }
0x14: {  	s2 =	sld [smem:$0x3F89];
	s0 =	simm.s32 @p1 $0x1  }
0x15: {  	[smem:$0x3FA6] =	sst s0;
	s0 =	simm.s32 @!p2 $0x0  }
0x16: {  	s3 =	sld [smem:$0x3FDB];
	s0 =	simm.s32 @p2 $0x1  }
0x17: {  	s4 =	simm.s32 $0x1BF5;
	[smem:$0x3FA8] =	sst s0  }
0x18: {  	s0 =	sld [smem:$0x3F8B];
	_ =	swait.ge [sflag:s4], $0x0  }
0x19: {  	s7 =	sld [smem:$0x3F8C]  }
0x1a: {  	s8 =	sadd.s32 $0xFFFFE003, lr  }
0x1b: {  	s9 =	sadd.s32 $0xFFFFFEF7, lr;
	s5 =	simm.s32 $0xFFFFFFFF;
	p2 =	slt.u32 s8, $0xFFFFF086  }
0x1c: {  	p1 =	slt.u32 s9, $0xF7A;
	s5 =	simm.s32 @!p2 $0x0  }
0x1d: {  	s5 =	simm.s32 @p1 $0x1;
	p0 =	seq.s32 s7, s2  }
0x1e: {  	s7 =	smul.u32 @!p0 $0xF7A, s2;
	p2 =	seq.s32 @!p0 s5, $0x0  }
0x1f: {  	s9 =	smul.u32 $0xF7A, s1;
	s8 =	simm.s32 @!p0 $0x1BF5;
	p2 =	por !p2, p0  }
0x20: {  	[sflag:s8] =	ssyncset.s32 @!p0 $0xFFFFF086;
	s6 =	sadd.s32 @!p0 s3, s7;
	s7 =	simm.s32 @!p0 $0x108  }
0x21: {  	s3 =	sadd.s32 s3, s9;
	s6 =	sadd.s32 @!p0 $0x88, s6;
	s7 =	simm.s32 @p2 $0x1082  }
0x22: {  	[simem:s7], [sflag:s8] =	dma.local @!p0 [hbm:s6], $0xF7A  }
0x23: {  	s9 =	sor.u32 $0xD0000000, s2;
	s6 =	simm.s32 $0x108;
	_ =	swait.ge @!p0 [sflag:s8], $0x0  }
0x24: {  	s3 =	sadd.s32 $0x88, s3;
	s6 =	simm.s32 @!p1 $0x1082;
	[sflag:s4] =	ssyncset.s32 $0xFFFFF086  }
0x25: {  	[simem:s6], [sflag:s4] =	dma.local [hbm:s3], $0xF7A  }
0x26: {  	[smem:$0x3F8C] =	sst s1;
	(tag) =	ssettag s2;
	_ =	strace s9  }
0x27: {  	s1 =	sld [smem:$0x3F9C]  }
0x28: {  	s2 =	sld [smem:$0x3F9D]  }
0x29: {  	s4 =	sld [smem:$0x3F9F]  }
0x2a: {  	p0 =	seq.s32 s5, $0x0;
	s5 =	sld [smem:$0x3FA0]  }
0x2b: {  	s6 =	sld [smem:$0x3FA1]  }
0x2c: {  	s7 =	sld [smem:$0x3FA2]  }
0x2d: {  	s3 =	simm.s32 $0x108;
	s8 =	sld [smem:$0x3FA3]  }
0x2e: {  	s3 =	simm.s32 @!p0 $0x1082;
	s9 =	sld [smem:$0x3FA4]  }
0x2f: {  	lr =	sadd.s32 s0, s3;
	s0 =	sld [smem:$0x3F9B]  }
0x30: {  	s3 =	sld [smem:$0x3F9E]  }
0x31: {  	[smem:$0x3FA7] =	sst s10  }
0x32: {  	s10 =	sld [smem:$0x3FA5];
	_ =	sdelay $0x3  }
0x33: {  	p0 =	seq.s32 s10, $0x1;
	s10 =	sld [smem:$0x3FA7];
	_ =	sdelay $0x3  }
0x34: {  	[smem:$0x3FA7] =	sst s10  }
0x35: {  	s10 =	sld [smem:$0x3FA6];
	_ =	sdelay $0x3  }
0x36: {  	p1 =	seq.s32 s10, $0x1;
	s10 =	sld [smem:$0x3FA7];
	_ =	sdelay $0x3  }
0x37: {  	[smem:$0x3FA7] =	sst s10  }
0x38: {  	s10 =	sld [smem:$0x3FA8]  }
0x39: {  	_ = 	snop;
	(pc) =	sbr.ind lr, $3  }
0x3a: {  	_ = 	snop  }
0x3b: {  	_ = 	snop  }
0x3c: {  	p2 =	seq.s32 s10, $0x1;
	s10 =	sld [smem:$0x3FA7]  }
0x3d: {  	_ =	shalt  }
0x3e: {  	_ =	shalt  }
0x3f: {  	_ =	shalt  }
0x40: {  	_ =	shalt  }
0x41: {  	_ =	shalt  }
0x42: {  	_ =	shalt  }
0x43: {  	_ =	shalt  }
0x44: {  	_ =	shalt  }
0x45: {  	_ =	shalt  }
0x46: {  	_ =	shalt  }
0x47: {  	_ =	shalt  }
0x48: {  	_ =	shalt  }
0x49: {  	_ =	shalt  }
0x4a: {  	_ =	shalt  }
0x4b: {  	_ =	shalt  }
0x4c: {  	_ =	shalt  }
0x4d: {  	_ =	shalt  }
0x4e: {  	_ =	shalt  }
0x4f: {  	_ =	shalt  }
0x50: {  	_ =	shalt  }
0x51: {  	_ =	shalt  }
0x52: {  	_ =	shalt  }
0x53: {  	_ =	shalt  }
0x54: {  	_ =	shalt  }
0x55: {  	_ =	shalt  }
0x56: {  	_ =	shalt  }
0x57: {  	_ =	shalt  }
0x58: {  	_ =	shalt  }
0x59: {  	_ =	shalt  }
0x5a: {  	_ =	shalt  }
0x5b: {  	_ =	shalt  }
0x5c: {  	_ =	shalt  }
0x5d: {  	_ =	shalt  }
0x5e: {  	_ =	shalt  }
0x5f: {  	_ =	shalt  }
0x60: {  	_ =	shalt  }
0x61: {  	_ =	shalt  }
0x62: {  	_ =	shalt  }
0x63: {  	_ =	shalt  }
0x64: {  	_ =	shalt  }
0x65: {  	_ =	shalt  }
0x66: {  	_ =	shalt  }
0x67: {  	_ =	shalt  }
0x68: {  	_ =	shalt  }
0x69: {  	_ =	shalt  }
0x6a: {  	_ =	shalt  }
0x6b: {  	_ =	shalt  }
0x6c: {  	_ =	shalt  }
0x6d: {  	_ =	shalt  }
0x6e: {  	_ =	shalt  }
0x6f: {  	_ =	shalt  }
0x70: {  	_ =	shalt  }
0x71: {  	_ =	shalt  }
0x72: {  	_ =	shalt  }
0x73: {  	_ =	shalt  }
0x74: {  	_ =	shalt  }
0x75: {  	_ =	shalt  }
0x76: {  	_ =	shalt  }
0x77: {  	_ =	shalt  }
0x78: {  	_ =	shalt  }
0x79: {  	_ =	shalt  }
0x7a: {  	_ =	shalt  }
0x7b: {  	_ =	shalt  }
0x7c: {  	_ =	shalt  }
0x7d: {  	_ =	shalt  }
0x7e: {  	_ =	shalt  }
0x7f: {  	_ =	shalt  }
0x80: {  	_ =	shalt  }
0x81: {  	_ =	shalt  }
0x82: {  	_ =	shalt  }
0x83: {  	_ =	shalt  }
0x84: {  	_ =	shalt  }
0x85: {  	_ =	shalt  }
0x86: {  	_ =	shalt  }
0x87: {  	_ =	shalt  }
.Lfunc_end0:
.L_simem_size_0:
called_computation_lowered:
.L_overlay_start_0:
0x88: {  	s2 =	sld [smem:$0x3FD9]  }
0x89: {  	s3 =	sld [smem:$0x3FFE];
	_ =	sdelay $0x1  }
0x8a: {  	s1 =	srdreg.scid  }
0x8b: {  	s0 =	sand.u32 $0x1, s1  }
0x8c: {  	s17 =	sshll.u32 s0, $0xA;
	s2 =	sadd.s32 s3, s2  }
0x8d: {  	s2 =	sadd.s32 s2, s17  }
0x8e: {  	[smem:$0x3FB3] =	sst s2  }
0x8f: {  	_ = 	snop  }
0x90: {  	s2 =	sld [smem:$0x3FD0];
	(tm) =	ssettm $0x1  }
0x91: {  	s18 =	sld [smem:$0x3FFB];
	_ =	sdelay $0x3  }
0x92: {  	_ =	strace s18  }
0x93: {  	s3 =	sld [smem:$0x3FFC];
	_ =	sdelay $0x3  }
0x94: {  	_ =	strace s3  }
0x95: {  	s3 =	sld [smem:$0x3FFD];
	_ =	sdelay $0x3  }
0x96: {  	_ =	strace s3  }
0x97: {  	_ =	strace $0x8FFFFFFF  }
0x98: {  	s19 =	sld [smem:$0x3FDB];
	_ =	sdelay $0x1  }
0x99: {  	s4 =	simm.s32 $_scs_section_size  }
0x9a: {  	s5 =	simm.s32 $_size__tile_overlayer_lowered;
	s6 =	simm.s32 $_tile_overlayer_lowered  }
0x9b: {  	s22 =	simm.s32 $0x1BFF;
	s21 =	sshll.u32 s6, $0x1;
	s3 =	sadd.s32 s4, s19  }
0x9c: {  	s7 =	simm.s32 $0x0;
	s20 =	sshll.u32 s5, $0x1;
	s5 =	sadd.s32 s21, s3  }
0x9d: {  	[timem:s7], [sflag:s22] =	dma.local [hbm:s5], s20  }
0x9e: {  	_ =	swait.ge [sflag:s22], s20  }
0x9f: {  	s4 =	ssub.s32 $0x0, s20;
	[sflag:s22] =	ssyncset.done $0x0  }
0xa0: {  	[sflag:s22] =	ssyncadd.s32 s4;
	_ =	sdelay $0x1  }
0xa1: {  	s23 =	simm.s32 $0x1B8B  }
0xa2: {  	_ =	swait.ge [sflag:s23], $0x1  }
0xa3: {  	[sflag:s23] =	ssyncset.done $0x0  }
0xa4: {  	s25 =	simm.s32 $0x1B8E;
	s24 =	sld [smem:$0x3FFE];
	[sflag:s23] =	ssyncadd.s32 $0xFFFFFFFF  }
0xa5: {  	s26 =	simm.s32 $execute0_lowered;
	[smem:$0x3FD2] =	sst s25  }
0xa6: {  	s5 =	sshll.u32 s26, $0x1;
	_ =	strace $0x80000046;
	[dreg:$0x1] =	wrdreg $0xFFFFFFFF  }
0xa7: {  	s28 =	simm.s32 $_size_execute0_lowered;
	s3 =	sadd.s32 s3, s5;
	[dreg:$0x0] =	wrdreg $0x0  }
0xa8: {  	s5 =	sshll.u32 s28, $0x1;
	[dreg:$0x2] =	wrdreg s3  }
0xa9: {  	[dreg:$0x3] =	wrdreg s5  }
0xaa: {  	[dreg:$0x4] =	wrdreg $0xC0  }
0xab: {  	_ =	task [dreg:s7], $0x5FFFF  }
0xac: {  	[dreg:$0x1] =	wrdreg $0xFFFFFFFF  }
0xad: {  	[dreg:$0x0] =	wrdreg $0x60  }
0xae: {  	[dreg:$0x2] =	wrdreg s24  }
0xaf: {  	[dreg:$0x3] =	wrdreg s2  }
0xb0: {  	[dreg:$0x4] =	wrdreg $0x8000  }
0xb1: {  	[dreg:$0x5] =	wrdreg $0xAA00  }
0xb2: {  	[dreg:$0x6] =	wrdreg $0x9  }
0xb3: {  	_ =	task.clear_ibuf [dreg:s7], $0x7FFFF;
	_ =	strace $0x90000046  }
0xb4: {  	s29 =	simm.s32 $0x9;
	_ =	strace $0x80000048  }
0xb5: {  	_ =	swait.ge [sflag:s29], $0x1  }
0xb6: {  	[sflag:s29] =	ssyncadd.s32 $0xFFFFFFFF  }
0xb7: {  	_ =	strace $0x90000048  }
0xb8: {  	_ =	sfence  }
0xb9: {  	s30 =	sld [smem:$0x0];
	_ =	sdelay $0x2  }
0xba: {  	s31 =	sshll.u32 s1, $0xD;
	s1 =	sshrl.u32 s1, $0x2  }
0xbb: {  	s3 =	sand.u32 $0x4000, s31;
	s1 =	sadd.s32 s1, s30  }
0xbc: {  	s0 =	sor.u32 s3, s0;
	s1 =	sshll.u32 s1, $0x11  }
0xbd: {  	s0 =	sor.u32 s1, s0  }
0xbe: {  	s0 =	sadd.s32 $0x8F2B, s0  }
0xbf: {  	[sflag:s0] =	ssyncadd.remote.s32 $0x1  }
0xc0: {  	_ =	sfence.sel $0xFFFF  }
0xc1: {  	[dreg:$0x0] =	wrdreg $0xFFFFFFFF;
	(pc) =	sbr.abs _section_cstart, $3  }
0xc2: {  	[dreg:$0x1] =	wrdreg $0xFFFFFFFF  }
0xc3: {  	_ =	task.clear_ibuf [dreg:s7], $0x2FFFF;
	_ =	strace $0x9FFFFFFF  }
0xc4: {  	(tm) =	ssettm $0x7FFFFFFF  }
0xc5: {  	_ =	shalt  }
tec
execute0_lowered:
.L_overlay_start_1:
0x0: {  	(tag) =	ssettag $0x1  }
0x1: {  	s0 =	rddreg [dreg:$0x0]  }
0x2: {  	s2 =	rddreg [dreg:$0x2]  }
0x3: {  	s4 =	rddreg [dreg:$0x3];
	s5 =	simm.s32 $0x0;
	s1 =	srdreg.scid  }
0x4: {  	s12 =	stileid.u32;
	s28 =	simm.s32 $0x400;
	s29 =	simm.s32 $0x3  }
0x5: {  	s30 =	simm.s32 $0x5;
	s31 =	simm.s32 $0x2;
	[smem:$0x7FF] =	sst s5  }
0x6: {  	s1 =	sand.u32 $0x1, s1;
	s3 =	smul.u32 $0x2A0, s12;
	s8 =	sadd.s32 $0x3A00, s0  }
0x7: {  	s9 =	sadd.s32 $0xDA00, s0;
	s7 =	sshll.u32 s12, $0x1;
	s19 =	smul.u32 $0x5000, s12  }
0x8: {  	_ =	strace $0x80000047;
	s6 =	smul.u32 $0x2A00, s1;
	s10 =	ssub.s32 $0x2, s1  }
0x9: {  	s7 =	sor.u32 s1, s7;
	s1 =	smul.u32 $0x2800, s1;
	s11 =	sshrl.u32 s10, $0x1  }
0xa: {  	s7 =	smul.u32 $0x2800, s7;
	s6 =	sadd.s32 s3, s6;
	s10 =	ssub.s32 s10, s11  }
0xb: {  	s1 =	sadd.s32 s1, s19;
	s19 =	simm.s32 $0x500;
	s6 =	sshrl.u32 s6, $0x3  }
0xc: {  	s20 =	sshrl.u32 s7, $0x3;
	s7 =	sadd.s32 s3, s4;
	s25 =	sor.u32 $0x180, s1  }
0xd: {  	s1 =	sor.u32 $0x100, s1;
	s14 =	smax.u32 s10, $0x1;
	s0 =	sadd.s32 s6, s0  }
0xe: {  	s6 =	sadd.s32 s3, s2;
	s21 =	sadd.s32 s8, s20;
	s22 =	sor.u32 $0x10, s20  }
0xf: {  	s12 =	sadd.s32 s9, s20;
	s26 =	sshrl.u32 s25, $0x3;
	s1 =	sshrl.u32 s1, $0x3  }
0x10: {  	s20 =	simm.s32 $0x7;
	s25 =	simm.s32 $0x200;
	[dreg:$0x5] =	wrdreg s21  }
0x11: {  	[dreg:$0x6] =	wrdreg s12;
	s23 =	sadd.s32 s8, s22;
	s3 =	sadd.s32 s9, s22  }
0x12: {  	s24 =	sadd.s32 $0x17A00, s0;
	s0 =	sadd.s32 $0x18600, s0;
	s15 =	sadd.s32 s26, s9  }
0x13: {  	s16 =	sadd.s32 s26, s8;
	s17 =	sadd.s32 s1, s9;
	s18 =	sadd.s32 s1, s8  }
.Ltmp0:
0x14: {  	s22 =	simm.s32 $0x80;
	[dreg:$0x7] =	wrdreg s23;
	(pc) =	sbr.rel .LBB2_1-.Ltmp0, $4  }
0x15: {  	s26 =	simm.s32 $0x300;
	s1 =	simm.s32 $0x480;
	[dreg:$0x8] =	wrdreg s3  }
0x16: {  	s21 =	simm.s32 $0x4;
	s8 =	simm.s32 $0x6;
	[dreg:$0x9] =	wrdreg s24  }
0x17: {  	s9 =	simm.s32 $0x0;
	[dreg:$0xa] =	wrdreg s0;
	s23 =	simm.s32 $0x180  }
0x18: {  	v0 =	vimm.f32 $0.0e+00;
	s24 =	simm.s32 $0x1;
	s0 =	simm.s32 $0x280;
	s3 =	simm.s32 $0x380  }
.LBB2_4:
0x19: {  	[spmem:s2] =	stream.indirect.scatter.add.f32 [tilespmem:s3], [sflag:$0x4], $0x1, s0, s22, $0xb8;
	[tilespmem:$0xD40] =	vst v63  }
0x1a: {  	_ = 	snop  }
0x1b: {  	[spmem:s4] =	stream.indirect.scatter.add.f32 [tilespmem:s1], [sflag:$0x6], $0x1, s0, s22, $0xb8;
	[tilespmem:$0xD40] =	vst v63  }
0x1c: {  	_ =	swait.ge [sflag:s21], $0x80  }
0x1d: {  	[sflag:s21] =	ssyncset.done $0x0  }
0x1e: {  	[sflag:s21] =	ssyncadd.s32 $0xFFFFFF80  }
0x1f: {  	_ =	swait.ge [sflag:s8], $0x80  }
0x20: {  	[sflag:s8] =	ssyncset.done $0x0  }
0x21: {  	[sflag:s8] =	ssyncadd.s32 $0xFFFFFF80  }
0x22: {  	[bflag:$0x0] =	sbarrier.arrive $0xFFFF  }
0x23: {  	[tilespmem:s19], [sflag:$0x7] =	stream.linear.gather [spmem:s6], $0x2A0, $0x38;
	[tilespmem:$0xD40] =	vst v63  }
0x24: {  	_ =	swait.ge [sflag:s20], $0x2A0  }
0x25: {  	[sflag:s20] =	ssyncset.done $0x0  }
0x26: {  	s10 =	rddreg [dreg:$0x9];
	[sflag:s20] =	ssyncadd.s32 $0xFFFFFD60  }
0x27: {  	[hbm4b:s10+s5] =	stream.linear.scatter [tilespmem:s19], [sflag:$0x7], $0x2A0, $0x38;
	[tilespmem:$0xD40] =	vst v63  }
0x28: {  	_ =	swait.ge [sflag:s20], $0x2A0  }
0x29: {  	[sflag:s20] =	ssyncset.done $0x0  }
0x2a: {  	[sflag:s20] =	ssyncadd.s32 $0xFFFFFD60  }
0x2b: {  	[tilespmem:s19], [sflag:$0x7] =	stream.linear.gather [spmem:s7], $0x2A0, $0x38;
	[tilespmem:$0xD40] =	vst v63  }
0x2c: {  	s9 =	sadd.s32 $0x1, s9;
	_ =	swait.ge [sflag:s20], $0x2A0  }
0x2d: {  	p0 =	sne.s32 s9, s14;
	[sflag:s20] =	ssyncset.done $0x0  }
.Ltmp1:
0x2e: {  	s13 =	rddreg [dreg:$0xa];
	[sflag:s20] =	ssyncadd.s32 $0xFFFFFD60;
	(pc) =	sbr.rel @!p0 .LBB2_5-.Ltmp1, $4  }
0x2f: {  	[hbm4b:s13+s5] =	stream.linear.scatter [tilespmem:s19], [sflag:$0x7], $0x2A0, $0x38;
	[tilespmem:$0xD40] =	vst v63  }
0x30: {  	_ =	swait.ge [sflag:s20], $0x2A0  }
0x31: {  	[sflag:s20] =	ssyncset.done $0x0  }
0x32: {  	[sflag:s20] =	ssyncadd.s32 $0xFFFFFD60  }
.LBB2_1:
0x33: {  	s10 =	rddreg [dreg:$0x1]  }
0x34: {  	[tilespmem:s19], [sflag:$0x7] =	stream.linear.gather [hbm4b:s10+s5], $0x300, $0x38;
	[tilespmem:$0xD40] =	vst v63  }
0x35: {  	_ =	swait.ge [sflag:s20], $0x300  }
0x36: {  	[sflag:s20] =	ssyncset.done $0x0  }
0x37: {  	[sflag:s20] =	ssyncadd.s32 $0xFFFFFD00  }
0x38: {  	[spmem:s6] =	stream.linear.scatter [tilespmem:s19], [sflag:$0x7], $0x2A0, $0x38;
	[tilespmem:$0xD40] =	vst v63  }
0x39: {  	_ =	swait.ge [sflag:s20], $0x2A0  }
0x3a: {  	[sflag:s20] =	ssyncset.done $0x0  }
0x3b: {  	[sflag:s20] =	ssyncadd.s32 $0xFFFFFD60  }
0x3c: {  	[spmem:s7] =	stream.linear.scatter [tilespmem:s19], [sflag:$0x7], $0x2A0, $0x38;
	[tilespmem:$0xD40] =	vst v63  }
0x3d: {  	_ =	swait.ge [sflag:s20], $0x2A0  }
0x3e: {  	[sflag:s20] =	ssyncset.done $0x0  }
0x3f: {  	[sflag:s20] =	ssyncadd.s32 $0xFFFFFD60  }
0x40: {  	[bflag:$0x0] =	sbarrier.arrive $0xFFFF  }
0x41: {  	s12 =	rddreg [dreg:$0x5]  }
0x42: {  	[tilespmem:s5], [sflag:$0x1] =	stream.linear.gather [hbm4b:s12+s5], $0x80, $0x38;
	[tilespmem:$0xD40] =	vst v63  }
0x43: {  	s11 =	simm.s32 $0x100;
	s13 =	rddreg [dreg:$0x6]  }
0x44: {  	[tilespmem:s11], [sflag:$0x1] =	stream.linear.gather [hbm4b:s13+s5], $0x80, $0x38;
	[tilespmem:$0xD40] =	vst v63  }
0x45: {  	s12 =	rddreg [dreg:$0x7]  }
0x46: {  	[tilespmem:s22], [sflag:$0x2] =	stream.linear.gather [hbm4b:s12+s5], $0x80, $0x38;
	[tilespmem:$0xD40] =	vst v63  }
0x47: {  	s10 =	simm.s32 $0x0;
	s13 =	rddreg [dreg:$0x8]  }
0x48: {  	[tilespmem:s23], [sflag:$0x2] =	stream.linear.gather [hbm4b:s13+s5], $0x80, $0x38;
	[tilespmem:$0xD40] =	vst v63  }
.LBB2_2:
0x49: {  	p0 =	seq.s32 s10, $0x0  }
0x4a: {  	s11 =	simm.s32 @!p0 $0x4  }
0x4b: {  	_ =	swait.ge @!p0 [sflag:s11], $0x80  }
0x4c: {  	[sflag:s11] =	ssyncset.done @!p0 $0x0  }
0x4d: {  	[sflag:s11] =	ssyncadd.s32 @!p0 $0xFFFFFF80;
	s11 =	simm.s32 @!p0 $0x6  }
0x4e: {  	_ =	swait.ge @!p0 [sflag:s11], $0x80  }
0x4f: {  	[sflag:s11] =	ssyncset.done @!p0 $0x0  }
0x50: {  	[sflag:s11] =	ssyncadd.s32 @!p0 $0xFFFFFF80  }
0x51: {  	_ =	swait.ge [sflag:s24], $0x80  }
0x52: {  	[sflag:s24] =	ssyncset.done $0x0  }
0x53: {  	[sflag:s24] =	ssyncadd.s32 $0xFFFFFF80  }
0x54: {  	_ =	swait.ge [sflag:s24], $0x80  }
0x55: {  	[sflag:s24] =	ssyncset.done $0x0  }
0x56: {  	[sflag:s24] =	ssyncadd.s32 $0xFFFFFF80  }
0x57: {  	v1 =	vld [tilespmem:$0x0]  }
0x58: {  	v2 =	vld [tilespmem:$0x100]  }
0x59: {  	v3 =	vld [tilespmem:$0x10]  }
0x5a: {  	v4 =	vld [tilespmem:$0x110]  }
0x5b: {  	v6 =	vld [tilespmem:$0x120]  }
0x5c: {  	v50 =	vld [tilespmem:$0x130]  }
0x5d: {  	v51 =	vld [tilespmem:$0x140]  }
0x5e: {  	v52 =	vld [tilespmem:$0x150];
	[tilespmem:$0x200] =	vst v2  }
0x5f: {  	v53 =	vld [tilespmem:$0x160];
	[tilespmem:$0x210] =	vst v4  }
0x60: {  	vm0 =	vlt.s32 v1, $0x2710;
	vm1 =	vne.s32 v1, v2;
	v1 =	vld [tilespmem:$0x20];
	[tilespmem:$0x220] =	vst v6  }
0x61: {  	[tilespmem:$0x230] =	vst v50  }
0x62: {  	vm10 =	vlt.s32 v3, $0x2710;
	[tilespmem:$0x240] =	vst v51  }
0x63: {  	v54 =	vld [tilespmem:$0x170];
	vm11 =	vne.s32 v3, v4;
	[tilespmem:$0x250] =	vst v52;
	v5 =	vsel vm0, $0x3F800000, v0;
	vm0 =	vmand vm0, vm1  }
0x64: {  	v3 =	vld [tilespmem:$0x30];
	[tilespmem:$0x260] =	vst v53;
	v2 =	vsel vm10, $0x3F800000, v0;
	v49 =	vsel vm0, $0x3F800000, v0;
	vm0 =	vmand vm10, vm11  }
0x65: {  	[tilespmem:$0x410] =	vst v2;
	v2 =	vsel vm0, $0x3F800000, v0;
	vm12 =	vlt.s32 v1, $0x2710;
	vm13 =	vne.s32 v1, v6  }
0x66: {  	[tilespmem:$0x310] =	vst v2;
	v1 =	vld [tilespmem:$0x40];
	v2 =	vsel vm12, $0x3F800000, v0;
	vm0 =	vmand vm12, vm13  }
0x67: {  	[tilespmem:$0x420] =	vst v2;
	v2 =	vsel vm0, $0x3F800000, v0  }
0x68: {  	[tilespmem:$0x320] =	vst v2;
	v2 =	vld [tilespmem:$0x50]  }
0x69: {  	[tilespmem:$0x270] =	vst v54;
	vm14 =	vlt.s32 v3, $0x2710;
	vm15 =	vne.s32 v3, v50  }
0x6a: {  	[tilespmem:$0x400] =	vst v5;
	v3 =	vsel vm14, $0x3F800000, v0;
	vm0 =	vmand vm14, vm15  }
0x6b: {  	[tilespmem:$0x430] =	vst v3;
	v3 =	vsel vm0, $0x3F800000, v0;
	vm4 =	vlt.s32 v1, $0x2710;
	vm5 =	vne.s32 v1, v51;
	v1 =	vld [tilespmem:$0x60]  }
0x6c: {  	[tilespmem:$0x330] =	vst v3;
	v3 =	vsel vm4, $0x3F800000, v0  }
0x6d: {  	[tilespmem:$0x300] =	vst v49;
	vm0 =	vmand vm4, vm5;
	vm6 =	vlt.s32 v2, $0x2710;
	vm7 =	vne.s32 v2, v52;
	v2 =	vld [tilespmem:$0x70]  }
0x6e: {  	[tilespmem:$0x440] =	vst v3;
	v3 =	vsel vm0, $0x3F800000, v0  }
0x6f: {  	[tilespmem:$0x340] =	vst v3;
	v3 =	vsel vm6, $0x3F800000, v0;
	vm0 =	vmand vm6, vm7  }
0x70: {  	[tilespmem:$0x450] =	vst v3;
	v3 =	vsel vm0, $0x3F800000, v0;
	vm8 =	vlt.s32 v1, $0x2710;
	vm9 =	vne.s32 v1, v53  }
0x71: {  	[tilespmem:$0x350] =	vst v3;
	v1 =	vsel vm8, $0x3F800000, v0;
	vm0 =	vmand vm8, vm9  }
0x72: {  	[tilespmem:$0x460] =	vst v1;
	v1 =	vsel vm0, $0x3F800000, v0;
	vm10 =	vlt.s32 v2, $0x2710;
	vm11 =	vne.s32 v2, v54  }
0x73: {  	[tilespmem:$0x360] =	vst v1;
	v1 =	vsel vm10, $0x3F800000, v0;
	vm0 =	vmand vm10, vm11  }
0x74: {  	p0 =	seq.s32 s10, $0x4E0;
	[tilespmem:$0x470] =	vst v1;
	v1 =	vsel vm0, $0x3F800000, v0  }
0x75: {  	s11 =	sadd.s32 @!p0 s10, s18;
	s12 =	simm.s32 @!p0 $0x0;
	[tilespmem:$0x370] =	vst v1  }
0x76: {  	[tilespmem:s12], [sflag:$0x1] =	stream.linear.gather @!p0 [hbm4b:s11+s12], $0x80, $0x38;
	[tilespmem:$0xD40] =	vst v63  }
0x77: {  	s13 =	simm.s32 @!p0 $0x100;
	s11 =	sadd.s32 @!p0 s10, s17  }
0x78: {  	[tilespmem:s13], [sflag:$0x1] =	stream.linear.gather @!p0 [hbm4b:s11+s12], $0x80, $0x38;
	[tilespmem:$0xD40] =	vst v63  }
0x79: {  	_ = 	snop  }
0x7a: {  	[spmem:s2] =	stream.indirect.scatter.add.f32 [tilespmem:s26], [sflag:$0x3], $0x1, s25, s22, $0xb8;
	[tilespmem:$0xD40] =	vst v63  }
0x7b: {  	_ = 	snop  }
0x7c: {  	[spmem:s4] =	stream.indirect.scatter.add.f32 [tilespmem:s28], [sflag:$0x5], $0x1, s25, s22, $0xb8;
	[tilespmem:$0xD40] =	vst v63  }
0x7d: {  	_ =	swait.ge [sflag:s29], $0x80  }
0x7e: {  	[sflag:s29] =	ssyncset.done $0x0  }
0x7f: {  	[sflag:s29] =	ssyncadd.s32 $0xFFFFFF80  }
0x80: {  	_ =	swait.ge [sflag:s30], $0x80  }
0x81: {  	[sflag:s30] =	ssyncset.done $0x0  }
0x82: {  	[sflag:s30] =	ssyncadd.s32 $0xFFFFFF80  }
0x83: {  	_ =	swait.ge [sflag:s31], $0x80  }
0x84: {  	[sflag:s31] =	ssyncset.done $0x0  }
0x85: {  	[sflag:s31] =	ssyncadd.s32 $0xFFFFFF80  }
0x86: {  	_ =	swait.ge [sflag:s31], $0x80  }
0x87: {  	[sflag:s31] =	ssyncset.done $0x0  }
0x88: {  	[sflag:s31] =	ssyncadd.s32 $0xFFFFFF80  }
0x89: {  	v1 =	vld [tilespmem:$0x80]  }
0x8a: {  	v2 =	vld [tilespmem:$0x180]  }
0x8b: {  	v3 =	vld [tilespmem:$0x90]  }
0x8c: {  	v55 =	vld [tilespmem:$0x190]  }
0x8d: {  	v57 =	vld [tilespmem:$0x1A0]  }
0x8e: {  	v59 =	vld [tilespmem:$0x1B0]  }
0x8f: {  	v60 =	vld [tilespmem:$0x1C0]  }
0x90: {  	v61 =	vld [tilespmem:$0x1D0];
	[tilespmem:$0x280] =	vst v2  }
0x91: {  	v62 =	vld [tilespmem:$0x1E0];
	[tilespmem:$0x290] =	vst v55  }
0x92: {  	vm12 =	vlt.s32 v1, $0x2710;
	vm13 =	vne.s32 v1, v2;
	v1 =	vld [tilespmem:$0xA0];
	[tilespmem:$0x2A0] =	vst v57  }
0x93: {  	[tilespmem:$0x2B0] =	vst v59  }
0x94: {  	[tilespmem:$0x2C0] =	vst v60  }
0x95: {  	v63 =	vld [tilespmem:$0x1F0];
	vm14 =	vlt.s32 v3, $0x2710;
	vm15 =	vne.s32 v3, v55;
	[tilespmem:$0x2D0] =	vst v61;
	vm0 =	vmand vm12, vm13  }
0x96: {  	v3 =	vld [tilespmem:$0xB0];
	[tilespmem:$0x2E0] =	vst v62;
	v2 =	vsel vm14, $0x3F800000, v0;
	v58 =	vsel vm0, $0x3F800000, v0;
	vm0 =	vmand vm14, vm15  }
0x97: {  	[tilespmem:$0x490] =	vst v2;
	v2 =	vsel vm0, $0x3F800000, v0;
	vm4 =	vlt.s32 v1, $0x2710;
	vm5 =	vne.s32 v1, v57  }
0x98: {  	[tilespmem:$0x390] =	vst v2;
	v1 =	vld [tilespmem:$0xC0];
	v2 =	vsel vm4, $0x3F800000, v0;
	vm0 =	vmand vm4, vm5  }
0x99: {  	[tilespmem:$0x4A0] =	vst v2;
	v2 =	vsel vm0, $0x3F800000, v0  }
0x9a: {  	[tilespmem:$0x3A0] =	vst v2;
	v2 =	vld [tilespmem:$0xD0]  }
0x9b: {  	[tilespmem:$0x2F0] =	vst v63;
	v56 =	vsel vm12, $0x3F800000, v0;
	vm6 =	vlt.s32 v3, $0x2710;
	vm7 =	vne.s32 v3, v59  }
0x9c: {  	[tilespmem:$0x480] =	vst v56;
	v3 =	vsel vm6, $0x3F800000, v0;
	vm0 =	vmand vm6, vm7  }
0x9d: {  	[tilespmem:$0x4B0] =	vst v3;
	v3 =	vsel vm0, $0x3F800000, v0;
	vm8 =	vlt.s32 v1, $0x2710;
	vm9 =	vne.s32 v1, v60;
	v1 =	vld [tilespmem:$0xE0]  }
0x9e: {  	[tilespmem:$0x3B0] =	vst v3;
	v3 =	vsel vm8, $0x3F800000, v0  }
0x9f: {  	[tilespmem:$0x380] =	vst v58;
	vm0 =	vmand vm8, vm9;
	vm10 =	vlt.s32 v2, $0x2710;
	vm11 =	vne.s32 v2, v61;
	v2 =	vld [tilespmem:$0xF0]  }
0xa0: {  	[tilespmem:$0x4C0] =	vst v3;
	v3 =	vsel vm0, $0x3F800000, v0  }
0xa1: {  	[tilespmem:$0x3C0] =	vst v3;
	v3 =	vsel vm10, $0x3F800000, v0;
	vm0 =	vmand vm10, vm11  }
0xa2: {  	[tilespmem:$0x4D0] =	vst v3;
	v3 =	vsel vm0, $0x3F800000, v0;
	vm12 =	vlt.s32 v1, $0x2710;
	vm13 =	vne.s32 v1, v62  }
.Ltmp2:
0xa3: {  	[tilespmem:$0x3D0] =	vst v3;
	vm1 =	vmand vm12, vm13;
	v1 =	vsel vm12, $0x3F800000, v0;
	(pc) =	sbr.rel @p0 .LBB2_4-.Ltmp2, $4  }
0xa4: {  	[tilespmem:$0x4E0] =	vst v1;
	v1 =	vsel vm1, $0x3F800000, v0;
	vm14 =	vlt.s32 v2, $0x2710;
	vm15 =	vne.s32 v2, v63  }
0xa5: {  	[tilespmem:$0x3E0] =	vst v1;
	v1 =	vsel vm14, $0x3F800000, v0;
	vm0 =	vmand vm14, vm15  }
0xa6: {  	[tilespmem:$0x4F0] =	vst v1;
	v1 =	vsel vm0, $0x3F800000, v0  }
0xa7: {  	[tilespmem:$0x3F0] =	vst v1  }
0xa8: {  	s11 =	sadd.s32 s10, s16  }
0xa9: {  	[tilespmem:s22], [sflag:$0x2] =	stream.linear.gather [hbm4b:s11+s5], $0x80, $0x38;
	[tilespmem:$0xD40] =	vst v63  }
0xaa: {  	s13 =	sadd.s32 s10, s15  }
0xab: {  	[tilespmem:s23], [sflag:$0x2] =	stream.linear.gather [hbm4b:s13+s5], $0x80, $0x38;
	[tilespmem:$0xD40] =	vst v63  }
.Ltmp3:
0xac: {  	_ = 	snop;
	(pc) =	sbr.rel .LBB2_2-.Ltmp3, $4  }
0xad: {  	_ = 	snop  }
0xae: {  	[spmem:s2] =	stream.indirect.scatter.add.f32 [tilespmem:s3], [sflag:$0x4], $0x1, s0, s22, $0xb8;
	[tilespmem:$0xD40] =	vst v63  }
0xaf: {  	s10 =	sadd.s32 $0x20, s10  }
0xb0: {  	[spmem:s4] =	stream.indirect.scatter.add.f32 [tilespmem:s1], [sflag:$0x6], $0x1, s0, s22, $0xb8;
	[tilespmem:$0xD40] =	vst v63  }
.LBB2_5:
0xb1: {  	_ =	sfence.sel $0x180000  }
0xb2: {  	[bflag:$0x0] =	sbarrier.arrive $0xFFFF  }
0xb3: {  	_ =	strace $0x90000047  }
0xb4: {  	s0 =	stileid.u32;
	[bflag:$0x2] =	sbarrier.arrive $0xFFFF  }
0xb5: {  	p0 =	sne.s32 s0, $0x0;
	s0 =	rddreg [dreg:$0x4]  }
0xb6: {  	s0 =	sadd.s32 @!p0 $0x100000, s0  }
0xb7: {  	[sflag:s0] =	ssyncadd.tile.s32 @!p0 $0x1;
	_ =	shalt  }
.Lfunc_end2:
_tile_overlayer_lowered:
.L_overlay_start_2:
0xb8: {  	(tag) =	ssettag $0x2  }
0xb9: {  	s0 =	rddreg [dreg:$0x0];
	s2 =	stileid.u32  }
0xba: {  	s1 =	rddreg [dreg:$0x1];
	p0 =	sne.s32 s2, $0x0  }
0xbb: {  	s3 =	rddreg [dreg:$0x2];
	[bflag:$0x3] =	sbarrier.arrive $0xFFFF;
	s2 =	simm.s32 @!p0 $0x1C07  }
0xbc: {  	[timem:s3], [sflag:s2] =	dma.local @!p0 [hbm:s0], s1  }
0xbd: {  	s0 =	simm.s32 @!p0 $0x7  }
0xbe: {  	_ =	swait.ge @!p0 [sflag:s0], s1  }
0xbf: {  	s1 =	ssub.s32 @!p0 $0x0, s1;
	[sflag:s0] =	ssyncset.done @!p0 $0x0  }
0xc0: {  	[sflag:s0] =	ssyncadd.s32 @!p0 s1  }
0xc1: {  	[bflag:$0x3] =	sbarrier.arrive $0xFFFF  }
0xc2: {  	_ =	shalt  }

</sc_bundles>
